<compile_context>
chip_gen: v7x
topology: tpu7x:2x2x1
jax: 0.10.2.dev20260603
libtpu: 0.0.44.dev20260713+nightly
codegen_flags: <defaults>
</compile_context>

<pallas_src>
import functools

import jax
import jax.numpy as jnp
from jax import lax
from jax.experimental import pallas as pl
from jax.experimental.pallas import tpu as pltpu
from jax.experimental.pallas import tpu_sc as plsc

N = 50000
E = 1600000
D_IN = 1433
D_HID = 16
D_OUT = 7
D_OUT_PAD = 8

NC = 2
NS = 16
NT = NC * NS

CHUNK = 128
KDEPTH = 4
NCHUNK = E // CHUNK
CPT = 391
LONG_TILES = NCHUNK - NT * (CPT - 1)
NGRP = 97

N_PAD = 51200
ROWS_A = N_PAD // NS
N_ACC = 50048
ROWS_ACC = N_ACC // NS

ROW_BLK = 2048
GRID = (N + ROW_BLK - 1) // ROW_BLK
KB = 160
NK = (D_IN + KB - 1) // KB
MB = 5120
GRID_M = (N + MB - 1) // MB
SB = 1280
GRID_S = 40
SBR = SB * 8 // CHUNK
RBR = ROW_BLK * 8 // CHUNK
NR = 51200 * 8 // CHUNK

_MESH = plsc.VectorSubcoreMesh(
    core_axis_name="c", subcore_axis_name="s", num_cores=NC, num_subcores=NS
)



ZBUF = ROWS_A


def _tile_edge_window(c, s):
    wid = c * NS + s
    skip = jnp.where(wid < LONG_TILES, 0, 1)
    start = (CPT - 1) * wid + jnp.minimum(wid, LONG_TILES)
    return start - skip, skip


def _hist_body(edges_hbm, out_hbm, eidx, ones, zbuf, deg_acc, sem):
    c = lax.axis_index("c")
    s = lax.axis_index("s")
    for i in range(CHUNK // 16):
        ones[pl.ds(i * 16, 16)] = jnp.ones((16,), jnp.float32)
    for i in range(ZBUF // 16):
        zbuf[pl.ds(i * 16, 16)] = jnp.zeros((16,), jnp.float32)
    pltpu.sync_copy(zbuf.at[pl.ds(0, ROWS_A)],
                    deg_acc.at[pl.ds(s * ROWS_A, ROWS_A)])
    dma_start, skip = _tile_edge_window(c, s)
    pltpu.sync_copy(edges_hbm.at[pl.ds(dma_start, CPT)], eidx)
    plsc.subcore_barrier()

    def body(g, carry):
        j = skip + g * KDEPTH
        descs = [
            pltpu.async_copy(ones, deg_acc.at[eidx.at[j + b, 1]],
                             sem, add=True)
            for b in range(KDEPTH)
        ]
        for d_ in descs:
            d_.wait()
        return carry

    lax.fori_loop(0, NGRP, body, 0)

    def tail(j, carry):
        pltpu.sync_copy(ones, deg_acc.at[eidx.at[j, 1]], add=True)
        return carry

    lax.fori_loop(skip + NGRP * KDEPTH, CPT, tail, 0)
    plsc.subcore_barrier()
    pltpu.sync_copy(deg_acc.at[pl.ds(s * ROWS_A, ROWS_A)],
                    zbuf.at[pl.ds(0, ROWS_A)])
    pltpu.sync_copy(zbuf.at[pl.ds(0, ROWS_A)],
                    out_hbm.at[pl.ds(c * N_PAD + s * ROWS_A, ROWS_A)])


_hist = functools.partial(
    pl.kernel,
    out_type=pltpu.HBM((NC * N_PAD,), jnp.float32),
    mesh=_MESH,
    compiler_params=pltpu.CompilerParams(use_tc_tiling_on_sc=False),
    scratch_types=[
        pltpu.VMEM((CPT, 2, CHUNK), jnp.int32),
        pltpu.VMEM((CHUNK,), jnp.float32),
        pltpu.VMEM((ZBUF,), jnp.float32),
        pltpu.VMEM_SHARED((N_PAD,), jnp.float32),
        pltpu.SemaphoreType.DMA,
    ],
)(_hist_body)


def _make_agg(d):
    def body(t_hbm, edges_hbm, zeros_hbm, out_hbm,
             eidx, rows, acc_spm, gsem, ssem):
        c = lax.axis_index("c")
        s = lax.axis_index("s")
        pltpu.sync_copy(zeros_hbm.at[pl.ds(s * ROWS_ACC, ROWS_ACC)],
                        acc_spm.at[pl.ds(s * ROWS_ACC, ROWS_ACC)])
        dma_start, skip = _tile_edge_window(c, s)
        pltpu.sync_copy(edges_hbm.at[pl.ds(dma_start, CPT)], eidx)
        plsc.subcore_barrier()

        def step(g, carry):
            j = skip + g * KDEPTH
            gd = [
                pltpu.async_copy(t_hbm.at[eidx.at[j + b, 0]],
                                 rows.at[b], gsem)
                for b in range(KDEPTH)
            ]
            for d_ in gd:
                d_.wait()
            sd = [
                pltpu.async_copy(rows.at[b],
                                 acc_spm.at[eidx.at[j + b, 1]],
                                 ssem, add=True)
                for b in range(KDEPTH)
            ]
            for d_ in sd:
                d_.wait()
            return carry

        lax.fori_loop(0, NGRP, step, 0)

        def tail(j, carry):
            pltpu.sync_copy(t_hbm.at[eidx.at[j, 0]], rows.at[0])
            pltpu.sync_copy(rows.at[0], acc_spm.at[eidx.at[j, 1]], add=True)
            return carry

        lax.fori_loop(skip + NGRP * KDEPTH, CPT, tail, 0)
        plsc.subcore_barrier()
        pltpu.sync_copy(acc_spm.at[pl.ds(s * ROWS_ACC, ROWS_ACC)],
                        out_hbm.at[c, pl.ds(s * ROWS_ACC, ROWS_ACC)])

    return functools.partial(
        pl.kernel,
        out_type=pltpu.HBM((NC, N_PAD, d), jnp.float32),
        mesh=_MESH,
        compiler_params=pltpu.CompilerParams(use_tc_tiling_on_sc=False),
        scratch_types=[
            pltpu.VMEM((CPT, 2, CHUNK), jnp.int32),
            pltpu.VMEM((KDEPTH, CHUNK, d), jnp.float32),
            pltpu.VMEM_SHARED((N_ACC, d), jnp.float32),
            pltpu.SemaphoreType.DMA,
            pltpu.SemaphoreType.DMA,
        ],
    )(body)


_agg8 = _make_agg(8)



def _mm_body(xt_ref, w_ref, ht_ref):
    k = pl.program_id(1)

    def pdot(wb, xb):
        return lax.dot_general(
            wb.astype(jnp.bfloat16), xb.astype(jnp.bfloat16),
            dimension_numbers=(((0,), (0,)), ((), ())),
            preferred_element_type=jnp.float32,
        )

    @pl.when(k == 0)
    def _():
        ht_ref[...] = pdot(w_ref[...], xt_ref[...])

    @pl.when(jnp.logical_and(k > 0, k < NK - 1))
    def _():
        ht_ref[...] += pdot(w_ref[...], xt_ref[...])

    @pl.when(k == NK - 1)
    def _():
        xb = xt_ref[...]
        wb = w_ref[...]
        kx = (NK - 1) * KB + lax.broadcasted_iota(jnp.int32, xb.shape, 0)
        kw = (NK - 1) * KB + lax.broadcasted_iota(jnp.int32, wb.shape, 0)
        ht_ref[...] += pdot(jnp.where(kw < D_IN, wb, 0.0),
                            jnp.where(kx < D_IN, xb, 0.0))


def _dinv_rows(deg_ref, base, n):
    deg = deg_ref[0, pl.ds(base, n)] + deg_ref[1, pl.ds(base, n)] + 1.0
    return lax.rsqrt(deg)


def _scale_body(ht_ref, deg_ref, t1a_ref, t1b_ref):
    i = pl.program_id(0)
    dinv = _dinv_rows(deg_ref, i * SB, SB)
    t1 = ht_ref[...].T * dinv[:, None]
    t1a_ref[...] = t1[:, :8]
    t1b_ref[...] = t1[:, 8:]


def _mid_body(pa_ref, pb_ref, t1a_ref, t1b_ref, deg_ref, b1_ref, w2_ref,
              t2_ref):
    i = pl.program_id(0)
    dinv = _dinv_rows(deg_ref, i * ROW_BLK, ROW_BLK)[:, None]
    sa = pa_ref[0] + pa_ref[1] + t1a_ref[...]
    sb = pb_ref[0] + pb_ref[1] + t1b_ref[...]
    s = jnp.concatenate([sa, sb], axis=1)
    out1 = s * dinv + b1_ref[...]
    h1 = jnp.where(out1 > 0, out1, jnp.exp(out1) - 1.0)
    h2 = jnp.dot(h1, w2_ref[...], preferred_element_type=jnp.float32)
    t2_ref[...] = h2 * dinv


def _fin_body(q_ref, t2_ref, deg_ref, b2_ref, out_ref):
    i = pl.program_id(0)
    dinv = _dinv_rows(deg_ref, i * ROW_BLK, ROW_BLK)[:, None]
    z = (q_ref[0] + q_ref[1] + t2_ref[...]) * dinv + b2_ref[...]
    lane = lax.broadcasted_iota(jnp.int32, (ROW_BLK, D_OUT_PAD), 1)
    zm = jnp.where(lane < D_OUT, z, -3e38)
    m = jnp.max(zm, axis=1, keepdims=True)
    lse = m + jnp.log(jnp.sum(jnp.exp(zm - m), axis=1, keepdims=True))
    out_ref[...] = z - lse


def _matmul(xt, w1):
    return pl.pallas_call(
        _mm_body,
        grid=(GRID_M, NK),
        in_specs=[
            pl.BlockSpec((KB, MB), lambda m, k: (k, m)),
            pl.BlockSpec((KB, D_HID), lambda m, k: (k, 0)),
        ],
        out_specs=pl.BlockSpec((D_HID, MB), lambda m, k: (0, m)),
        out_shape=jax.ShapeDtypeStruct((D_HID, N), jnp.float32),
    )(xt, w1)


def _scale(ht, degp):
    return pl.pallas_call(
        _scale_body,
        grid=(GRID_S,),
        in_specs=[
            pl.BlockSpec((D_HID, SB), lambda i: (0, i)),
            pl.BlockSpec((NC, N_PAD), lambda i: (0, 0)),
        ],
        out_specs=[
            pl.BlockSpec((SB, 8), lambda i: (i, 0)),
            pl.BlockSpec((SB, 8), lambda i: (i, 0)),
        ],
        out_shape=[
            jax.ShapeDtypeStruct((N, 8), jnp.float32),
            jax.ShapeDtypeStruct((N, 8), jnp.float32),
        ],
    )(ht, degp)


def _mid(pa, pb, t1a, t1b, degp, b1, w2p):
    return pl.pallas_call(
        _mid_body,
        grid=(GRID,),
        in_specs=[
            pl.BlockSpec((NC, ROW_BLK, 8), lambda i: (0, i, 0)),
            pl.BlockSpec((NC, ROW_BLK, 8), lambda i: (0, i, 0)),
            pl.BlockSpec((ROW_BLK, 8), lambda i: (i, 0)),
            pl.BlockSpec((ROW_BLK, 8), lambda i: (i, 0)),
            pl.BlockSpec((NC, N_PAD), lambda i: (0, 0)),
            pl.BlockSpec((1, D_HID), lambda i: (0, 0)),
            pl.BlockSpec((D_HID, D_OUT_PAD), lambda i: (0, 0)),
        ],
        out_specs=pl.BlockSpec((ROW_BLK, D_OUT_PAD), lambda i: (i, 0)),
        out_shape=jax.ShapeDtypeStruct((N, D_OUT_PAD), jnp.float32),
    )(pa, pb, t1a, t1b, degp, b1, w2p)


def _final(q, t2, degp, b2p):
    return pl.pallas_call(
        _fin_body,
        grid=(GRID,),
        in_specs=[
            pl.BlockSpec((NC, ROW_BLK, D_OUT_PAD), lambda i: (0, i, 0)),
            pl.BlockSpec((ROW_BLK, D_OUT_PAD), lambda i: (i, 0)),
            pl.BlockSpec((NC, N_PAD), lambda i: (0, 0)),
            pl.BlockSpec((1, D_OUT_PAD), lambda i: (0, 0)),
        ],
        out_specs=pl.BlockSpec((ROW_BLK, D_OUT_PAD), lambda i: (i, 0)),
        out_shape=jax.ShapeDtypeStruct((N, D_OUT_PAD), jnp.float32),
    )(q, t2, degp, b2p)



def kernel(x, edge_index, W1, b1, W2, b2):
    edges = edge_index.reshape(2, NCHUNK, CHUNK).transpose(1, 0, 2)

    zeros8 = jnp.zeros((N_ACC, D_OUT_PAD), jnp.float32)
    w2p = jnp.pad(W2, ((0, 0), (0, D_OUT_PAD - D_OUT)))
    b1r = b1.reshape(1, D_HID)
    b2p = jnp.pad(b2, (0, D_OUT_PAD - D_OUT)).reshape(1, D_OUT_PAD)

    ht = _matmul(jnp.swapaxes(x, 0, 1), W1)
    degp = _hist(edges).reshape(NC, N_PAD)
    t1a, t1b = _scale(ht, degp)
    pa = _agg8(t1a, edges, zeros8)
    pb = _agg8(t1b, edges, zeros8)
    t2 = _mid(pa, pb, t1a, t1b, degp, b1r, w2p)
    q = _agg8(t2, edges, zeros8)
    out = _final(q, t2, degp, b2p)
    return out[:, :D_OUT]

# --- scband reference (transcript-rebuilt; emitter-appended) ---
"""Pipeline reference for scband-net-23587960389984 (READ-ONLY COPY).

The authoritative reference and input builder live on the scoring server;
editing this copy changes nothing except your own understanding.
"""

import jax, jax.numpy as jnp
import numpy as np

N = 50000
E = 1600000
D_IN = 1433
D_HID = 16
D_OUT = 7


def setup_inputs(seed: int = 0) -> dict:
    key = jax.random.key(seed)
    ks = jax.random.split(key, 6)
    x = jax.random.normal(ks[0], (N, D_IN), dtype=jnp.float32)
    edge_index = jax.random.randint(ks[1], (2, E), 0, N, dtype=jnp.int32)
    W1 = jax.random.normal(ks[2], (D_IN, D_HID), dtype=jnp.float32) * (1.0 / np.sqrt(D_IN))
    b1 = jnp.zeros((D_HID,), dtype=jnp.float32)
    W2 = jax.random.normal(ks[3], (D_HID, D_OUT), dtype=jnp.float32) * (1.0 / np.sqrt(D_HID))
    b2 = jnpos = jnp.zeros((D_OUT,), dtype=jnp.float32)
    return {"x": x, "edge_index": edge_index, "W1": W1, "b1": b1, "W2": W2, "b2": b2}


def _gcn_conv(x, edge_index, W, b):
    # GCNConv: D^{-1/2} (A + I) D^{-1/2} X W + b (add_self_loops=True, symmetric norm)
    h = x @ W
    src = edge_index[0]
    dst = edge_index[1]
    loop = jnp.arange(N, dtype=src.dtype)
    src = jnp.concatenate([src, loop])
    dst = jnp.concatenate([dst, loop])
    deg = jnp.zeros((N,), dtype=h.dtype).at[dst].add(1.0)
    dinv = jnp.where(deg > 0, jax.lax.rsqrt(deg), 0.0)
    norm = dinv[src] * dinv[dst]
    msg = h[src] * norm[:, None]
    out = jnp.zeros((N, h.shape[1]), dtype=h.dtype).at[dst].add(msg)
    return out + b


def reference(x, edge_index, W1, b1, W2, b2):
    # dropout is identity in eval mode (training=False)
    h = jax.nn.elu(_gcn_conv(x, edge_index, W1, b1))
    h = _gcn_conv(h, edge_index, W2, b2)
    return jax.nn.log_softmax(h, axis=1)

if __name__ == "__main__":
    import jax
    _d = setup_inputs()
    print(jax.jit(kernel)(*tuple(_d.values())))

</pallas_src>

<mosaic_0001>
#map = affine_map<(d0, d1) -> (0, 0, 0)>
#map1 = affine_map<(d0, d1) -> (0)>
module attributes {stable_mosaic.version = 14 : i64} {
  func.func @_hist_body(%arg0: i32, %arg1: i32, %arg2: memref<12500x2x128xi32, #tpu.memory_space<hbm>>, %arg3: memref<102400xf32, #tpu.memory_space<hbm>>, %arg4: memref<391x2x128xi32, #tpu.memory_space<vmem>>, %arg5: memref<128xf32, #tpu.memory_space<vmem>>, %arg6: memref<3200xf32, #tpu.memory_space<vmem>>, %arg7: memref<51200xf32, #tpu.memory_space<vmem_shared>>, %arg8: memref<!tpu.dma_semaphore, #tpu.memory_space<semaphore_mem>>) attributes {dimension_semantics = [#tpu.dimension_semantics<core_parallel>, #tpu.dimension_semantics<subcore_parallel>], iteration_bounds = array<i64: 2, 16>, scalar_prefetch = 0 : i64, scratch_operands = 5 : i64, tpu.core_type = #tpu.core_type<sc_vector_subcore>, window_params = [{transform_indices = #map}, {transform_indices = #map1}]} {
    %broadcast_in_dim3A = arith.constant 1.000000e+00 : f32
    %broadcast_in_dim3A_0 = vector.broadcast %broadcast_in_dim3A : f32 to vector<16xf32>
    %swap3A = arith.constant 0 : index
    %swap3A_1 = tpu.vector_load %arg5[%swap3A] {strides = array<i32>} : memref<128xf32, #tpu.memory_space<vmem>>, vector<16xf32>,
    %swap3A_2 = vector.shape_cast %swap3A_1 : vector<16xf32> to vector<16xf32>
    %swap3A_3 = vector.shape_cast %broadcast_in_dim3A_0 : vector<16xf32> to vector<16xf32>
    tpu.vector_store %arg5[%swap3A], %swap3A_3 {strides = array<i32>} : memref<128xf32, #tpu.memory_space<vmem>>, vector<16xf32>,
    %broadcast_in_dim3A_4 = arith.constant 1.000000e+00 : f32
    %broadcast_in_dim3A_5 = vector.broadcast %broadcast_in_dim3A_4 : f32 to vector<16xf32>
    %swap3A_6 = arith.constant 16 : index
    %swap3A_7 = tpu.vector_load %arg5[%swap3A_6] {strides = array<i32>} : memref<128xf32, #tpu.memory_space<vmem>>, vector<16xf32>,
    %swap3A_8 = vector.shape_cast %swap3A_7 : vector<16xf32> to vector<16xf32>
    %swap3A_9 = vector.shape_cast %broadcast_in_dim3A_5 : vector<16xf32> to vector<16xf32>
    tpu.vector_store %arg5[%swap3A_6], %swap3A_9 {strides = array<i32>} : memref<128xf32, #tpu.memory_space<vmem>>, vector<16xf32>,
    %broadcast_in_dim3A_10 = arith.constant 1.000000e+00 : f32
    %broadcast_in_dim3A_11 = vector.broadcast %broadcast_in_dim3A_10 : f32 to vector<16xf32>
    %swap3A_12 = arith.constant 32 : index
    %swap3A_13 = tpu.vector_load %arg5[%swap3A_12] {strides = array<i32>} : memref<128xf32, #tpu.memory_space<vmem>>, vector<16xf32>,
    %swap3A_14 = vector.shape_cast %swap3A_13 : vector<16xf32> to vector<16xf32>
    %swap3A_15 = vector.shape_cast %broadcast_in_dim3A_11 : vector<16xf32> to vector<16xf32>
    tpu.vector_store %arg5[%swap3A_12], %swap3A_15 {strides = array<i32>} : memref<128xf32, #tpu.memory_space<vmem>>, vector<16xf32>,
    %broadcast_in_dim3A_16 = arith.constant 1.000000e+00 : f32
    %broadcast_in_dim3A_17 = vector.broadcast %broadcast_in_dim3A_16 : f32 to vector<16xf32>
    %swap3A_18 = arith.constant 48 : index
    %swap3A_19 = tpu.vector_load %arg5[%swap3A_18] {strides = array<i32>} : memref<128xf32, #tpu.memory_space<vmem>>, vector<16xf32>,
    %swap3A_20 = vector.shape_cast %swap3A_19 : vector<16xf32> to vector<16xf32>
    %swap3A_21 = vector.shape_cast %broadcast_in_dim3A_17 : vector<16xf32> to vector<16xf32>
    tpu.vector_store %arg5[%swap3A_18], %swap3A_21 {strides = array<i32>} : memref<128xf32, #tpu.memory_space<vmem>>, vector<16xf32>,
    %broadcast_in_dim3A_22 = arith.constant 1.000000e+00 : f32
    %broadcast_in_dim3A_23 = vector.broadcast %broadcast_in_dim3A_22 : f32 to vector<16xf32>
    %swap3A_24 = arith.constant 64 : index
    %swap3A_25 = tpu.vector_load %arg5[%swap3A_24] {strides = array<i32>} : memref<128xf32, #tpu.memory_space<vmem>>, vector<16xf32>,
    %swap3A_26 = vector.shape_cast %swap3A_25 : vector<16xf32> to vector<16xf32>
    %swap3A_27 = vector.shape_cast %broadcast_in_dim3A_23 : vector<16xf32> to vector<16xf32>
    tpu.vector_store %arg5[%swap3A_24], %swap3A_27 {strides = array<i32>} : memref<128xf32, #tpu.memory_space<vmem>>, vector<16xf32>,
    %broadcast_in_dim3A_28 = arith.constant 1.000000e+00 : f32
    %broadcast_in_dim3A_29 = vector.broadcast %broadcast_in_dim3A_28 : f32 to vector<16xf32>
    %swap3A_30 = arith.constant 80 : index
    %swap3A_31 = tpu.vector_load %arg5[%swap3A_30] {strides = array<i32>} : memref<128xf32, #tpu.memory_space<vmem>>, vector<16xf32>,
    %swap3A_32 = vector.shape_cast %swap3A_31 : vector<16xf32> to vector<16xf32>
    %swap3A_33 = vector.shape_cast %broadcast_in_dim3A_29 : vector<16xf32> to vector<16xf32>
    tpu.vector_store %arg5[%swap3A_30], %swap3A_33 {strides = array<i32>} : memref<128xf32, #tpu.memory_space<vmem>>, vector<16xf32>,
    %broadcast_in_dim3A_34 = arith.constant 1.000000e+00 : f32
    %broadcast_in_dim3A_35 = vector.broadcast %broadcast_in_dim3A_34 : f32 to vector<16xf32>
    %swap3A_36 = arith.constant 96 : index
    %swap3A_37 = tpu.vector_load %arg5[%swap3A_36] {strides = array<i32>} : memref<128xf32, #tpu.memory_space<vmem>>, vector<16xf32>,
    %swap3A_38 = vector.shape_cast %swap3A_37 : vector<16xf32> to vector<16xf32>
    %swap3A_39 = vector.shape_cast %broadcast_in_dim3A_35 : vector<16xf32> to vector<16xf32>
    tpu.vector_store %arg5[%swap3A_36], %swap3A_39 {strides = array<i32>} : memref<128xf32, #tpu.memory_space<vmem>>, vector<16xf32>,
    %broadcast_in_dim3A_40 = arith.constant 1.000000e+00 : f32
    %broadcast_in_dim3A_41 = vector.broadcast %broadcast_in_dim3A_40 : f32 to vector<16xf32>
    %swap3A_42 = arith.constant 112 : index
    %swap3A_43 = tpu.vector_load %arg5[%swap3A_42] {strides = array<i32>} : memref<128xf32, #tpu.memory_space<vmem>>, vector<16xf32>,
    %swap3A_44 = vector.shape_cast %swap3A_43 : vector<16xf32> to vector<16xf32>
    %swap3A_45 = vector.shape_cast %broadcast_in_dim3A_41 : vector<16xf32> to vector<16xf32>
    tpu.vector_store %arg5[%swap3A_42], %swap3A_45 {strides = array<i32>} : memref<128xf32, #tpu.memory_space<vmem>>, vector<16xf32>,
    %broadcast_in_dim3A_46 = arith.constant 0.000000e+00 : f32
    %broadcast_in_dim3A_47 = vector.broadcast %broadcast_in_dim3A_46 : f32 to vector<16xf32>
    %swap3A_48 = arith.constant 0 : index
    %swap3A_49 = tpu.vector_load %arg6[%swap3A_48] {strides = array<i32>} : memref<3200xf32, #tpu.memory_space<vmem>>, vector<16xf32>,
    %swap3A_50 = vector.shape_cast %swap3A_49 : vector<16xf32> to vector<16xf32>
    %swap3A_51 = vector.shape_cast %broadcast_in_dim3A_47 : vector<16xf32> to vector<16xf32>
    tpu.vector_store %arg6[%swap3A_48], %swap3A_51 {strides = array<i32>} : memref<3200xf32, #tpu.memory_space<vmem>>, vector<16xf32>,
    %broadcast_in_dim3A_52 = arith.constant 0.000000e+00 : f32
    %broadcast_in_dim3A_53 = vector.broadcast %broadcast_in_dim3A_52 : f32 to vector<16xf32>
    %swap3A_54 = arith.constant 16 : index
    %swap3A_55 = tpu.vector_load %arg6[%swap3A_54] {strides = array<i32>} : memref<3200xf32, #tpu.memory_space<vmem>>, vector<16xf32>,
    %swap3A_56 = vector.shape_cast %swap3A_55 : vector<16xf32> to vector<16xf32>
    %swap3A_57 = vector.shape_cast %broadcast_in_dim3A_53 : vector<16xf32> to vector<16xf32>
    tpu.vector_store %arg6[%swap3A_54], %swap3A_57 {strides = array<i32>} : memref<3200xf32, #tpu.memory_space<vmem>>, vector<16xf32>,
    %broadcast_in_dim3A_58 = arith.constant 0.000000e+00 : f32
    %broadcast_in_dim3A_59 = vector.broadcast %broadcast_in_dim3A_58 : f32 to vector<16xf32>
    %swap3A_60 = arith.constant 32 : index
    %swap3A_61 = tpu.vector_load %arg6[%swap3A_60] {strides = array<i32>} : memref<3200xf32, #tpu.memory_space<vmem>>, vector<16xf32>,
    %swap3A_62 = vector.shape_cast %swap3A_61 : vector<16xf32> to vector<16xf32>
    %swap3A_63 = vector.shape_cast %broadcast_in_dim3A_59 : vector<16xf32> to vector<16xf32>
    tpu.vector_store %arg6[%swap3A_60], %swap3A_63 {strides = array<i32>} : memref<3200xf32, #tpu.memory_space<vmem>>, vector<16xf32>,
    %broadcast_in_dim3A_64 = arith.constant 0.000000e+00 : f32
    %broadcast_in_dim3A_65 = vector.broadcast %broadcast_in_dim3A_64 : f32 to vector<16xf32>
    %swap3A_66 = arith.constant 48 : index
    %swap3A_67 = tpu.vector_load %arg6[%swap3A_66] {strides = array<i32>} : memref<3200xf32, #tpu.memory_space<vmem>>, vector<16xf32>,
    %swap3A_68 = vector.shape_cast %swap3A_67 : vector<16xf32> to vector<16xf32>
    %swap3A_69 = vector.shape_cast %broadcast_in_dim3A_65 : vector<16xf32> to vector<16xf32>
    tpu.vector_store %arg6[%swap3A_66], %swap3A_69 {strides = array<i32>} : memref<3200xf32, #tpu.memory_space<vmem>>, vector<16xf32>,
    %broadcast_in_dim3A_70 = arith.constant 0.000000e+00 : f32
    %broadcast_in_dim3A_71 = vector.broadcast %broadcast_in_dim3A_70 : f32 to vector<16xf32>
    %swap3A_72 = arith.constant 64 : index
    %swap3A_73 = tpu.vector_load %arg6[%swap3A_72] {strides = array<i32>} : memref<3200xf32, #tpu.memory_space<vmem>>, vector<16xf32>,
    %swap3A_74 = vector.shape_cast %swap3A_73 : vector<16xf32> to vector<16xf32>
    %swap3A_75 = vector.shape_cast %broadcast_in_dim3A_71 : vector<16xf32> to vector<16xf32>
    tpu.vector_store %arg6[%swap3A_72], %swap3A_75 {strides = array<i32>} : memref<3200xf32, #tpu.memory_space<vmem>>, vector<16xf32>,
    %broadcast_in_dim3A_76 = arith.constant 0.000000e+00 : f32
    %broadcast_in_dim3A_77 = vector.broadcast %broadcast_in_dim3A_76 : f32 to vector<16xf32>
    %swap3A_78 = arith.constant 80 : index
    %swap3A_79 = tpu.vector_load %arg6[%swap3A_78] {strides = array<i32>} : memref<3200xf32, #tpu.memory_space<vmem>>, vector<16xf32>,
    %swap3A_80 = vector.shape_cast %swap3A_79 : vector<16xf32> to vector<16xf32>
    %swap3A_81 = vector.shape_cast %broadcast_in_dim3A_77 : vector<16xf32> to vector<16xf32>
    tpu.vector_store %arg6[%swap3A_78], %swap3A_81 {strides = array<i32>} : memref<3200xf32, #tpu.memory_space<vmem>>, vector<16xf32>,
    %broadcast_in_dim3A_82 = arith.constant 0.000000e+00 : f32
    %broadcast_in_dim3A_83 = vector.broadcast %broadcast_in_dim3A_82 : f32 to vector<16xf32>
    %swap3A_84 = arith.constant 96 : index
    %swap3A_85 = tpu.vector_load %arg6[%swap3A_84] {strides = array<i32>} : memref<3200xf32, #tpu.memory_space<vmem>>, vector<16xf32>,
    %swap3A_86 = vector.shape_cast %swap3A_85 : vector<16xf32> to vector<16xf32>
    %swap3A_87 = vector.shape_cast %broadcast_in_dim3A_83 : vector<16xf32> to vector<16xf32>
    tpu.vector_store %arg6[%swap3A_84], %swap3A_87 {strides = array<i32>} : memref<3200xf32, #tpu.memory_space<vmem>>, vector<16xf32>,
    %broadcast_in_dim3A_88 = arith.constant 0.000000e+00 : f32
    %broadcast_in_dim3A_89 = vector.broadcast %broadcast_in_dim3A_88 : f32 to vector<16xf32>
    %swap3A_90 = arith.constant 112 : index
    %swap3A_91 = tpu.vector_load %arg6[%swap3A_90] {strides = array<i32>} : memref<3200xf32, #tpu.memory_space<vmem>>, vector<16xf32>,
    %swap3A_92 = vector.shape_cast %swap3A_91 : vector<16xf32> to vector<16xf32>
    %swap3A_93 = vector.shape_cast %broadcast_in_dim3A_89 : vector<16xf32> to vector<16xf32>
    tpu.vector_store %arg6[%swap3A_90], %swap3A_93 {strides = array<i32>} : memref<3200xf32, #tpu.memory_space<vmem>>, vector<16xf32>,
    %broadcast_in_dim3A_94 = arith.constant 0.000000e+00 : f32
    %broadcast_in_dim3A_95 = vector.broadcast %broadcast_in_dim3A_94 : f32 to vector<16xf32>
    %swap3A_96 = arith.constant 128 : index
    %swap3A_97 = tpu.vector_load %arg6[%swap3A_96] {strides = array<i32>} : memref<3200xf32, #tpu.memory_space<vmem>>, vector<16xf32>,
    %swap3A_98 = vector.shape_cast %swap3A_97 : vector<16xf32> to vector<16xf32>
    %swap3A_99 = vector.shape_cast %broadcast_in_dim3A_95 : vector<16xf32> to vector<16xf32>
    tpu.vector_store %arg6[%swap3A_96], %swap3A_99 {strides = array<i32>} : memref<3200xf32, #tpu.memory_space<vmem>>, vector<16xf32>,
    %broadcast_in_dim3A_100 = arith.constant 0.000000e+00 : f32
    %broadcast_in_dim3A_101 = vector.broadcast %broadcast_in_dim3A_100 : f32 to vector<16xf32>
    %swap3A_102 = arith.constant 144 : index
    %swap3A_103 = tpu.vector_load %arg6[%swap3A_102] {strides = array<i32>} : memref<3200xf32, #tpu.memory_space<vmem>>, vector<16xf32>,
    %swap3A_104 = vector.shape_cast %swap3A_103 : vector<16xf32> to vector<16xf32>
    %swap3A_105 = vector.shape_cast %broadcast_in_dim3A_101 : vector<16xf32> to vector<16xf32>
    tpu.vector_store %arg6[%swap3A_102], %swap3A_105 {strides = array<i32>} : memref<3200xf32, #tpu.memory_space<vmem>>, vector<16xf32>,
    %broadcast_in_dim3A_106 = arith.constant 0.000000e+00 : f32
    %broadcast_in_dim3A_107 = vector.broadcast %broadcast_in_dim3A_106 : f32 to vector<16xf32>
    %swap3A_108 = arith.constant 160 : index
    %swap3A_109 = tpu.vector_load %arg6[%swap3A_108] {strides = array<i32>} : memref<3200xf32, #tpu.memory_space<vmem>>, vector<16xf32>,
    %swap3A_110 = vector.shape_cast %swap3A_109 : vector<16xf32> to vector<16xf32>
    %swap3A_111 = vector.shape_cast %broadcast_in_dim3A_107 : vector<16xf32> to vector<16xf32>
    tpu.vector_store %arg6[%swap3A_108], %swap3A_111 {strides = array<i32>} : memref<3200xf32, #tpu.memory_space<vmem>>, vector<16xf32>,
    %broadcast_in_dim3A_112 = arith.constant 0.000000e+00 : f32
    %broadcast_in_dim3A_113 = vector.broadcast %broadcast_in_dim3A_112 : f32 to vector<16xf32>
    %swap3A_114 = arith.constant 176 : index
    %swap3A_115 = tpu.vector_load %arg6[%swap3A_114] {strides = array<i32>} : memref<3200xf32, #tpu.memory_space<vmem>>, vector<16xf32>,
    %swap3A_116 = vector.shape_cast %swap3A_115 : vector<16xf32> to vector<16xf32>
    %swap3A_117 = vector.shape_cast %broadcast_in_dim3A_113 : vector<16xf32> to vector<16xf32>
    tpu.vector_store %arg6[%swap3A_114], %swap3A_117 {strides = array<i32>} : memref<3200xf32, #tpu.memory_space<vmem>>, vector<16xf32>,
    %broadcast_in_dim3A_118 = arith.constant 0.000000e+00 : f32
    %broadcast_in_dim3A_119 = vector.broadcast %broadcast_in_dim3A_118 : f32 to vector<16xf32>
    %swap3A_120 = arith.constant 192 : index
    %swap3A_121 = tpu.vector_load %arg6[%swap3A_120] {strides = array<i32>} : memref<3200xf32, #tpu.memory_space<vmem>>, vector<16xf32>,
    %swap3A_122 = vector.shape_cast %swap3A_121 : vector<16xf32> to vector<16xf32>
    %swap3A_123 = vector.shape_cast %broadcast_in_dim3A_119 : vector<16xf32> to vector<16xf32>
    tpu.vector_store %arg6[%swap3A_120], %swap3A_123 {strides = array<i32>} : memref<3200xf32, #tpu.memory_space<vmem>>, vector<16xf32>,
    %broadcast_in_dim3A_124 = arith.constant 0.000000e+00 : f32
    %broadcast_in_dim3A_125 = vector.broadcast %broadcast_in_dim3A_124 : f32 to vector<16xf32>
    %swap3A_126 = arith.constant 208 : index
    %swap3A_127 = tpu.vector_load %arg6[%swap3A_126] {strides = array<i32>} : memref<3200xf32, #tpu.memory_space<vmem>>, vector<16xf32>,
    %swap3A_128 = vector.shape_cast %swap3A_127 : vector<16xf32> to vector<16xf32>
    %swap3A_129 = vector.shape_cast %broadcast_in_dim3A_125 : vector<16xf32> to vector<16xf32>
    tpu.vector_store %arg6[%swap3A_126], %swap3A_129 {strides = array<i32>} : memref<3200xf32, #tpu.memory_space<vmem>>, vector<16xf32>,
    %broadcast_in_dim3A_130 = arith.constant 0.000000e+00 : f32
    %broadcast_in_dim3A_131 = vector.broadcast %broadcast_in_dim3A_130 : f32 to vector<16xf32>
    %swap3A_132 = arith.constant 224 : index
    %swap3A_133 = tpu.vector_load %arg6[%swap3A_132] {strides = array<i32>} : memref<3200xf32, #tpu.memory_space<vmem>>, vector<16xf32>,
    %swap3A_134 = vector.shape_cast %swap3A_133 : vector<16xf32> to vector<16xf32>
    %swap3A_135 = vector.shape_cast %broadcast_in_dim3A_131 : vector<16xf32> to vector<16xf32>
    tpu.vector_store %arg6[%swap3A_132], %swap3A_135 {strides = array<i32>} : memref<3200xf32, #tpu.memory_space<vmem>>, vector<16xf32>,
    %broadcast_in_dim3A_136 = arith.constant 0.000000e+00 : f32
    %broadcast_in_dim3A_137 = vector.broadcast %broadcast_in_dim3A_136 : f32 to vector<16xf32>
    %swap3A_138 = arith.constant 240 : index
    %swap3A_139 = tpu.vector_load %arg6[%swap3A_138] {strides = array<i32>} : memref<3200xf32, #tpu.memory_space<vmem>>, vector<16xf32>,
    %swap3A_140 = vector.shape_cast %swap3A_139 : vector<16xf32> to vector<16xf32>
    %swap3A_141 = vector.shape_cast %broadcast_in_dim3A_137 : vector<16xf32> to vector<16xf32>
    tpu.vector_store %arg6[%swap3A_138], %swap3A_141 {strides = array<i32>} : memref<3200xf32, #tpu.memory_space<vmem>>, vector<16xf32>,
    %broadcast_in_dim3A_142 = arith.constant 0.000000e+00 : f32
    %broadcast_in_dim3A_143 = vector.broadcast %broadcast_in_dim3A_142 : f32 to vector<16xf32>
    %swap3A_144 = arith.constant 256 : index
    %swap3A_145 = tpu.vector_load %arg6[%swap3A_144] {strides = array<i32>} : memref<3200xf32, #tpu.memory_space<vmem>>, vector<16xf32>,
    %swap3A_146 = vector.shape_cast %swap3A_145 : vector<16xf32> to vector<16xf32>
    %swap3A_147 = vector.shape_cast %broadcast_in_dim3A_143 : vector<16xf32> to vector<16xf32>
    tpu.vector_store %arg6[%swap3A_144], %swap3A_147 {strides = array<i32>} : memref<3200xf32, #tpu.memory_space<vmem>>, vector<16xf32>,
    %broadcast_in_dim3A_148 = arith.constant 0.000000e+00 : f32
    %broadcast_in_dim3A_149 = vector.broadcast %broadcast_in_dim3A_148 : f32 to vector<16xf32>
    %swap3A_150 = arith.constant 272 : index
    %swap3A_151 = tpu.vector_load %arg6[%swap3A_150] {strides = array<i32>} : memref<3200xf32, #tpu.memory_space<vmem>>, vector<16xf32>,
    %swap3A_152 = vector.shape_cast %swap3A_151 : vector<16xf32> to vector<16xf32>
    %swap3A_153 = vector.shape_cast %broadcast_in_dim3A_149 : vector<16xf32> to vector<16xf32>
    tpu.vector_store %arg6[%swap3A_150], %swap3A_153 {strides = array<i32>} : memref<3200xf32, #tpu.memory_space<vmem>>, vector<16xf32>,
    %broadcast_in_dim3A_154 = arith.constant 0.000000e+00 : f32
    %broadcast_in_dim3A_155 = vector.broadcast %broadcast_in_dim3A_154 : f32 to vector<16xf32>
    %swap3A_156 = arith.constant 288 : index
    %swap3A_157 = tpu.vector_load %arg6[%swap3A_156] {strides = array<i32>} : memref<3200xf32, #tpu.memory_space<vmem>>, vector<16xf32>,
    %swap3A_158 = vector.shape_cast %swap3A_157 : vector<16xf32> to vector<16xf32>
    %swap3A_159 = vector.shape_cast %broadcast_in_dim3A_155 : vector<16xf32> to vector<16xf32>
    tpu.vector_store %arg6[%swap3A_156], %swap3A_159 {strides = array<i32>} : memref<3200xf32, #tpu.memory_space<vmem>>, vector<16xf32>,
    %broadcast_in_dim3A_160 = arith.constant 0.000000e+00 : f32
    %broadcast_in_dim3A_161 = vector.broadcast %broadcast_in_dim3A_160 : f32 to vector<16xf32>
    %swap3A_162 = arith.constant 304 : index
    %swap3A_163 = tpu.vector_load %arg6[%swap3A_162] {strides = array<i32>} : memref<3200xf32, #tpu.memory_space<vmem>>, vector<16xf32>,
    %swap3A_164 = vector.shape_cast %swap3A_163 : vector<16xf32> to vector<16xf32>
    %swap3A_165 = vector.shape_cast %broadcast_in_dim3A_161 : vector<16xf32> to vector<16xf32>
    tpu.vector_store %arg6[%swap3A_162], %swap3A_165 {strides = array<i32>} : memref<3200xf32, #tpu.memory_space<vmem>>, vector<16xf32>,
    %broadcast_in_dim3A_166 = arith.constant 0.000000e+00 : f32
    %broadcast_in_dim3A_167 = vector.broadcast %broadcast_in_dim3A_166 : f32 to vector<16xf32>
    %swap3A_168 = arith.constant 320 : index
    %swap3A_169 = tpu.vector_load %arg6[%swap3A_168] {strides = array<i32>} : memref<3200xf32, #tpu.memory_space<vmem>>, vector<16xf32>,
    %swap3A_170 = vector.shape_cast %swap3A_169 : vector<16xf32> to vector<16xf32>
    %swap3A_171 = vector.shape_cast %broadcast_in_dim3A_167 : vector<16xf32> to vector<16xf32>
    tpu.vector_store %arg6[%swap3A_168], %swap3A_171 {strides = array<i32>} : memref<3200xf32, #tpu.memory_space<vmem>>, vector<16xf32>,
    %broadcast_in_dim3A_172 = arith.constant 0.000000e+00 : f32
    %broadcast_in_dim3A_173 = vector.broadcast %broadcast_in_dim3A_172 : f32 to vector<16xf32>
    %swap3A_174 = arith.constant 336 : index
    %swap3A_175 = tpu.vector_load %arg6[%swap3A_174] {strides = array<i32>} : memref<3200xf32, #tpu.memory_space<vmem>>, vector<16xf32>,
    %swap3A_176 = vector.shape_cast %swap3A_175 : vector<16xf32> to vector<16xf32>
    %swap3A_177 = vector.shape_cast %broadcast_in_dim3A_173 : vector<16xf32> to vector<16xf32>
    tpu.vector_store %arg6[%swap3A_174], %swap3A_177 {strides = array<i32>} : memref<3200xf32, #tpu.memory_space<vmem>>, vector<16xf32>,
    %broadcast_in_dim3A_178 = arith.constant 0.000000e+00 : f32
    %broadcast_in_dim3A_179 = vector.broadcast %broadcast_in_dim3A_178 : f32 to vector<16xf32>
    %swap3A_180 = arith.constant 352 : index
    %swap3A_181 = tpu.vector_load %arg6[%swap3A_180] {strides = array<i32>} : memref<3200xf32, #tpu.memory_space<vmem>>, vector<16xf32>,
    %swap3A_182 = vector.shape_cast %swap3A_181 : vector<16xf32> to vector<16xf32>
    %swap3A_183 = vector.shape_cast %broadcast_in_dim3A_179 : vector<16xf32> to vector<16xf32>
    tpu.vector_store %arg6[%swap3A_180], %swap3A_183 {strides = array<i32>} : memref<3200xf32, #tpu.memory_space<vmem>>, vector<16xf32>,
    %broadcast_in_dim3A_184 = arith.constant 0.000000e+00 : f32
    %broadcast_in_dim3A_185 = vector.broadcast %broadcast_in_dim3A_184 : f32 to vector<16xf32>
    %swap3A_186 = arith.constant 368 : index
    %swap3A_187 = tpu.vector_load %arg6[%swap3A_186] {strides = array<i32>} : memref<3200xf32, #tpu.memory_space<vmem>>, vector<16xf32>,
    %swap3A_188 = vector.shape_cast %swap3A_187 : vector<16xf32> to vector<16xf32>
    %swap3A_189 = vector.shape_cast %broadcast_in_dim3A_185 : vector<16xf32> to vector<16xf32>
    tpu.vector_store %arg6[%swap3A_186], %swap3A_189 {strides = array<i32>} : memref<3200xf32, #tpu.memory_space<vmem>>, vector<16xf32>,
    %broadcast_in_dim3A_190 = arith.constant 0.000000e+00 : f32
    %broadcast_in_dim3A_191 = vector.broadcast %broadcast_in_dim3A_190 : f32 to vector<16xf32>
    %swap3A_192 = arith.constant 384 : index
    %swap3A_193 = tpu.vector_load %arg6[%swap3A_192] {strides = array<i32>} : memref<3200xf32, #tpu.memory_space<vmem>>, vector<16xf32>,
    %swap3A_194 = vector.shape_cast %swap3A_193 : vector<16xf32> to vector<16xf32>
    %swap3A_195 = vector.shape_cast %broadcast_in_dim3A_191 : vector<16xf32> to vector<16xf32>
    tpu.vector_store %arg6[%swap3A_192], %swap3A_195 {strides = array<i32>} : memref<3200xf32, #tpu.memory_space<vmem>>, vector<16xf32>,
    %broadcast_in_dim3A_196 = arith.constant 0.000000e+00 : f32
    %broadcast_in_dim3A_197 = vector.broadcast %broadcast_in_dim3A_196 : f32 to vector<16xf32>
    %swap3A_198 = arith.constant 400 : index
    %swap3A_199 = tpu.vector_load %arg6[%swap3A_198] {strides = array<i32>} : memref<3200xf32, #tpu.memory_space<vmem>>, vector<16xf32>,
    %swap3A_200 = vector.shape_cast %swap3A_199 : vector<16xf32> to vector<16xf32>
    %swap3A_201 = vector.shape_cast %broadcast_in_dim3A_197 : vector<16xf32> to vector<16xf32>
    tpu.vector_store %arg6[%swap3A_198], %swap3A_201 {strides = array<i32>} : memref<3200xf32, #tpu.memory_space<vmem>>, vector<16xf32>,
    %broadcast_in_dim3A_202 = arith.constant 0.000000e+00 : f32
    %broadcast_in_dim3A_203 = vector.broadcast %broadcast_in_dim3A_202 : f32 to vector<16xf32>
    %swap3A_204 = arith.constant 416 : index
    %swap3A_205 = tpu.vector_load %arg6[%swap3A_204] {strides = array<i32>} : memref<3200xf32, #tpu.memory_space<vmem>>, vector<16xf32>,
    %swap3A_206 = vector.shape_cast %swap3A_205 : vector<16xf32> to vector<16xf32>
    %swap3A_207 = vector.shape_cast %broadcast_in_dim3A_203 : vector<16xf32> to vector<16xf32>
    tpu.vector_store %arg6[%swap3A_204], %swap3A_207 {strides = array<i32>} : memref<3200xf32, #tpu.memory_space<vmem>>, vector<16xf32>,
    %broadcast_in_dim3A_208 = arith.constant 0.000000e+00 : f32
    %broadcast_in_dim3A_209 = vector.broadcast %broadcast_in_dim3A_208 : f32 to vector<16xf32>
    %swap3A_210 = arith.constant 432 : index
    %swap3A_211 = tpu.vector_load %arg6[%swap3A_210] {strides = array<i32>} : memref<3200xf32, #tpu.memory_space<vmem>>, vector<16xf32>,
    %swap3A_212 = vector.shape_cast %swap3A_211 : vector<16xf32> to vector<16xf32>
    %swap3A_213 = vector.shape_cast %broadcast_in_dim3A_209 : vector<16xf32> to vector<16xf32>
    tpu.vector_store %arg6[%swap3A_210], %swap3A_213 {strides = array<i32>} : memref<3200xf32, #tpu.memory_space<vmem>>, vector<16xf32>,
    %broadcast_in_dim3A_214 = arith.constant 0.000000e+00 : f32
    %broadcast_in_dim3A_215 = vector.broadcast %broadcast_in_dim3A_214 : f32 to vector<16xf32>
    %swap3A_216 = arith.constant 448 : index
    %swap3A_217 = tpu.vector_load %arg6[%swap3A_216] {strides = array<i32>} : memref<3200xf32, #tpu.memory_space<vmem>>, vector<16xf32>,
    %swap3A_218 = vector.shape_cast %swap3A_217 : vector<16xf32> to vector<16xf32>
    %swap3A_219 = vector.shape_cast %broadcast_in_dim3A_215 : vector<16xf32> to vector<16xf32>
    tpu.vector_store %arg6[%swap3A_216], %swap3A_219 {strides = array<i32>} : memref<3200xf32, #tpu.memory_space<vmem>>, vector<16xf32>,
    %broadcast_in_dim3A_220 = arith.constant 0.000000e+00 : f32
    %broadcast_in_dim3A_221 = vector.broadcast %broadcast_in_dim3A_220 : f32 to vector<16xf32>
    %swap3A_222 = arith.constant 464 : index
    %swap3A_223 = tpu.vector_load %arg6[%swap3A_222] {strides = array<i32>} : memref<3200xf32, #tpu.memory_space<vmem>>, vector<16xf32>,
    %swap3A_224 = vector.shape_cast %swap3A_223 : vector<16xf32> to vector<16xf32>
    %swap3A_225 = vector.shape_cast %broadcast_in_dim3A_221 : vector<16xf32> to vector<16xf32>
    tpu.vector_store %arg6[%swap3A_222], %swap3A_225 {strides = array<i32>} : memref<3200xf32, #tpu.memory_space<vmem>>, vector<16xf32>,
    %broadcast_in_dim3A_226 = arith.constant 0.000000e+00 : f32
    %broadcast_in_dim3A_227 = vector.broadcast %broadcast_in_dim3A_226 : f32 to vector<16xf32>
    %swap3A_228 = arith.constant 480 : index
    %swap3A_229 = tpu.vector_load %arg6[%swap3A_228] {strides = array<i32>} : memref<3200xf32, #tpu.memory_space<vmem>>, vector<16xf32>,
    %swap3A_230 = vector.shape_cast %swap3A_229 : vector<16xf32> to vector<16xf32>
    %swap3A_231 = vector.shape_cast %broadcast_in_dim3A_227 : vector<16xf32> to vector<16xf32>
    tpu.vector_store %arg6[%swap3A_228], %swap3A_231 {strides = array<i32>} : memref<3200xf32, #tpu.memory_space<vmem>>, vector<16xf32>,
    %broadcast_in_dim3A_232 = arith.constant 0.000000e+00 : f32
    %broadcast_in_dim3A_233 = vector.broadcast %broadcast_in_dim3A_232 : f32 to vector<16xf32>
    %swap3A_234 = arith.constant 496 : index
    %swap3A_235 = tpu.vector_load %arg6[%swap3A_234] {strides = array<i32>} : memref<3200xf32, #tpu.memory_space<vmem>>, vector<16xf32>,
    %swap3A_236 = vector.shape_cast %swap3A_235 : vector<16xf32> to vector<16xf32>
    %swap3A_237 = vector.shape_cast %broadcast_in_dim3A_233 : vector<16xf32> to vector<16xf32>
    tpu.vector_store %arg6[%swap3A_234], %swap3A_237 {strides = array<i32>} : memref<3200xf32, #tpu.memory_space<vmem>>, vector<16xf32>,
    %broadcast_in_dim3A_238 = arith.constant 0.000000e+00 : f32
    %broadcast_in_dim3A_239 = vector.broadcast %broadcast_in_dim3A_238 : f32 to vector<16xf32>
    %swap3A_240 = arith.constant 512 : index
    %swap3A_241 = tpu.vector_load %arg6[%swap3A_240] {strides = array<i32>} : memref<3200xf32, #tpu.memory_space<vmem>>, vector<16xf32>,
    %swap3A_242 = vector.shape_cast %swap3A_241 : vector<16xf32> to vector<16xf32>
    %swap3A_243 = vector.shape_cast %broadcast_in_dim3A_239 : vector<16xf32> to vector<16xf32>
    tpu.vector_store %arg6[%swap3A_240], %swap3A_243 {strides = array<i32>} : memref<3200xf32, #tpu.memory_space<vmem>>, vector<16xf32>,
    %broadcast_in_dim3A_244 = arith.constant 0.000000e+00 : f32
    %broadcast_in_dim3A_245 = vector.broadcast %broadcast_in_dim3A_244 : f32 to vector<16xf32>
    %swap3A_246 = arith.constant 528 : index
    %swap3A_247 = tpu.vector_load %arg6[%swap3A_246] {strides = array<i32>} : memref<3200xf32, #tpu.memory_space<vmem>>, vector<16xf32>,
    %swap3A_248 = vector.shape_cast %swap3A_247 : vector<16xf32> to vector<16xf32>
    %swap3A_249 = vector.shape_cast %broadcast_in_dim3A_245 : vector<16xf32> to vector<16xf32>
    tpu.vector_store %arg6[%swap3A_246], %swap3A_249 {strides = array<i32>} : memref<3200xf32, #tpu.memory_space<vmem>>, vector<16xf32>,
    %broadcast_in_dim3A_250 = arith.constant 0.000000e+00 : f32
    %broadcast_in_dim3A_251 = vector.broadcast %broadcast_in_dim3A_250 : f32 to vector<16xf32>
    %swap3A_252 = arith.constant 544 : index
    %swap3A_253 = tpu.vector_load %arg6[%swap3A_252] {strides = array<i32>} : memref<3200xf32, #tpu.memory_space<vmem>>, vector<16xf32>,
    %swap3A_254 = vector.shape_cast %swap3A_253 : vector<16xf32> to vector<16xf32>
    %swap3A_255 = vector.shape_cast %broadcast_in_dim3A_251 : vector<16xf32> to vector<16xf32>
    tpu.vector_store %arg6[%swap3A_252], %swap3A_255 {strides = array<i32>} : memref<3200xf32, #tpu.memory_space<vmem>>, vector<16xf32>,
    %broadcast_in_dim3A_256 = arith.constant 0.000000e+00 : f32
    %broadcast_in_dim3A_257 = vector.broadcast %broadcast_in_dim3A_256 : f32 to vector<16xf32>
    %swap3A_258 = arith.constant 560 : index
    %swap3A_259 = tpu.vector_load %arg6[%swap3A_258] {strides = array<i32>} : memref<3200xf32, #tpu.memory_space<vmem>>, vector<16xf32>,
    %swap3A_260 = vector.shape_cast %swap3A_259 : vector<16xf32> to vector<16xf32>
    %swap3A_261 = vector.shape_cast %broadcast_in_dim3A_257 : vector<16xf32> to vector<16xf32>
    tpu.vector_store %arg6[%swap3A_258], %swap3A_261 {strides = array<i32>} : memref<3200xf32, #tpu.memory_space<vmem>>, vector<16xf32>,
    %broadcast_in_dim3A_262 = arith.constant 0.000000e+00 : f32
    %broadcast_in_dim3A_263 = vector.broadcast %broadcast_in_dim3A_262 : f32 to vector<16xf32>
    %swap3A_264 = arith.constant 576 : index
    %swap3A_265 = tpu.vector_load %arg6[%swap3A_264] {strides = array<i32>} : memref<3200xf32, #tpu.memory_space<vmem>>, vector<16xf32>,
    %swap3A_266 = vector.shape_cast %swap3A_265 : vector<16xf32> to vector<16xf32>
    %swap3A_267 = vector.shape_cast %broadcast_in_dim3A_263 : vector<16xf32> to vector<16xf32>
    tpu.vector_store %arg6[%swap3A_264], %swap3A_267 {strides = array<i32>} : memref<3200xf32, #tpu.memory_space<vmem>>, vector<16xf32>,
    %broadcast_in_dim3A_268 = arith.constant 0.000000e+00 : f32
    %broadcast_in_dim3A_269 = vector.broadcast %broadcast_in_dim3A_268 : f32 to vector<16xf32>
    %swap3A_270 = arith.constant 592 : index
    %swap3A_271 = tpu.vector_load %arg6[%swap3A_270] {strides = array<i32>} : memref<3200xf32, #tpu.memory_space<vmem>>, vector<16xf32>,
    %swap3A_272 = vector.shape_cast %swap3A_271 : vector<16xf32> to vector<16xf32>
    %swap3A_273 = vector.shape_cast %broadcast_in_dim3A_269 : vector<16xf32> to vector<16xf32>
    tpu.vector_store %arg6[%swap3A_270], %swap3A_273 {strides = array<i32>} : memref<3200xf32, #tpu.memory_space<vmem>>, vector<16xf32>,
    %broadcast_in_dim3A_274 = arith.constant 0.000000e+00 : f32
    %broadcast_in_dim3A_275 = vector.broadcast %broadcast_in_dim3A_274 : f32 to vector<16xf32>
    %swap3A_276 = arith.constant 608 : index
    %swap3A_277 = tpu.vector_load %arg6[%swap3A_276] {strides = array<i32>} : memref<3200xf32, #tpu.memory_space<vmem>>, vector<16xf32>,
    %swap3A_278 = vector.shape_cast %swap3A_277 : vector<16xf32> to vector<16xf32>
    %swap3A_279 = vector.shape_cast %broadcast_in_dim3A_275 : vector<16xf32> to vector<16xf32>
    tpu.vector_store %arg6[%swap3A_276], %swap3A_279 {strides = array<i32>} : memref<3200xf32, #tpu.memory_space<vmem>>, vector<16xf32>,
    %broadcast_in_dim3A_280 = arith.constant 0.000000e+00 : f32
    %broadcast_in_dim3A_281 = vector.broadcast %broadcast_in_dim3A_280 : f32 to vector<16xf32>
    %swap3A_282 = arith.constant 624 : index
    %swap3A_283 = tpu.vector_load %arg6[%swap3A_282] {strides = array<i32>} : memref<3200xf32, #tpu.memory_space<vmem>>, vector<16xf32>,
    %swap3A_284 = vector.shape_cast %swap3A_283 : vector<16xf32> to vector<16xf32>
    %swap3A_285 = vector.shape_cast %broadcast_in_dim3A_281 : vector<16xf32> to vector<16xf32>
    tpu.vector_store %arg6[%swap3A_282], %swap3A_285 {strides = array<i32>} : memref<3200xf32, #tpu.memory_space<vmem>>, vector<16xf32>,
    %broadcast_in_dim3A_286 = arith.constant 0.000000e+00 : f32
    %broadcast_in_dim3A_287 = vector.broadcast %broadcast_in_dim3A_286 : f32 to vector<16xf32>
    %swap3A_288 = arith.constant 640 : index
    %swap3A_289 = tpu.vector_load %arg6[%swap3A_288] {strides = array<i32>} : memref<3200xf32, #tpu.memory_space<vmem>>, vector<16xf32>,
    %swap3A_290 = vector.shape_cast %swap3A_289 : vector<16xf32> to vector<16xf32>
    %swap3A_291 = vector.shape_cast %broadcast_in_dim3A_287 : vector<16xf32> to vector<16xf32>
    tpu.vector_store %arg6[%swap3A_288], %swap3A_291 {strides = array<i32>} : memref<3200xf32, #tpu.memory_space<vmem>>, vector<16xf32>,
    %broadcast_in_dim3A_292 = arith.constant 0.000000e+00 : f32
    %broadcast_in_dim3A_293 = vector.broadcast %broadcast_in_dim3A_292 : f32 to vector<16xf32>
    %swap3A_294 = arith.constant 656 : index
    %swap3A_295 = tpu.vector_load %arg6[%swap3A_294] {strides = array<i32>} : memref<3200xf32, #tpu.memory_space<vmem>>, vector<16xf32>,
    %swap3A_296 = vector.shape_cast %swap3A_295 : vector<16xf32> to vector<16xf32>
    %swap3A_297 = vector.shape_cast %broadcast_in_dim3A_293 : vector<16xf32> to vector<16xf32>
    tpu.vector_store %arg6[%swap3A_294], %swap3A_297 {strides = array<i32>} : memref<3200xf32, #tpu.memory_space<vmem>>, vector<16xf32>,
    %broadcast_in_dim3A_298 = arith.constant 0.000000e+00 : f32
    %broadcast_in_dim3A_299 = vector.broadcast %broadcast_in_dim3A_298 : f32 to vector<16xf32>
    %swap3A_300 = arith.constant 672 : index
    %swap3A_301 = tpu.vector_load %arg6[%swap3A_300] {strides = array<i32>} : memref<3200xf32, #tpu.memory_space<vmem>>, vector<16xf32>,
    %swap3A_302 = vector.shape_cast %swap3A_301 : vector<16xf32> to vector<16xf32>
    %swap3A_303 = vector.shape_cast %broadcast_in_dim3A_299 : vector<16xf32> to vector<16xf32>
    tpu.vector_store %arg6[%swap3A_300], %swap3A_303 {strides = array<i32>} : memref<3200xf32, #tpu.memory_space<vmem>>, vector<16xf32>,
    %broadcast_in_dim3A_304 = arith.constant 0.000000e+00 : f32
    %broadcast_in_dim3A_305 = vector.broadcast %broadcast_in_dim3A_304 : f32 to vector<16xf32>
    %swap3A_306 = arith.constant 688 : index
    %swap3A_307 = tpu.vector_load %arg6[%swap3A_306] {strides = array<i32>} : memref<3200xf32, #tpu.memory_space<vmem>>, vector<16xf32>,
    %swap3A_308 = vector.shape_cast %swap3A_307 : vector<16xf32> to vector<16xf32>
    %swap3A_309 = vector.shape_cast %broadcast_in_dim3A_305 : vector<16xf32> to vector<16xf32>
    tpu.vector_store %arg6[%swap3A_306], %swap3A_309 {strides = array<i32>} : memref<3200xf32, #tpu.memory_space<vmem>>, vector<16xf32>,
    %broadcast_in_dim3A_310 = arith.constant 0.000000e+00 : f32
    %broadcast_in_dim3A_311 = vector.broadcast %broadcast_in_dim3A_310 : f32 to vector<16xf32>
    %swap3A_312 = arith.constant 704 : index
    %swap3A_313 = tpu.vector_load %arg6[%swap3A_312] {strides = array<i32>} : memref<3200xf32, #tpu.memory_space<vmem>>, vector<16xf32>,
    %swap3A_314 = vector.shape_cast %swap3A_313 : vector<16xf32> to vector<16xf32>
    %swap3A_315 = vector.shape_cast %broadcast_in_dim3A_311 : vector<16xf32> to vector<16xf32>
    tpu.vector_store %arg6[%swap3A_312], %swap3A_315 {strides = array<i32>} : memref<3200xf32, #tpu.memory_space<vmem>>, vector<16xf32>,
    %broadcast_in_dim3A_316 = arith.constant 0.000000e+00 : f32
    %broadcast_in_dim3A_317 = vector.broadcast %broadcast_in_dim3A_316 : f32 to vector<16xf32>
    %swap3A_318 = arith.constant 720 : index
    %swap3A_319 = tpu.vector_load %arg6[%swap3A_318] {strides = array<i32>} : memref<3200xf32, #tpu.memory_space<vmem>>, vector<16xf32>,
    %swap3A_320 = vector.shape_cast %swap3A_319 : vector<16xf32> to vector<16xf32>
    %swap3A_321 = vector.shape_cast %broadcast_in_dim3A_317 : vector<16xf32> to vector<16xf32>
    tpu.vector_store %arg6[%swap3A_318], %swap3A_321 {strides = array<i32>} : memref<3200xf32, #tpu.memory_space<vmem>>, vector<16xf32>,
    %broadcast_in_dim3A_322 = arith.constant 0.000000e+00 : f32
    %broadcast_in_dim3A_323 = vector.broadcast %broadcast_in_dim3A_322 : f32 to vector<16xf32>
    %swap3A_324 = arith.constant 736 : index
    %swap3A_325 = tpu.vector_load %arg6[%swap3A_324] {strides = array<i32>} : memref<3200xf32, #tpu.memory_space<vmem>>, vector<16xf32>,
    %swap3A_326 = vector.shape_cast %swap3A_325 : vector<16xf32> to vector<16xf32>
    %swap3A_327 = vector.shape_cast %broadcast_in_dim3A_323 : vector<16xf32> to vector<16xf32>
    tpu.vector_store %arg6[%swap3A_324], %swap3A_327 {strides = array<i32>} : memref<3200xf32, #tpu.memory_space<vmem>>, vector<16xf32>,
    %broadcast_in_dim3A_328 = arith.constant 0.000000e+00 : f32
    %broadcast_in_dim3A_329 = vector.broadcast %broadcast_in_dim3A_328 : f32 to vector<16xf32>
    %swap3A_330 = arith.constant 752 : index
    %swap3A_331 = tpu.vector_load %arg6[%swap3A_330] {strides = array<i32>} : memref<3200xf32, #tpu.memory_space<vmem>>, vector<16xf32>,
    %swap3A_332 = vector.shape_cast %swap3A_331 : vector<16xf32> to vector<16xf32>
    %swap3A_333 = vector.shape_cast %broadcast_in_dim3A_329 : vector<16xf32> to vector<16xf32>
    tpu.vector_store %arg6[%swap3A_330], %swap3A_333 {strides = array<i32>} : memref<3200xf32, #tpu.memory_space<vmem>>, vector<16xf32>,
    %broadcast_in_dim3A_334 = arith.constant 0.000000e+00 : f32
    %broadcast_in_dim3A_335 = vector.broadcast %broadcast_in_dim3A_334 : f32 to vector<16xf32>
    %swap3A_336 = arith.constant 768 : index
    %swap3A_337 = tpu.vector_load %arg6[%swap3A_336] {strides = array<i32>} : memref<3200xf32, #tpu.memory_space<vmem>>, vector<16xf32>,
    %swap3A_338 = vector.shape_cast %swap3A_337 : vector<16xf32> to vector<16xf32>
    %swap3A_339 = vector.shape_cast %broadcast_in_dim3A_335 : vector<16xf32> to vector<16xf32>
    tpu.vector_store %arg6[%swap3A_336], %swap3A_339 {strides = array<i32>} : memref<3200xf32, #tpu.memory_space<vmem>>, vector<16xf32>,
    %broadcast_in_dim3A_340 = arith.constant 0.000000e+00 : f32
    %broadcast_in_dim3A_341 = vector.broadcast %broadcast_in_dim3A_340 : f32 to vector<16xf32>
    %swap3A_342 = arith.constant 784 : index
    %swap3A_343 = tpu.vector_load %arg6[%swap3A_342] {strides = array<i32>} : memref<3200xf32, #tpu.memory_space<vmem>>, vector<16xf32>,
    %swap3A_344 = vector.shape_cast %swap3A_343 : vector<16xf32> to vector<16xf32>
    %swap3A_345 = vector.shape_cast %broadcast_in_dim3A_341 : vector<16xf32> to vector<16xf32>
    tpu.vector_store %arg6[%swap3A_342], %swap3A_345 {strides = array<i32>} : memref<3200xf32, #tpu.memory_space<vmem>>, vector<16xf32>,
    %broadcast_in_dim3A_346 = arith.constant 0.000000e+00 : f32
    %broadcast_in_dim3A_347 = vector.broadcast %broadcast_in_dim3A_346 : f32 to vector<16xf32>
    %swap3A_348 = arith.constant 800 : index
    %swap3A_349 = tpu.vector_load %arg6[%swap3A_348] {strides = array<i32>} : memref<3200xf32, #tpu.memory_space<vmem>>, vector<16xf32>,
    %swap3A_350 = vector.shape_cast %swap3A_349 : vector<16xf32> to vector<16xf32>
    %swap3A_351 = vector.shape_cast %broadcast_in_dim3A_347 : vector<16xf32> to vector<16xf32>
    tpu.vector_store %arg6[%swap3A_348], %swap3A_351 {strides = array<i32>} : memref<3200xf32, #tpu.memory_space<vmem>>, vector<16xf32>,
    %broadcast_in_dim3A_352 = arith.constant 0.000000e+00 : f32
    %broadcast_in_dim3A_353 = vector.broadcast %broadcast_in_dim3A_352 : f32 to vector<16xf32>
    %swap3A_354 = arith.constant 816 : index
    %swap3A_355 = tpu.vector_load %arg6[%swap3A_354] {strides = array<i32>} : memref<3200xf32, #tpu.memory_space<vmem>>, vector<16xf32>,
    %swap3A_356 = vector.shape_cast %swap3A_355 : vector<16xf32> to vector<16xf32>
    %swap3A_357 = vector.shape_cast %broadcast_in_dim3A_353 : vector<16xf32> to vector<16xf32>
    tpu.vector_store %arg6[%swap3A_354], %swap3A_357 {strides = array<i32>} : memref<3200xf32, #tpu.memory_space<vmem>>, vector<16xf32>,
    %broadcast_in_dim3A_358 = arith.constant 0.000000e+00 : f32
    %broadcast_in_dim3A_359 = vector.broadcast %broadcast_in_dim3A_358 : f32 to vector<16xf32>
    %swap3A_360 = arith.constant 832 : index
    %swap3A_361 = tpu.vector_load %arg6[%swap3A_360] {strides = array<i32>} : memref<3200xf32, #tpu.memory_space<vmem>>, vector<16xf32>,
    %swap3A_362 = vector.shape_cast %swap3A_361 : vector<16xf32> to vector<16xf32>
    %swap3A_363 = vector.shape_cast %broadcast_in_dim3A_359 : vector<16xf32> to vector<16xf32>
    tpu.vector_store %arg6[%swap3A_360], %swap3A_363 {strides = array<i32>} : memref<3200xf32, #tpu.memory_space<vmem>>, vector<16xf32>,
    %broadcast_in_dim3A_364 = arith.constant 0.000000e+00 : f32
    %broadcast_in_dim3A_365 = vector.broadcast %broadcast_in_dim3A_364 : f32 to vector<16xf32>
    %swap3A_366 = arith.constant 848 : index
    %swap3A_367 = tpu.vector_load %arg6[%swap3A_366] {strides = array<i32>} : memref<3200xf32, #tpu.memory_space<vmem>>, vector<16xf32>,
    %swap3A_368 = vector.shape_cast %swap3A_367 : vector<16xf32> to vector<16xf32>
    %swap3A_369 = vector.shape_cast %broadcast_in_dim3A_365 : vector<16xf32> to vector<16xf32>
    tpu.vector_store %arg6[%swap3A_366], %swap3A_369 {strides = array<i32>} : memref<3200xf32, #tpu.memory_space<vmem>>, vector<16xf32>,
    %broadcast_in_dim3A_370 = arith.constant 0.000000e+00 : f32
    %broadcast_in_dim3A_371 = vector.broadcast %broadcast_in_dim3A_370 : f32 to vector<16xf32>
    %swap3A_372 = arith.constant 864 : index
    %swap3A_373 = tpu.vector_load %arg6[%swap3A_372] {strides = array<i32>} : memref<3200xf32, #tpu.memory_space<vmem>>, vector<16xf32>,
    %swap3A_374 = vector.shape_cast %swap3A_373 : vector<16xf32> to vector<16xf32>
    %swap3A_375 = vector.shape_cast %broadcast_in_dim3A_371 : vector<16xf32> to vector<16xf32>
    tpu.vector_store %arg6[%swap3A_372], %swap3A_375 {strides = array<i32>} : memref<3200xf32, #tpu.memory_space<vmem>>, vector<16xf32>,
    %broadcast_in_dim3A_376 = arith.constant 0.000000e+00 : f32
    %broadcast_in_dim3A_377 = vector.broadcast %broadcast_in_dim3A_376 : f32 to vector<16xf32>
    %swap3A_378 = arith.constant 880 : index
    %swap3A_379 = tpu.vector_load %arg6[%swap3A_378] {strides = array<i32>} : memref<3200xf32, #tpu.memory_space<vmem>>, vector<16xf32>,
    %swap3A_380 = vector.shape_cast %swap3A_379 : vector<16xf32> to vector<16xf32>
    %swap3A_381 = vector.shape_cast %broadcast_in_dim3A_377 : vector<16xf32> to vector<16xf32>
    tpu.vector_store %arg6[%swap3A_378], %swap3A_381 {strides = array<i32>} : memref<3200xf32, #tpu.memory_space<vmem>>, vector<16xf32>,
    %broadcast_in_dim3A_382 = arith.constant 0.000000e+00 : f32
    %broadcast_in_dim3A_383 = vector.broadcast %broadcast_in_dim3A_382 : f32 to vector<16xf32>
    %swap3A_384 = arith.constant 896 : index
    %swap3A_385 = tpu.vector_load %arg6[%swap3A_384] {strides = array<i32>} : memref<3200xf32, #tpu.memory_space<vmem>>, vector<16xf32>,
    %swap3A_386 = vector.shape_cast %swap3A_385 : vector<16xf32> to vector<16xf32>
    %swap3A_387 = vector.shape_cast %broadcast_in_dim3A_383 : vector<16xf32> to vector<16xf32>
    tpu.vector_store %arg6[%swap3A_384], %swap3A_387 {strides = array<i32>} : memref<3200xf32, #tpu.memory_space<vmem>>, vector<16xf32>,
    %broadcast_in_dim3A_388 = arith.constant 0.000000e+00 : f32
    %broadcast_in_dim3A_389 = vector.broadcast %broadcast_in_dim3A_388 : f32 to vector<16xf32>
    %swap3A_390 = arith.constant 912 : index
    %swap3A_391 = tpu.vector_load %arg6[%swap3A_390] {strides = array<i32>} : memref<3200xf32, #tpu.memory_space<vmem>>, vector<16xf32>,
    %swap3A_392 = vector.shape_cast %swap3A_391 : vector<16xf32> to vector<16xf32>
    %swap3A_393 = vector.shape_cast %broadcast_in_dim3A_389 : vector<16xf32> to vector<16xf32>
    tpu.vector_store %arg6[%swap3A_390], %swap3A_393 {strides = array<i32>} : memref<3200xf32, #tpu.memory_space<vmem>>, vector<16xf32>,
    %broadcast_in_dim3A_394 = arith.constant 0.000000e+00 : f32
    %broadcast_in_dim3A_395 = vector.broadcast %broadcast_in_dim3A_394 : f32 to vector<16xf32>
    %swap3A_396 = arith.constant 928 : index
    %swap3A_397 = tpu.vector_load %arg6[%swap3A_396] {strides = array<i32>} : memref<3200xf32, #tpu.memory_space<vmem>>, vector<16xf32>,
    %swap3A_398 = vector.shape_cast %swap3A_397 : vector<16xf32> to vector<16xf32>
    %swap3A_399 = vector.shape_cast %broadcast_in_dim3A_395 : vector<16xf32> to vector<16xf32>
    tpu.vector_store %arg6[%swap3A_396], %swap3A_399 {strides = array<i32>} : memref<3200xf32, #tpu.memory_space<vmem>>, vector<16xf32>,
    %broadcast_in_dim3A_400 = arith.constant 0.000000e+00 : f32
    %broadcast_in_dim3A_401 = vector.broadcast %broadcast_in_dim3A_400 : f32 to vector<16xf32>
    %swap3A_402 = arith.constant 944 : index
    %swap3A_403 = tpu.vector_load %arg6[%swap3A_402] {strides = array<i32>} : memref<3200xf32, #tpu.memory_space<vmem>>, vector<16xf32>,
    %swap3A_404 = vector.shape_cast %swap3A_403 : vector<16xf32> to vector<16xf32>
    %swap3A_405 = vector.shape_cast %broadcast_in_dim3A_401 : vector<16xf32> to vector<16xf32>
    tpu.vector_store %arg6[%swap3A_402], %swap3A_405 {strides = array<i32>} : memref<3200xf32, #tpu.memory_space<vmem>>, vector<16xf32>,
    %broadcast_in_dim3A_406 = arith.constant 0.000000e+00 : f32
    %broadcast_in_dim3A_407 = vector.broadcast %broadcast_in_dim3A_406 : f32 to vector<16xf32>
    %swap3A_408 = arith.constant 960 : index
    %swap3A_409 = tpu.vector_load %arg6[%swap3A_408] {strides = array<i32>} : memref<3200xf32, #tpu.memory_space<vmem>>, vector<16xf32>,
    %swap3A_410 = vector.shape_cast %swap3A_409 : vector<16xf32> to vector<16xf32>
    %swap3A_411 = vector.shape_cast %broadcast_in_dim3A_407 : vector<16xf32> to vector<16xf32>
    tpu.vector_store %arg6[%swap3A_408], %swap3A_411 {strides = array<i32>} : memref<3200xf32, #tpu.memory_space<vmem>>, vector<16xf32>,
    %broadcast_in_dim3A_412 = arith.constant 0.000000e+00 : f32
    %broadcast_in_dim3A_413 = vector.broadcast %broadcast_in_dim3A_412 : f32 to vector<16xf32>
    %swap3A_414 = arith.constant 976 : index
    %swap3A_415 = tpu.vector_load %arg6[%swap3A_414] {strides = array<i32>} : memref<3200xf32, #tpu.memory_space<vmem>>, vector<16xf32>,
    %swap3A_416 = vector.shape_cast %swap3A_415 : vector<16xf32> to vector<16xf32>
    %swap3A_417 = vector.shape_cast %broadcast_in_dim3A_413 : vector<16xf32> to vector<16xf32>
    tpu.vector_store %arg6[%swap3A_414], %swap3A_417 {strides = array<i32>} : memref<3200xf32, #tpu.memory_space<vmem>>, vector<16xf32>,
    %broadcast_in_dim3A_418 = arith.constant 0.000000e+00 : f32
    %broadcast_in_dim3A_419 = vector.broadcast %broadcast_in_dim3A_418 : f32 to vector<16xf32>
    %swap3A_420 = arith.constant 992 : index
    %swap3A_421 = tpu.vector_load %arg6[%swap3A_420] {strides = array<i32>} : memref<3200xf32, #tpu.memory_space<vmem>>, vector<16xf32>,
    %swap3A_422 = vector.shape_cast %swap3A_421 : vector<16xf32> to vector<16xf32>
    %swap3A_423 = vector.shape_cast %broadcast_in_dim3A_419 : vector<16xf32> to vector<16xf32>
    tpu.vector_store %arg6[%swap3A_420], %swap3A_423 {strides = array<i32>} : memref<3200xf32, #tpu.memory_space<vmem>>, vector<16xf32>,
    %broadcast_in_dim3A_424 = arith.constant 0.000000e+00 : f32
    %broadcast_in_dim3A_425 = vector.broadcast %broadcast_in_dim3A_424 : f32 to vector<16xf32>
    %swap3A_426 = arith.constant 1008 : index
    %swap3A_427 = tpu.vector_load %arg6[%swap3A_426] {strides = array<i32>} : memref<3200xf32, #tpu.memory_space<vmem>>, vector<16xf32>,
    %swap3A_428 = vector.shape_cast %swap3A_427 : vector<16xf32> to vector<16xf32>
    %swap3A_429 = vector.shape_cast %broadcast_in_dim3A_425 : vector<16xf32> to vector<16xf32>
    tpu.vector_store %arg6[%swap3A_426], %swap3A_429 {strides = array<i32>} : memref<3200xf32, #tpu.memory_space<vmem>>, vector<16xf32>,
    %broadcast_in_dim3A_430 = arith.constant 0.000000e+00 : f32
    %broadcast_in_dim3A_431 = vector.broadcast %broadcast_in_dim3A_430 : f32 to vector<16xf32>
    %swap3A_432 = arith.constant 1024 : index
    %swap3A_433 = tpu.vector_load %arg6[%swap3A_432] {strides = array<i32>} : memref<3200xf32, #tpu.memory_space<vmem>>, vector<16xf32>,
    %swap3A_434 = vector.shape_cast %swap3A_433 : vector<16xf32> to vector<16xf32>
    %swap3A_435 = vector.shape_cast %broadcast_in_dim3A_431 : vector<16xf32> to vector<16xf32>
    tpu.vector_store %arg6[%swap3A_432], %swap3A_435 {strides = array<i32>} : memref<3200xf32, #tpu.memory_space<vmem>>, vector<16xf32>,
    %broadcast_in_dim3A_436 = arith.constant 0.000000e+00 : f32
    %broadcast_in_dim3A_437 = vector.broadcast %broadcast_in_dim3A_436 : f32 to vector<16xf32>
    %swap3A_438 = arith.constant 1040 : index
    %swap3A_439 = tpu.vector_load %arg6[%swap3A_438] {strides = array<i32>} : memref<3200xf32, #tpu.memory_space<vmem>>, vector<16xf32>,
    %swap3A_440 = vector.shape_cast %swap3A_439 : vector<16xf32> to vector<16xf32>
    %swap3A_441 = vector.shape_cast %broadcast_in_dim3A_437 : vector<16xf32> to vector<16xf32>
    tpu.vector_store %arg6[%swap3A_438], %swap3A_441 {strides = array<i32>} : memref<3200xf32, #tpu.memory_space<vmem>>, vector<16xf32>,
    %broadcast_in_dim3A_442 = arith.constant 0.000000e+00 : f32
    %broadcast_in_dim3A_443 = vector.broadcast %broadcast_in_dim3A_442 : f32 to vector<16xf32>
    %swap3A_444 = arith.constant 1056 : index
    %swap3A_445 = tpu.vector_load %arg6[%swap3A_444] {strides = array<i32>} : memref<3200xf32, #tpu.memory_space<vmem>>, vector<16xf32>,
    %swap3A_446 = vector.shape_cast %swap3A_445 : vector<16xf32> to vector<16xf32>
    %swap3A_447 = vector.shape_cast %broadcast_in_dim3A_443 : vector<16xf32> to vector<16xf32>
    tpu.vector_store %arg6[%swap3A_444], %swap3A_447 {strides = array<i32>} : memref<3200xf32, #tpu.memory_space<vmem>>, vector<16xf32>,
    %broadcast_in_dim3A_448 = arith.constant 0.000000e+00 : f32
    %broadcast_in_dim3A_449 = vector.broadcast %broadcast_in_dim3A_448 : f32 to vector<16xf32>
    %swap3A_450 = arith.constant 1072 : index
    %swap3A_451 = tpu.vector_load %arg6[%swap3A_450] {strides = array<i32>} : memref<3200xf32, #tpu.memory_space<vmem>>, vector<16xf32>,
    %swap3A_452 = vector.shape_cast %swap3A_451 : vector<16xf32> to vector<16xf32>
    %swap3A_453 = vector.shape_cast %broadcast_in_dim3A_449 : vector<16xf32> to vector<16xf32>
    tpu.vector_store %arg6[%swap3A_450], %swap3A_453 {strides = array<i32>} : memref<3200xf32, #tpu.memory_space<vmem>>, vector<16xf32>,
    %broadcast_in_dim3A_454 = arith.constant 0.000000e+00 : f32
    %broadcast_in_dim3A_455 = vector.broadcast %broadcast_in_dim3A_454 : f32 to vector<16xf32>
    %swap3A_456 = arith.constant 1088 : index
    %swap3A_457 = tpu.vector_load %arg6[%swap3A_456] {strides = array<i32>} : memref<3200xf32, #tpu.memory_space<vmem>>, vector<16xf32>,
    %swap3A_458 = vector.shape_cast %swap3A_457 : vector<16xf32> to vector<16xf32>
    %swap3A_459 = vector.shape_cast %broadcast_in_dim3A_455 : vector<16xf32> to vector<16xf32>
    tpu.vector_store %arg6[%swap3A_456], %swap3A_459 {strides = array<i32>} : memref<3200xf32, #tpu.memory_space<vmem>>, vector<16xf32>,
    %broadcast_in_dim3A_460 = arith.constant 0.000000e+00 : f32
    %broadcast_in_dim3A_461 = vector.broadcast %broadcast_in_dim3A_460 : f32 to vector<16xf32>
    %swap3A_462 = arith.constant 1104 : index
    %swap3A_463 = tpu.vector_load %arg6[%swap3A_462] {strides = array<i32>} : memref<3200xf32, #tpu.memory_space<vmem>>, vector<16xf32>,
    %swap3A_464 = vector.shape_cast %swap3A_463 : vector<16xf32> to vector<16xf32>
    %swap3A_465 = vector.shape_cast %broadcast_in_dim3A_461 : vector<16xf32> to vector<16xf32>
    tpu.vector_store %arg6[%swap3A_462], %swap3A_465 {strides = array<i32>} : memref<3200xf32, #tpu.memory_space<vmem>>, vector<16xf32>,
    %broadcast_in_dim3A_466 = arith.constant 0.000000e+00 : f32
    %broadcast_in_dim3A_467 = vector.broadcast %broadcast_in_dim3A_466 : f32 to vector<16xf32>
    %swap3A_468 = arith.constant 1120 : index
    %swap3A_469 = tpu.vector_load %arg6[%swap3A_468] {strides = array<i32>} : memref<3200xf32, #tpu.memory_space<vmem>>, vector<16xf32>,
    %swap3A_470 = vector.shape_cast %swap3A_469 : vector<16xf32> to vector<16xf32>
    %swap3A_471 = vector.shape_cast %broadcast_in_dim3A_467 : vector<16xf32> to vector<16xf32>
    tpu.vector_store %arg6[%swap3A_468], %swap3A_471 {strides = array<i32>} : memref<3200xf32, #tpu.memory_space<vmem>>, vector<16xf32>,
    %broadcast_in_dim3A_472 = arith.constant 0.000000e+00 : f32
    %broadcast_in_dim3A_473 = vector.broadcast %broadcast_in_dim3A_472 : f32 to vector<16xf32>
    %swap3A_474 = arith.constant 1136 : index
    %swap3A_475 = tpu.vector_load %arg6[%swap3A_474] {strides = array<i32>} : memref<3200xf32, #tpu.memory_space<vmem>>, vector<16xf32>,
    %swap3A_476 = vector.shape_cast %swap3A_475 : vector<16xf32> to vector<16xf32>
    %swap3A_477 = vector.shape_cast %broadcast_in_dim3A_473 : vector<16xf32> to vector<16xf32>
    tpu.vector_store %arg6[%swap3A_474], %swap3A_477 {strides = array<i32>} : memref<3200xf32, #tpu.memory_space<vmem>>, vector<16xf32>,
    %broadcast_in_dim3A_478 = arith.constant 0.000000e+00 : f32
    %broadcast_in_dim3A_479 = vector.broadcast %broadcast_in_dim3A_478 : f32 to vector<16xf32>
    %swap3A_480 = arith.constant 1152 : index
    %swap3A_481 = tpu.vector_load %arg6[%swap3A_480] {strides = array<i32>} : memref<3200xf32, #tpu.memory_space<vmem>>, vector<16xf32>,
    %swap3A_482 = vector.shape_cast %swap3A_481 : vector<16xf32> to vector<16xf32>
    %swap3A_483 = vector.shape_cast %broadcast_in_dim3A_479 : vector<16xf32> to vector<16xf32>
    tpu.vector_store %arg6[%swap3A_480], %swap3A_483 {strides = array<i32>} : memref<3200xf32, #tpu.memory_space<vmem>>, vector<16xf32>,
    %broadcast_in_dim3A_484 = arith.constant 0.000000e+00 : f32
    %broadcast_in_dim3A_485 = vector.broadcast %broadcast_in_dim3A_484 : f32 to vector<16xf32>
    %swap3A_486 = arith.constant 1168 : index
    %swap3A_487 = tpu.vector_load %arg6[%swap3A_486] {strides = array<i32>} : memref<3200xf32, #tpu.memory_space<vmem>>, vector<16xf32>,
    %swap3A_488 = vector.shape_cast %swap3A_487 : vector<16xf32> to vector<16xf32>
    %swap3A_489 = vector.shape_cast %broadcast_in_dim3A_485 : vector<16xf32> to vector<16xf32>
    tpu.vector_store %arg6[%swap3A_486], %swap3A_489 {strides = array<i32>} : memref<3200xf32, #tpu.memory_space<vmem>>, vector<16xf32>,
    %broadcast_in_dim3A_490 = arith.constant 0.000000e+00 : f32
    %broadcast_in_dim3A_491 = vector.broadcast %broadcast_in_dim3A_490 : f32 to vector<16xf32>
    %swap3A_492 = arith.constant 1184 : index
    %swap3A_493 = tpu.vector_load %arg6[%swap3A_492] {strides = array<i32>} : memref<3200xf32, #tpu.memory_space<vmem>>, vector<16xf32>,
    %swap3A_494 = vector.shape_cast %swap3A_493 : vector<16xf32> to vector<16xf32>
    %swap3A_495 = vector.shape_cast %broadcast_in_dim3A_491 : vector<16xf32> to vector<16xf32>
    tpu.vector_store %arg6[%swap3A_492], %swap3A_495 {strides = array<i32>} : memref<3200xf32, #tpu.memory_space<vmem>>, vector<16xf32>,
    %broadcast_in_dim3A_496 = arith.constant 0.000000e+00 : f32
    %broadcast_in_dim3A_497 = vector.broadcast %broadcast_in_dim3A_496 : f32 to vector<16xf32>
    %swap3A_498 = arith.constant 1200 : index
    %swap3A_499 = tpu.vector_load %arg6[%swap3A_498] {strides = array<i32>} : memref<3200xf32, #tpu.memory_space<vmem>>, vector<16xf32>,
    %swap3A_500 = vector.shape_cast %swap3A_499 : vector<16xf32> to vector<16xf32>
    %swap3A_501 = vector.shape_cast %broadcast_in_dim3A_497 : vector<16xf32> to vector<16xf32>
    tpu.vector_store %arg6[%swap3A_498], %swap3A_501 {strides = array<i32>} : memref<3200xf32, #tpu.memory_space<vmem>>, vector<16xf32>,
    %broadcast_in_dim3A_502 = arith.constant 0.000000e+00 : f32
    %broadcast_in_dim3A_503 = vector.broadcast %broadcast_in_dim3A_502 : f32 to vector<16xf32>
    %swap3A_504 = arith.constant 1216 : index
    %swap3A_505 = tpu.vector_load %arg6[%swap3A_504] {strides = array<i32>} : memref<3200xf32, #tpu.memory_space<vmem>>, vector<16xf32>,
    %swap3A_506 = vector.shape_cast %swap3A_505 : vector<16xf32> to vector<16xf32>
    %swap3A_507 = vector.shape_cast %broadcast_in_dim3A_503 : vector<16xf32> to vector<16xf32>
    tpu.vector_store %arg6[%swap3A_504], %swap3A_507 {strides = array<i32>} : memref<3200xf32, #tpu.memory_space<vmem>>, vector<16xf32>,
    %broadcast_in_dim3A_508 = arith.constant 0.000000e+00 : f32
    %broadcast_in_dim3A_509 = vector.broadcast %broadcast_in_dim3A_508 : f32 to vector<16xf32>
    %swap3A_510 = arith.constant 1232 : index
    %swap3A_511 = tpu.vector_load %arg6[%swap3A_510] {strides = array<i32>} : memref<3200xf32, #tpu.memory_space<vmem>>, vector<16xf32>,
    %swap3A_512 = vector.shape_cast %swap3A_511 : vector<16xf32> to vector<16xf32>
    %swap3A_513 = vector.shape_cast %broadcast_in_dim3A_509 : vector<16xf32> to vector<16xf32>
    tpu.vector_store %arg6[%swap3A_510], %swap3A_513 {strides = array<i32>} : memref<3200xf32, #tpu.memory_space<vmem>>, vector<16xf32>,
    %broadcast_in_dim3A_514 = arith.constant 0.000000e+00 : f32
    %broadcast_in_dim3A_515 = vector.broadcast %broadcast_in_dim3A_514 : f32 to vector<16xf32>
    %swap3A_516 = arith.constant 1248 : index
    %swap3A_517 = tpu.vector_load %arg6[%swap3A_516] {strides = array<i32>} : memref<3200xf32, #tpu.memory_space<vmem>>, vector<16xf32>,
    %swap3A_518 = vector.shape_cast %swap3A_517 : vector<16xf32> to vector<16xf32>
    %swap3A_519 = vector.shape_cast %broadcast_in_dim3A_515 : vector<16xf32> to vector<16xf32>
    tpu.vector_store %arg6[%swap3A_516], %swap3A_519 {strides = array<i32>} : memref<3200xf32, #tpu.memory_space<vmem>>, vector<16xf32>,
    %broadcast_in_dim3A_520 = arith.constant 0.000000e+00 : f32
    %broadcast_in_dim3A_521 = vector.broadcast %broadcast_in_dim3A_520 : f32 to vector<16xf32>
    %swap3A_522 = arith.constant 1264 : index
    %swap3A_523 = tpu.vector_load %arg6[%swap3A_522] {strides = array<i32>} : memref<3200xf32, #tpu.memory_space<vmem>>, vector<16xf32>,
    %swap3A_524 = vector.shape_cast %swap3A_523 : vector<16xf32> to vector<16xf32>
    %swap3A_525 = vector.shape_cast %broadcast_in_dim3A_521 : vector<16xf32> to vector<16xf32>
    tpu.vector_store %arg6[%swap3A_522], %swap3A_525 {strides = array<i32>} : memref<3200xf32, #tpu.memory_space<vmem>>, vector<16xf32>,
    %broadcast_in_dim3A_526 = arith.constant 0.000000e+00 : f32
    %broadcast_in_dim3A_527 = vector.broadcast %broadcast_in_dim3A_526 : f32 to vector<16xf32>
    %swap3A_528 = arith.constant 1280 : index
    %swap3A_529 = tpu.vector_load %arg6[%swap3A_528] {strides = array<i32>} : memref<3200xf32, #tpu.memory_space<vmem>>, vector<16xf32>,
    %swap3A_530 = vector.shape_cast %swap3A_529 : vector<16xf32> to vector<16xf32>
    %swap3A_531 = vector.shape_cast %broadcast_in_dim3A_527 : vector<16xf32> to vector<16xf32>
    tpu.vector_store %arg6[%swap3A_528], %swap3A_531 {strides = array<i32>} : memref<3200xf32, #tpu.memory_space<vmem>>, vector<16xf32>,
    %broadcast_in_dim3A_532 = arith.constant 0.000000e+00 : f32
    %broadcast_in_dim3A_533 = vector.broadcast %broadcast_in_dim3A_532 : f32 to vector<16xf32>
    %swap3A_534 = arith.constant 1296 : index
    %swap3A_535 = tpu.vector_load %arg6[%swap3A_534] {strides = array<i32>} : memref<3200xf32, #tpu.memory_space<vmem>>, vector<16xf32>,
    %swap3A_536 = vector.shape_cast %swap3A_535 : vector<16xf32> to vector<16xf32>
    %swap3A_537 = vector.shape_cast %broadcast_in_dim3A_533 : vector<16xf32> to vector<16xf32>
    tpu.vector_store %arg6[%swap3A_534], %swap3A_537 {strides = array<i32>} : memref<3200xf32, #tpu.memory_space<vmem>>, vector<16xf32>,
    %broadcast_in_dim3A_538 = arith.constant 0.000000e+00 : f32
    %broadcast_in_dim3A_539 = vector.broadcast %broadcast_in_dim3A_538 : f32 to vector<16xf32>
    %swap3A_540 = arith.constant 1312 : index
    %swap3A_541 = tpu.vector_load %arg6[%swap3A_540] {strides = array<i32>} : memref<3200xf32, #tpu.memory_space<vmem>>, vector<16xf32>,
    %swap3A_542 = vector.shape_cast %swap3A_541 : vector<16xf32> to vector<16xf32>
    %swap3A_543 = vector.shape_cast %broadcast_in_dim3A_539 : vector<16xf32> to vector<16xf32>
    tpu.vector_store %arg6[%swap3A_540], %swap3A_543 {strides = array<i32>} : memref<3200xf32, #tpu.memory_space<vmem>>, vector<16xf32>,
    %broadcast_in_dim3A_544 = arith.constant 0.000000e+00 : f32
    %broadcast_in_dim3A_545 = vector.broadcast %broadcast_in_dim3A_544 : f32 to vector<16xf32>
    %swap3A_546 = arith.constant 1328 : index
    %swap3A_547 = tpu.vector_load %arg6[%swap3A_546] {strides = array<i32>} : memref<3200xf32, #tpu.memory_space<vmem>>, vector<16xf32>,
    %swap3A_548 = vector.shape_cast %swap3A_547 : vector<16xf32> to vector<16xf32>
    %swap3A_549 = vector.shape_cast %broadcast_in_dim3A_545 : vector<16xf32> to vector<16xf32>
    tpu.vector_store %arg6[%swap3A_546], %swap3A_549 {strides = array<i32>} : memref<3200xf32, #tpu.memory_space<vmem>>, vector<16xf32>,
    %broadcast_in_dim3A_550 = arith.constant 0.000000e+00 : f32
    %broadcast_in_dim3A_551 = vector.broadcast %broadcast_in_dim3A_550 : f32 to vector<16xf32>
    %swap3A_552 = arith.constant 1344 : index
    %swap3A_553 = tpu.vector_load %arg6[%swap3A_552] {strides = array<i32>} : memref<3200xf32, #tpu.memory_space<vmem>>, vector<16xf32>,
    %swap3A_554 = vector.shape_cast %swap3A_553 : vector<16xf32> to vector<16xf32>
    %swap3A_555 = vector.shape_cast %broadcast_in_dim3A_551 : vector<16xf32> to vector<16xf32>
    tpu.vector_store %arg6[%swap3A_552], %swap3A_555 {strides = array<i32>} : memref<3200xf32, #tpu.memory_space<vmem>>, vector<16xf32>,
    %broadcast_in_dim3A_556 = arith.constant 0.000000e+00 : f32
    %broadcast_in_dim3A_557 = vector.broadcast %broadcast_in_dim3A_556 : f32 to vector<16xf32>
    %swap3A_558 = arith.constant 1360 : index
    %swap3A_559 = tpu.vector_load %arg6[%swap3A_558] {strides = array<i32>} : memref<3200xf32, #tpu.memory_space<vmem>>, vector<16xf32>,
    %swap3A_560 = vector.shape_cast %swap3A_559 : vector<16xf32> to vector<16xf32>
    %swap3A_561 = vector.shape_cast %broadcast_in_dim3A_557 : vector<16xf32> to vector<16xf32>
    tpu.vector_store %arg6[%swap3A_558], %swap3A_561 {strides = array<i32>} : memref<3200xf32, #tpu.memory_space<vmem>>, vector<16xf32>,
    %broadcast_in_dim3A_562 = arith.constant 0.000000e+00 : f32
    %broadcast_in_dim3A_563 = vector.broadcast %broadcast_in_dim3A_562 : f32 to vector<16xf32>
    %swap3A_564 = arith.constant 1376 : index
    %swap3A_565 = tpu.vector_load %arg6[%swap3A_564] {strides = array<i32>} : memref<3200xf32, #tpu.memory_space<vmem>>, vector<16xf32>,
    %swap3A_566 = vector.shape_cast %swap3A_565 : vector<16xf32> to vector<16xf32>
    %swap3A_567 = vector.shape_cast %broadcast_in_dim3A_563 : vector<16xf32> to vector<16xf32>
    tpu.vector_store %arg6[%swap3A_564], %swap3A_567 {strides = array<i32>} : memref<3200xf32, #tpu.memory_space<vmem>>, vector<16xf32>,
    %broadcast_in_dim3A_568 = arith.constant 0.000000e+00 : f32
    %broadcast_in_dim3A_569 = vector.broadcast %broadcast_in_dim3A_568 : f32 to vector<16xf32>
    %swap3A_570 = arith.constant 1392 : index
    %swap3A_571 = tpu.vector_load %arg6[%swap3A_570] {strides = array<i32>} : memref<3200xf32, #tpu.memory_space<vmem>>, vector<16xf32>,
    %swap3A_572 = vector.shape_cast %swap3A_571 : vector<16xf32> to vector<16xf32>
    %swap3A_573 = vector.shape_cast %broadcast_in_dim3A_569 : vector<16xf32> to vector<16xf32>
    tpu.vector_store %arg6[%swap3A_570], %swap3A_573 {strides = array<i32>} : memref<3200xf32, #tpu.memory_space<vmem>>, vector<16xf32>,
    %broadcast_in_dim3A_574 = arith.constant 0.000000e+00 : f32
    %broadcast_in_dim3A_575 = vector.broadcast %broadcast_in_dim3A_574 : f32 to vector<16xf32>
    %swap3A_576 = arith.constant 1408 : index
    %swap3A_577 = tpu.vector_load %arg6[%swap3A_576] {strides = array<i32>} : memref<3200xf32, #tpu.memory_space<vmem>>, vector<16xf32>,
    %swap3A_578 = vector.shape_cast %swap3A_577 : vector<16xf32> to vector<16xf32>
    %swap3A_579 = vector.shape_cast %broadcast_in_dim3A_575 : vector<16xf32> to vector<16xf32>
    tpu.vector_store %arg6[%swap3A_576], %swap3A_579 {strides = array<i32>} : memref<3200xf32, #tpu.memory_space<vmem>>, vector<16xf32>,
    %broadcast_in_dim3A_580 = arith.constant 0.000000e+00 : f32
    %broadcast_in_dim3A_581 = vector.broadcast %broadcast_in_dim3A_580 : f32 to vector<16xf32>
    %swap3A_582 = arith.constant 1424 : index
    %swap3A_583 = tpu.vector_load %arg6[%swap3A_582] {strides = array<i32>} : memref<3200xf32, #tpu.memory_space<vmem>>, vector<16xf32>,
    %swap3A_584 = vector.shape_cast %swap3A_583 : vector<16xf32> to vector<16xf32>
    %swap3A_585 = vector.shape_cast %broadcast_in_dim3A_581 : vector<16xf32> to vector<16xf32>
    tpu.vector_store %arg6[%swap3A_582], %swap3A_585 {strides = array<i32>} : memref<3200xf32, #tpu.memory_space<vmem>>, vector<16xf32>,
    %broadcast_in_dim3A_586 = arith.constant 0.000000e+00 : f32
    %broadcast_in_dim3A_587 = vector.broadcast %broadcast_in_dim3A_586 : f32 to vector<16xf32>
    %swap3A_588 = arith.constant 1440 : index
    %swap3A_589 = tpu.vector_load %arg6[%swap3A_588] {strides = array<i32>} : memref<3200xf32, #tpu.memory_space<vmem>>, vector<16xf32>,
    %swap3A_590 = vector.shape_cast %swap3A_589 : vector<16xf32> to vector<16xf32>
    %swap3A_591 = vector.shape_cast %broadcast_in_dim3A_587 : vector<16xf32> to vector<16xf32>
    tpu.vector_store %arg6[%swap3A_588], %swap3A_591 {strides = array<i32>} : memref<3200xf32, #tpu.memory_space<vmem>>, vector<16xf32>,
    %broadcast_in_dim3A_592 = arith.constant 0.000000e+00 : f32
    %broadcast_in_dim3A_593 = vector.broadcast %broadcast_in_dim3A_592 : f32 to vector<16xf32>
    %swap3A_594 = arith.constant 1456 : index
    %swap3A_595 = tpu.vector_load %arg6[%swap3A_594] {strides = array<i32>} : memref<3200xf32, #tpu.memory_space<vmem>>, vector<16xf32>,
    %swap3A_596 = vector.shape_cast %swap3A_595 : vector<16xf32> to vector<16xf32>
    %swap3A_597 = vector.shape_cast %broadcast_in_dim3A_593 : vector<16xf32> to vector<16xf32>
    tpu.vector_store %arg6[%swap3A_594], %swap3A_597 {strides = array<i32>} : memref<3200xf32, #tpu.memory_space<vmem>>, vector<16xf32>,
    %broadcast_in_dim3A_598 = arith.constant 0.000000e+00 : f32
    %broadcast_in_dim3A_599 = vector.broadcast %broadcast_in_dim3A_598 : f32 to vector<16xf32>
    %swap3A_600 = arith.constant 1472 : index
    %swap3A_601 = tpu.vector_load %arg6[%swap3A_600] {strides = array<i32>} : memref<3200xf32, #tpu.memory_space<vmem>>, vector<16xf32>,
    %swap3A_602 = vector.shape_cast %swap3A_601 : vector<16xf32> to vector<16xf32>
    %swap3A_603 = vector.shape_cast %broadcast_in_dim3A_599 : vector<16xf32> to vector<16xf32>
    tpu.vector_store %arg6[%swap3A_600], %swap3A_603 {strides = array<i32>} : memref<3200xf32, #tpu.memory_space<vmem>>, vector<16xf32>,
    %broadcast_in_dim3A_604 = arith.constant 0.000000e+00 : f32
    %broadcast_in_dim3A_605 = vector.broadcast %broadcast_in_dim3A_604 : f32 to vector<16xf32>
    %swap3A_606 = arith.constant 1488 : index
    %swap3A_607 = tpu.vector_load %arg6[%swap3A_606] {strides = array<i32>} : memref<3200xf32, #tpu.memory_space<vmem>>, vector<16xf32>,
    %swap3A_608 = vector.shape_cast %swap3A_607 : vector<16xf32> to vector<16xf32>
    %swap3A_609 = vector.shape_cast %broadcast_in_dim3A_605 : vector<16xf32> to vector<16xf32>
    tpu.vector_store %arg6[%swap3A_606], %swap3A_609 {strides = array<i32>} : memref<3200xf32, #tpu.memory_space<vmem>>, vector<16xf32>,
    %broadcast_in_dim3A_610 = arith.constant 0.000000e+00 : f32
    %broadcast_in_dim3A_611 = vector.broadcast %broadcast_in_dim3A_610 : f32 to vector<16xf32>
    %swap3A_612 = arith.constant 1504 : index
    %swap3A_613 = tpu.vector_load %arg6[%swap3A_612] {strides = array<i32>} : memref<3200xf32, #tpu.memory_space<vmem>>, vector<16xf32>,
    %swap3A_614 = vector.shape_cast %swap3A_613 : vector<16xf32> to vector<16xf32>
    %swap3A_615 = vector.shape_cast %broadcast_in_dim3A_611 : vector<16xf32> to vector<16xf32>
    tpu.vector_store %arg6[%swap3A_612], %swap3A_615 {strides = array<i32>} : memref<3200xf32, #tpu.memory_space<vmem>>, vector<16xf32>,
    %broadcast_in_dim3A_616 = arith.constant 0.000000e+00 : f32
    %broadcast_in_dim3A_617 = vector.broadcast %broadcast_in_dim3A_616 : f32 to vector<16xf32>
    %swap3A_618 = arith.constant 1520 : index
    %swap3A_619 = tpu.vector_load %arg6[%swap3A_618] {strides = array<i32>} : memref<3200xf32, #tpu.memory_space<vmem>>, vector<16xf32>,
    %swap3A_620 = vector.shape_cast %swap3A_619 : vector<16xf32> to vector<16xf32>
    %swap3A_621 = vector.shape_cast %broadcast_in_dim3A_617 : vector<16xf32> to vector<16xf32>
    tpu.vector_store %arg6[%swap3A_618], %swap3A_621 {strides = array<i32>} : memref<3200xf32, #tpu.memory_space<vmem>>, vector<16xf32>,
    %broadcast_in_dim3A_622 = arith.constant 0.000000e+00 : f32
    %broadcast_in_dim3A_623 = vector.broadcast %broadcast_in_dim3A_622 : f32 to vector<16xf32>
    %swap3A_624 = arith.constant 1536 : index
    %swap3A_625 = tpu.vector_load %arg6[%swap3A_624] {strides = array<i32>} : memref<3200xf32, #tpu.memory_space<vmem>>, vector<16xf32>,
    %swap3A_626 = vector.shape_cast %swap3A_625 : vector<16xf32> to vector<16xf32>
    %swap3A_627 = vector.shape_cast %broadcast_in_dim3A_623 : vector<16xf32> to vector<16xf32>
    tpu.vector_store %arg6[%swap3A_624], %swap3A_627 {strides = array<i32>} : memref<3200xf32, #tpu.memory_space<vmem>>, vector<16xf32>,
    %broadcast_in_dim3A_628 = arith.constant 0.000000e+00 : f32
    %broadcast_in_dim3A_629 = vector.broadcast %broadcast_in_dim3A_628 : f32 to vector<16xf32>
    %swap3A_630 = arith.constant 1552 : index
    %swap3A_631 = tpu.vector_load %arg6[%swap3A_630] {strides = array<i32>} : memref<3200xf32, #tpu.memory_space<vmem>>, vector<16xf32>,
    %swap3A_632 = vector.shape_cast %swap3A_631 : vector<16xf32> to vector<16xf32>
    %swap3A_633 = vector.shape_cast %broadcast_in_dim3A_629 : vector<16xf32> to vector<16xf32>
    tpu.vector_store %arg6[%swap3A_630], %swap3A_633 {strides = array<i32>} : memref<3200xf32, #tpu.memory_space<vmem>>, vector<16xf32>,
    %broadcast_in_dim3A_634 = arith.constant 0.000000e+00 : f32
    %broadcast_in_dim3A_635 = vector.broadcast %broadcast_in_dim3A_634 : f32 to vector<16xf32>
    %swap3A_636 = arith.constant 1568 : index
    %swap3A_637 = tpu.vector_load %arg6[%swap3A_636] {strides = array<i32>} : memref<3200xf32, #tpu.memory_space<vmem>>, vector<16xf32>,
    %swap3A_638 = vector.shape_cast %swap3A_637 : vector<16xf32> to vector<16xf32>
    %swap3A_639 = vector.shape_cast %broadcast_in_dim3A_635 : vector<16xf32> to vector<16xf32>
    tpu.vector_store %arg6[%swap3A_636], %swap3A_639 {strides = array<i32>} : memref<3200xf32, #tpu.memory_space<vmem>>, vector<16xf32>,
    %broadcast_in_dim3A_640 = arith.constant 0.000000e+00 : f32
    %broadcast_in_dim3A_641 = vector.broadcast %broadcast_in_dim3A_640 : f32 to vector<16xf32>
    %swap3A_642 = arith.constant 1584 : index
    %swap3A_643 = tpu.vector_load %arg6[%swap3A_642] {strides = array<i32>} : memref<3200xf32, #tpu.memory_space<vmem>>, vector<16xf32>,
    %swap3A_644 = vector.shape_cast %swap3A_643 : vector<16xf32> to vector<16xf32>
    %swap3A_645 = vector.shape_cast %broadcast_in_dim3A_641 : vector<16xf32> to vector<16xf32>
    tpu.vector_store %arg6[%swap3A_642], %swap3A_645 {strides = array<i32>} : memref<3200xf32, #tpu.memory_space<vmem>>, vector<16xf32>,
    %broadcast_in_dim3A_646 = arith.constant 0.000000e+00 : f32
    %broadcast_in_dim3A_647 = vector.broadcast %broadcast_in_dim3A_646 : f32 to vector<16xf32>
    %swap3A_648 = arith.constant 1600 : index
    %swap3A_649 = tpu.vector_load %arg6[%swap3A_648] {strides = array<i32>} : memref<3200xf32, #tpu.memory_space<vmem>>, vector<16xf32>,
    %swap3A_650 = vector.shape_cast %swap3A_649 : vector<16xf32> to vector<16xf32>
    %swap3A_651 = vector.shape_cast %broadcast_in_dim3A_647 : vector<16xf32> to vector<16xf32>
    tpu.vector_store %arg6[%swap3A_648], %swap3A_651 {strides = array<i32>} : memref<3200xf32, #tpu.memory_space<vmem>>, vector<16xf32>,
    %broadcast_in_dim3A_652 = arith.constant 0.000000e+00 : f32
    %broadcast_in_dim3A_653 = vector.broadcast %broadcast_in_dim3A_652 : f32 to vector<16xf32>
    %swap3A_654 = arith.constant 1616 : index
    %swap3A_655 = tpu.vector_load %arg6[%swap3A_654] {strides = array<i32>} : memref<3200xf32, #tpu.memory_space<vmem>>, vector<16xf32>,
    %swap3A_656 = vector.shape_cast %swap3A_655 : vector<16xf32> to vector<16xf32>
    %swap3A_657 = vector.shape_cast %broadcast_in_dim3A_653 : vector<16xf32> to vector<16xf32>
    tpu.vector_store %arg6[%swap3A_654], %swap3A_657 {strides = array<i32>} : memref<3200xf32, #tpu.memory_space<vmem>>, vector<16xf32>,
    %broadcast_in_dim3A_658 = arith.constant 0.000000e+00 : f32
    %broadcast_in_dim3A_659 = vector.broadcast %broadcast_in_dim3A_658 : f32 to vector<16xf32>
    %swap3A_660 = arith.constant 1632 : index
    %swap3A_661 = tpu.vector_load %arg6[%swap3A_660] {strides = array<i32>} : memref<3200xf32, #tpu.memory_space<vmem>>, vector<16xf32>,
    %swap3A_662 = vector.shape_cast %swap3A_661 : vector<16xf32> to vector<16xf32>
    %swap3A_663 = vector.shape_cast %broadcast_in_dim3A_659 : vector<16xf32> to vector<16xf32>
    tpu.vector_store %arg6[%swap3A_660], %swap3A_663 {strides = array<i32>} : memref<3200xf32, #tpu.memory_space<vmem>>, vector<16xf32>,
    %broadcast_in_dim3A_664 = arith.constant 0.000000e+00 : f32
    %broadcast_in_dim3A_665 = vector.broadcast %broadcast_in_dim3A_664 : f32 to vector<16xf32>
    %swap3A_666 = arith.constant 1648 : index
    %swap3A_667 = tpu.vector_load %arg6[%swap3A_666] {strides = array<i32>} : memref<3200xf32, #tpu.memory_space<vmem>>, vector<16xf32>,
    %swap3A_668 = vector.shape_cast %swap3A_667 : vector<16xf32> to vector<16xf32>
    %swap3A_669 = vector.shape_cast %broadcast_in_dim3A_665 : vector<16xf32> to vector<16xf32>
    tpu.vector_store %arg6[%swap3A_666], %swap3A_669 {strides = array<i32>} : memref<3200xf32, #tpu.memory_space<vmem>>, vector<16xf32>,
    %broadcast_in_dim3A_670 = arith.constant 0.000000e+00 : f32
    %broadcast_in_dim3A_671 = vector.broadcast %broadcast_in_dim3A_670 : f32 to vector<16xf32>
    %swap3A_672 = arith.constant 1664 : index
    %swap3A_673 = tpu.vector_load %arg6[%swap3A_672] {strides = array<i32>} : memref<3200xf32, #tpu.memory_space<vmem>>, vector<16xf32>,
    %swap3A_674 = vector.shape_cast %swap3A_673 : vector<16xf32> to vector<16xf32>
    %swap3A_675 = vector.shape_cast %broadcast_in_dim3A_671 : vector<16xf32> to vector<16xf32>
    tpu.vector_store %arg6[%swap3A_672], %swap3A_675 {strides = array<i32>} : memref<3200xf32, #tpu.memory_space<vmem>>, vector<16xf32>,
    %broadcast_in_dim3A_676 = arith.constant 0.000000e+00 : f32
    %broadcast_in_dim3A_677 = vector.broadcast %broadcast_in_dim3A_676 : f32 to vector<16xf32>
    %swap3A_678 = arith.constant 1680 : index
    %swap3A_679 = tpu.vector_load %arg6[%swap3A_678] {strides = array<i32>} : memref<3200xf32, #tpu.memory_space<vmem>>, vector<16xf32>,
    %swap3A_680 = vector.shape_cast %swap3A_679 : vector<16xf32> to vector<16xf32>
    %swap3A_681 = vector.shape_cast %broadcast_in_dim3A_677 : vector<16xf32> to vector<16xf32>
    tpu.vector_store %arg6[%swap3A_678], %swap3A_681 {strides = array<i32>} : memref<3200xf32, #tpu.memory_space<vmem>>, vector<16xf32>,
    %broadcast_in_dim3A_682 = arith.constant 0.000000e+00 : f32
    %broadcast_in_dim3A_683 = vector.broadcast %broadcast_in_dim3A_682 : f32 to vector<16xf32>
    %swap3A_684 = arith.constant 1696 : index
    %swap3A_685 = tpu.vector_load %arg6[%swap3A_684] {strides = array<i32>} : memref<3200xf32, #tpu.memory_space<vmem>>, vector<16xf32>,
    %swap3A_686 = vector.shape_cast %swap3A_685 : vector<16xf32> to vector<16xf32>
    %swap3A_687 = vector.shape_cast %broadcast_in_dim3A_683 : vector<16xf32> to vector<16xf32>
    tpu.vector_store %arg6[%swap3A_684], %swap3A_687 {strides = array<i32>} : memref<3200xf32, #tpu.memory_space<vmem>>, vector<16xf32>,
    %broadcast_in_dim3A_688 = arith.constant 0.000000e+00 : f32
    %broadcast_in_dim3A_689 = vector.broadcast %broadcast_in_dim3A_688 : f32 to vector<16xf32>
    %swap3A_690 = arith.constant 1712 : index
    %swap3A_691 = tpu.vector_load %arg6[%swap3A_690] {strides = array<i32>} : memref<3200xf32, #tpu.memory_space<vmem>>, vector<16xf32>,
    %swap3A_692 = vector.shape_cast %swap3A_691 : vector<16xf32> to vector<16xf32>
    %swap3A_693 = vector.shape_cast %broadcast_in_dim3A_689 : vector<16xf32> to vector<16xf32>
    tpu.vector_store %arg6[%swap3A_690], %swap3A_693 {strides = array<i32>} : memref<3200xf32, #tpu.memory_space<vmem>>, vector<16xf32>,
    %broadcast_in_dim3A_694 = arith.constant 0.000000e+00 : f32
    %broadcast_in_dim3A_695 = vector.broadcast %broadcast_in_dim3A_694 : f32 to vector<16xf32>
    %swap3A_696 = arith.constant 1728 : index
    %swap3A_697 = tpu.vector_load %arg6[%swap3A_696] {strides = array<i32>} : memref<3200xf32, #tpu.memory_space<vmem>>, vector<16xf32>,
    %swap3A_698 = vector.shape_cast %swap3A_697 : vector<16xf32> to vector<16xf32>
    %swap3A_699 = vector.shape_cast %broadcast_in_dim3A_695 : vector<16xf32> to vector<16xf32>
    tpu.vector_store %arg6[%swap3A_696], %swap3A_699 {strides = array<i32>} : memref<3200xf32, #tpu.memory_space<vmem>>, vector<16xf32>,
    %broadcast_in_dim3A_700 = arith.constant 0.000000e+00 : f32
    %broadcast_in_dim3A_701 = vector.broadcast %broadcast_in_dim3A_700 : f32 to vector<16xf32>
    %swap3A_702 = arith.constant 1744 : index
    %swap3A_703 = tpu.vector_load %arg6[%swap3A_702] {strides = array<i32>} : memref<3200xf32, #tpu.memory_space<vmem>>, vector<16xf32>,
    %swap3A_704 = vector.shape_cast %swap3A_703 : vector<16xf32> to vector<16xf32>
    %swap3A_705 = vector.shape_cast %broadcast_in_dim3A_701 : vector<16xf32> to vector<16xf32>
    tpu.vector_store %arg6[%swap3A_702], %swap3A_705 {strides = array<i32>} : memref<3200xf32, #tpu.memory_space<vmem>>, vector<16xf32>,
    %broadcast_in_dim3A_706 = arith.constant 0.000000e+00 : f32
    %broadcast_in_dim3A_707 = vector.broadcast %broadcast_in_dim3A_706 : f32 to vector<16xf32>
    %swap3A_708 = arith.constant 1760 : index
    %swap3A_709 = tpu.vector_load %arg6[%swap3A_708] {strides = array<i32>} : memref<3200xf32, #tpu.memory_space<vmem>>, vector<16xf32>,
    %swap3A_710 = vector.shape_cast %swap3A_709 : vector<16xf32> to vector<16xf32>
    %swap3A_711 = vector.shape_cast %broadcast_in_dim3A_707 : vector<16xf32> to vector<16xf32>
    tpu.vector_store %arg6[%swap3A_708], %swap3A_711 {strides = array<i32>} : memref<3200xf32, #tpu.memory_space<vmem>>, vector<16xf32>,
    %broadcast_in_dim3A_712 = arith.constant 0.000000e+00 : f32
    %broadcast_in_dim3A_713 = vector.broadcast %broadcast_in_dim3A_712 : f32 to vector<16xf32>
    %swap3A_714 = arith.constant 1776 : index
    %swap3A_715 = tpu.vector_load %arg6[%swap3A_714] {strides = array<i32>} : memref<3200xf32, #tpu.memory_space<vmem>>, vector<16xf32>,
    %swap3A_716 = vector.shape_cast %swap3A_715 : vector<16xf32> to vector<16xf32>
    %swap3A_717 = vector.shape_cast %broadcast_in_dim3A_713 : vector<16xf32> to vector<16xf32>
    tpu.vector_store %arg6[%swap3A_714], %swap3A_717 {strides = array<i32>} : memref<3200xf32, #tpu.memory_space<vmem>>, vector<16xf32>,
    %broadcast_in_dim3A_718 = arith.constant 0.000000e+00 : f32
    %broadcast_in_dim3A_719 = vector.broadcast %broadcast_in_dim3A_718 : f32 to vector<16xf32>
    %swap3A_720 = arith.constant 1792 : index
    %swap3A_721 = tpu.vector_load %arg6[%swap3A_720] {strides = array<i32>} : memref<3200xf32, #tpu.memory_space<vmem>>, vector<16xf32>,
    %swap3A_722 = vector.shape_cast %swap3A_721 : vector<16xf32> to vector<16xf32>
    %swap3A_723 = vector.shape_cast %broadcast_in_dim3A_719 : vector<16xf32> to vector<16xf32>
    tpu.vector_store %arg6[%swap3A_720], %swap3A_723 {strides = array<i32>} : memref<3200xf32, #tpu.memory_space<vmem>>, vector<16xf32>,
    %broadcast_in_dim3A_724 = arith.constant 0.000000e+00 : f32
    %broadcast_in_dim3A_725 = vector.broadcast %broadcast_in_dim3A_724 : f32 to vector<16xf32>
    %swap3A_726 = arith.constant 1808 : index
    %swap3A_727 = tpu.vector_load %arg6[%swap3A_726] {strides = array<i32>} : memref<3200xf32, #tpu.memory_space<vmem>>, vector<16xf32>,
    %swap3A_728 = vector.shape_cast %swap3A_727 : vector<16xf32> to vector<16xf32>
    %swap3A_729 = vector.shape_cast %broadcast_in_dim3A_725 : vector<16xf32> to vector<16xf32>
    tpu.vector_store %arg6[%swap3A_726], %swap3A_729 {strides = array<i32>} : memref<3200xf32, #tpu.memory_space<vmem>>, vector<16xf32>,
    %broadcast_in_dim3A_730 = arith.constant 0.000000e+00 : f32
    %broadcast_in_dim3A_731 = vector.broadcast %broadcast_in_dim3A_730 : f32 to vector<16xf32>
    %swap3A_732 = arith.constant 1824 : index
    %swap3A_733 = tpu.vector_load %arg6[%swap3A_732] {strides = array<i32>} : memref<3200xf32, #tpu.memory_space<vmem>>, vector<16xf32>,
    %swap3A_734 = vector.shape_cast %swap3A_733 : vector<16xf32> to vector<16xf32>
    %swap3A_735 = vector.shape_cast %broadcast_in_dim3A_731 : vector<16xf32> to vector<16xf32>
    tpu.vector_store %arg6[%swap3A_732], %swap3A_735 {strides = array<i32>} : memref<3200xf32, #tpu.memory_space<vmem>>, vector<16xf32>,
    %broadcast_in_dim3A_736 = arith.constant 0.000000e+00 : f32
    %broadcast_in_dim3A_737 = vector.broadcast %broadcast_in_dim3A_736 : f32 to vector<16xf32>
    %swap3A_738 = arith.constant 1840 : index
    %swap3A_739 = tpu.vector_load %arg6[%swap3A_738] {strides = array<i32>} : memref<3200xf32, #tpu.memory_space<vmem>>, vector<16xf32>,
    %swap3A_740 = vector.shape_cast %swap3A_739 : vector<16xf32> to vector<16xf32>
    %swap3A_741 = vector.shape_cast %broadcast_in_dim3A_737 : vector<16xf32> to vector<16xf32>
    tpu.vector_store %arg6[%swap3A_738], %swap3A_741 {strides = array<i32>} : memref<3200xf32, #tpu.memory_space<vmem>>, vector<16xf32>,
    %broadcast_in_dim3A_742 = arith.constant 0.000000e+00 : f32
    %broadcast_in_dim3A_743 = vector.broadcast %broadcast_in_dim3A_742 : f32 to vector<16xf32>
    %swap3A_744 = arith.constant 1856 : index
    %swap3A_745 = tpu.vector_load %arg6[%swap3A_744] {strides = array<i32>} : memref<3200xf32, #tpu.memory_space<vmem>>, vector<16xf32>,
    %swap3A_746 = vector.shape_cast %swap3A_745 : vector<16xf32> to vector<16xf32>
    %swap3A_747 = vector.shape_cast %broadcast_in_dim3A_743 : vector<16xf32> to vector<16xf32>
    tpu.vector_store %arg6[%swap3A_744], %swap3A_747 {strides = array<i32>} : memref<3200xf32, #tpu.memory_space<vmem>>, vector<16xf32>,
    %broadcast_in_dim3A_748 = arith.constant 0.000000e+00 : f32
    %broadcast_in_dim3A_749 = vector.broadcast %broadcast_in_dim3A_748 : f32 to vector<16xf32>
    %swap3A_750 = arith.constant 1872 : index
    %swap3A_751 = tpu.vector_load %arg6[%swap3A_750] {strides = array<i32>} : memref<3200xf32, #tpu.memory_space<vmem>>, vector<16xf32>,
    %swap3A_752 = vector.shape_cast %swap3A_751 : vector<16xf32> to vector<16xf32>
    %swap3A_753 = vector.shape_cast %broadcast_in_dim3A_749 : vector<16xf32> to vector<16xf32>
    tpu.vector_store %arg6[%swap3A_750], %swap3A_753 {strides = array<i32>} : memref<3200xf32, #tpu.memory_space<vmem>>, vector<16xf32>,
    %broadcast_in_dim3A_754 = arith.constant 0.000000e+00 : f32
    %broadcast_in_dim3A_755 = vector.broadcast %broadcast_in_dim3A_754 : f32 to vector<16xf32>
    %swap3A_756 = arith.constant 1888 : index
    %swap3A_757 = tpu.vector_load %arg6[%swap3A_756] {strides = array<i32>} : memref<3200xf32, #tpu.memory_space<vmem>>, vector<16xf32>,
    %swap3A_758 = vector.shape_cast %swap3A_757 : vector<16xf32> to vector<16xf32>
    %swap3A_759 = vector.shape_cast %broadcast_in_dim3A_755 : vector<16xf32> to vector<16xf32>
    tpu.vector_store %arg6[%swap3A_756], %swap3A_759 {strides = array<i32>} : memref<3200xf32, #tpu.memory_space<vmem>>, vector<16xf32>,
    %broadcast_in_dim3A_760 = arith.constant 0.000000e+00 : f32
    %broadcast_in_dim3A_761 = vector.broadcast %broadcast_in_dim3A_760 : f32 to vector<16xf32>
    %swap3A_762 = arith.constant 1904 : index
    %swap3A_763 = tpu.vector_load %arg6[%swap3A_762] {strides = array<i32>} : memref<3200xf32, #tpu.memory_space<vmem>>, vector<16xf32>,
    %swap3A_764 = vector.shape_cast %swap3A_763 : vector<16xf32> to vector<16xf32>
    %swap3A_765 = vector.shape_cast %broadcast_in_dim3A_761 : vector<16xf32> to vector<16xf32>
    tpu.vector_store %arg6[%swap3A_762], %swap3A_765 {strides = array<i32>} : memref<3200xf32, #tpu.memory_space<vmem>>, vector<16xf32>,
    %broadcast_in_dim3A_766 = arith.constant 0.000000e+00 : f32
    %broadcast_in_dim3A_767 = vector.broadcast %broadcast_in_dim3A_766 : f32 to vector<16xf32>
    %swap3A_768 = arith.constant 1920 : index
    %swap3A_769 = tpu.vector_load %arg6[%swap3A_768] {strides = array<i32>} : memref<3200xf32, #tpu.memory_space<vmem>>, vector<16xf32>,
    %swap3A_770 = vector.shape_cast %swap3A_769 : vector<16xf32> to vector<16xf32>
    %swap3A_771 = vector.shape_cast %broadcast_in_dim3A_767 : vector<16xf32> to vector<16xf32>
    tpu.vector_store %arg6[%swap3A_768], %swap3A_771 {strides = array<i32>} : memref<3200xf32, #tpu.memory_space<vmem>>, vector<16xf32>,
    %broadcast_in_dim3A_772 = arith.constant 0.000000e+00 : f32
    %broadcast_in_dim3A_773 = vector.broadcast %broadcast_in_dim3A_772 : f32 to vector<16xf32>
    %swap3A_774 = arith.constant 1936 : index
    %swap3A_775 = tpu.vector_load %arg6[%swap3A_774] {strides = array<i32>} : memref<3200xf32, #tpu.memory_space<vmem>>, vector<16xf32>,
    %swap3A_776 = vector.shape_cast %swap3A_775 : vector<16xf32> to vector<16xf32>
    %swap3A_777 = vector.shape_cast %broadcast_in_dim3A_773 : vector<16xf32> to vector<16xf32>
    tpu.vector_store %arg6[%swap3A_774], %swap3A_777 {strides = array<i32>} : memref<3200xf32, #tpu.memory_space<vmem>>, vector<16xf32>,
    %broadcast_in_dim3A_778 = arith.constant 0.000000e+00 : f32
    %broadcast_in_dim3A_779 = vector.broadcast %broadcast_in_dim3A_778 : f32 to vector<16xf32>
    %swap3A_780 = arith.constant 1952 : index
    %swap3A_781 = tpu.vector_load %arg6[%swap3A_780] {strides = array<i32>} : memref<3200xf32, #tpu.memory_space<vmem>>, vector<16xf32>,
    %swap3A_782 = vector.shape_cast %swap3A_781 : vector<16xf32> to vector<16xf32>
    %swap3A_783 = vector.shape_cast %broadcast_in_dim3A_779 : vector<16xf32> to vector<16xf32>
    tpu.vector_store %arg6[%swap3A_780], %swap3A_783 {strides = array<i32>} : memref<3200xf32, #tpu.memory_space<vmem>>, vector<16xf32>,
    %broadcast_in_dim3A_784 = arith.constant 0.000000e+00 : f32
    %broadcast_in_dim3A_785 = vector.broadcast %broadcast_in_dim3A_784 : f32 to vector<16xf32>
    %swap3A_786 = arith.constant 1968 : index
    %swap3A_787 = tpu.vector_load %arg6[%swap3A_786] {strides = array<i32>} : memref<3200xf32, #tpu.memory_space<vmem>>, vector<16xf32>,
    %swap3A_788 = vector.shape_cast %swap3A_787 : vector<16xf32> to vector<16xf32>
    %swap3A_789 = vector.shape_cast %broadcast_in_dim3A_785 : vector<16xf32> to vector<16xf32>
    tpu.vector_store %arg6[%swap3A_786], %swap3A_789 {strides = array<i32>} : memref<3200xf32, #tpu.memory_space<vmem>>, vector<16xf32>,
    %broadcast_in_dim3A_790 = arith.constant 0.000000e+00 : f32
    %broadcast_in_dim3A_791 = vector.broadcast %broadcast_in_dim3A_790 : f32 to vector<16xf32>
    %swap3A_792 = arith.constant 1984 : index
    %swap3A_793 = tpu.vector_load %arg6[%swap3A_792] {strides = array<i32>} : memref<3200xf32, #tpu.memory_space<vmem>>, vector<16xf32>,
    %swap3A_794 = vector.shape_cast %swap3A_793 : vector<16xf32> to vector<16xf32>
    %swap3A_795 = vector.shape_cast %broadcast_in_dim3A_791 : vector<16xf32> to vector<16xf32>
    tpu.vector_store %arg6[%swap3A_792], %swap3A_795 {strides = array<i32>} : memref<3200xf32, #tpu.memory_space<vmem>>, vector<16xf32>,
    %broadcast_in_dim3A_796 = arith.constant 0.000000e+00 : f32
    %broadcast_in_dim3A_797 = vector.broadcast %broadcast_in_dim3A_796 : f32 to vector<16xf32>
    %swap3A_798 = arith.constant 2000 : index
    %swap3A_799 = tpu.vector_load %arg6[%swap3A_798] {strides = array<i32>} : memref<3200xf32, #tpu.memory_space<vmem>>, vector<16xf32>,
    %swap3A_800 = vector.shape_cast %swap3A_799 : vector<16xf32> to vector<16xf32>
    %swap3A_801 = vector.shape_cast %broadcast_in_dim3A_797 : vector<16xf32> to vector<16xf32>
    tpu.vector_store %arg6[%swap3A_798], %swap3A_801 {strides = array<i32>} : memref<3200xf32, #tpu.memory_space<vmem>>, vector<16xf32>,
    %broadcast_in_dim3A_802 = arith.constant 0.000000e+00 : f32
    %broadcast_in_dim3A_803 = vector.broadcast %broadcast_in_dim3A_802 : f32 to vector<16xf32>
    %swap3A_804 = arith.constant 2016 : index
    %swap3A_805 = tpu.vector_load %arg6[%swap3A_804] {strides = array<i32>} : memref<3200xf32, #tpu.memory_space<vmem>>, vector<16xf32>,
    %swap3A_806 = vector.shape_cast %swap3A_805 : vector<16xf32> to vector<16xf32>
    %swap3A_807 = vector.shape_cast %broadcast_in_dim3A_803 : vector<16xf32> to vector<16xf32>
    tpu.vector_store %arg6[%swap3A_804], %swap3A_807 {strides = array<i32>} : memref<3200xf32, #tpu.memory_space<vmem>>, vector<16xf32>,
    %broadcast_in_dim3A_808 = arith.constant 0.000000e+00 : f32
    %broadcast_in_dim3A_809 = vector.broadcast %broadcast_in_dim3A_808 : f32 to vector<16xf32>
    %swap3A_810 = arith.constant 2032 : index
    %swap3A_811 = tpu.vector_load %arg6[%swap3A_810] {strides = array<i32>} : memref<3200xf32, #tpu.memory_space<vmem>>, vector<16xf32>,
    %swap3A_812 = vector.shape_cast %swap3A_811 : vector<16xf32> to vector<16xf32>
    %swap3A_813 = vector.shape_cast %broadcast_in_dim3A_809 : vector<16xf32> to vector<16xf32>
    tpu.vector_store %arg6[%swap3A_810], %swap3A_813 {strides = array<i32>} : memref<3200xf32, #tpu.memory_space<vmem>>, vector<16xf32>,
    %broadcast_in_dim3A_814 = arith.constant 0.000000e+00 : f32
    %broadcast_in_dim3A_815 = vector.broadcast %broadcast_in_dim3A_814 : f32 to vector<16xf32>
    %swap3A_816 = arith.constant 2048 : index
    %swap3A_817 = tpu.vector_load %arg6[%swap3A_816] {strides = array<i32>} : memref<3200xf32, #tpu.memory_space<vmem>>, vector<16xf32>,
    %swap3A_818 = vector.shape_cast %swap3A_817 : vector<16xf32> to vector<16xf32>
    %swap3A_819 = vector.shape_cast %broadcast_in_dim3A_815 : vector<16xf32> to vector<16xf32>
    tpu.vector_store %arg6[%swap3A_816], %swap3A_819 {strides = array<i32>} : memref<3200xf32, #tpu.memory_space<vmem>>, vector<16xf32>,
    %broadcast_in_dim3A_820 = arith.constant 0.000000e+00 : f32
    %broadcast_in_dim3A_821 = vector.broadcast %broadcast_in_dim3A_820 : f32 to vector<16xf32>
    %swap3A_822 = arith.constant 2064 : index
    %swap3A_823 = tpu.vector_load %arg6[%swap3A_822] {strides = array<i32>} : memref<3200xf32, #tpu.memory_space<vmem>>, vector<16xf32>,
    %swap3A_824 = vector.shape_cast %swap3A_823 : vector<16xf32> to vector<16xf32>
    %swap3A_825 = vector.shape_cast %broadcast_in_dim3A_821 : vector<16xf32> to vector<16xf32>
    tpu.vector_store %arg6[%swap3A_822], %swap3A_825 {strides = array<i32>} : memref<3200xf32, #tpu.memory_space<vmem>>, vector<16xf32>,
    %broadcast_in_dim3A_826 = arith.constant 0.000000e+00 : f32
    %broadcast_in_dim3A_827 = vector.broadcast %broadcast_in_dim3A_826 : f32 to vector<16xf32>
    %swap3A_828 = arith.constant 2080 : index
    %swap3A_829 = tpu.vector_load %arg6[%swap3A_828] {strides = array<i32>} : memref<3200xf32, #tpu.memory_space<vmem>>, vector<16xf32>,
    %swap3A_830 = vector.shape_cast %swap3A_829 : vector<16xf32> to vector<16xf32>
    %swap3A_831 = vector.shape_cast %broadcast_in_dim3A_827 : vector<16xf32> to vector<16xf32>
    tpu.vector_store %arg6[%swap3A_828], %swap3A_831 {strides = array<i32>} : memref<3200xf32, #tpu.memory_space<vmem>>, vector<16xf32>,
    %broadcast_in_dim3A_832 = arith.constant 0.000000e+00 : f32
    %broadcast_in_dim3A_833 = vector.broadcast %broadcast_in_dim3A_832 : f32 to vector<16xf32>
    %swap3A_834 = arith.constant 2096 : index
    %swap3A_835 = tpu.vector_load %arg6[%swap3A_834] {strides = array<i32>} : memref<3200xf32, #tpu.memory_space<vmem>>, vector<16xf32>,
    %swap3A_836 = vector.shape_cast %swap3A_835 : vector<16xf32> to vector<16xf32>
    %swap3A_837 = vector.shape_cast %broadcast_in_dim3A_833 : vector<16xf32> to vector<16xf32>
    tpu.vector_store %arg6[%swap3A_834], %swap3A_837 {strides = array<i32>} : memref<3200xf32, #tpu.memory_space<vmem>>, vector<16xf32>,
    %broadcast_in_dim3A_838 = arith.constant 0.000000e+00 : f32
    %broadcast_in_dim3A_839 = vector.broadcast %broadcast_in_dim3A_838 : f32 to vector<16xf32>
    %swap3A_840 = arith.constant 2112 : index
    %swap3A_841 = tpu.vector_load %arg6[%swap3A_840] {strides = array<i32>} : memref<3200xf32, #tpu.memory_space<vmem>>, vector<16xf32>,
    %swap3A_842 = vector.shape_cast %swap3A_841 : vector<16xf32> to vector<16xf32>
    %swap3A_843 = vector.shape_cast %broadcast_in_dim3A_839 : vector<16xf32> to vector<16xf32>
    tpu.vector_store %arg6[%swap3A_840], %swap3A_843 {strides = array<i32>} : memref<3200xf32, #tpu.memory_space<vmem>>, vector<16xf32>,
    %broadcast_in_dim3A_844 = arith.constant 0.000000e+00 : f32
    %broadcast_in_dim3A_845 = vector.broadcast %broadcast_in_dim3A_844 : f32 to vector<16xf32>
    %swap3A_846 = arith.constant 2128 : index
    %swap3A_847 = tpu.vector_load %arg6[%swap3A_846] {strides = array<i32>} : memref<3200xf32, #tpu.memory_space<vmem>>, vector<16xf32>,
    %swap3A_848 = vector.shape_cast %swap3A_847 : vector<16xf32> to vector<16xf32>
    %swap3A_849 = vector.shape_cast %broadcast_in_dim3A_845 : vector<16xf32> to vector<16xf32>
    tpu.vector_store %arg6[%swap3A_846], %swap3A_849 {strides = array<i32>} : memref<3200xf32, #tpu.memory_space<vmem>>, vector<16xf32>,
    %broadcast_in_dim3A_850 = arith.constant 0.000000e+00 : f32
    %broadcast_in_dim3A_851 = vector.broadcast %broadcast_in_dim3A_850 : f32 to vector<16xf32>
    %swap3A_852 = arith.constant 2144 : index
    %swap3A_853 = tpu.vector_load %arg6[%swap3A_852] {strides = array<i32>} : memref<3200xf32, #tpu.memory_space<vmem>>, vector<16xf32>,
    %swap3A_854 = vector.shape_cast %swap3A_853 : vector<16xf32> to vector<16xf32>
    %swap3A_855 = vector.shape_cast %broadcast_in_dim3A_851 : vector<16xf32> to vector<16xf32>
    tpu.vector_store %arg6[%swap3A_852], %swap3A_855 {strides = array<i32>} : memref<3200xf32, #tpu.memory_space<vmem>>, vector<16xf32>,
    %broadcast_in_dim3A_856 = arith.constant 0.000000e+00 : f32
    %broadcast_in_dim3A_857 = vector.broadcast %broadcast_in_dim3A_856 : f32 to vector<16xf32>
    %swap3A_858 = arith.constant 2160 : index
    %swap3A_859 = tpu.vector_load %arg6[%swap3A_858] {strides = array<i32>} : memref<3200xf32, #tpu.memory_space<vmem>>, vector<16xf32>,
    %swap3A_860 = vector.shape_cast %swap3A_859 : vector<16xf32> to vector<16xf32>
    %swap3A_861 = vector.shape_cast %broadcast_in_dim3A_857 : vector<16xf32> to vector<16xf32>
    tpu.vector_store %arg6[%swap3A_858], %swap3A_861 {strides = array<i32>} : memref<3200xf32, #tpu.memory_space<vmem>>, vector<16xf32>,
    %broadcast_in_dim3A_862 = arith.constant 0.000000e+00 : f32
    %broadcast_in_dim3A_863 = vector.broadcast %broadcast_in_dim3A_862 : f32 to vector<16xf32>
    %swap3A_864 = arith.constant 2176 : index
    %swap3A_865 = tpu.vector_load %arg6[%swap3A_864] {strides = array<i32>} : memref<3200xf32, #tpu.memory_space<vmem>>, vector<16xf32>,
    %swap3A_866 = vector.shape_cast %swap3A_865 : vector<16xf32> to vector<16xf32>
    %swap3A_867 = vector.shape_cast %broadcast_in_dim3A_863 : vector<16xf32> to vector<16xf32>
    tpu.vector_store %arg6[%swap3A_864], %swap3A_867 {strides = array<i32>} : memref<3200xf32, #tpu.memory_space<vmem>>, vector<16xf32>,
    %broadcast_in_dim3A_868 = arith.constant 0.000000e+00 : f32
    %broadcast_in_dim3A_869 = vector.broadcast %broadcast_in_dim3A_868 : f32 to vector<16xf32>
    %swap3A_870 = arith.constant 2192 : index
    %swap3A_871 = tpu.vector_load %arg6[%swap3A_870] {strides = array<i32>} : memref<3200xf32, #tpu.memory_space<vmem>>, vector<16xf32>,
    %swap3A_872 = vector.shape_cast %swap3A_871 : vector<16xf32> to vector<16xf32>
    %swap3A_873 = vector.shape_cast %broadcast_in_dim3A_869 : vector<16xf32> to vector<16xf32>
    tpu.vector_store %arg6[%swap3A_870], %swap3A_873 {strides = array<i32>} : memref<3200xf32, #tpu.memory_space<vmem>>, vector<16xf32>,
    %broadcast_in_dim3A_874 = arith.constant 0.000000e+00 : f32
    %broadcast_in_dim3A_875 = vector.broadcast %broadcast_in_dim3A_874 : f32 to vector<16xf32>
    %swap3A_876 = arith.constant 2208 : index
    %swap3A_877 = tpu.vector_load %arg6[%swap3A_876] {strides = array<i32>} : memref<3200xf32, #tpu.memory_space<vmem>>, vector<16xf32>,
    %swap3A_878 = vector.shape_cast %swap3A_877 : vector<16xf32> to vector<16xf32>
    %swap3A_879 = vector.shape_cast %broadcast_in_dim3A_875 : vector<16xf32> to vector<16xf32>
    tpu.vector_store %arg6[%swap3A_876], %swap3A_879 {strides = array<i32>} : memref<3200xf32, #tpu.memory_space<vmem>>, vector<16xf32>,
    %broadcast_in_dim3A_880 = arith.constant 0.000000e+00 : f32
    %broadcast_in_dim3A_881 = vector.broadcast %broadcast_in_dim3A_880 : f32 to vector<16xf32>
    %swap3A_882 = arith.constant 2224 : index
    %swap3A_883 = tpu.vector_load %arg6[%swap3A_882] {strides = array<i32>} : memref<3200xf32, #tpu.memory_space<vmem>>, vector<16xf32>,
    %swap3A_884 = vector.shape_cast %swap3A_883 : vector<16xf32> to vector<16xf32>
    %swap3A_885 = vector.shape_cast %broadcast_in_dim3A_881 : vector<16xf32> to vector<16xf32>
    tpu.vector_store %arg6[%swap3A_882], %swap3A_885 {strides = array<i32>} : memref<3200xf32, #tpu.memory_space<vmem>>, vector<16xf32>,
    %broadcast_in_dim3A_886 = arith.constant 0.000000e+00 : f32
    %broadcast_in_dim3A_887 = vector.broadcast %broadcast_in_dim3A_886 : f32 to vector<16xf32>
    %swap3A_888 = arith.constant 2240 : index
    %swap3A_889 = tpu.vector_load %arg6[%swap3A_888] {strides = array<i32>} : memref<3200xf32, #tpu.memory_space<vmem>>, vector<16xf32>,
    %swap3A_890 = vector.shape_cast %swap3A_889 : vector<16xf32> to vector<16xf32>
    %swap3A_891 = vector.shape_cast %broadcast_in_dim3A_887 : vector<16xf32> to vector<16xf32>
    tpu.vector_store %arg6[%swap3A_888], %swap3A_891 {strides = array<i32>} : memref<3200xf32, #tpu.memory_space<vmem>>, vector<16xf32>,
    %broadcast_in_dim3A_892 = arith.constant 0.000000e+00 : f32
    %broadcast_in_dim3A_893 = vector.broadcast %broadcast_in_dim3A_892 : f32 to vector<16xf32>
    %swap3A_894 = arith.constant 2256 : index
    %swap3A_895 = tpu.vector_load %arg6[%swap3A_894] {strides = array<i32>} : memref<3200xf32, #tpu.memory_space<vmem>>, vector<16xf32>,
    %swap3A_896 = vector.shape_cast %swap3A_895 : vector<16xf32> to vector<16xf32>
    %swap3A_897 = vector.shape_cast %broadcast_in_dim3A_893 : vector<16xf32> to vector<16xf32>
    tpu.vector_store %arg6[%swap3A_894], %swap3A_897 {strides = array<i32>} : memref<3200xf32, #tpu.memory_space<vmem>>, vector<16xf32>,
    %broadcast_in_dim3A_898 = arith.constant 0.000000e+00 : f32
    %broadcast_in_dim3A_899 = vector.broadcast %broadcast_in_dim3A_898 : f32 to vector<16xf32>
    %swap3A_900 = arith.constant 2272 : index
    %swap3A_901 = tpu.vector_load %arg6[%swap3A_900] {strides = array<i32>} : memref<3200xf32, #tpu.memory_space<vmem>>, vector<16xf32>,
    %swap3A_902 = vector.shape_cast %swap3A_901 : vector<16xf32> to vector<16xf32>
    %swap3A_903 = vector.shape_cast %broadcast_in_dim3A_899 : vector<16xf32> to vector<16xf32>
    tpu.vector_store %arg6[%swap3A_900], %swap3A_903 {strides = array<i32>} : memref<3200xf32, #tpu.memory_space<vmem>>, vector<16xf32>,
    %broadcast_in_dim3A_904 = arith.constant 0.000000e+00 : f32
    %broadcast_in_dim3A_905 = vector.broadcast %broadcast_in_dim3A_904 : f32 to vector<16xf32>
    %swap3A_906 = arith.constant 2288 : index
    %swap3A_907 = tpu.vector_load %arg6[%swap3A_906] {strides = array<i32>} : memref<3200xf32, #tpu.memory_space<vmem>>, vector<16xf32>,
    %swap3A_908 = vector.shape_cast %swap3A_907 : vector<16xf32> to vector<16xf32>
    %swap3A_909 = vector.shape_cast %broadcast_in_dim3A_905 : vector<16xf32> to vector<16xf32>
    tpu.vector_store %arg6[%swap3A_906], %swap3A_909 {strides = array<i32>} : memref<3200xf32, #tpu.memory_space<vmem>>, vector<16xf32>,
    %broadcast_in_dim3A_910 = arith.constant 0.000000e+00 : f32
    %broadcast_in_dim3A_911 = vector.broadcast %broadcast_in_dim3A_910 : f32 to vector<16xf32>
    %swap3A_912 = arith.constant 2304 : index
    %swap3A_913 = tpu.vector_load %arg6[%swap3A_912] {strides = array<i32>} : memref<3200xf32, #tpu.memory_space<vmem>>, vector<16xf32>,
    %swap3A_914 = vector.shape_cast %swap3A_913 : vector<16xf32> to vector<16xf32>
    %swap3A_915 = vector.shape_cast %broadcast_in_dim3A_911 : vector<16xf32> to vector<16xf32>
    tpu.vector_store %arg6[%swap3A_912], %swap3A_915 {strides = array<i32>} : memref<3200xf32, #tpu.memory_space<vmem>>, vector<16xf32>,
    %broadcast_in_dim3A_916 = arith.constant 0.000000e+00 : f32
    %broadcast_in_dim3A_917 = vector.broadcast %broadcast_in_dim3A_916 : f32 to vector<16xf32>
    %swap3A_918 = arith.constant 2320 : index
    %swap3A_919 = tpu.vector_load %arg6[%swap3A_918] {strides = array<i32>} : memref<3200xf32, #tpu.memory_space<vmem>>, vector<16xf32>,
    %swap3A_920 = vector.shape_cast %swap3A_919 : vector<16xf32> to vector<16xf32>
    %swap3A_921 = vector.shape_cast %broadcast_in_dim3A_917 : vector<16xf32> to vector<16xf32>
    tpu.vector_store %arg6[%swap3A_918], %swap3A_921 {strides = array<i32>} : memref<3200xf32, #tpu.memory_space<vmem>>, vector<16xf32>,
    %broadcast_in_dim3A_922 = arith.constant 0.000000e+00 : f32
    %broadcast_in_dim3A_923 = vector.broadcast %broadcast_in_dim3A_922 : f32 to vector<16xf32>
    %swap3A_924 = arith.constant 2336 : index
    %swap3A_925 = tpu.vector_load %arg6[%swap3A_924] {strides = array<i32>} : memref<3200xf32, #tpu.memory_space<vmem>>, vector<16xf32>,
    %swap3A_926 = vector.shape_cast %swap3A_925 : vector<16xf32> to vector<16xf32>
    %swap3A_927 = vector.shape_cast %broadcast_in_dim3A_923 : vector<16xf32> to vector<16xf32>
    tpu.vector_store %arg6[%swap3A_924], %swap3A_927 {strides = array<i32>} : memref<3200xf32, #tpu.memory_space<vmem>>, vector<16xf32>,
    %broadcast_in_dim3A_928 = arith.constant 0.000000e+00 : f32
    %broadcast_in_dim3A_929 = vector.broadcast %broadcast_in_dim3A_928 : f32 to vector<16xf32>
    %swap3A_930 = arith.constant 2352 : index
    %swap3A_931 = tpu.vector_load %arg6[%swap3A_930] {strides = array<i32>} : memref<3200xf32, #tpu.memory_space<vmem>>, vector<16xf32>,
    %swap3A_932 = vector.shape_cast %swap3A_931 : vector<16xf32> to vector<16xf32>
    %swap3A_933 = vector.shape_cast %broadcast_in_dim3A_929 : vector<16xf32> to vector<16xf32>
    tpu.vector_store %arg6[%swap3A_930], %swap3A_933 {strides = array<i32>} : memref<3200xf32, #tpu.memory_space<vmem>>, vector<16xf32>,
    %broadcast_in_dim3A_934 = arith.constant 0.000000e+00 : f32
    %broadcast_in_dim3A_935 = vector.broadcast %broadcast_in_dim3A_934 : f32 to vector<16xf32>
    %swap3A_936 = arith.constant 2368 : index
    %swap3A_937 = tpu.vector_load %arg6[%swap3A_936] {strides = array<i32>} : memref<3200xf32, #tpu.memory_space<vmem>>, vector<16xf32>,
    %swap3A_938 = vector.shape_cast %swap3A_937 : vector<16xf32> to vector<16xf32>
    %swap3A_939 = vector.shape_cast %broadcast_in_dim3A_935 : vector<16xf32> to vector<16xf32>
    tpu.vector_store %arg6[%swap3A_936], %swap3A_939 {strides = array<i32>} : memref<3200xf32, #tpu.memory_space<vmem>>, vector<16xf32>,
    %broadcast_in_dim3A_940 = arith.constant 0.000000e+00 : f32
    %broadcast_in_dim3A_941 = vector.broadcast %broadcast_in_dim3A_940 : f32 to vector<16xf32>
    %swap3A_942 = arith.constant 2384 : index
    %swap3A_943 = tpu.vector_load %arg6[%swap3A_942] {strides = array<i32>} : memref<3200xf32, #tpu.memory_space<vmem>>, vector<16xf32>,
    %swap3A_944 = vector.shape_cast %swap3A_943 : vector<16xf32> to vector<16xf32>
    %swap3A_945 = vector.shape_cast %broadcast_in_dim3A_941 : vector<16xf32> to vector<16xf32>
    tpu.vector_store %arg6[%swap3A_942], %swap3A_945 {strides = array<i32>} : memref<3200xf32, #tpu.memory_space<vmem>>, vector<16xf32>,
    %broadcast_in_dim3A_946 = arith.constant 0.000000e+00 : f32
    %broadcast_in_dim3A_947 = vector.broadcast %broadcast_in_dim3A_946 : f32 to vector<16xf32>
    %swap3A_948 = arith.constant 2400 : index
    %swap3A_949 = tpu.vector_load %arg6[%swap3A_948] {strides = array<i32>} : memref<3200xf32, #tpu.memory_space<vmem>>, vector<16xf32>,
    %swap3A_950 = vector.shape_cast %swap3A_949 : vector<16xf32> to vector<16xf32>
    %swap3A_951 = vector.shape_cast %broadcast_in_dim3A_947 : vector<16xf32> to vector<16xf32>
    tpu.vector_store %arg6[%swap3A_948], %swap3A_951 {strides = array<i32>} : memref<3200xf32, #tpu.memory_space<vmem>>, vector<16xf32>,
    %broadcast_in_dim3A_952 = arith.constant 0.000000e+00 : f32
    %broadcast_in_dim3A_953 = vector.broadcast %broadcast_in_dim3A_952 : f32 to vector<16xf32>
    %swap3A_954 = arith.constant 2416 : index
    %swap3A_955 = tpu.vector_load %arg6[%swap3A_954] {strides = array<i32>} : memref<3200xf32, #tpu.memory_space<vmem>>, vector<16xf32>,
    %swap3A_956 = vector.shape_cast %swap3A_955 : vector<16xf32> to vector<16xf32>
    %swap3A_957 = vector.shape_cast %broadcast_in_dim3A_953 : vector<16xf32> to vector<16xf32>
    tpu.vector_store %arg6[%swap3A_954], %swap3A_957 {strides = array<i32>} : memref<3200xf32, #tpu.memory_space<vmem>>, vector<16xf32>,
    %broadcast_in_dim3A_958 = arith.constant 0.000000e+00 : f32
    %broadcast_in_dim3A_959 = vector.broadcast %broadcast_in_dim3A_958 : f32 to vector<16xf32>
    %swap3A_960 = arith.constant 2432 : index
    %swap3A_961 = tpu.vector_load %arg6[%swap3A_960] {strides = array<i32>} : memref<3200xf32, #tpu.memory_space<vmem>>, vector<16xf32>,
    %swap3A_962 = vector.shape_cast %swap3A_961 : vector<16xf32> to vector<16xf32>
    %swap3A_963 = vector.shape_cast %broadcast_in_dim3A_959 : vector<16xf32> to vector<16xf32>
    tpu.vector_store %arg6[%swap3A_960], %swap3A_963 {strides = array<i32>} : memref<3200xf32, #tpu.memory_space<vmem>>, vector<16xf32>,
    %broadcast_in_dim3A_964 = arith.constant 0.000000e+00 : f32
    %broadcast_in_dim3A_965 = vector.broadcast %broadcast_in_dim3A_964 : f32 to vector<16xf32>
    %swap3A_966 = arith.constant 2448 : index
    %swap3A_967 = tpu.vector_load %arg6[%swap3A_966] {strides = array<i32>} : memref<3200xf32, #tpu.memory_space<vmem>>, vector<16xf32>,
    %swap3A_968 = vector.shape_cast %swap3A_967 : vector<16xf32> to vector<16xf32>
    %swap3A_969 = vector.shape_cast %broadcast_in_dim3A_965 : vector<16xf32> to vector<16xf32>
    tpu.vector_store %arg6[%swap3A_966], %swap3A_969 {strides = array<i32>} : memref<3200xf32, #tpu.memory_space<vmem>>, vector<16xf32>,
    %broadcast_in_dim3A_970 = arith.constant 0.000000e+00 : f32
    %broadcast_in_dim3A_971 = vector.broadcast %broadcast_in_dim3A_970 : f32 to vector<16xf32>
    %swap3A_972 = arith.constant 2464 : index
    %swap3A_973 = tpu.vector_load %arg6[%swap3A_972] {strides = array<i32>} : memref<3200xf32, #tpu.memory_space<vmem>>, vector<16xf32>,
    %swap3A_974 = vector.shape_cast %swap3A_973 : vector<16xf32> to vector<16xf32>
    %swap3A_975 = vector.shape_cast %broadcast_in_dim3A_971 : vector<16xf32> to vector<16xf32>
    tpu.vector_store %arg6[%swap3A_972], %swap3A_975 {strides = array<i32>} : memref<3200xf32, #tpu.memory_space<vmem>>, vector<16xf32>,
    %broadcast_in_dim3A_976 = arith.constant 0.000000e+00 : f32
    %broadcast_in_dim3A_977 = vector.broadcast %broadcast_in_dim3A_976 : f32 to vector<16xf32>
    %swap3A_978 = arith.constant 2480 : index
    %swap3A_979 = tpu.vector_load %arg6[%swap3A_978] {strides = array<i32>} : memref<3200xf32, #tpu.memory_space<vmem>>, vector<16xf32>,
    %swap3A_980 = vector.shape_cast %swap3A_979 : vector<16xf32> to vector<16xf32>
    %swap3A_981 = vector.shape_cast %broadcast_in_dim3A_977 : vector<16xf32> to vector<16xf32>
    tpu.vector_store %arg6[%swap3A_978], %swap3A_981 {strides = array<i32>} : memref<3200xf32, #tpu.memory_space<vmem>>, vector<16xf32>,
    %broadcast_in_dim3A_982 = arith.constant 0.000000e+00 : f32
    %broadcast_in_dim3A_983 = vector.broadcast %broadcast_in_dim3A_982 : f32 to vector<16xf32>
    %swap3A_984 = arith.constant 2496 : index
    %swap3A_985 = tpu.vector_load %arg6[%swap3A_984] {strides = array<i32>} : memref<3200xf32, #tpu.memory_space<vmem>>, vector<16xf32>,
    %swap3A_986 = vector.shape_cast %swap3A_985 : vector<16xf32> to vector<16xf32>
    %swap3A_987 = vector.shape_cast %broadcast_in_dim3A_983 : vector<16xf32> to vector<16xf32>
    tpu.vector_store %arg6[%swap3A_984], %swap3A_987 {strides = array<i32>} : memref<3200xf32, #tpu.memory_space<vmem>>, vector<16xf32>,
    %broadcast_in_dim3A_988 = arith.constant 0.000000e+00 : f32
    %broadcast_in_dim3A_989 = vector.broadcast %broadcast_in_dim3A_988 : f32 to vector<16xf32>
    %swap3A_990 = arith.constant 2512 : index
    %swap3A_991 = tpu.vector_load %arg6[%swap3A_990] {strides = array<i32>} : memref<3200xf32, #tpu.memory_space<vmem>>, vector<16xf32>,
    %swap3A_992 = vector.shape_cast %swap3A_991 : vector<16xf32> to vector<16xf32>
    %swap3A_993 = vector.shape_cast %broadcast_in_dim3A_989 : vector<16xf32> to vector<16xf32>
    tpu.vector_store %arg6[%swap3A_990], %swap3A_993 {strides = array<i32>} : memref<3200xf32, #tpu.memory_space<vmem>>, vector<16xf32>,
    %broadcast_in_dim3A_994 = arith.constant 0.000000e+00 : f32
    %broadcast_in_dim3A_995 = vector.broadcast %broadcast_in_dim3A_994 : f32 to vector<16xf32>
    %swap3A_996 = arith.constant 2528 : index
    %swap3A_997 = tpu.vector_load %arg6[%swap3A_996] {strides = array<i32>} : memref<3200xf32, #tpu.memory_space<vmem>>, vector<16xf32>,
    %swap3A_998 = vector.shape_cast %swap3A_997 : vector<16xf32> to vector<16xf32>
    %swap3A_999 = vector.shape_cast %broadcast_in_dim3A_995 : vector<16xf32> to vector<16xf32>
    tpu.vector_store %arg6[%swap3A_996], %swap3A_999 {strides = array<i32>} : memref<3200xf32, #tpu.memory_space<vmem>>, vector<16xf32>,
    %broadcast_in_dim3A_1000 = arith.constant 0.000000e+00 : f32
    %broadcast_in_dim3A_1001 = vector.broadcast %broadcast_in_dim3A_1000 : f32 to vector<16xf32>
    %swap3A_1002 = arith.constant 2544 : index
    %swap3A_1003 = tpu.vector_load %arg6[%swap3A_1002] {strides = array<i32>} : memref<3200xf32, #tpu.memory_space<vmem>>, vector<16xf32>,
    %swap3A_1004 = vector.shape_cast %swap3A_1003 : vector<16xf32> to vector<16xf32>
    %swap3A_1005 = vector.shape_cast %broadcast_in_dim3A_1001 : vector<16xf32> to vector<16xf32>
    tpu.vector_store %arg6[%swap3A_1002], %swap3A_1005 {strides = array<i32>} : memref<3200xf32, #tpu.memory_space<vmem>>, vector<16xf32>,
    %broadcast_in_dim3A_1006 = arith.constant 0.000000e+00 : f32
    %broadcast_in_dim3A_1007 = vector.broadcast %broadcast_in_dim3A_1006 : f32 to vector<16xf32>
    %swap3A_1008 = arith.constant 2560 : index
    %swap3A_1009 = tpu.vector_load %arg6[%swap3A_1008] {strides = array<i32>} : memref<3200xf32, #tpu.memory_space<vmem>>, vector<16xf32>,
    %swap3A_1010 = vector.shape_cast %swap3A_1009 : vector<16xf32> to vector<16xf32>
    %swap3A_1011 = vector.shape_cast %broadcast_in_dim3A_1007 : vector<16xf32> to vector<16xf32>
    tpu.vector_store %arg6[%swap3A_1008], %swap3A_1011 {strides = array<i32>} : memref<3200xf32, #tpu.memory_space<vmem>>, vector<16xf32>,
    %broadcast_in_dim3A_1012 = arith.constant 0.000000e+00 : f32
    %broadcast_in_dim3A_1013 = vector.broadcast %broadcast_in_dim3A_1012 : f32 to vector<16xf32>
    %swap3A_1014 = arith.constant 2576 : index
    %swap3A_1015 = tpu.vector_load %arg6[%swap3A_1014] {strides = array<i32>} : memref<3200xf32, #tpu.memory_space<vmem>>, vector<16xf32>,
    %swap3A_1016 = vector.shape_cast %swap3A_1015 : vector<16xf32> to vector<16xf32>
    %swap3A_1017 = vector.shape_cast %broadcast_in_dim3A_1013 : vector<16xf32> to vector<16xf32>
    tpu.vector_store %arg6[%swap3A_1014], %swap3A_1017 {strides = array<i32>} : memref<3200xf32, #tpu.memory_space<vmem>>, vector<16xf32>,
    %broadcast_in_dim3A_1018 = arith.constant 0.000000e+00 : f32
    %broadcast_in_dim3A_1019 = vector.broadcast %broadcast_in_dim3A_1018 : f32 to vector<16xf32>
    %swap3A_1020 = arith.constant 2592 : index
    %swap3A_1021 = tpu.vector_load %arg6[%swap3A_1020] {strides = array<i32>} : memref<3200xf32, #tpu.memory_space<vmem>>, vector<16xf32>,
    %swap3A_1022 = vector.shape_cast %swap3A_1021 : vector<16xf32> to vector<16xf32>
    %swap3A_1023 = vector.shape_cast %broadcast_in_dim3A_1019 : vector<16xf32> to vector<16xf32>
    tpu.vector_store %arg6[%swap3A_1020], %swap3A_1023 {strides = array<i32>} : memref<3200xf32, #tpu.memory_space<vmem>>, vector<16xf32>,
    %broadcast_in_dim3A_1024 = arith.constant 0.000000e+00 : f32
    %broadcast_in_dim3A_1025 = vector.broadcast %broadcast_in_dim3A_1024 : f32 to vector<16xf32>
    %swap3A_1026 = arith.constant 2608 : index
    %swap3A_1027 = tpu.vector_load %arg6[%swap3A_1026] {strides = array<i32>} : memref<3200xf32, #tpu.memory_space<vmem>>, vector<16xf32>,
    %swap3A_1028 = vector.shape_cast %swap3A_1027 : vector<16xf32> to vector<16xf32>
    %swap3A_1029 = vector.shape_cast %broadcast_in_dim3A_1025 : vector<16xf32> to vector<16xf32>
    tpu.vector_store %arg6[%swap3A_1026], %swap3A_1029 {strides = array<i32>} : memref<3200xf32, #tpu.memory_space<vmem>>, vector<16xf32>,
    %broadcast_in_dim3A_1030 = arith.constant 0.000000e+00 : f32
    %broadcast_in_dim3A_1031 = vector.broadcast %broadcast_in_dim3A_1030 : f32 to vector<16xf32>
    %swap3A_1032 = arith.constant 2624 : index
    %swap3A_1033 = tpu.vector_load %arg6[%swap3A_1032] {strides = array<i32>} : memref<3200xf32, #tpu.memory_space<vmem>>, vector<16xf32>,
    %swap3A_1034 = vector.shape_cast %swap3A_1033 : vector<16xf32> to vector<16xf32>
    %swap3A_1035 = vector.shape_cast %broadcast_in_dim3A_1031 : vector<16xf32> to vector<16xf32>
    tpu.vector_store %arg6[%swap3A_1032], %swap3A_1035 {strides = array<i32>} : memref<3200xf32, #tpu.memory_space<vmem>>, vector<16xf32>,
    %broadcast_in_dim3A_1036 = arith.constant 0.000000e+00 : f32
    %broadcast_in_dim3A_1037 = vector.broadcast %broadcast_in_dim3A_1036 : f32 to vector<16xf32>
    %swap3A_1038 = arith.constant 2640 : index
    %swap3A_1039 = tpu.vector_load %arg6[%swap3A_1038] {strides = array<i32>} : memref<3200xf32, #tpu.memory_space<vmem>>, vector<16xf32>,
    %swap3A_1040 = vector.shape_cast %swap3A_1039 : vector<16xf32> to vector<16xf32>
    %swap3A_1041 = vector.shape_cast %broadcast_in_dim3A_1037 : vector<16xf32> to vector<16xf32>
    tpu.vector_store %arg6[%swap3A_1038], %swap3A_1041 {strides = array<i32>} : memref<3200xf32, #tpu.memory_space<vmem>>, vector<16xf32>,
    %broadcast_in_dim3A_1042 = arith.constant 0.000000e+00 : f32
    %broadcast_in_dim3A_1043 = vector.broadcast %broadcast_in_dim3A_1042 : f32 to vector<16xf32>
    %swap3A_1044 = arith.constant 2656 : index
    %swap3A_1045 = tpu.vector_load %arg6[%swap3A_1044] {strides = array<i32>} : memref<3200xf32, #tpu.memory_space<vmem>>, vector<16xf32>,
    %swap3A_1046 = vector.shape_cast %swap3A_1045 : vector<16xf32> to vector<16xf32>
    %swap3A_1047 = vector.shape_cast %broadcast_in_dim3A_1043 : vector<16xf32> to vector<16xf32>
    tpu.vector_store %arg6[%swap3A_1044], %swap3A_1047 {strides = array<i32>} : memref<3200xf32, #tpu.memory_space<vmem>>, vector<16xf32>,
    %broadcast_in_dim3A_1048 = arith.constant 0.000000e+00 : f32
    %broadcast_in_dim3A_1049 = vector.broadcast %broadcast_in_dim3A_1048 : f32 to vector<16xf32>
    %swap3A_1050 = arith.constant 2672 : index
    %swap3A_1051 = tpu.vector_load %arg6[%swap3A_1050] {strides = array<i32>} : memref<3200xf32, #tpu.memory_space<vmem>>, vector<16xf32>,
    %swap3A_1052 = vector.shape_cast %swap3A_1051 : vector<16xf32> to vector<16xf32>
    %swap3A_1053 = vector.shape_cast %broadcast_in_dim3A_1049 : vector<16xf32> to vector<16xf32>
    tpu.vector_store %arg6[%swap3A_1050], %swap3A_1053 {strides = array<i32>} : memref<3200xf32, #tpu.memory_space<vmem>>, vector<16xf32>,
    %broadcast_in_dim3A_1054 = arith.constant 0.000000e+00 : f32
    %broadcast_in_dim3A_1055 = vector.broadcast %broadcast_in_dim3A_1054 : f32 to vector<16xf32>
    %swap3A_1056 = arith.constant 2688 : index
    %swap3A_1057 = tpu.vector_load %arg6[%swap3A_1056] {strides = array<i32>} : memref<3200xf32, #tpu.memory_space<vmem>>, vector<16xf32>,
    %swap3A_1058 = vector.shape_cast %swap3A_1057 : vector<16xf32> to vector<16xf32>
    %swap3A_1059 = vector.shape_cast %broadcast_in_dim3A_1055 : vector<16xf32> to vector<16xf32>
    tpu.vector_store %arg6[%swap3A_1056], %swap3A_1059 {strides = array<i32>} : memref<3200xf32, #tpu.memory_space<vmem>>, vector<16xf32>,
    %broadcast_in_dim3A_1060 = arith.constant 0.000000e+00 : f32
    %broadcast_in_dim3A_1061 = vector.broadcast %broadcast_in_dim3A_1060 : f32 to vector<16xf32>
    %swap3A_1062 = arith.constant 2704 : index
    %swap3A_1063 = tpu.vector_load %arg6[%swap3A_1062] {strides = array<i32>} : memref<3200xf32, #tpu.memory_space<vmem>>, vector<16xf32>,
    %swap3A_1064 = vector.shape_cast %swap3A_1063 : vector<16xf32> to vector<16xf32>
    %swap3A_1065 = vector.shape_cast %broadcast_in_dim3A_1061 : vector<16xf32> to vector<16xf32>
    tpu.vector_store %arg6[%swap3A_1062], %swap3A_1065 {strides = array<i32>} : memref<3200xf32, #tpu.memory_space<vmem>>, vector<16xf32>,
    %broadcast_in_dim3A_1066 = arith.constant 0.000000e+00 : f32
    %broadcast_in_dim3A_1067 = vector.broadcast %broadcast_in_dim3A_1066 : f32 to vector<16xf32>
    %swap3A_1068 = arith.constant 2720 : index
    %swap3A_1069 = tpu.vector_load %arg6[%swap3A_1068] {strides = array<i32>} : memref<3200xf32, #tpu.memory_space<vmem>>, vector<16xf32>,
    %swap3A_1070 = vector.shape_cast %swap3A_1069 : vector<16xf32> to vector<16xf32>
    %swap3A_1071 = vector.shape_cast %broadcast_in_dim3A_1067 : vector<16xf32> to vector<16xf32>
    tpu.vector_store %arg6[%swap3A_1068], %swap3A_1071 {strides = array<i32>} : memref<3200xf32, #tpu.memory_space<vmem>>, vector<16xf32>,
    %broadcast_in_dim3A_1072 = arith.constant 0.000000e+00 : f32
    %broadcast_in_dim3A_1073 = vector.broadcast %broadcast_in_dim3A_1072 : f32 to vector<16xf32>
    %swap3A_1074 = arith.constant 2736 : index
    %swap3A_1075 = tpu.vector_load %arg6[%swap3A_1074] {strides = array<i32>} : memref<3200xf32, #tpu.memory_space<vmem>>, vector<16xf32>,
    %swap3A_1076 = vector.shape_cast %swap3A_1075 : vector<16xf32> to vector<16xf32>
    %swap3A_1077 = vector.shape_cast %broadcast_in_dim3A_1073 : vector<16xf32> to vector<16xf32>
    tpu.vector_store %arg6[%swap3A_1074], %swap3A_1077 {strides = array<i32>} : memref<3200xf32, #tpu.memory_space<vmem>>, vector<16xf32>,
    %broadcast_in_dim3A_1078 = arith.constant 0.000000e+00 : f32
    %broadcast_in_dim3A_1079 = vector.broadcast %broadcast_in_dim3A_1078 : f32 to vector<16xf32>
    %swap3A_1080 = arith.constant 2752 : index
    %swap3A_1081 = tpu.vector_load %arg6[%swap3A_1080] {strides = array<i32>} : memref<3200xf32, #tpu.memory_space<vmem>>, vector<16xf32>,
    %swap3A_1082 = vector.shape_cast %swap3A_1081 : vector<16xf32> to vector<16xf32>
    %swap3A_1083 = vector.shape_cast %broadcast_in_dim3A_1079 : vector<16xf32> to vector<16xf32>
    tpu.vector_store %arg6[%swap3A_1080], %swap3A_1083 {strides = array<i32>} : memref<3200xf32, #tpu.memory_space<vmem>>, vector<16xf32>,
    %broadcast_in_dim3A_1084 = arith.constant 0.000000e+00 : f32
    %broadcast_in_dim3A_1085 = vector.broadcast %broadcast_in_dim3A_1084 : f32 to vector<16xf32>
    %swap3A_1086 = arith.constant 2768 : index
    %swap3A_1087 = tpu.vector_load %arg6[%swap3A_1086] {strides = array<i32>} : memref<3200xf32, #tpu.memory_space<vmem>>, vector<16xf32>,
    %swap3A_1088 = vector.shape_cast %swap3A_1087 : vector<16xf32> to vector<16xf32>
    %swap3A_1089 = vector.shape_cast %broadcast_in_dim3A_1085 : vector<16xf32> to vector<16xf32>
    tpu.vector_store %arg6[%swap3A_1086], %swap3A_1089 {strides = array<i32>} : memref<3200xf32, #tpu.memory_space<vmem>>, vector<16xf32>,
    %broadcast_in_dim3A_1090 = arith.constant 0.000000e+00 : f32
    %broadcast_in_dim3A_1091 = vector.broadcast %broadcast_in_dim3A_1090 : f32 to vector<16xf32>
    %swap3A_1092 = arith.constant 2784 : index
    %swap3A_1093 = tpu.vector_load %arg6[%swap3A_1092] {strides = array<i32>} : memref<3200xf32, #tpu.memory_space<vmem>>, vector<16xf32>,
    %swap3A_1094 = vector.shape_cast %swap3A_1093 : vector<16xf32> to vector<16xf32>
    %swap3A_1095 = vector.shape_cast %broadcast_in_dim3A_1091 : vector<16xf32> to vector<16xf32>
    tpu.vector_store %arg6[%swap3A_1092], %swap3A_1095 {strides = array<i32>} : memref<3200xf32, #tpu.memory_space<vmem>>, vector<16xf32>,
    %broadcast_in_dim3A_1096 = arith.constant 0.000000e+00 : f32
    %broadcast_in_dim3A_1097 = vector.broadcast %broadcast_in_dim3A_1096 : f32 to vector<16xf32>
    %swap3A_1098 = arith.constant 2800 : index
    %swap3A_1099 = tpu.vector_load %arg6[%swap3A_1098] {strides = array<i32>} : memref<3200xf32, #tpu.memory_space<vmem>>, vector<16xf32>,
    %swap3A_1100 = vector.shape_cast %swap3A_1099 : vector<16xf32> to vector<16xf32>
    %swap3A_1101 = vector.shape_cast %broadcast_in_dim3A_1097 : vector<16xf32> to vector<16xf32>
    tpu.vector_store %arg6[%swap3A_1098], %swap3A_1101 {strides = array<i32>} : memref<3200xf32, #tpu.memory_space<vmem>>, vector<16xf32>,
    %broadcast_in_dim3A_1102 = arith.constant 0.000000e+00 : f32
    %broadcast_in_dim3A_1103 = vector.broadcast %broadcast_in_dim3A_1102 : f32 to vector<16xf32>
    %swap3A_1104 = arith.constant 2816 : index
    %swap3A_1105 = tpu.vector_load %arg6[%swap3A_1104] {strides = array<i32>} : memref<3200xf32, #tpu.memory_space<vmem>>, vector<16xf32>,
    %swap3A_1106 = vector.shape_cast %swap3A_1105 : vector<16xf32> to vector<16xf32>
    %swap3A_1107 = vector.shape_cast %broadcast_in_dim3A_1103 : vector<16xf32> to vector<16xf32>
    tpu.vector_store %arg6[%swap3A_1104], %swap3A_1107 {strides = array<i32>} : memref<3200xf32, #tpu.memory_space<vmem>>, vector<16xf32>,
    %broadcast_in_dim3A_1108 = arith.constant 0.000000e+00 : f32
    %broadcast_in_dim3A_1109 = vector.broadcast %broadcast_in_dim3A_1108 : f32 to vector<16xf32>
    %swap3A_1110 = arith.constant 2832 : index
    %swap3A_1111 = tpu.vector_load %arg6[%swap3A_1110] {strides = array<i32>} : memref<3200xf32, #tpu.memory_space<vmem>>, vector<16xf32>,
    %swap3A_1112 = vector.shape_cast %swap3A_1111 : vector<16xf32> to vector<16xf32>
    %swap3A_1113 = vector.shape_cast %broadcast_in_dim3A_1109 : vector<16xf32> to vector<16xf32>
    tpu.vector_store %arg6[%swap3A_1110], %swap3A_1113 {strides = array<i32>} : memref<3200xf32, #tpu.memory_space<vmem>>, vector<16xf32>,
    %broadcast_in_dim3A_1114 = arith.constant 0.000000e+00 : f32
    %broadcast_in_dim3A_1115 = vector.broadcast %broadcast_in_dim3A_1114 : f32 to vector<16xf32>
    %swap3A_1116 = arith.constant 2848 : index
    %swap3A_1117 = tpu.vector_load %arg6[%swap3A_1116] {strides = array<i32>} : memref<3200xf32, #tpu.memory_space<vmem>>, vector<16xf32>,
    %swap3A_1118 = vector.shape_cast %swap3A_1117 : vector<16xf32> to vector<16xf32>
    %swap3A_1119 = vector.shape_cast %broadcast_in_dim3A_1115 : vector<16xf32> to vector<16xf32>
    tpu.vector_store %arg6[%swap3A_1116], %swap3A_1119 {strides = array<i32>} : memref<3200xf32, #tpu.memory_space<vmem>>, vector<16xf32>,
    %broadcast_in_dim3A_1120 = arith.constant 0.000000e+00 : f32
    %broadcast_in_dim3A_1121 = vector.broadcast %broadcast_in_dim3A_1120 : f32 to vector<16xf32>
    %swap3A_1122 = arith.constant 2864 : index
    %swap3A_1123 = tpu.vector_load %arg6[%swap3A_1122] {strides = array<i32>} : memref<3200xf32, #tpu.memory_space<vmem>>, vector<16xf32>,
    %swap3A_1124 = vector.shape_cast %swap3A_1123 : vector<16xf32> to vector<16xf32>
    %swap3A_1125 = vector.shape_cast %broadcast_in_dim3A_1121 : vector<16xf32> to vector<16xf32>
    tpu.vector_store %arg6[%swap3A_1122], %swap3A_1125 {strides = array<i32>} : memref<3200xf32, #tpu.memory_space<vmem>>, vector<16xf32>,
    %broadcast_in_dim3A_1126 = arith.constant 0.000000e+00 : f32
    %broadcast_in_dim3A_1127 = vector.broadcast %broadcast_in_dim3A_1126 : f32 to vector<16xf32>
    %swap3A_1128 = arith.constant 2880 : index
    %swap3A_1129 = tpu.vector_load %arg6[%swap3A_1128] {strides = array<i32>} : memref<3200xf32, #tpu.memory_space<vmem>>, vector<16xf32>,
    %swap3A_1130 = vector.shape_cast %swap3A_1129 : vector<16xf32> to vector<16xf32>
    %swap3A_1131 = vector.shape_cast %broadcast_in_dim3A_1127 : vector<16xf32> to vector<16xf32>
    tpu.vector_store %arg6[%swap3A_1128], %swap3A_1131 {strides = array<i32>} : memref<3200xf32, #tpu.memory_space<vmem>>, vector<16xf32>,
    %broadcast_in_dim3A_1132 = arith.constant 0.000000e+00 : f32
    %broadcast_in_dim3A_1133 = vector.broadcast %broadcast_in_dim3A_1132 : f32 to vector<16xf32>
    %swap3A_1134 = arith.constant 2896 : index
    %swap3A_1135 = tpu.vector_load %arg6[%swap3A_1134] {strides = array<i32>} : memref<3200xf32, #tpu.memory_space<vmem>>, vector<16xf32>,
    %swap3A_1136 = vector.shape_cast %swap3A_1135 : vector<16xf32> to vector<16xf32>
    %swap3A_1137 = vector.shape_cast %broadcast_in_dim3A_1133 : vector<16xf32> to vector<16xf32>
    tpu.vector_store %arg6[%swap3A_1134], %swap3A_1137 {strides = array<i32>} : memref<3200xf32, #tpu.memory_space<vmem>>, vector<16xf32>,
    %broadcast_in_dim3A_1138 = arith.constant 0.000000e+00 : f32
    %broadcast_in_dim3A_1139 = vector.broadcast %broadcast_in_dim3A_1138 : f32 to vector<16xf32>
    %swap3A_1140 = arith.constant 2912 : index
    %swap3A_1141 = tpu.vector_load %arg6[%swap3A_1140] {strides = array<i32>} : memref<3200xf32, #tpu.memory_space<vmem>>, vector<16xf32>,
    %swap3A_1142 = vector.shape_cast %swap3A_1141 : vector<16xf32> to vector<16xf32>
    %swap3A_1143 = vector.shape_cast %broadcast_in_dim3A_1139 : vector<16xf32> to vector<16xf32>
    tpu.vector_store %arg6[%swap3A_1140], %swap3A_1143 {strides = array<i32>} : memref<3200xf32, #tpu.memory_space<vmem>>, vector<16xf32>,
    %broadcast_in_dim3A_1144 = arith.constant 0.000000e+00 : f32
    %broadcast_in_dim3A_1145 = vector.broadcast %broadcast_in_dim3A_1144 : f32 to vector<16xf32>
    %swap3A_1146 = arith.constant 2928 : index
    %swap3A_1147 = tpu.vector_load %arg6[%swap3A_1146] {strides = array<i32>} : memref<3200xf32, #tpu.memory_space<vmem>>, vector<16xf32>,
    %swap3A_1148 = vector.shape_cast %swap3A_1147 : vector<16xf32> to vector<16xf32>
    %swap3A_1149 = vector.shape_cast %broadcast_in_dim3A_1145 : vector<16xf32> to vector<16xf32>
    tpu.vector_store %arg6[%swap3A_1146], %swap3A_1149 {strides = array<i32>} : memref<3200xf32, #tpu.memory_space<vmem>>, vector<16xf32>,
    %broadcast_in_dim3A_1150 = arith.constant 0.000000e+00 : f32
    %broadcast_in_dim3A_1151 = vector.broadcast %broadcast_in_dim3A_1150 : f32 to vector<16xf32>
    %swap3A_1152 = arith.constant 2944 : index
    %swap3A_1153 = tpu.vector_load %arg6[%swap3A_1152] {strides = array<i32>} : memref<3200xf32, #tpu.memory_space<vmem>>, vector<16xf32>,
    %swap3A_1154 = vector.shape_cast %swap3A_1153 : vector<16xf32> to vector<16xf32>
    %swap3A_1155 = vector.shape_cast %broadcast_in_dim3A_1151 : vector<16xf32> to vector<16xf32>
    tpu.vector_store %arg6[%swap3A_1152], %swap3A_1155 {strides = array<i32>} : memref<3200xf32, #tpu.memory_space<vmem>>, vector<16xf32>,
    %broadcast_in_dim3A_1156 = arith.constant 0.000000e+00 : f32
    %broadcast_in_dim3A_1157 = vector.broadcast %broadcast_in_dim3A_1156 : f32 to vector<16xf32>
    %swap3A_1158 = arith.constant 2960 : index
    %swap3A_1159 = tpu.vector_load %arg6[%swap3A_1158] {strides = array<i32>} : memref<3200xf32, #tpu.memory_space<vmem>>, vector<16xf32>,
    %swap3A_1160 = vector.shape_cast %swap3A_1159 : vector<16xf32> to vector<16xf32>
    %swap3A_1161 = vector.shape_cast %broadcast_in_dim3A_1157 : vector<16xf32> to vector<16xf32>
    tpu.vector_store %arg6[%swap3A_1158], %swap3A_1161 {strides = array<i32>} : memref<3200xf32, #tpu.memory_space<vmem>>, vector<16xf32>,
    %broadcast_in_dim3A_1162 = arith.constant 0.000000e+00 : f32
    %broadcast_in_dim3A_1163 = vector.broadcast %broadcast_in_dim3A_1162 : f32 to vector<16xf32>
    %swap3A_1164 = arith.constant 2976 : index
    %swap3A_1165 = tpu.vector_load %arg6[%swap3A_1164] {strides = array<i32>} : memref<3200xf32, #tpu.memory_space<vmem>>, vector<16xf32>,
    %swap3A_1166 = vector.shape_cast %swap3A_1165 : vector<16xf32> to vector<16xf32>
    %swap3A_1167 = vector.shape_cast %broadcast_in_dim3A_1163 : vector<16xf32> to vector<16xf32>
    tpu.vector_store %arg6[%swap3A_1164], %swap3A_1167 {strides = array<i32>} : memref<3200xf32, #tpu.memory_space<vmem>>, vector<16xf32>,
    %broadcast_in_dim3A_1168 = arith.constant 0.000000e+00 : f32
    %broadcast_in_dim3A_1169 = vector.broadcast %broadcast_in_dim3A_1168 : f32 to vector<16xf32>
    %swap3A_1170 = arith.constant 2992 : index
    %swap3A_1171 = tpu.vector_load %arg6[%swap3A_1170] {strides = array<i32>} : memref<3200xf32, #tpu.memory_space<vmem>>, vector<16xf32>,
    %swap3A_1172 = vector.shape_cast %swap3A_1171 : vector<16xf32> to vector<16xf32>
    %swap3A_1173 = vector.shape_cast %broadcast_in_dim3A_1169 : vector<16xf32> to vector<16xf32>
    tpu.vector_store %arg6[%swap3A_1170], %swap3A_1173 {strides = array<i32>} : memref<3200xf32, #tpu.memory_space<vmem>>, vector<16xf32>,
    %broadcast_in_dim3A_1174 = arith.constant 0.000000e+00 : f32
    %broadcast_in_dim3A_1175 = vector.broadcast %broadcast_in_dim3A_1174 : f32 to vector<16xf32>
    %swap3A_1176 = arith.constant 3008 : index
    %swap3A_1177 = tpu.vector_load %arg6[%swap3A_1176] {strides = array<i32>} : memref<3200xf32, #tpu.memory_space<vmem>>, vector<16xf32>,
    %swap3A_1178 = vector.shape_cast %swap3A_1177 : vector<16xf32> to vector<16xf32>
    %swap3A_1179 = vector.shape_cast %broadcast_in_dim3A_1175 : vector<16xf32> to vector<16xf32>
    tpu.vector_store %arg6[%swap3A_1176], %swap3A_1179 {strides = array<i32>} : memref<3200xf32, #tpu.memory_space<vmem>>, vector<16xf32>,
    %broadcast_in_dim3A_1180 = arith.constant 0.000000e+00 : f32
    %broadcast_in_dim3A_1181 = vector.broadcast %broadcast_in_dim3A_1180 : f32 to vector<16xf32>
    %swap3A_1182 = arith.constant 3024 : index
    %swap3A_1183 = tpu.vector_load %arg6[%swap3A_1182] {strides = array<i32>} : memref<3200xf32, #tpu.memory_space<vmem>>, vector<16xf32>,
    %swap3A_1184 = vector.shape_cast %swap3A_1183 : vector<16xf32> to vector<16xf32>
    %swap3A_1185 = vector.shape_cast %broadcast_in_dim3A_1181 : vector<16xf32> to vector<16xf32>
    tpu.vector_store %arg6[%swap3A_1182], %swap3A_1185 {strides = array<i32>} : memref<3200xf32, #tpu.memory_space<vmem>>, vector<16xf32>,
    %broadcast_in_dim3A_1186 = arith.constant 0.000000e+00 : f32
    %broadcast_in_dim3A_1187 = vector.broadcast %broadcast_in_dim3A_1186 : f32 to vector<16xf32>
    %swap3A_1188 = arith.constant 3040 : index
    %swap3A_1189 = tpu.vector_load %arg6[%swap3A_1188] {strides = array<i32>} : memref<3200xf32, #tpu.memory_space<vmem>>, vector<16xf32>,
    %swap3A_1190 = vector.shape_cast %swap3A_1189 : vector<16xf32> to vector<16xf32>
    %swap3A_1191 = vector.shape_cast %broadcast_in_dim3A_1187 : vector<16xf32> to vector<16xf32>
    tpu.vector_store %arg6[%swap3A_1188], %swap3A_1191 {strides = array<i32>} : memref<3200xf32, #tpu.memory_space<vmem>>, vector<16xf32>,
    %broadcast_in_dim3A_1192 = arith.constant 0.000000e+00 : f32
    %broadcast_in_dim3A_1193 = vector.broadcast %broadcast_in_dim3A_1192 : f32 to vector<16xf32>
    %swap3A_1194 = arith.constant 3056 : index
    %swap3A_1195 = tpu.vector_load %arg6[%swap3A_1194] {strides = array<i32>} : memref<3200xf32, #tpu.memory_space<vmem>>, vector<16xf32>,
    %swap3A_1196 = vector.shape_cast %swap3A_1195 : vector<16xf32> to vector<16xf32>
    %swap3A_1197 = vector.shape_cast %broadcast_in_dim3A_1193 : vector<16xf32> to vector<16xf32>
    tpu.vector_store %arg6[%swap3A_1194], %swap3A_1197 {strides = array<i32>} : memref<3200xf32, #tpu.memory_space<vmem>>, vector<16xf32>,
    %broadcast_in_dim3A_1198 = arith.constant 0.000000e+00 : f32
    %broadcast_in_dim3A_1199 = vector.broadcast %broadcast_in_dim3A_1198 : f32 to vector<16xf32>
    %swap3A_1200 = arith.constant 3072 : index
    %swap3A_1201 = tpu.vector_load %arg6[%swap3A_1200] {strides = array<i32>} : memref<3200xf32, #tpu.memory_space<vmem>>, vector<16xf32>,
    %swap3A_1202 = vector.shape_cast %swap3A_1201 : vector<16xf32> to vector<16xf32>
    %swap3A_1203 = vector.shape_cast %broadcast_in_dim3A_1199 : vector<16xf32> to vector<16xf32>
    tpu.vector_store %arg6[%swap3A_1200], %swap3A_1203 {strides = array<i32>} : memref<3200xf32, #tpu.memory_space<vmem>>, vector<16xf32>,
    %broadcast_in_dim3A_1204 = arith.constant 0.000000e+00 : f32
    %broadcast_in_dim3A_1205 = vector.broadcast %broadcast_in_dim3A_1204 : f32 to vector<16xf32>
    %swap3A_1206 = arith.constant 3088 : index
    %swap3A_1207 = tpu.vector_load %arg6[%swap3A_1206] {strides = array<i32>} : memref<3200xf32, #tpu.memory_space<vmem>>, vector<16xf32>,
    %swap3A_1208 = vector.shape_cast %swap3A_1207 : vector<16xf32> to vector<16xf32>
    %swap3A_1209 = vector.shape_cast %broadcast_in_dim3A_1205 : vector<16xf32> to vector<16xf32>
    tpu.vector_store %arg6[%swap3A_1206], %swap3A_1209 {strides = array<i32>} : memref<3200xf32, #tpu.memory_space<vmem>>, vector<16xf32>,
    %broadcast_in_dim3A_1210 = arith.constant 0.000000e+00 : f32
    %broadcast_in_dim3A_1211 = vector.broadcast %broadcast_in_dim3A_1210 : f32 to vector<16xf32>
    %swap3A_1212 = arith.constant 3104 : index
    %swap3A_1213 = tpu.vector_load %arg6[%swap3A_1212] {strides = array<i32>} : memref<3200xf32, #tpu.memory_space<vmem>>, vector<16xf32>,
    %swap3A_1214 = vector.shape_cast %swap3A_1213 : vector<16xf32> to vector<16xf32>
    %swap3A_1215 = vector.shape_cast %broadcast_in_dim3A_1211 : vector<16xf32> to vector<16xf32>
    tpu.vector_store %arg6[%swap3A_1212], %swap3A_1215 {strides = array<i32>} : memref<3200xf32, #tpu.memory_space<vmem>>, vector<16xf32>,
    %broadcast_in_dim3A_1216 = arith.constant 0.000000e+00 : f32
    %broadcast_in_dim3A_1217 = vector.broadcast %broadcast_in_dim3A_1216 : f32 to vector<16xf32>
    %swap3A_1218 = arith.constant 3120 : index
    %swap3A_1219 = tpu.vector_load %arg6[%swap3A_1218] {strides = array<i32>} : memref<3200xf32, #tpu.memory_space<vmem>>, vector<16xf32>,
    %swap3A_1220 = vector.shape_cast %swap3A_1219 : vector<16xf32> to vector<16xf32>
    %swap3A_1221 = vector.shape_cast %broadcast_in_dim3A_1217 : vector<16xf32> to vector<16xf32>
    tpu.vector_store %arg6[%swap3A_1218], %swap3A_1221 {strides = array<i32>} : memref<3200xf32, #tpu.memory_space<vmem>>, vector<16xf32>,
    %broadcast_in_dim3A_1222 = arith.constant 0.000000e+00 : f32
    %broadcast_in_dim3A_1223 = vector.broadcast %broadcast_in_dim3A_1222 : f32 to vector<16xf32>
    %swap3A_1224 = arith.constant 3136 : index
    %swap3A_1225 = tpu.vector_load %arg6[%swap3A_1224] {strides = array<i32>} : memref<3200xf32, #tpu.memory_space<vmem>>, vector<16xf32>,
    %swap3A_1226 = vector.shape_cast %swap3A_1225 : vector<16xf32> to vector<16xf32>
    %swap3A_1227 = vector.shape_cast %broadcast_in_dim3A_1223 : vector<16xf32> to vector<16xf32>
    tpu.vector_store %arg6[%swap3A_1224], %swap3A_1227 {strides = array<i32>} : memref<3200xf32, #tpu.memory_space<vmem>>, vector<16xf32>,
    %broadcast_in_dim3A_1228 = arith.constant 0.000000e+00 : f32
    %broadcast_in_dim3A_1229 = vector.broadcast %broadcast_in_dim3A_1228 : f32 to vector<16xf32>
    %swap3A_1230 = arith.constant 3152 : index
    %swap3A_1231 = tpu.vector_load %arg6[%swap3A_1230] {strides = array<i32>} : memref<3200xf32, #tpu.memory_space<vmem>>, vector<16xf32>,
    %swap3A_1232 = vector.shape_cast %swap3A_1231 : vector<16xf32> to vector<16xf32>
    %swap3A_1233 = vector.shape_cast %broadcast_in_dim3A_1229 : vector<16xf32> to vector<16xf32>
    tpu.vector_store %arg6[%swap3A_1230], %swap3A_1233 {strides = array<i32>} : memref<3200xf32, #tpu.memory_space<vmem>>, vector<16xf32>,
    %broadcast_in_dim3A_1234 = arith.constant 0.000000e+00 : f32
    %broadcast_in_dim3A_1235 = vector.broadcast %broadcast_in_dim3A_1234 : f32 to vector<16xf32>
    %swap3A_1236 = arith.constant 3168 : index
    %swap3A_1237 = tpu.vector_load %arg6[%swap3A_1236] {strides = array<i32>} : memref<3200xf32, #tpu.memory_space<vmem>>, vector<16xf32>,
    %swap3A_1238 = vector.shape_cast %swap3A_1237 : vector<16xf32> to vector<16xf32>
    %swap3A_1239 = vector.shape_cast %broadcast_in_dim3A_1235 : vector<16xf32> to vector<16xf32>
    tpu.vector_store %arg6[%swap3A_1236], %swap3A_1239 {strides = array<i32>} : memref<3200xf32, #tpu.memory_space<vmem>>, vector<16xf32>,
    %broadcast_in_dim3A_1240 = arith.constant 0.000000e+00 : f32
    %broadcast_in_dim3A_1241 = vector.broadcast %broadcast_in_dim3A_1240 : f32 to vector<16xf32>
    %swap3A_1242 = arith.constant 3184 : index
    %swap3A_1243 = tpu.vector_load %arg6[%swap3A_1242] {strides = array<i32>} : memref<3200xf32, #tpu.memory_space<vmem>>, vector<16xf32>,
    %swap3A_1244 = vector.shape_cast %swap3A_1243 : vector<16xf32> to vector<16xf32>
    %swap3A_1245 = vector.shape_cast %broadcast_in_dim3A_1241 : vector<16xf32> to vector<16xf32>
    tpu.vector_store %arg6[%swap3A_1242], %swap3A_1245 {strides = array<i32>} : memref<3200xf32, #tpu.memory_space<vmem>>, vector<16xf32>,
    %mul3A = arith.constant 3200 : i32
    %mul3A_1246 = arith.muli %arg1, %mul3A : i32
    "tpu.region"() ({
      %run_scoped3A = tpu.sem_alloc : memref<!tpu.dma_semaphore, #tpu.memory_space<semaphore_mem>>
      %dma_start3A = arith.constant 0 : i32
      %dma_start3A_1279 = tpu.memref_slice %arg6[%dma_start3A] : memref<3200xf32, #tpu.memory_space<vmem>> -> memref<3200xf32, #tpu.memory_space<vmem>>
      %dma_start3A_1280 = tpu.memref_slice %arg7[%mul3A_1246] : memref<51200xf32, #tpu.memory_space<vmem_shared>> -> memref<3200xf32, #tpu.memory_space<vmem_shared>>
      %dma_start3A_1281 = tpu.memref_slice %arg7[%mul3A_1246] : memref<51200xf32, #tpu.memory_space<vmem_shared>> -> memref<3200xf32, #tpu.memory_space<vmem_shared>>
      %dma_start3A_1282 = arith.constant 0 : i32
      %dma_start3A_1283 = tpu.memref_slice %arg6[%dma_start3A_1282] : memref<3200xf32, #tpu.memory_space<vmem>> -> memref<3200xf32, #tpu.memory_space<vmem>>
      tpu.enqueue_dma source(%dma_start3A_1283 : memref<3200xf32, #tpu.memory_space<vmem>>) target(%dma_start3A_1281 : memref<3200xf32, #tpu.memory_space<vmem_shared>>) target_semaphore(%run_scoped3A : memref<!tpu.dma_semaphore, #tpu.memory_space<semaphore_mem>>)
      %dma_wait3A = arith.constant 0 : i32
      %dma_wait3A_1284 = tpu.memref_slice %arg6[%dma_wait3A] : memref<3200xf32, #tpu.memory_space<vmem>> -> memref<3200xf32, #tpu.memory_space<vmem>>
      %dma_wait3A_1285 = tpu.memref_slice %arg7[%mul3A_1246] : memref<51200xf32, #tpu.memory_space<vmem_shared>> -> memref<3200xf32, #tpu.memory_space<vmem_shared>>
      %dma_wait3A_1286 = tpu.memref_slice %arg7[%mul3A_1246] : memref<51200xf32, #tpu.memory_space<vmem_shared>> -> memref<3200xf32, #tpu.memory_space<vmem_shared>>
      %dma_wait3A_1287 = arith.constant 0 : i32
      %dma_wait3A_1288 = tpu.memref_slice %arg6[%dma_wait3A_1287] : memref<3200xf32, #tpu.memory_space<vmem>> -> memref<3200xf32, #tpu.memory_space<vmem>>
      tpu.wait_dma2 semaphore(%run_scoped3A : memref<!tpu.dma_semaphore, #tpu.memory_space<semaphore_mem>>) src(%dma_wait3A_1288 : memref<3200xf32, #tpu.memory_space<vmem>>) dst(%dma_wait3A_1286 : memref<3200xf32, #tpu.memory_space<vmem_shared>>)
      tpu.yield
    }) : () -> ()
    %mul3A_1247 = arith.constant 16 : i32
    %mul3A_1248 = arith.muli %arg0, %mul3A_1247 : i32
    %add3A = arith.addi %mul3A_1248, %arg1 : i32
    %lt3A = arith.constant 20 : i32
    %lt3A_1249 = arith.cmpi slt, %add3A, %lt3A : i32
    %jit3A = arith.constant 0 : i32
    %jit3A_1250 = arith.constant 1 : i32
    %select_n3A = arith.select %lt3A_1249, %jit3A, %jit3A_1250 : i32
    %mul3A_1251 = arith.constant 390 : i32
    %mul3A_1252 = arith.muli %mul3A_1251, %add3A : i32
    %min3A = arith.constant 20 : i32
    %min3A_1253 = arith.minsi %add3A, %min3A : i32
    %add3A_1254 = arith.addi %mul3A_1252, %min3A_1253 : i32
    %sub3A = arith.subi %add3A_1254, %select_n3A : i32
    "tpu.region"() ({
      %run_scoped3A = tpu.sem_alloc : memref<!tpu.dma_semaphore, #tpu.memory_space<semaphore_mem>>
      %dma_start3A = arith.constant 0 : i32
      %dma_start3A_1279 = arith.constant 0 : i32
      %dma_start3A_1280 = tpu.memref_slice %arg2[%sub3A, %dma_start3A, %dma_start3A_1279] : memref<12500x2x128xi32, #tpu.memory_space<hbm>> -> memref<391x2x128xi32, #tpu.memory_space<hbm>>
      %dma_start3A_1281 = arith.constant 0 : i32
      %dma_start3A_1282 = arith.constant 0 : i32
      %dma_start3A_1283 = tpu.memref_slice %arg2[%sub3A, %dma_start3A_1281, %dma_start3A_1282] : memref<12500x2x128xi32, #tpu.memory_space<hbm>> -> memref<391x2x128xi32, #tpu.memory_space<hbm>>
      tpu.enqueue_dma source(%dma_start3A_1283 : memref<391x2x128xi32, #tpu.memory_space<hbm>>) target(%arg4 : memref<391x2x128xi32, #tpu.memory_space<vmem>>) target_semaphore(%run_scoped3A : memref<!tpu.dma_semaphore, #tpu.memory_space<semaphore_mem>>)
      %dma_wait3A = arith.constant 0 : i32
      %dma_wait3A_1284 = arith.constant 0 : i32
      %dma_wait3A_1285 = tpu.memref_slice %arg2[%sub3A, %dma_wait3A, %dma_wait3A_1284] : memref<12500x2x128xi32, #tpu.memory_space<hbm>> -> memref<391x2x128xi32, #tpu.memory_space<hbm>>
      %dma_wait3A_1286 = arith.constant 0 : i32
      %dma_wait3A_1287 = arith.constant 0 : i32
      %dma_wait3A_1288 = tpu.memref_slice %arg2[%sub3A, %dma_wait3A_1286, %dma_wait3A_1287] : memref<12500x2x128xi32, #tpu.memory_space<hbm>> -> memref<391x2x128xi32, #tpu.memory_space<hbm>>
      tpu.wait_dma2 semaphore(%run_scoped3A : memref<!tpu.dma_semaphore, #tpu.memory_space<semaphore_mem>>) src(%dma_wait3A_1288 : memref<391x2x128xi32, #tpu.memory_space<hbm>>) dst(%arg4 : memref<391x2x128xi32, #tpu.memory_space<vmem>>)
      tpu.yield
    }) : () -> ()
    %barrier3A = arith.constant 0 : index
    tpu.barrier barrier_id(%barrier3A)
    %scan3A = arith.constant 0 : i32
    %scan3A_1255 = arith.constant 0 : i32
    %scan3A_1256 = arith.constant 97 : i32
    %scan3A_1257 = arith.addi %scan3A_1255, %scan3A_1256 : i32
    %scan3A_1258 = arith.constant 1 : i32
    scf.for %scan3A_1279 = %scan3A_1255 to %scan3A_1257 step %scan3A_1258  : i32 {
      %mul3A_1280 = arith.constant 4 : i32
      %mul3A_1281 = arith.muli %scan3A_1279, %mul3A_1280 : i32
      %add3A_1282 = arith.addi %select_n3A, %mul3A_1281 : i32
      %add3A_1283 = arith.constant 0 : i32
      %add3A_1284 = arith.addi %add3A_1282, %add3A_1283 : i32
      %dma_start3A = arith.constant 1 : i32
      %dma_start3A_1285 = arith.constant 0 : i32
      %dma_start3A_1286 = tpu.memref_slice %arg4[%add3A_1284, %dma_start3A, %dma_start3A_1285] : memref<391x2x128xi32, #tpu.memory_space<vmem>> -> memref<1x1x128xi32, #tpu.memory_space<vmem>>
      %dma_start3A_1287 = tpu.memref_squeeze %dma_start3A_1286 : memref<1x1x128xi32, #tpu.memory_space<vmem>> -> memref<128xi32, #tpu.memory_space<vmem>>
      %dma_start3A_1288 = arith.constant 0 : i32
      %dma_start3A_1289 = tpu.memref_slice %arg7[%dma_start3A_1288] : memref<51200xf32, #tpu.memory_space<vmem_shared>> -> memref<51200xf32, #tpu.memory_space<vmem_shared>>
      tpu.enqueue_indirect_dma source(%arg5 : memref<128xf32, #tpu.memory_space<vmem>>) target(%dma_start3A_1289 : memref<51200xf32, #tpu.memory_space<vmem_shared>>) offsets(%dma_start3A_1287 : memref<128xi32, #tpu.memory_space<vmem>>) semaphore(%arg8 : memref<!tpu.dma_semaphore, #tpu.memory_space<semaphore_mem>>) {add = true}
      %add3A_1290 = arith.constant 1 : i32
      %add3A_1291 = arith.addi %add3A_1282, %add3A_1290 : i32
      %dma_start3A_1292 = arith.constant 1 : i32
      %dma_start3A_1293 = arith.constant 0 : i32
      %dma_start3A_1294 = tpu.memref_slice %arg4[%add3A_1291, %dma_start3A_1292, %dma_start3A_1293] : memref<391x2x128xi32, #tpu.memory_space<vmem>> -> memref<1x1x128xi32, #tpu.memory_space<vmem>>
      %dma_start3A_1295 = tpu.memref_squeeze %dma_start3A_1294 : memref<1x1x128xi32, #tpu.memory_space<vmem>> -> memref<128xi32, #tpu.memory_space<vmem>>
      %dma_start3A_1296 = arith.constant 0 : i32
      %dma_start3A_1297 = tpu.memref_slice %arg7[%dma_start3A_1296] : memref<51200xf32, #tpu.memory_space<vmem_shared>> -> memref<51200xf32, #tpu.memory_space<vmem_shared>>
      tpu.enqueue_indirect_dma source(%arg5 : memref<128xf32, #tpu.memory_space<vmem>>) target(%dma_start3A_1297 : memref<51200xf32, #tpu.memory_space<vmem_shared>>) offsets(%dma_start3A_1295 : memref<128xi32, #tpu.memory_space<vmem>>) semaphore(%arg8 : memref<!tpu.dma_semaphore, #tpu.memory_space<semaphore_mem>>) {add = true}
      %add3A_1298 = arith.constant 2 : i32
      %add3A_1299 = arith.addi %add3A_1282, %add3A_1298 : i32
      %dma_start3A_1300 = arith.constant 1 : i32
      %dma_start3A_1301 = arith.constant 0 : i32
      %dma_start3A_1302 = tpu.memref_slice %arg4[%add3A_1299, %dma_start3A_1300, %dma_start3A_1301] : memref<391x2x128xi32, #tpu.memory_space<vmem>> -> memref<1x1x128xi32, #tpu.memory_space<vmem>>
      %dma_start3A_1303 = tpu.memref_squeeze %dma_start3A_1302 : memref<1x1x128xi32, #tpu.memory_space<vmem>> -> memref<128xi32, #tpu.memory_space<vmem>>
      %dma_start3A_1304 = arith.constant 0 : i32
      %dma_start3A_1305 = tpu.memref_slice %arg7[%dma_start3A_1304] : memref<51200xf32, #tpu.memory_space<vmem_shared>> -> memref<51200xf32, #tpu.memory_space<vmem_shared>>
      tpu.enqueue_indirect_dma source(%arg5 : memref<128xf32, #tpu.memory_space<vmem>>) target(%dma_start3A_1305 : memref<51200xf32, #tpu.memory_space<vmem_shared>>) offsets(%dma_start3A_1303 : memref<128xi32, #tpu.memory_space<vmem>>) semaphore(%arg8 : memref<!tpu.dma_semaphore, #tpu.memory_space<semaphore_mem>>) {add = true}
      %add3A_1306 = arith.constant 3 : i32
      %add3A_1307 = arith.addi %add3A_1282, %add3A_1306 : i32
      %dma_start3A_1308 = arith.constant 1 : i32
      %dma_start3A_1309 = arith.constant 0 : i32
      %dma_start3A_1310 = tpu.memref_slice %arg4[%add3A_1307, %dma_start3A_1308, %dma_start3A_1309] : memref<391x2x128xi32, #tpu.memory_space<vmem>> -> memref<1x1x128xi32, #tpu.memory_space<vmem>>
      %dma_start3A_1311 = tpu.memref_squeeze %dma_start3A_1310 : memref<1x1x128xi32, #tpu.memory_space<vmem>> -> memref<128xi32, #tpu.memory_space<vmem>>
      %dma_start3A_1312 = arith.constant 0 : i32
      %dma_start3A_1313 = tpu.memref_slice %arg7[%dma_start3A_1312] : memref<51200xf32, #tpu.memory_space<vmem_shared>> -> memref<51200xf32, #tpu.memory_space<vmem_shared>>
      tpu.enqueue_indirect_dma source(%arg5 : memref<128xf32, #tpu.memory_space<vmem>>) target(%dma_start3A_1313 : memref<51200xf32, #tpu.memory_space<vmem_shared>>) offsets(%dma_start3A_1311 : memref<128xi32, #tpu.memory_space<vmem>>) semaphore(%arg8 : memref<!tpu.dma_semaphore, #tpu.memory_space<semaphore_mem>>) {add = true}
      %dma_wait3A = arith.constant 1 : i32
      %dma_wait3A_1314 = arith.constant 0 : i32
      %dma_wait3A_1315 = tpu.memref_slice %arg4[%add3A_1284, %dma_wait3A, %dma_wait3A_1314] : memref<391x2x128xi32, #tpu.memory_space<vmem>> -> memref<1x1x128xi32, #tpu.memory_space<vmem>>
      %dma_wait3A_1316 = tpu.memref_squeeze %dma_wait3A_1315 : memref<1x1x128xi32, #tpu.memory_space<vmem>> -> memref<128xi32, #tpu.memory_space<vmem>>
      %dma_wait3A_1317 = arith.constant 0 : i32
      %dma_wait3A_1318 = tpu.memref_slice %arg7[%dma_wait3A_1317] : memref<51200xf32, #tpu.memory_space<vmem_shared>> -> memref<51200xf32, #tpu.memory_space<vmem_shared>>
      tpu.wait_indirect_dma semaphore(%arg8 : memref<!tpu.dma_semaphore, #tpu.memory_space<semaphore_mem>>) src(%arg5 : memref<128xf32, #tpu.memory_space<vmem>>) dst(%dma_wait3A_1318 : memref<51200xf32, #tpu.memory_space<vmem_shared>>)
      %dma_wait3A_1319 = arith.constant 1 : i32
      %dma_wait3A_1320 = arith.constant 0 : i32
      %dma_wait3A_1321 = tpu.memref_slice %arg4[%add3A_1291, %dma_wait3A_1319, %dma_wait3A_1320] : memref<391x2x128xi32, #tpu.memory_space<vmem>> -> memref<1x1x128xi32, #tpu.memory_space<vmem>>
      %dma_wait3A_1322 = tpu.memref_squeeze %dma_wait3A_1321 : memref<1x1x128xi32, #tpu.memory_space<vmem>> -> memref<128xi32, #tpu.memory_space<vmem>>
      %dma_wait3A_1323 = arith.constant 0 : i32
      %dma_wait3A_1324 = tpu.memref_slice %arg7[%dma_wait3A_1323] : memref<51200xf32, #tpu.memory_space<vmem_shared>> -> memref<51200xf32, #tpu.memory_space<vmem_shared>>
      tpu.wait_indirect_dma semaphore(%arg8 : memref<!tpu.dma_semaphore, #tpu.memory_space<semaphore_mem>>) src(%arg5 : memref<128xf32, #tpu.memory_space<vmem>>) dst(%dma_wait3A_1324 : memref<51200xf32, #tpu.memory_space<vmem_shared>>)
      %dma_wait3A_1325 = arith.constant 1 : i32
      %dma_wait3A_1326 = arith.constant 0 : i32
      %dma_wait3A_1327 = tpu.memref_slice %arg4[%add3A_1299, %dma_wait3A_1325, %dma_wait3A_1326] : memref<391x2x128xi32, #tpu.memory_space<vmem>> -> memref<1x1x128xi32, #tpu.memory_space<vmem>>
      %dma_wait3A_1328 = tpu.memref_squeeze %dma_wait3A_1327 : memref<1x1x128xi32, #tpu.memory_space<vmem>> -> memref<128xi32, #tpu.memory_space<vmem>>
      %dma_wait3A_1329 = arith.constant 0 : i32
      %dma_wait3A_1330 = tpu.memref_slice %arg7[%dma_wait3A_1329] : memref<51200xf32, #tpu.memory_space<vmem_shared>> -> memref<51200xf32, #tpu.memory_space<vmem_shared>>
      tpu.wait_indirect_dma semaphore(%arg8 : memref<!tpu.dma_semaphore, #tpu.memory_space<semaphore_mem>>) src(%arg5 : memref<128xf32, #tpu.memory_space<vmem>>) dst(%dma_wait3A_1330 : memref<51200xf32, #tpu.memory_space<vmem_shared>>)
      %dma_wait3A_1331 = arith.constant 1 : i32
      %dma_wait3A_1332 = arith.constant 0 : i32
      %dma_wait3A_1333 = tpu.memref_slice %arg4[%add3A_1307, %dma_wait3A_1331, %dma_wait3A_1332] : memref<391x2x128xi32, #tpu.memory_space<vmem>> -> memref<1x1x128xi32, #tpu.memory_space<vmem>>
      %dma_wait3A_1334 = tpu.memref_squeeze %dma_wait3A_1333 : memref<1x1x128xi32, #tpu.memory_space<vmem>> -> memref<128xi32, #tpu.memory_space<vmem>>
      %dma_wait3A_1335 = arith.constant 0 : i32
      %dma_wait3A_1336 = tpu.memref_slice %arg7[%dma_wait3A_1335] : memref<51200xf32, #tpu.memory_space<vmem_shared>> -> memref<51200xf32, #tpu.memory_space<vmem_shared>>
      tpu.wait_indirect_dma semaphore(%arg8 : memref<!tpu.dma_semaphore, #tpu.memory_space<semaphore_mem>>) src(%arg5 : memref<128xf32, #tpu.memory_space<vmem>>) dst(%dma_wait3A_1336 : memref<51200xf32, #tpu.memory_space<vmem_shared>>)
    }
    %scan3A_1259 = arith.constant 97 : i32
    %add3A_1260 = arith.constant 388 : i32
    %add3A_1261 = arith.addi %select_n3A, %add3A_1260 : i32
    %while3A = arith.constant 0 : i32
    %while3A_1262 = arith.constant 391 : i32
    %while3A_1263 = arith.subi %while3A_1262, %add3A_1261 : i32
    %while3A_1264 = arith.addi %add3A_1261, %while3A_1263 : i32
    %while3A_1265 = arith.constant 1 : i32
    %while3A_1266 = arith.divsi %while3A_1263, %while3A_1265 : i32
    %while3A_1267 = arith.muli %while3A_1266, %while3A_1265 : i32
    %while3A_1268 = arith.addi %add3A_1261, %while3A_1267 : i32
    %while3A_1269 = arith.constant 1 : i32
    scf.for %while3A_1279 = %add3A_1261 to %while3A_1268 step %while3A_1269  : i32 {
      %run_scoped3A = arith.constant 1 : i32
      "tpu.region"() ({
        %run_scoped3A_1280 = tpu.sem_alloc : memref<!tpu.dma_semaphore, #tpu.memory_space<semaphore_mem>>
        %dma_start3A = arith.constant 0 : i32
        %dma_start3A_1281 = tpu.memref_slice %arg4[%while3A_1279, %run_scoped3A, %dma_start3A] : memref<391x2x128xi32, #tpu.memory_space<vmem>> -> memref<1x1x128xi32, #tpu.memory_space<vmem>>
        %dma_start3A_1282 = tpu.memref_squeeze %dma_start3A_1281 : memref<1x1x128xi32, #tpu.memory_space<vmem>> -> memref<128xi32, #tpu.memory_space<vmem>>
        %dma_start3A_1283 = arith.constant 0 : i32
        %dma_start3A_1284 = tpu.memref_slice %arg7[%dma_start3A_1283] : memref<51200xf32, #tpu.memory_space<vmem_shared>> -> memref<51200xf32, #tpu.memory_space<vmem_shared>>
        tpu.enqueue_indirect_dma source(%arg5 : memref<128xf32, #tpu.memory_space<vmem>>) target(%dma_start3A_1284 : memref<51200xf32, #tpu.memory_space<vmem_shared>>) offsets(%dma_start3A_1282 : memref<128xi32, #tpu.memory_space<vmem>>) semaphore(%run_scoped3A_1280 : memref<!tpu.dma_semaphore, #tpu.memory_space<semaphore_mem>>) {add = true}
        %dma_wait3A = arith.constant 0 : i32
        %dma_wait3A_1285 = tpu.memref_slice %arg4[%while3A_1279, %run_scoped3A, %dma_wait3A] : memref<391x2x128xi32, #tpu.memory_space<vmem>> -> memref<1x1x128xi32, #tpu.memory_space<vmem>>
        %dma_wait3A_1286 = tpu.memref_squeeze %dma_wait3A_1285 : memref<1x1x128xi32, #tpu.memory_space<vmem>> -> memref<128xi32, #tpu.memory_space<vmem>>
        %dma_wait3A_1287 = arith.constant 0 : i32
        %dma_wait3A_1288 = tpu.memref_slice %arg7[%dma_wait3A_1287] : memref<51200xf32, #tpu.memory_space<vmem_shared>> -> memref<51200xf32, #tpu.memory_space<vmem_shared>>
        tpu.wait_indirect_dma semaphore(%run_scoped3A_1280 : memref<!tpu.dma_semaphore, #tpu.memory_space<semaphore_mem>>) src(%arg5 : memref<128xf32, #tpu.memory_space<vmem>>) dst(%dma_wait3A_1288 : memref<51200xf32, #tpu.memory_space<vmem_shared>>)
        tpu.yield
      }) : () -> ()
    }
    %while3A_1270 = arith.constant 1 : i32
    scf.for %while3A_1279 = %while3A_1268 to %while3A_1264 step %while3A_1270  : i32 {
      %run_scoped3A = arith.constant 1 : i32
      "tpu.region"() ({
        %run_scoped3A_1280 = tpu.sem_alloc : memref<!tpu.dma_semaphore, #tpu.memory_space<semaphore_mem>>
        %dma_start3A = arith.constant 0 : i32
        %dma_start3A_1281 = tpu.memref_slice %arg4[%while3A_1279, %run_scoped3A, %dma_start3A] : memref<391x2x128xi32, #tpu.memory_space<vmem>> -> memref<1x1x128xi32, #tpu.memory_space<vmem>>
        %dma_start3A_1282 = tpu.memref_squeeze %dma_start3A_1281 : memref<1x1x128xi32, #tpu.memory_space<vmem>> -> memref<128xi32, #tpu.memory_space<vmem>>
        %dma_start3A_1283 = arith.constant 0 : i32
        %dma_start3A_1284 = tpu.memref_slice %arg7[%dma_start3A_1283] : memref<51200xf32, #tpu.memory_space<vmem_shared>> -> memref<51200xf32, #tpu.memory_space<vmem_shared>>
        tpu.enqueue_indirect_dma source(%arg5 : memref<128xf32, #tpu.memory_space<vmem>>) target(%dma_start3A_1284 : memref<51200xf32, #tpu.memory_space<vmem_shared>>) offsets(%dma_start3A_1282 : memref<128xi32, #tpu.memory_space<vmem>>) semaphore(%run_scoped3A_1280 : memref<!tpu.dma_semaphore, #tpu.memory_space<semaphore_mem>>) {add = true}
        %dma_wait3A = arith.constant 0 : i32
        %dma_wait3A_1285 = tpu.memref_slice %arg4[%while3A_1279, %run_scoped3A, %dma_wait3A] : memref<391x2x128xi32, #tpu.memory_space<vmem>> -> memref<1x1x128xi32, #tpu.memory_space<vmem>>
        %dma_wait3A_1286 = tpu.memref_squeeze %dma_wait3A_1285 : memref<1x1x128xi32, #tpu.memory_space<vmem>> -> memref<128xi32, #tpu.memory_space<vmem>>
        %dma_wait3A_1287 = arith.constant 0 : i32
        %dma_wait3A_1288 = tpu.memref_slice %arg7[%dma_wait3A_1287] : memref<51200xf32, #tpu.memory_space<vmem_shared>> -> memref<51200xf32, #tpu.memory_space<vmem_shared>>
        tpu.wait_indirect_dma semaphore(%run_scoped3A_1280 : memref<!tpu.dma_semaphore, #tpu.memory_space<semaphore_mem>>) src(%arg5 : memref<128xf32, #tpu.memory_space<vmem>>) dst(%dma_wait3A_1288 : memref<51200xf32, #tpu.memory_space<vmem_shared>>)
        tpu.yield
      }) : () -> ()
    }
    %barrier3A_1271 = arith.constant 0 : index
    tpu.barrier barrier_id(%barrier3A_1271)
    %mul3A_1272 = arith.constant 3200 : i32
    %mul3A_1273 = arith.muli %arg1, %mul3A_1272 : i32
    "tpu.region"() ({
      %run_scoped3A = tpu.sem_alloc : memref<!tpu.dma_semaphore, #tpu.memory_space<semaphore_mem>>
      %dma_start3A = arith.constant 0 : i32
      %dma_start3A_1279 = tpu.memref_slice %arg6[%dma_start3A] : memref<3200xf32, #tpu.memory_space<vmem>> -> memref<3200xf32, #tpu.memory_space<vmem>>
      %dma_start3A_1280 = tpu.memref_slice %arg7[%mul3A_1273] : memref<51200xf32, #tpu.memory_space<vmem_shared>> -> memref<3200xf32, #tpu.memory_space<vmem_shared>>
      %dma_start3A_1281 = arith.constant 0 : i32
      %dma_start3A_1282 = tpu.memref_slice %arg6[%dma_start3A_1281] : memref<3200xf32, #tpu.memory_space<vmem>> -> memref<3200xf32, #tpu.memory_space<vmem>>
      %dma_start3A_1283 = tpu.memref_slice %arg7[%mul3A_1273] : memref<51200xf32, #tpu.memory_space<vmem_shared>> -> memref<3200xf32, #tpu.memory_space<vmem_shared>>
      tpu.enqueue_dma source(%dma_start3A_1283 : memref<3200xf32, #tpu.memory_space<vmem_shared>>) target(%dma_start3A_1282 : memref<3200xf32, #tpu.memory_space<vmem>>) target_semaphore(%run_scoped3A : memref<!tpu.dma_semaphore, #tpu.memory_space<semaphore_mem>>)
      %dma_wait3A = arith.constant 0 : i32
      %dma_wait3A_1284 = tpu.memref_slice %arg6[%dma_wait3A] : memref<3200xf32, #tpu.memory_space<vmem>> -> memref<3200xf32, #tpu.memory_space<vmem>>
      %dma_wait3A_1285 = tpu.memref_slice %arg7[%mul3A_1273] : memref<51200xf32, #tpu.memory_space<vmem_shared>> -> memref<3200xf32, #tpu.memory_space<vmem_shared>>
      %dma_wait3A_1286 = arith.constant 0 : i32
      %dma_wait3A_1287 = tpu.memref_slice %arg6[%dma_wait3A_1286] : memref<3200xf32, #tpu.memory_space<vmem>> -> memref<3200xf32, #tpu.memory_space<vmem>>
      %dma_wait3A_1288 = tpu.memref_slice %arg7[%mul3A_1273] : memref<51200xf32, #tpu.memory_space<vmem_shared>> -> memref<3200xf32, #tpu.memory_space<vmem_shared>>
      tpu.wait_dma2 semaphore(%run_scoped3A : memref<!tpu.dma_semaphore, #tpu.memory_space<semaphore_mem>>) src(%dma_wait3A_1288 : memref<3200xf32, #tpu.memory_space<vmem_shared>>) dst(%dma_wait3A_1287 : memref<3200xf32, #tpu.memory_space<vmem>>)
      tpu.yield
    }) : () -> ()
    %mul3A_1274 = arith.constant 51200 : i32
    %mul3A_1275 = arith.muli %arg0, %mul3A_1274 : i32
    %mul3A_1276 = arith.constant 3200 : i32
    %mul3A_1277 = arith.muli %arg1, %mul3A_1276 : i32
    %add3A_1278 = arith.addi %mul3A_1275, %mul3A_1277 : i32
    "tpu.region"() ({
      %run_scoped3A = tpu.sem_alloc : memref<!tpu.dma_semaphore, #tpu.memory_space<semaphore_mem>>
      %dma_start3A = arith.constant 0 : i32
      %dma_start3A_1279 = tpu.memref_slice %arg6[%dma_start3A] : memref<3200xf32, #tpu.memory_space<vmem>> -> memref<3200xf32, #tpu.memory_space<vmem>>
      %dma_start3A_1280 = tpu.memref_slice %arg3[%add3A_1278] : memref<102400xf32, #tpu.memory_space<hbm>> -> memref<3200xf32, #tpu.memory_space<hbm>>
      %dma_start3A_1281 = tpu.memref_slice %arg3[%add3A_1278] : memref<102400xf32, #tpu.memory_space<hbm>> -> memref<3200xf32, #tpu.memory_space<hbm>>
      %dma_start3A_1282 = arith.constant 0 : i32
      %dma_start3A_1283 = tpu.memref_slice %arg6[%dma_start3A_1282] : memref<3200xf32, #tpu.memory_space<vmem>> -> memref<3200xf32, #tpu.memory_space<vmem>>
      tpu.enqueue_dma source(%dma_start3A_1283 : memref<3200xf32, #tpu.memory_space<vmem>>) target(%dma_start3A_1281 : memref<3200xf32, #tpu.memory_space<hbm>>) target_semaphore(%run_scoped3A : memref<!tpu.dma_semaphore, #tpu.memory_space<semaphore_mem>>)
      %dma_wait3A = arith.constant 0 : i32
      %dma_wait3A_1284 = tpu.memref_slice %arg6[%dma_wait3A] : memref<3200xf32, #tpu.memory_space<vmem>> -> memref<3200xf32, #tpu.memory_space<vmem>>
      %dma_wait3A_1285 = tpu.memref_slice %arg3[%add3A_1278] : memref<102400xf32, #tpu.memory_space<hbm>> -> memref<3200xf32, #tpu.memory_space<hbm>>
      %dma_wait3A_1286 = tpu.memref_slice %arg3[%add3A_1278] : memref<102400xf32, #tpu.memory_space<hbm>> -> memref<3200xf32, #tpu.memory_space<hbm>>
      %dma_wait3A_1287 = arith.constant 0 : i32
      %dma_wait3A_1288 = tpu.memref_slice %arg6[%dma_wait3A_1287] : memref<3200xf32, #tpu.memory_space<vmem>> -> memref<3200xf32, #tpu.memory_space<vmem>>
      tpu.wait_dma2 semaphore(%run_scoped3A : memref<!tpu.dma_semaphore, #tpu.memory_space<semaphore_mem>>) src(%dma_wait3A_1288 : memref<3200xf32, #tpu.memory_space<vmem>>) dst(%dma_wait3A_1286 : memref<3200xf32, #tpu.memory_space<hbm>>)
      tpu.yield
    }) : () -> ()
    return
  }
}

#map = affine_map<(d0, d1) -> (0, 0)>
#map1 = affine_map<(d0, d1) -> (0, 0, 0)>
module attributes {stable_mosaic.version = 14 : i64} {
  func.func @body(%arg0: i32, %arg1: i32, %arg2: memref<50000x8xf32, #tpu.memory_space<hbm>>, %arg3: memref<12500x2x128xi32, #tpu.memory_space<hbm>>, %arg4: memref<50048x8xf32, #tpu.memory_space<hbm>>, %arg5: memref<2x51200x8xf32, #tpu.memory_space<hbm>>, %arg6: memref<391x2x128xi32, #tpu.memory_space<vmem>>, %arg7: memref<4x128x8xf32, #tpu.memory_space<vmem>>, %arg8: memref<50048x8xf32, #tpu.memory_space<vmem_shared>>, %arg9: memref<!tpu.dma_semaphore, #tpu.memory_space<semaphore_mem>>, %arg10: memref<!tpu.dma_semaphore, #tpu.memory_space<semaphore_mem>>) attributes {dimension_semantics = [#tpu.dimension_semantics<core_parallel>, #tpu.dimension_semantics<subcore_parallel>], iteration_bounds = array<i64: 2, 16>, scalar_prefetch = 0 : i64, scratch_operands = 5 : i64, tpu.core_type = #tpu.core_type<sc_vector_subcore>, window_params = [{transform_indices = #map}, {transform_indices = #map1}, {transform_indices = #map}, {transform_indices = #map1}]} {
    %mul3A = arith.constant 3128 : i32
    %mul3A_0 = arith.muli %arg1, %mul3A : i32
    %mul3A_1 = arith.constant 3128 : i32
    %mul3A_2 = arith.muli %arg1, %mul3A_1 : i32
    "tpu.region"() ({
      %run_scoped3A = tpu.sem_alloc : memref<!tpu.dma_semaphore, #tpu.memory_space<semaphore_mem>>
      %dma_start3A = arith.constant 0 : i32
      %dma_start3A_32 = tpu.memref_slice %arg8[%mul3A_2, %dma_start3A] : memref<50048x8xf32, #tpu.memory_space<vmem_shared>> -> memref<3128x8xf32, #tpu.memory_space<vmem_shared>>
      %dma_start3A_33 = arith.constant 0 : i32
      %dma_start3A_34 = tpu.memref_slice %arg4[%mul3A_0, %dma_start3A_33] : memref<50048x8xf32, #tpu.memory_space<hbm>> -> memref<3128x8xf32, #tpu.memory_space<hbm>>
      tpu.enqueue_dma source(%dma_start3A_34 : memref<3128x8xf32, #tpu.memory_space<hbm>>) target(%dma_start3A_32 : memref<3128x8xf32, #tpu.memory_space<vmem_shared>>) target_semaphore(%run_scoped3A : memref<!tpu.dma_semaphore, #tpu.memory_space<semaphore_mem>>)
      %dma_wait3A = arith.constant 0 : i32
      %dma_wait3A_35 = tpu.memref_slice %arg8[%mul3A_2, %dma_wait3A] : memref<50048x8xf32, #tpu.memory_space<vmem_shared>> -> memref<3128x8xf32, #tpu.memory_space<vmem_shared>>
      %dma_wait3A_36 = arith.constant 0 : i32
      %dma_wait3A_37 = tpu.memref_slice %arg4[%mul3A_0, %dma_wait3A_36] : memref<50048x8xf32, #tpu.memory_space<hbm>> -> memref<3128x8xf32, #tpu.memory_space<hbm>>
      tpu.wait_dma2 semaphore(%run_scoped3A : memref<!tpu.dma_semaphore, #tpu.memory_space<semaphore_mem>>) src(%dma_wait3A_37 : memref<3128x8xf32, #tpu.memory_space<hbm>>) dst(%dma_wait3A_35 : memref<3128x8xf32, #tpu.memory_space<vmem_shared>>)
      tpu.yield
    }) : () -> ()
    %mul3A_3 = arith.constant 16 : i32
    %mul3A_4 = arith.muli %arg0, %mul3A_3 : i32
    %add3A = arith.addi %mul3A_4, %arg1 : i32
    %lt3A = arith.constant 20 : i32
    %lt3A_5 = arith.cmpi slt, %add3A, %lt3A : i32
    %jit3A = arith.constant 0 : i32
    %jit3A_6 = arith.constant 1 : i32
    %select_n3A = arith.select %lt3A_5, %jit3A, %jit3A_6 : i32
    %mul3A_7 = arith.constant 390 : i32
    %mul3A_8 = arith.muli %mul3A_7, %add3A : i32
    %min3A = arith.constant 20 : i32
    %min3A_9 = arith.minsi %add3A, %min3A : i32
    %add3A_10 = arith.addi %mul3A_8, %min3A_9 : i32
    %sub3A = arith.subi %add3A_10, %select_n3A : i32
    "tpu.region"() ({
      %run_scoped3A = tpu.sem_alloc : memref<!tpu.dma_semaphore, #tpu.memory_space<semaphore_mem>>
      %dma_start3A = arith.constant 0 : i32
      %dma_start3A_32 = arith.constant 0 : i32
      %dma_start3A_33 = tpu.memref_slice %arg3[%sub3A, %dma_start3A, %dma_start3A_32] : memref<12500x2x128xi32, #tpu.memory_space<hbm>> -> memref<391x2x128xi32, #tpu.memory_space<hbm>>
      %dma_start3A_34 = arith.constant 0 : i32
      %dma_start3A_35 = arith.constant 0 : i32
      %dma_start3A_36 = tpu.memref_slice %arg3[%sub3A, %dma_start3A_34, %dma_start3A_35] : memref<12500x2x128xi32, #tpu.memory_space<hbm>> -> memref<391x2x128xi32, #tpu.memory_space<hbm>>
      tpu.enqueue_dma source(%dma_start3A_36 : memref<391x2x128xi32, #tpu.memory_space<hbm>>) target(%arg6 : memref<391x2x128xi32, #tpu.memory_space<vmem>>) target_semaphore(%run_scoped3A : memref<!tpu.dma_semaphore, #tpu.memory_space<semaphore_mem>>)
      %dma_wait3A = arith.constant 0 : i32
      %dma_wait3A_37 = arith.constant 0 : i32
      %dma_wait3A_38 = tpu.memref_slice %arg3[%sub3A, %dma_wait3A, %dma_wait3A_37] : memref<12500x2x128xi32, #tpu.memory_space<hbm>> -> memref<391x2x128xi32, #tpu.memory_space<hbm>>
      %dma_wait3A_39 = arith.constant 0 : i32
      %dma_wait3A_40 = arith.constant 0 : i32
      %dma_wait3A_41 = tpu.memref_slice %arg3[%sub3A, %dma_wait3A_39, %dma_wait3A_40] : memref<12500x2x128xi32, #tpu.memory_space<hbm>> -> memref<391x2x128xi32, #tpu.memory_space<hbm>>
      tpu.wait_dma2 semaphore(%run_scoped3A : memref<!tpu.dma_semaphore, #tpu.memory_space<semaphore_mem>>) src(%dma_wait3A_41 : memref<391x2x128xi32, #tpu.memory_space<hbm>>) dst(%arg6 : memref<391x2x128xi32, #tpu.memory_space<vmem>>)
      tpu.yield
    }) : () -> ()
    %barrier3A = arith.constant 0 : index
    tpu.barrier barrier_id(%barrier3A)
    %scan3A = arith.constant 0 : i32
    %scan3A_11 = arith.constant 0 : i32
    %scan3A_12 = arith.constant 97 : i32
    %scan3A_13 = arith.addi %scan3A_11, %scan3A_12 : i32
    %scan3A_14 = arith.constant 1 : i32
    scf.for %scan3A_32 = %scan3A_11 to %scan3A_13 step %scan3A_14  : i32 {
      %mul3A_33 = arith.constant 4 : i32
      %mul3A_34 = arith.muli %scan3A_32, %mul3A_33 : i32
      %add3A_35 = arith.addi %select_n3A, %mul3A_34 : i32
      %add3A_36 = arith.constant 0 : i32
      %add3A_37 = arith.addi %add3A_35, %add3A_36 : i32
      %dma_start3A = arith.constant 0 : i32
      %dma_start3A_38 = arith.constant 0 : i32
      %dma_start3A_39 = arith.constant 0 : i32
      %dma_start3A_40 = arith.constant 0 : i32
      %dma_start3A_41 = tpu.memref_slice %arg7[%dma_start3A_38, %dma_start3A_39, %dma_start3A_40] : memref<4x128x8xf32, #tpu.memory_space<vmem>> -> memref<1x128x8xf32, #tpu.memory_space<vmem>>
      %dma_start3A_42 = tpu.memref_squeeze %dma_start3A_41 : memref<1x128x8xf32, #tpu.memory_space<vmem>> -> memref<128x8xf32, #tpu.memory_space<vmem>>
      %dma_start3A_43 = arith.constant 0 : i32
      %dma_start3A_44 = tpu.memref_slice %arg6[%add3A_37, %dma_start3A, %dma_start3A_43] : memref<391x2x128xi32, #tpu.memory_space<vmem>> -> memref<1x1x128xi32, #tpu.memory_space<vmem>>
      %dma_start3A_45 = tpu.memref_squeeze %dma_start3A_44 : memref<1x1x128xi32, #tpu.memory_space<vmem>> -> memref<128xi32, #tpu.memory_space<vmem>>
      %dma_start3A_46 = arith.constant 0 : i32
      %dma_start3A_47 = arith.constant 0 : i32
      %dma_start3A_48 = tpu.memref_slice %arg2[%dma_start3A_46, %dma_start3A_47] : memref<50000x8xf32, #tpu.memory_space<hbm>> -> memref<50000x8xf32, #tpu.memory_space<hbm>>
      tpu.enqueue_indirect_dma source(%dma_start3A_48 : memref<50000x8xf32, #tpu.memory_space<hbm>>) target(%dma_start3A_42 : memref<128x8xf32, #tpu.memory_space<vmem>>) offsets(%dma_start3A_45 : memref<128xi32, #tpu.memory_space<vmem>>) semaphore(%arg9 : memref<!tpu.dma_semaphore, #tpu.memory_space<semaphore_mem>>)
      %add3A_49 = arith.constant 1 : i32
      %add3A_50 = arith.addi %add3A_35, %add3A_49 : i32
      %dma_start3A_51 = arith.constant 0 : i32
      %dma_start3A_52 = arith.constant 1 : i32
      %dma_start3A_53 = arith.constant 0 : i32
      %dma_start3A_54 = arith.constant 0 : i32
      %dma_start3A_55 = tpu.memref_slice %arg7[%dma_start3A_52, %dma_start3A_53, %dma_start3A_54] : memref<4x128x8xf32, #tpu.memory_space<vmem>> -> memref<1x128x8xf32, #tpu.memory_space<vmem>>
      %dma_start3A_56 = tpu.memref_squeeze %dma_start3A_55 : memref<1x128x8xf32, #tpu.memory_space<vmem>> -> memref<128x8xf32, #tpu.memory_space<vmem>>
      %dma_start3A_57 = arith.constant 0 : i32
      %dma_start3A_58 = tpu.memref_slice %arg6[%add3A_50, %dma_start3A_51, %dma_start3A_57] : memref<391x2x128xi32, #tpu.memory_space<vmem>> -> memref<1x1x128xi32, #tpu.memory_space<vmem>>
      %dma_start3A_59 = tpu.memref_squeeze %dma_start3A_58 : memref<1x1x128xi32, #tpu.memory_space<vmem>> -> memref<128xi32, #tpu.memory_space<vmem>>
      %dma_start3A_60 = arith.constant 0 : i32
      %dma_start3A_61 = arith.constant 0 : i32
      %dma_start3A_62 = tpu.memref_slice %arg2[%dma_start3A_60, %dma_start3A_61] : memref<50000x8xf32, #tpu.memory_space<hbm>> -> memref<50000x8xf32, #tpu.memory_space<hbm>>
      tpu.enqueue_indirect_dma source(%dma_start3A_62 : memref<50000x8xf32, #tpu.memory_space<hbm>>) target(%dma_start3A_56 : memref<128x8xf32, #tpu.memory_space<vmem>>) offsets(%dma_start3A_59 : memref<128xi32, #tpu.memory_space<vmem>>) semaphore(%arg9 : memref<!tpu.dma_semaphore, #tpu.memory_space<semaphore_mem>>)
      %add3A_63 = arith.constant 2 : i32
      %add3A_64 = arith.addi %add3A_35, %add3A_63 : i32
      %dma_start3A_65 = arith.constant 0 : i32
      %dma_start3A_66 = arith.constant 2 : i32
      %dma_start3A_67 = arith.constant 0 : i32
      %dma_start3A_68 = arith.constant 0 : i32
      %dma_start3A_69 = tpu.memref_slice %arg7[%dma_start3A_66, %dma_start3A_67, %dma_start3A_68] : memref<4x128x8xf32, #tpu.memory_space<vmem>> -> memref<1x128x8xf32, #tpu.memory_space<vmem>>
      %dma_start3A_70 = tpu.memref_squeeze %dma_start3A_69 : memref<1x128x8xf32, #tpu.memory_space<vmem>> -> memref<128x8xf32, #tpu.memory_space<vmem>>
      %dma_start3A_71 = arith.constant 0 : i32
      %dma_start3A_72 = tpu.memref_slice %arg6[%add3A_64, %dma_start3A_65, %dma_start3A_71] : memref<391x2x128xi32, #tpu.memory_space<vmem>> -> memref<1x1x128xi32, #tpu.memory_space<vmem>>
      %dma_start3A_73 = tpu.memref_squeeze %dma_start3A_72 : memref<1x1x128xi32, #tpu.memory_space<vmem>> -> memref<128xi32, #tpu.memory_space<vmem>>
      %dma_start3A_74 = arith.constant 0 : i32
      %dma_start3A_75 = arith.constant 0 : i32
      %dma_start3A_76 = tpu.memref_slice %arg2[%dma_start3A_74, %dma_start3A_75] : memref<50000x8xf32, #tpu.memory_space<hbm>> -> memref<50000x8xf32, #tpu.memory_space<hbm>>
      tpu.enqueue_indirect_dma source(%dma_start3A_76 : memref<50000x8xf32, #tpu.memory_space<hbm>>) target(%dma_start3A_70 : memref<128x8xf32, #tpu.memory_space<vmem>>) offsets(%dma_start3A_73 : memref<128xi32, #tpu.memory_space<vmem>>) semaphore(%arg9 : memref<!tpu.dma_semaphore, #tpu.memory_space<semaphore_mem>>)
      %add3A_77 = arith.constant 3 : i32
      %add3A_78 = arith.addi %add3A_35, %add3A_77 : i32
      %dma_start3A_79 = arith.constant 0 : i32
      %dma_start3A_80 = arith.constant 3 : i32
      %dma_start3A_81 = arith.constant 0 : i32
      %dma_start3A_82 = arith.constant 0 : i32
      %dma_start3A_83 = tpu.memref_slice %arg7[%dma_start3A_80, %dma_start3A_81, %dma_start3A_82] : memref<4x128x8xf32, #tpu.memory_space<vmem>> -> memref<1x128x8xf32, #tpu.memory_space<vmem>>
      %dma_start3A_84 = tpu.memref_squeeze %dma_start3A_83 : memref<1x128x8xf32, #tpu.memory_space<vmem>> -> memref<128x8xf32, #tpu.memory_space<vmem>>
      %dma_start3A_85 = arith.constant 0 : i32
      %dma_start3A_86 = tpu.memref_slice %arg6[%add3A_78, %dma_start3A_79, %dma_start3A_85] : memref<391x2x128xi32, #tpu.memory_space<vmem>> -> memref<1x1x128xi32, #tpu.memory_space<vmem>>
      %dma_start3A_87 = tpu.memref_squeeze %dma_start3A_86 : memref<1x1x128xi32, #tpu.memory_space<vmem>> -> memref<128xi32, #tpu.memory_space<vmem>>
      %dma_start3A_88 = arith.constant 0 : i32
      %dma_start3A_89 = arith.constant 0 : i32
      %dma_start3A_90 = tpu.memref_slice %arg2[%dma_start3A_88, %dma_start3A_89] : memref<50000x8xf32, #tpu.memory_space<hbm>> -> memref<50000x8xf32, #tpu.memory_space<hbm>>
      tpu.enqueue_indirect_dma source(%dma_start3A_90 : memref<50000x8xf32, #tpu.memory_space<hbm>>) target(%dma_start3A_84 : memref<128x8xf32, #tpu.memory_space<vmem>>) offsets(%dma_start3A_87 : memref<128xi32, #tpu.memory_space<vmem>>) semaphore(%arg9 : memref<!tpu.dma_semaphore, #tpu.memory_space<semaphore_mem>>)
      %dma_wait3A = arith.constant 0 : i32
      %dma_wait3A_91 = arith.constant 0 : i32
      %dma_wait3A_92 = arith.constant 0 : i32
      %dma_wait3A_93 = arith.constant 0 : i32
      %dma_wait3A_94 = tpu.memref_slice %arg7[%dma_wait3A_91, %dma_wait3A_92, %dma_wait3A_93] : memref<4x128x8xf32, #tpu.memory_space<vmem>> -> memref<1x128x8xf32, #tpu.memory_space<vmem>>
      %dma_wait3A_95 = tpu.memref_squeeze %dma_wait3A_94 : memref<1x128x8xf32, #tpu.memory_space<vmem>> -> memref<128x8xf32, #tpu.memory_space<vmem>>
      %dma_wait3A_96 = arith.constant 0 : i32
      %dma_wait3A_97 = tpu.memref_slice %arg6[%add3A_37, %dma_wait3A, %dma_wait3A_96] : memref<391x2x128xi32, #tpu.memory_space<vmem>> -> memref<1x1x128xi32, #tpu.memory_space<vmem>>
      %dma_wait3A_98 = tpu.memref_squeeze %dma_wait3A_97 : memref<1x1x128xi32, #tpu.memory_space<vmem>> -> memref<128xi32, #tpu.memory_space<vmem>>
      %dma_wait3A_99 = arith.constant 0 : i32
      %dma_wait3A_100 = arith.constant 0 : i32
      %dma_wait3A_101 = tpu.memref_slice %arg2[%dma_wait3A_99, %dma_wait3A_100] : memref<50000x8xf32, #tpu.memory_space<hbm>> -> memref<50000x8xf32, #tpu.memory_space<hbm>>
      tpu.wait_indirect_dma semaphore(%arg9 : memref<!tpu.dma_semaphore, #tpu.memory_space<semaphore_mem>>) src(%dma_wait3A_101 : memref<50000x8xf32, #tpu.memory_space<hbm>>) dst(%dma_wait3A_95 : memref<128x8xf32, #tpu.memory_space<vmem>>)
      %dma_wait3A_102 = arith.constant 0 : i32
      %dma_wait3A_103 = arith.constant 1 : i32
      %dma_wait3A_104 = arith.constant 0 : i32
      %dma_wait3A_105 = arith.constant 0 : i32
      %dma_wait3A_106 = tpu.memref_slice %arg7[%dma_wait3A_103, %dma_wait3A_104, %dma_wait3A_105] : memref<4x128x8xf32, #tpu.memory_space<vmem>> -> memref<1x128x8xf32, #tpu.memory_space<vmem>>
      %dma_wait3A_107 = tpu.memref_squeeze %dma_wait3A_106 : memref<1x128x8xf32, #tpu.memory_space<vmem>> -> memref<128x8xf32, #tpu.memory_space<vmem>>
      %dma_wait3A_108 = arith.constant 0 : i32
      %dma_wait3A_109 = tpu.memref_slice %arg6[%add3A_50, %dma_wait3A_102, %dma_wait3A_108] : memref<391x2x128xi32, #tpu.memory_space<vmem>> -> memref<1x1x128xi32, #tpu.memory_space<vmem>>
      %dma_wait3A_110 = tpu.memref_squeeze %dma_wait3A_109 : memref<1x1x128xi32, #tpu.memory_space<vmem>> -> memref<128xi32, #tpu.memory_space<vmem>>
      %dma_wait3A_111 = arith.constant 0 : i32
      %dma_wait3A_112 = arith.constant 0 : i32
      %dma_wait3A_113 = tpu.memref_slice %arg2[%dma_wait3A_111, %dma_wait3A_112] : memref<50000x8xf32, #tpu.memory_space<hbm>> -> memref<50000x8xf32, #tpu.memory_space<hbm>>
      tpu.wait_indirect_dma semaphore(%arg9 : memref<!tpu.dma_semaphore, #tpu.memory_space<semaphore_mem>>) src(%dma_wait3A_113 : memref<50000x8xf32, #tpu.memory_space<hbm>>) dst(%dma_wait3A_107 : memref<128x8xf32, #tpu.memory_space<vmem>>)
      %dma_wait3A_114 = arith.constant 0 : i32
      %dma_wait3A_115 = arith.constant 2 : i32
      %dma_wait3A_116 = arith.constant 0 : i32
      %dma_wait3A_117 = arith.constant 0 : i32
      %dma_wait3A_118 = tpu.memref_slice %arg7[%dma_wait3A_115, %dma_wait3A_116, %dma_wait3A_117] : memref<4x128x8xf32, #tpu.memory_space<vmem>> -> memref<1x128x8xf32, #tpu.memory_space<vmem>>
      %dma_wait3A_119 = tpu.memref_squeeze %dma_wait3A_118 : memref<1x128x8xf32, #tpu.memory_space<vmem>> -> memref<128x8xf32, #tpu.memory_space<vmem>>
      %dma_wait3A_120 = arith.constant 0 : i32
      %dma_wait3A_121 = tpu.memref_slice %arg6[%add3A_64, %dma_wait3A_114, %dma_wait3A_120] : memref<391x2x128xi32, #tpu.memory_space<vmem>> -> memref<1x1x128xi32, #tpu.memory_space<vmem>>
      %dma_wait3A_122 = tpu.memref_squeeze %dma_wait3A_121 : memref<1x1x128xi32, #tpu.memory_space<vmem>> -> memref<128xi32, #tpu.memory_space<vmem>>
      %dma_wait3A_123 = arith.constant 0 : i32
      %dma_wait3A_124 = arith.constant 0 : i32
      %dma_wait3A_125 = tpu.memref_slice %arg2[%dma_wait3A_123, %dma_wait3A_124] : memref<50000x8xf32, #tpu.memory_space<hbm>> -> memref<50000x8xf32, #tpu.memory_space<hbm>>
      tpu.wait_indirect_dma semaphore(%arg9 : memref<!tpu.dma_semaphore, #tpu.memory_space<semaphore_mem>>) src(%dma_wait3A_125 : memref<50000x8xf32, #tpu.memory_space<hbm>>) dst(%dma_wait3A_119 : memref<128x8xf32, #tpu.memory_space<vmem>>)
      %dma_wait3A_126 = arith.constant 0 : i32
      %dma_wait3A_127 = arith.constant 3 : i32
      %dma_wait3A_128 = arith.constant 0 : i32
      %dma_wait3A_129 = arith.constant 0 : i32
      %dma_wait3A_130 = tpu.memref_slice %arg7[%dma_wait3A_127, %dma_wait3A_128, %dma_wait3A_129] : memref<4x128x8xf32, #tpu.memory_space<vmem>> -> memref<1x128x8xf32, #tpu.memory_space<vmem>>
      %dma_wait3A_131 = tpu.memref_squeeze %dma_wait3A_130 : memref<1x128x8xf32, #tpu.memory_space<vmem>> -> memref<128x8xf32, #tpu.memory_space<vmem>>
      %dma_wait3A_132 = arith.constant 0 : i32
      %dma_wait3A_133 = tpu.memref_slice %arg6[%add3A_78, %dma_wait3A_126, %dma_wait3A_132] : memref<391x2x128xi32, #tpu.memory_space<vmem>> -> memref<1x1x128xi32, #tpu.memory_space<vmem>>
      %dma_wait3A_134 = tpu.memref_squeeze %dma_wait3A_133 : memref<1x1x128xi32, #tpu.memory_space<vmem>> -> memref<128xi32, #tpu.memory_space<vmem>>
      %dma_wait3A_135 = arith.constant 0 : i32
      %dma_wait3A_136 = arith.constant 0 : i32
      %dma_wait3A_137 = tpu.memref_slice %arg2[%dma_wait3A_135, %dma_wait3A_136] : memref<50000x8xf32, #tpu.memory_space<hbm>> -> memref<50000x8xf32, #tpu.memory_space<hbm>>
      tpu.wait_indirect_dma semaphore(%arg9 : memref<!tpu.dma_semaphore, #tpu.memory_space<semaphore_mem>>) src(%dma_wait3A_137 : memref<50000x8xf32, #tpu.memory_space<hbm>>) dst(%dma_wait3A_131 : memref<128x8xf32, #tpu.memory_space<vmem>>)
      %add3A_138 = arith.constant 0 : i32
      %add3A_139 = arith.addi %add3A_35, %add3A_138 : i32
      %dma_start3A_140 = arith.constant 0 : i32
      %dma_start3A_141 = arith.constant 1 : i32
      %dma_start3A_142 = arith.constant 0 : i32
      %dma_start3A_143 = arith.constant 0 : i32
      %dma_start3A_144 = tpu.memref_slice %arg7[%dma_start3A_140, %dma_start3A_142, %dma_start3A_143] : memref<4x128x8xf32, #tpu.memory_space<vmem>> -> memref<1x128x8xf32, #tpu.memory_space<vmem>>
      %dma_start3A_145 = tpu.memref_squeeze %dma_start3A_144 : memref<1x128x8xf32, #tpu.memory_space<vmem>> -> memref<128x8xf32, #tpu.memory_space<vmem>>
      %dma_start3A_146 = arith.constant 0 : i32
      %dma_start3A_147 = tpu.memref_slice %arg6[%add3A_139, %dma_start3A_141, %dma_start3A_146] : memref<391x2x128xi32, #tpu.memory_space<vmem>> -> memref<1x1x128xi32, #tpu.memory_space<vmem>>
      %dma_start3A_148 = tpu.memref_squeeze %dma_start3A_147 : memref<1x1x128xi32, #tpu.memory_space<vmem>> -> memref<128xi32, #tpu.memory_space<vmem>>
      %dma_start3A_149 = arith.constant 0 : i32
      %dma_start3A_150 = arith.constant 0 : i32
      %dma_start3A_151 = tpu.memref_slice %arg8[%dma_start3A_149, %dma_start3A_150] : memref<50048x8xf32, #tpu.memory_space<vmem_shared>> -> memref<50048x8xf32, #tpu.memory_space<vmem_shared>>
      tpu.enqueue_indirect_dma source(%dma_start3A_145 : memref<128x8xf32, #tpu.memory_space<vmem>>) target(%dma_start3A_151 : memref<50048x8xf32, #tpu.memory_space<vmem_shared>>) offsets(%dma_start3A_148 : memref<128xi32, #tpu.memory_space<vmem>>) semaphore(%arg10 : memref<!tpu.dma_semaphore, #tpu.memory_space<semaphore_mem>>) {add = true}
      %add3A_152 = arith.constant 1 : i32
      %add3A_153 = arith.addi %add3A_35, %add3A_152 : i32
      %dma_start3A_154 = arith.constant 1 : i32
      %dma_start3A_155 = arith.constant 1 : i32
      %dma_start3A_156 = arith.constant 0 : i32
      %dma_start3A_157 = arith.constant 0 : i32
      %dma_start3A_158 = tpu.memref_slice %arg7[%dma_start3A_154, %dma_start3A_156, %dma_start3A_157] : memref<4x128x8xf32, #tpu.memory_space<vmem>> -> memref<1x128x8xf32, #tpu.memory_space<vmem>>
      %dma_start3A_159 = tpu.memref_squeeze %dma_start3A_158 : memref<1x128x8xf32, #tpu.memory_space<vmem>> -> memref<128x8xf32, #tpu.memory_space<vmem>>
      %dma_start3A_160 = arith.constant 0 : i32
      %dma_start3A_161 = tpu.memref_slice %arg6[%add3A_153, %dma_start3A_155, %dma_start3A_160] : memref<391x2x128xi32, #tpu.memory_space<vmem>> -> memref<1x1x128xi32, #tpu.memory_space<vmem>>
      %dma_start3A_162 = tpu.memref_squeeze %dma_start3A_161 : memref<1x1x128xi32, #tpu.memory_space<vmem>> -> memref<128xi32, #tpu.memory_space<vmem>>
      %dma_start3A_163 = arith.constant 0 : i32
      %dma_start3A_164 = arith.constant 0 : i32
      %dma_start3A_165 = tpu.memref_slice %arg8[%dma_start3A_163, %dma_start3A_164] : memref<50048x8xf32, #tpu.memory_space<vmem_shared>> -> memref<50048x8xf32, #tpu.memory_space<vmem_shared>>
      tpu.enqueue_indirect_dma source(%dma_start3A_159 : memref<128x8xf32, #tpu.memory_space<vmem>>) target(%dma_start3A_165 : memref<50048x8xf32, #tpu.memory_space<vmem_shared>>) offsets(%dma_start3A_162 : memref<128xi32, #tpu.memory_space<vmem>>) semaphore(%arg10 : memref<!tpu.dma_semaphore, #tpu.memory_space<semaphore_mem>>) {add = true}
      %add3A_166 = arith.constant 2 : i32
      %add3A_167 = arith.addi %add3A_35, %add3A_166 : i32
      %dma_start3A_168 = arith.constant 2 : i32
      %dma_start3A_169 = arith.constant 1 : i32
      %dma_start3A_170 = arith.constant 0 : i32
      %dma_start3A_171 = arith.constant 0 : i32
      %dma_start3A_172 = tpu.memref_slice %arg7[%dma_start3A_168, %dma_start3A_170, %dma_start3A_171] : memref<4x128x8xf32, #tpu.memory_space<vmem>> -> memref<1x128x8xf32, #tpu.memory_space<vmem>>
      %dma_start3A_173 = tpu.memref_squeeze %dma_start3A_172 : memref<1x128x8xf32, #tpu.memory_space<vmem>> -> memref<128x8xf32, #tpu.memory_space<vmem>>
      %dma_start3A_174 = arith.constant 0 : i32
      %dma_start3A_175 = tpu.memref_slice %arg6[%add3A_167, %dma_start3A_169, %dma_start3A_174] : memref<391x2x128xi32, #tpu.memory_space<vmem>> -> memref<1x1x128xi32, #tpu.memory_space<vmem>>
      %dma_start3A_176 = tpu.memref_squeeze %dma_start3A_175 : memref<1x1x128xi32, #tpu.memory_space<vmem>> -> memref<128xi32, #tpu.memory_space<vmem>>
      %dma_start3A_177 = arith.constant 0 : i32
      %dma_start3A_178 = arith.constant 0 : i32
      %dma_start3A_179 = tpu.memref_slice %arg8[%dma_start3A_177, %dma_start3A_178] : memref<50048x8xf32, #tpu.memory_space<vmem_shared>> -> memref<50048x8xf32, #tpu.memory_space<vmem_shared>>
      tpu.enqueue_indirect_dma source(%dma_start3A_173 : memref<128x8xf32, #tpu.memory_space<vmem>>) target(%dma_start3A_179 : memref<50048x8xf32, #tpu.memory_space<vmem_shared>>) offsets(%dma_start3A_176 : memref<128xi32, #tpu.memory_space<vmem>>) semaphore(%arg10 : memref<!tpu.dma_semaphore, #tpu.memory_space<semaphore_mem>>) {add = true}
      %add3A_180 = arith.constant 3 : i32
      %add3A_181 = arith.addi %add3A_35, %add3A_180 : i32
      %dma_start3A_182 = arith.constant 3 : i32
      %dma_start3A_183 = arith.constant 1 : i32
      %dma_start3A_184 = arith.constant 0 : i32
      %dma_start3A_185 = arith.constant 0 : i32
      %dma_start3A_186 = tpu.memref_slice %arg7[%dma_start3A_182, %dma_start3A_184, %dma_start3A_185] : memref<4x128x8xf32, #tpu.memory_space<vmem>> -> memref<1x128x8xf32, #tpu.memory_space<vmem>>
      %dma_start3A_187 = tpu.memref_squeeze %dma_start3A_186 : memref<1x128x8xf32, #tpu.memory_space<vmem>> -> memref<128x8xf32, #tpu.memory_space<vmem>>
      %dma_start3A_188 = arith.constant 0 : i32
      %dma_start3A_189 = tpu.memref_slice %arg6[%add3A_181, %dma_start3A_183, %dma_start3A_188] : memref<391x2x128xi32, #tpu.memory_space<vmem>> -> memref<1x1x128xi32, #tpu.memory_space<vmem>>
      %dma_start3A_190 = tpu.memref_squeeze %dma_start3A_189 : memref<1x1x128xi32, #tpu.memory_space<vmem>> -> memref<128xi32, #tpu.memory_space<vmem>>
      %dma_start3A_191 = arith.constant 0 : i32
      %dma_start3A_192 = arith.constant 0 : i32
      %dma_start3A_193 = tpu.memref_slice %arg8[%dma_start3A_191, %dma_start3A_192] : memref<50048x8xf32, #tpu.memory_space<vmem_shared>> -> memref<50048x8xf32, #tpu.memory_space<vmem_shared>>
      tpu.enqueue_indirect_dma source(%dma_start3A_187 : memref<128x8xf32, #tpu.memory_space<vmem>>) target(%dma_start3A_193 : memref<50048x8xf32, #tpu.memory_space<vmem_shared>>) offsets(%dma_start3A_190 : memref<128xi32, #tpu.memory_space<vmem>>) semaphore(%arg10 : memref<!tpu.dma_semaphore, #tpu.memory_space<semaphore_mem>>) {add = true}
      %dma_wait3A_194 = arith.constant 0 : i32
      %dma_wait3A_195 = arith.constant 1 : i32
      %dma_wait3A_196 = arith.constant 0 : i32
      %dma_wait3A_197 = arith.constant 0 : i32
      %dma_wait3A_198 = tpu.memref_slice %arg7[%dma_wait3A_194, %dma_wait3A_196, %dma_wait3A_197] : memref<4x128x8xf32, #tpu.memory_space<vmem>> -> memref<1x128x8xf32, #tpu.memory_space<vmem>>
      %dma_wait3A_199 = tpu.memref_squeeze %dma_wait3A_198 : memref<1x128x8xf32, #tpu.memory_space<vmem>> -> memref<128x8xf32, #tpu.memory_space<vmem>>
      %dma_wait3A_200 = arith.constant 0 : i32
      %dma_wait3A_201 = tpu.memref_slice %arg6[%add3A_139, %dma_wait3A_195, %dma_wait3A_200] : memref<391x2x128xi32, #tpu.memory_space<vmem>> -> memref<1x1x128xi32, #tpu.memory_space<vmem>>
      %dma_wait3A_202 = tpu.memref_squeeze %dma_wait3A_201 : memref<1x1x128xi32, #tpu.memory_space<vmem>> -> memref<128xi32, #tpu.memory_space<vmem>>
      %dma_wait3A_203 = arith.constant 0 : i32
      %dma_wait3A_204 = arith.constant 0 : i32
      %dma_wait3A_205 = tpu.memref_slice %arg8[%dma_wait3A_203, %dma_wait3A_204] : memref<50048x8xf32, #tpu.memory_space<vmem_shared>> -> memref<50048x8xf32, #tpu.memory_space<vmem_shared>>
      tpu.wait_indirect_dma semaphore(%arg10 : memref<!tpu.dma_semaphore, #tpu.memory_space<semaphore_mem>>) src(%dma_wait3A_199 : memref<128x8xf32, #tpu.memory_space<vmem>>) dst(%dma_wait3A_205 : memref<50048x8xf32, #tpu.memory_space<vmem_shared>>)
      %dma_wait3A_206 = arith.constant 1 : i32
      %dma_wait3A_207 = arith.constant 1 : i32
      %dma_wait3A_208 = arith.constant 0 : i32
      %dma_wait3A_209 = arith.constant 0 : i32
      %dma_wait3A_210 = tpu.memref_slice %arg7[%dma_wait3A_206, %dma_wait3A_208, %dma_wait3A_209] : memref<4x128x8xf32, #tpu.memory_space<vmem>> -> memref<1x128x8xf32, #tpu.memory_space<vmem>>
      %dma_wait3A_211 = tpu.memref_squeeze %dma_wait3A_210 : memref<1x128x8xf32, #tpu.memory_space<vmem>> -> memref<128x8xf32, #tpu.memory_space<vmem>>
      %dma_wait3A_212 = arith.constant 0 : i32
      %dma_wait3A_213 = tpu.memref_slice %arg6[%add3A_153, %dma_wait3A_207, %dma_wait3A_212] : memref<391x2x128xi32, #tpu.memory_space<vmem>> -> memref<1x1x128xi32, #tpu.memory_space<vmem>>
      %dma_wait3A_214 = tpu.memref_squeeze %dma_wait3A_213 : memref<1x1x128xi32, #tpu.memory_space<vmem>> -> memref<128xi32, #tpu.memory_space<vmem>>
      %dma_wait3A_215 = arith.constant 0 : i32
      %dma_wait3A_216 = arith.constant 0 : i32
      %dma_wait3A_217 = tpu.memref_slice %arg8[%dma_wait3A_215, %dma_wait3A_216] : memref<50048x8xf32, #tpu.memory_space<vmem_shared>> -> memref<50048x8xf32, #tpu.memory_space<vmem_shared>>
      tpu.wait_indirect_dma semaphore(%arg10 : memref<!tpu.dma_semaphore, #tpu.memory_space<semaphore_mem>>) src(%dma_wait3A_211 : memref<128x8xf32, #tpu.memory_space<vmem>>) dst(%dma_wait3A_217 : memref<50048x8xf32, #tpu.memory_space<vmem_shared>>)
      %dma_wait3A_218 = arith.constant 2 : i32
      %dma_wait3A_219 = arith.constant 1 : i32
      %dma_wait3A_220 = arith.constant 0 : i32
      %dma_wait3A_221 = arith.constant 0 : i32
      %dma_wait3A_222 = tpu.memref_slice %arg7[%dma_wait3A_218, %dma_wait3A_220, %dma_wait3A_221] : memref<4x128x8xf32, #tpu.memory_space<vmem>> -> memref<1x128x8xf32, #tpu.memory_space<vmem>>
      %dma_wait3A_223 = tpu.memref_squeeze %dma_wait3A_222 : memref<1x128x8xf32, #tpu.memory_space<vmem>> -> memref<128x8xf32, #tpu.memory_space<vmem>>
      %dma_wait3A_224 = arith.constant 0 : i32
      %dma_wait3A_225 = tpu.memref_slice %arg6[%add3A_167, %dma_wait3A_219, %dma_wait3A_224] : memref<391x2x128xi32, #tpu.memory_space<vmem>> -> memref<1x1x128xi32, #tpu.memory_space<vmem>>
      %dma_wait3A_226 = tpu.memref_squeeze %dma_wait3A_225 : memref<1x1x128xi32, #tpu.memory_space<vmem>> -> memref<128xi32, #tpu.memory_space<vmem>>
      %dma_wait3A_227 = arith.constant 0 : i32
      %dma_wait3A_228 = arith.constant 0 : i32
      %dma_wait3A_229 = tpu.memref_slice %arg8[%dma_wait3A_227, %dma_wait3A_228] : memref<50048x8xf32, #tpu.memory_space<vmem_shared>> -> memref<50048x8xf32, #tpu.memory_space<vmem_shared>>
      tpu.wait_indirect_dma semaphore(%arg10 : memref<!tpu.dma_semaphore, #tpu.memory_space<semaphore_mem>>) src(%dma_wait3A_223 : memref<128x8xf32, #tpu.memory_space<vmem>>) dst(%dma_wait3A_229 : memref<50048x8xf32, #tpu.memory_space<vmem_shared>>)
      %dma_wait3A_230 = arith.constant 3 : i32
      %dma_wait3A_231 = arith.constant 1 : i32
      %dma_wait3A_232 = arith.constant 0 : i32
      %dma_wait3A_233 = arith.constant 0 : i32
      %dma_wait3A_234 = tpu.memref_slice %arg7[%dma_wait3A_230, %dma_wait3A_232, %dma_wait3A_233] : memref<4x128x8xf32, #tpu.memory_space<vmem>> -> memref<1x128x8xf32, #tpu.memory_space<vmem>>
      %dma_wait3A_235 = tpu.memref_squeeze %dma_wait3A_234 : memref<1x128x8xf32, #tpu.memory_space<vmem>> -> memref<128x8xf32, #tpu.memory_space<vmem>>
      %dma_wait3A_236 = arith.constant 0 : i32
      %dma_wait3A_237 = tpu.memref_slice %arg6[%add3A_181, %dma_wait3A_231, %dma_wait3A_236] : memref<391x2x128xi32, #tpu.memory_space<vmem>> -> memref<1x1x128xi32, #tpu.memory_space<vmem>>
      %dma_wait3A_238 = tpu.memref_squeeze %dma_wait3A_237 : memref<1x1x128xi32, #tpu.memory_space<vmem>> -> memref<128xi32, #tpu.memory_space<vmem>>
      %dma_wait3A_239 = arith.constant 0 : i32
      %dma_wait3A_240 = arith.constant 0 : i32
      %dma_wait3A_241 = tpu.memref_slice %arg8[%dma_wait3A_239, %dma_wait3A_240] : memref<50048x8xf32, #tpu.memory_space<vmem_shared>> -> memref<50048x8xf32, #tpu.memory_space<vmem_shared>>
      tpu.wait_indirect_dma semaphore(%arg10 : memref<!tpu.dma_semaphore, #tpu.memory_space<semaphore_mem>>) src(%dma_wait3A_235 : memref<128x8xf32, #tpu.memory_space<vmem>>) dst(%dma_wait3A_241 : memref<50048x8xf32, #tpu.memory_space<vmem_shared>>)
    }
    %scan3A_15 = arith.constant 97 : i32
    %add3A_16 = arith.constant 388 : i32
    %add3A_17 = arith.addi %select_n3A, %add3A_16 : i32
    %while3A = arith.constant 0 : i32
    %while3A_18 = arith.constant 391 : i32
    %while3A_19 = arith.subi %while3A_18, %add3A_17 : i32
    %while3A_20 = arith.addi %add3A_17, %while3A_19 : i32
    %while3A_21 = arith.constant 1 : i32
    %while3A_22 = arith.divsi %while3A_19, %while3A_21 : i32
    %while3A_23 = arith.muli %while3A_22, %while3A_21 : i32
    %while3A_24 = arith.addi %add3A_17, %while3A_23 : i32
    %while3A_25 = arith.constant 1 : i32
    scf.for %while3A_32 = %add3A_17 to %while3A_24 step %while3A_25  : i32 {
      %run_scoped3A = arith.constant 0 : i32
      %run_scoped3A_33 = arith.constant 0 : i32
      "tpu.region"() ({
        %run_scoped3A_36 = tpu.sem_alloc : memref<!tpu.dma_semaphore, #tpu.memory_space<semaphore_mem>>
        %dma_start3A = arith.constant 0 : i32
        %dma_start3A_37 = arith.constant 0 : i32
        %dma_start3A_38 = tpu.memref_slice %arg7[%run_scoped3A_33, %dma_start3A, %dma_start3A_37] : memref<4x128x8xf32, #tpu.memory_space<vmem>> -> memref<1x128x8xf32, #tpu.memory_space<vmem>>
        %dma_start3A_39 = tpu.memref_squeeze %dma_start3A_38 : memref<1x128x8xf32, #tpu.memory_space<vmem>> -> memref<128x8xf32, #tpu.memory_space<vmem>>
        %dma_start3A_40 = arith.constant 0 : i32
        %dma_start3A_41 = tpu.memref_slice %arg6[%while3A_32, %run_scoped3A, %dma_start3A_40] : memref<391x2x128xi32, #tpu.memory_space<vmem>> -> memref<1x1x128xi32, #tpu.memory_space<vmem>>
        %dma_start3A_42 = tpu.memref_squeeze %dma_start3A_41 : memref<1x1x128xi32, #tpu.memory_space<vmem>> -> memref<128xi32, #tpu.memory_space<vmem>>
        %dma_start3A_43 = arith.constant 0 : i32
        %dma_start3A_44 = arith.constant 0 : i32
        %dma_start3A_45 = tpu.memref_slice %arg2[%dma_start3A_43, %dma_start3A_44] : memref<50000x8xf32, #tpu.memory_space<hbm>> -> memref<50000x8xf32, #tpu.memory_space<hbm>>
        tpu.enqueue_indirect_dma source(%dma_start3A_45 : memref<50000x8xf32, #tpu.memory_space<hbm>>) target(%dma_start3A_39 : memref<128x8xf32, #tpu.memory_space<vmem>>) offsets(%dma_start3A_42 : memref<128xi32, #tpu.memory_space<vmem>>) semaphore(%run_scoped3A_36 : memref<!tpu.dma_semaphore, #tpu.memory_space<semaphore_mem>>)
        %dma_wait3A = arith.constant 0 : i32
        %dma_wait3A_46 = arith.constant 0 : i32
        %dma_wait3A_47 = tpu.memref_slice %arg7[%run_scoped3A_33, %dma_wait3A, %dma_wait3A_46] : memref<4x128x8xf32, #tpu.memory_space<vmem>> -> memref<1x128x8xf32, #tpu.memory_space<vmem>>
        %dma_wait3A_48 = tpu.memref_squeeze %dma_wait3A_47 : memref<1x128x8xf32, #tpu.memory_space<vmem>> -> memref<128x8xf32, #tpu.memory_space<vmem>>
        %dma_wait3A_49 = arith.constant 0 : i32
        %dma_wait3A_50 = tpu.memref_slice %arg6[%while3A_32, %run_scoped3A, %dma_wait3A_49] : memref<391x2x128xi32, #tpu.memory_space<vmem>> -> memref<1x1x128xi32, #tpu.memory_space<vmem>>
        %dma_wait3A_51 = tpu.memref_squeeze %dma_wait3A_50 : memref<1x1x128xi32, #tpu.memory_space<vmem>> -> memref<128xi32, #tpu.memory_space<vmem>>
        %dma_wait3A_52 = arith.constant 0 : i32
        %dma_wait3A_53 = arith.constant 0 : i32
        %dma_wait3A_54 = tpu.memref_slice %arg2[%dma_wait3A_52, %dma_wait3A_53] : memref<50000x8xf32, #tpu.memory_space<hbm>> -> memref<50000x8xf32, #tpu.memory_space<hbm>>
        tpu.wait_indirect_dma semaphore(%run_scoped3A_36 : memref<!tpu.dma_semaphore, #tpu.memory_space<semaphore_mem>>) src(%dma_wait3A_54 : memref<50000x8xf32, #tpu.memory_space<hbm>>) dst(%dma_wait3A_48 : memref<128x8xf32, #tpu.memory_space<vmem>>)
        tpu.yield
      }) : () -> ()
      %run_scoped3A_34 = arith.constant 0 : i32
      %run_scoped3A_35 = arith.constant 1 : i32
      "tpu.region"() ({
        %run_scoped3A_36 = tpu.sem_alloc : memref<!tpu.dma_semaphore, #tpu.memory_space<semaphore_mem>>
        %dma_start3A = arith.constant 0 : i32
        %dma_start3A_37 = arith.constant 0 : i32
        %dma_start3A_38 = tpu.memref_slice %arg7[%run_scoped3A_34, %dma_start3A, %dma_start3A_37] : memref<4x128x8xf32, #tpu.memory_space<vmem>> -> memref<1x128x8xf32, #tpu.memory_space<vmem>>
        %dma_start3A_39 = tpu.memref_squeeze %dma_start3A_38 : memref<1x128x8xf32, #tpu.memory_space<vmem>> -> memref<128x8xf32, #tpu.memory_space<vmem>>
        %dma_start3A_40 = arith.constant 0 : i32
        %dma_start3A_41 = tpu.memref_slice %arg6[%while3A_32, %run_scoped3A_35, %dma_start3A_40] : memref<391x2x128xi32, #tpu.memory_space<vmem>> -> memref<1x1x128xi32, #tpu.memory_space<vmem>>
        %dma_start3A_42 = tpu.memref_squeeze %dma_start3A_41 : memref<1x1x128xi32, #tpu.memory_space<vmem>> -> memref<128xi32, #tpu.memory_space<vmem>>
        %dma_start3A_43 = arith.constant 0 : i32
        %dma_start3A_44 = arith.constant 0 : i32
        %dma_start3A_45 = tpu.memref_slice %arg8[%dma_start3A_43, %dma_start3A_44] : memref<50048x8xf32, #tpu.memory_space<vmem_shared>> -> memref<50048x8xf32, #tpu.memory_space<vmem_shared>>
        tpu.enqueue_indirect_dma source(%dma_start3A_39 : memref<128x8xf32, #tpu.memory_space<vmem>>) target(%dma_start3A_45 : memref<50048x8xf32, #tpu.memory_space<vmem_shared>>) offsets(%dma_start3A_42 : memref<128xi32, #tpu.memory_space<vmem>>) semaphore(%run_scoped3A_36 : memref<!tpu.dma_semaphore, #tpu.memory_space<semaphore_mem>>) {add = true}
        %dma_wait3A = arith.constant 0 : i32
        %dma_wait3A_46 = arith.constant 0 : i32
        %dma_wait3A_47 = tpu.memref_slice %arg7[%run_scoped3A_34, %dma_wait3A, %dma_wait3A_46] : memref<4x128x8xf32, #tpu.memory_space<vmem>> -> memref<1x128x8xf32, #tpu.memory_space<vmem>>
        %dma_wait3A_48 = tpu.memref_squeeze %dma_wait3A_47 : memref<1x128x8xf32, #tpu.memory_space<vmem>> -> memref<128x8xf32, #tpu.memory_space<vmem>>
        %dma_wait3A_49 = arith.constant 0 : i32
        %dma_wait3A_50 = tpu.memref_slice %arg6[%while3A_32, %run_scoped3A_35, %dma_wait3A_49] : memref<391x2x128xi32, #tpu.memory_space<vmem>> -> memref<1x1x128xi32, #tpu.memory_space<vmem>>
        %dma_wait3A_51 = tpu.memref_squeeze %dma_wait3A_50 : memref<1x1x128xi32, #tpu.memory_space<vmem>> -> memref<128xi32, #tpu.memory_space<vmem>>
        %dma_wait3A_52 = arith.constant 0 : i32
        %dma_wait3A_53 = arith.constant 0 : i32
        %dma_wait3A_54 = tpu.memref_slice %arg8[%dma_wait3A_52, %dma_wait3A_53] : memref<50048x8xf32, #tpu.memory_space<vmem_shared>> -> memref<50048x8xf32, #tpu.memory_space<vmem_shared>>
        tpu.wait_indirect_dma semaphore(%run_scoped3A_36 : memref<!tpu.dma_semaphore, #tpu.memory_space<semaphore_mem>>) src(%dma_wait3A_48 : memref<128x8xf32, #tpu.memory_space<vmem>>) dst(%dma_wait3A_54 : memref<50048x8xf32, #tpu.memory_space<vmem_shared>>)
        tpu.yield
      }) : () -> ()
    }
    %while3A_26 = arith.constant 1 : i32
    scf.for %while3A_32 = %while3A_24 to %while3A_20 step %while3A_26  : i32 {
      %run_scoped3A = arith.constant 0 : i32
      %run_scoped3A_33 = arith.constant 0 : i32
      "tpu.region"() ({
        %run_scoped3A_36 = tpu.sem_alloc : memref<!tpu.dma_semaphore, #tpu.memory_space<semaphore_mem>>
        %dma_start3A = arith.constant 0 : i32
        %dma_start3A_37 = arith.constant 0 : i32
        %dma_start3A_38 = tpu.memref_slice %arg7[%run_scoped3A_33, %dma_start3A, %dma_start3A_37] : memref<4x128x8xf32, #tpu.memory_space<vmem>> -> memref<1x128x8xf32, #tpu.memory_space<vmem>>
        %dma_start3A_39 = tpu.memref_squeeze %dma_start3A_38 : memref<1x128x8xf32, #tpu.memory_space<vmem>> -> memref<128x8xf32, #tpu.memory_space<vmem>>
        %dma_start3A_40 = arith.constant 0 : i32
        %dma_start3A_41 = tpu.memref_slice %arg6[%while3A_32, %run_scoped3A, %dma_start3A_40] : memref<391x2x128xi32, #tpu.memory_space<vmem>> -> memref<1x1x128xi32, #tpu.memory_space<vmem>>
        %dma_start3A_42 = tpu.memref_squeeze %dma_start3A_41 : memref<1x1x128xi32, #tpu.memory_space<vmem>> -> memref<128xi32, #tpu.memory_space<vmem>>
        %dma_start3A_43 = arith.constant 0 : i32
        %dma_start3A_44 = arith.constant 0 : i32
        %dma_start3A_45 = tpu.memref_slice %arg2[%dma_start3A_43, %dma_start3A_44] : memref<50000x8xf32, #tpu.memory_space<hbm>> -> memref<50000x8xf32, #tpu.memory_space<hbm>>
        tpu.enqueue_indirect_dma source(%dma_start3A_45 : memref<50000x8xf32, #tpu.memory_space<hbm>>) target(%dma_start3A_39 : memref<128x8xf32, #tpu.memory_space<vmem>>) offsets(%dma_start3A_42 : memref<128xi32, #tpu.memory_space<vmem>>) semaphore(%run_scoped3A_36 : memref<!tpu.dma_semaphore, #tpu.memory_space<semaphore_mem>>)
        %dma_wait3A = arith.constant 0 : i32
        %dma_wait3A_46 = arith.constant 0 : i32
        %dma_wait3A_47 = tpu.memref_slice %arg7[%run_scoped3A_33, %dma_wait3A, %dma_wait3A_46] : memref<4x128x8xf32, #tpu.memory_space<vmem>> -> memref<1x128x8xf32, #tpu.memory_space<vmem>>
        %dma_wait3A_48 = tpu.memref_squeeze %dma_wait3A_47 : memref<1x128x8xf32, #tpu.memory_space<vmem>> -> memref<128x8xf32, #tpu.memory_space<vmem>>
        %dma_wait3A_49 = arith.constant 0 : i32
        %dma_wait3A_50 = tpu.memref_slice %arg6[%while3A_32, %run_scoped3A, %dma_wait3A_49] : memref<391x2x128xi32, #tpu.memory_space<vmem>> -> memref<1x1x128xi32, #tpu.memory_space<vmem>>
        %dma_wait3A_51 = tpu.memref_squeeze %dma_wait3A_50 : memref<1x1x128xi32, #tpu.memory_space<vmem>> -> memref<128xi32, #tpu.memory_space<vmem>>
        %dma_wait3A_52 = arith.constant 0 : i32
        %dma_wait3A_53 = arith.constant 0 : i32
        %dma_wait3A_54 = tpu.memref_slice %arg2[%dma_wait3A_52, %dma_wait3A_53] : memref<50000x8xf32, #tpu.memory_space<hbm>> -> memref<50000x8xf32, #tpu.memory_space<hbm>>
        tpu.wait_indirect_dma semaphore(%run_scoped3A_36 : memref<!tpu.dma_semaphore, #tpu.memory_space<semaphore_mem>>) src(%dma_wait3A_54 : memref<50000x8xf32, #tpu.memory_space<hbm>>) dst(%dma_wait3A_48 : memref<128x8xf32, #tpu.memory_space<vmem>>)
        tpu.yield
      }) : () -> ()
      %run_scoped3A_34 = arith.constant 0 : i32
      %run_scoped3A_35 = arith.constant 1 : i32
      "tpu.region"() ({
        %run_scoped3A_36 = tpu.sem_alloc : memref<!tpu.dma_semaphore, #tpu.memory_space<semaphore_mem>>
        %dma_start3A = arith.constant 0 : i32
        %dma_start3A_37 = arith.constant 0 : i32
        %dma_start3A_38 = tpu.memref_slice %arg7[%run_scoped3A_34, %dma_start3A, %dma_start3A_37] : memref<4x128x8xf32, #tpu.memory_space<vmem>> -> memref<1x128x8xf32, #tpu.memory_space<vmem>>
        %dma_start3A_39 = tpu.memref_squeeze %dma_start3A_38 : memref<1x128x8xf32, #tpu.memory_space<vmem>> -> memref<128x8xf32, #tpu.memory_space<vmem>>
        %dma_start3A_40 = arith.constant 0 : i32
        %dma_start3A_41 = tpu.memref_slice %arg6[%while3A_32, %run_scoped3A_35, %dma_start3A_40] : memref<391x2x128xi32, #tpu.memory_space<vmem>> -> memref<1x1x128xi32, #tpu.memory_space<vmem>>
        %dma_start3A_42 = tpu.memref_squeeze %dma_start3A_41 : memref<1x1x128xi32, #tpu.memory_space<vmem>> -> memref<128xi32, #tpu.memory_space<vmem>>
        %dma_start3A_43 = arith.constant 0 : i32
        %dma_start3A_44 = arith.constant 0 : i32
        %dma_start3A_45 = tpu.memref_slice %arg8[%dma_start3A_43, %dma_start3A_44] : memref<50048x8xf32, #tpu.memory_space<vmem_shared>> -> memref<50048x8xf32, #tpu.memory_space<vmem_shared>>
        tpu.enqueue_indirect_dma source(%dma_start3A_39 : memref<128x8xf32, #tpu.memory_space<vmem>>) target(%dma_start3A_45 : memref<50048x8xf32, #tpu.memory_space<vmem_shared>>) offsets(%dma_start3A_42 : memref<128xi32, #tpu.memory_space<vmem>>) semaphore(%run_scoped3A_36 : memref<!tpu.dma_semaphore, #tpu.memory_space<semaphore_mem>>) {add = true}
        %dma_wait3A = arith.constant 0 : i32
        %dma_wait3A_46 = arith.constant 0 : i32
        %dma_wait3A_47 = tpu.memref_slice %arg7[%run_scoped3A_34, %dma_wait3A, %dma_wait3A_46] : memref<4x128x8xf32, #tpu.memory_space<vmem>> -> memref<1x128x8xf32, #tpu.memory_space<vmem>>
        %dma_wait3A_48 = tpu.memref_squeeze %dma_wait3A_47 : memref<1x128x8xf32, #tpu.memory_space<vmem>> -> memref<128x8xf32, #tpu.memory_space<vmem>>
        %dma_wait3A_49 = arith.constant 0 : i32
        %dma_wait3A_50 = tpu.memref_slice %arg6[%while3A_32, %run_scoped3A_35, %dma_wait3A_49] : memref<391x2x128xi32, #tpu.memory_space<vmem>> -> memref<1x1x128xi32, #tpu.memory_space<vmem>>
        %dma_wait3A_51 = tpu.memref_squeeze %dma_wait3A_50 : memref<1x1x128xi32, #tpu.memory_space<vmem>> -> memref<128xi32, #tpu.memory_space<vmem>>
        %dma_wait3A_52 = arith.constant 0 : i32
        %dma_wait3A_53 = arith.constant 0 : i32
        %dma_wait3A_54 = tpu.memref_slice %arg8[%dma_wait3A_52, %dma_wait3A_53] : memref<50048x8xf32, #tpu.memory_space<vmem_shared>> -> memref<50048x8xf32, #tpu.memory_space<vmem_shared>>
        tpu.wait_indirect_dma semaphore(%run_scoped3A_36 : memref<!tpu.dma_semaphore, #tpu.memory_space<semaphore_mem>>) src(%dma_wait3A_48 : memref<128x8xf32, #tpu.memory_space<vmem>>) dst(%dma_wait3A_54 : memref<50048x8xf32, #tpu.memory_space<vmem_shared>>)
        tpu.yield
      }) : () -> ()
    }
    %barrier3A_27 = arith.constant 0 : index
    tpu.barrier barrier_id(%barrier3A_27)
    %mul3A_28 = arith.constant 3128 : i32
    %mul3A_29 = arith.muli %arg1, %mul3A_28 : i32
    %mul3A_30 = arith.constant 3128 : i32
    %mul3A_31 = arith.muli %arg1, %mul3A_30 : i32
    "tpu.region"() ({
      %run_scoped3A = tpu.sem_alloc : memref<!tpu.dma_semaphore, #tpu.memory_space<semaphore_mem>>
      %dma_start3A = arith.constant 0 : i32
      %dma_start3A_32 = tpu.memref_slice %arg5[%arg0, %mul3A_31, %dma_start3A] : memref<2x51200x8xf32, #tpu.memory_space<hbm>> -> memref<1x3128x8xf32, #tpu.memory_space<hbm>>
      %dma_start3A_33 = tpu.memref_squeeze %dma_start3A_32 : memref<1x3128x8xf32, #tpu.memory_space<hbm>> -> memref<3128x8xf32, #tpu.memory_space<hbm>>
      %dma_start3A_34 = arith.constant 0 : i32
      %dma_start3A_35 = tpu.memref_slice %arg8[%mul3A_29, %dma_start3A_34] : memref<50048x8xf32, #tpu.memory_space<vmem_shared>> -> memref<3128x8xf32, #tpu.memory_space<vmem_shared>>
      tpu.enqueue_dma source(%dma_start3A_35 : memref<3128x8xf32, #tpu.memory_space<vmem_shared>>) target(%dma_start3A_33 : memref<3128x8xf32, #tpu.memory_space<hbm>>) target_semaphore(%run_scoped3A : memref<!tpu.dma_semaphore, #tpu.memory_space<semaphore_mem>>)
      %dma_wait3A = arith.constant 0 : i32
      %dma_wait3A_36 = tpu.memref_slice %arg5[%arg0, %mul3A_31, %dma_wait3A] : memref<2x51200x8xf32, #tpu.memory_space<hbm>> -> memref<1x3128x8xf32, #tpu.memory_space<hbm>>
      %dma_wait3A_37 = tpu.memref_squeeze %dma_wait3A_36 : memref<1x3128x8xf32, #tpu.memory_space<hbm>> -> memref<3128x8xf32, #tpu.memory_space<hbm>>
      %dma_wait3A_38 = arith.constant 0 : i32
      %dma_wait3A_39 = tpu.memref_slice %arg8[%mul3A_29, %dma_wait3A_38] : memref<50048x8xf32, #tpu.memory_space<vmem_shared>> -> memref<3128x8xf32, #tpu.memory_space<vmem_shared>>
      tpu.wait_dma2 semaphore(%run_scoped3A : memref<!tpu.dma_semaphore, #tpu.memory_space<semaphore_mem>>) src(%dma_wait3A_39 : memref<3128x8xf32, #tpu.memory_space<vmem_shared>>) dst(%dma_wait3A_37 : memref<3128x8xf32, #tpu.memory_space<hbm>>)
      tpu.yield
    }) : () -> ()
    return
  }
}

#map = affine_map<(d0, d1) -> (0, 0)>
#map1 = affine_map<(d0, d1) -> (0, 0, 0)>
module attributes {stable_mosaic.version = 14 : i64} {
  func.func @body(%arg0: i32, %arg1: i32, %arg2: memref<50000x8xf32, #tpu.memory_space<hbm>>, %arg3: memref<12500x2x128xi32, #tpu.memory_space<hbm>>, %arg4: memref<50048x8xf32, #tpu.memory_space<hbm>>, %arg5: memref<2x51200x8xf32, #tpu.memory_space<hbm>>, %arg6: memref<391x2x128xi32, #tpu.memory_space<vmem>>, %arg7: memref<4x128x8xf32, #tpu.memory_space<vmem>>, %arg8: memref<50048x8xf32, #tpu.memory_space<vmem_shared>>, %arg9: memref<!tpu.dma_semaphore, #tpu.memory_space<semaphore_mem>>, %arg10: memref<!tpu.dma_semaphore, #tpu.memory_space<semaphore_mem>>) attributes {dimension_semantics = [#tpu.dimension_semantics<core_parallel>, #tpu.dimension_semantics<subcore_parallel>], iteration_bounds = array<i64: 2, 16>, scalar_prefetch = 0 : i64, scratch_operands = 5 : i64, tpu.core_type = #tpu.core_type<sc_vector_subcore>, window_params = [{transform_indices = #map}, {transform_indices = #map1}, {transform_indices = #map}, {transform_indices = #map1}]} {
    %mul3A = arith.constant 3128 : i32
    %mul3A_0 = arith.muli %arg1, %mul3A : i32
    %mul3A_1 = arith.constant 3128 : i32
    %mul3A_2 = arith.muli %arg1, %mul3A_1 : i32
    "tpu.region"() ({
      %run_scoped3A = tpu.sem_alloc : memref<!tpu.dma_semaphore, #tpu.memory_space<semaphore_mem>>
      %dma_start3A = arith.constant 0 : i32
      %dma_start3A_32 = tpu.memref_slice %arg8[%mul3A_2, %dma_start3A] : memref<50048x8xf32, #tpu.memory_space<vmem_shared>> -> memref<3128x8xf32, #tpu.memory_space<vmem_shared>>
      %dma_start3A_33 = arith.constant 0 : i32
      %dma_start3A_34 = tpu.memref_slice %arg4[%mul3A_0, %dma_start3A_33] : memref<50048x8xf32, #tpu.memory_space<hbm>> -> memref<3128x8xf32, #tpu.memory_space<hbm>>
      tpu.enqueue_dma source(%dma_start3A_34 : memref<3128x8xf32, #tpu.memory_space<hbm>>) target(%dma_start3A_32 : memref<3128x8xf32, #tpu.memory_space<vmem_shared>>) target_semaphore(%run_scoped3A : memref<!tpu.dma_semaphore, #tpu.memory_space<semaphore_mem>>)
      %dma_wait3A = arith.constant 0 : i32
      %dma_wait3A_35 = tpu.memref_slice %arg8[%mul3A_2, %dma_wait3A] : memref<50048x8xf32, #tpu.memory_space<vmem_shared>> -> memref<3128x8xf32, #tpu.memory_space<vmem_shared>>
      %dma_wait3A_36 = arith.constant 0 : i32
      %dma_wait3A_37 = tpu.memref_slice %arg4[%mul3A_0, %dma_wait3A_36] : memref<50048x8xf32, #tpu.memory_space<hbm>> -> memref<3128x8xf32, #tpu.memory_space<hbm>>
      tpu.wait_dma2 semaphore(%run_scoped3A : memref<!tpu.dma_semaphore, #tpu.memory_space<semaphore_mem>>) src(%dma_wait3A_37 : memref<3128x8xf32, #tpu.memory_space<hbm>>) dst(%dma_wait3A_35 : memref<3128x8xf32, #tpu.memory_space<vmem_shared>>)
      tpu.yield
    }) : () -> ()
    %mul3A_3 = arith.constant 16 : i32
    %mul3A_4 = arith.muli %arg0, %mul3A_3 : i32
    %add3A = arith.addi %mul3A_4, %arg1 : i32
    %lt3A = arith.constant 20 : i32
    %lt3A_5 = arith.cmpi slt, %add3A, %lt3A : i32
    %jit3A = arith.constant 0 : i32
    %jit3A_6 = arith.constant 1 : i32
    %select_n3A = arith.select %lt3A_5, %jit3A, %jit3A_6 : i32
    %mul3A_7 = arith.constant 390 : i32
    %mul3A_8 = arith.muli %mul3A_7, %add3A : i32
    %min3A = arith.constant 20 : i32
    %min3A_9 = arith.minsi %add3A, %min3A : i32
    %add3A_10 = arith.addi %mul3A_8, %min3A_9 : i32
    %sub3A = arith.subi %add3A_10, %select_n3A : i32
    "tpu.region"() ({
      %run_scoped3A = tpu.sem_alloc : memref<!tpu.dma_semaphore, #tpu.memory_space<semaphore_mem>>
      %dma_start3A = arith.constant 0 : i32
      %dma_start3A_32 = arith.constant 0 : i32
      %dma_start3A_33 = tpu.memref_slice %arg3[%sub3A, %dma_start3A, %dma_start3A_32] : memref<12500x2x128xi32, #tpu.memory_space<hbm>> -> memref<391x2x128xi32, #tpu.memory_space<hbm>>
      %dma_start3A_34 = arith.constant 0 : i32
      %dma_start3A_35 = arith.constant 0 : i32
      %dma_start3A_36 = tpu.memref_slice %arg3[%sub3A, %dma_start3A_34, %dma_start3A_35] : memref<12500x2x128xi32, #tpu.memory_space<hbm>> -> memref<391x2x128xi32, #tpu.memory_space<hbm>>
      tpu.enqueue_dma source(%dma_start3A_36 : memref<391x2x128xi32, #tpu.memory_space<hbm>>) target(%arg6 : memref<391x2x128xi32, #tpu.memory_space<vmem>>) target_semaphore(%run_scoped3A : memref<!tpu.dma_semaphore, #tpu.memory_space<semaphore_mem>>)
      %dma_wait3A = arith.constant 0 : i32
      %dma_wait3A_37 = arith.constant 0 : i32
      %dma_wait3A_38 = tpu.memref_slice %arg3[%sub3A, %dma_wait3A, %dma_wait3A_37] : memref<12500x2x128xi32, #tpu.memory_space<hbm>> -> memref<391x2x128xi32, #tpu.memory_space<hbm>>
      %dma_wait3A_39 = arith.constant 0 : i32
      %dma_wait3A_40 = arith.constant 0 : i32
      %dma_wait3A_41 = tpu.memref_slice %arg3[%sub3A, %dma_wait3A_39, %dma_wait3A_40] : memref<12500x2x128xi32, #tpu.memory_space<hbm>> -> memref<391x2x128xi32, #tpu.memory_space<hbm>>
      tpu.wait_dma2 semaphore(%run_scoped3A : memref<!tpu.dma_semaphore, #tpu.memory_space<semaphore_mem>>) src(%dma_wait3A_41 : memref<391x2x128xi32, #tpu.memory_space<hbm>>) dst(%arg6 : memref<391x2x128xi32, #tpu.memory_space<vmem>>)
      tpu.yield
    }) : () -> ()
    %barrier3A = arith.constant 0 : index
    tpu.barrier barrier_id(%barrier3A)
    %scan3A = arith.constant 0 : i32
    %scan3A_11 = arith.constant 0 : i32
    %scan3A_12 = arith.constant 97 : i32
    %scan3A_13 = arith.addi %scan3A_11, %scan3A_12 : i32
    %scan3A_14 = arith.constant 1 : i32
    scf.for %scan3A_32 = %scan3A_11 to %scan3A_13 step %scan3A_14  : i32 {
      %mul3A_33 = arith.constant 4 : i32
      %mul3A_34 = arith.muli %scan3A_32, %mul3A_33 : i32
      %add3A_35 = arith.addi %select_n3A, %mul3A_34 : i32
      %add3A_36 = arith.constant 0 : i32
      %add3A_37 = arith.addi %add3A_35, %add3A_36 : i32
      %dma_start3A = arith.constant 0 : i32
      %dma_start3A_38 = arith.constant 0 : i32
      %dma_start3A_39 = arith.constant 0 : i32
      %dma_start3A_40 = arith.constant 0 : i32
      %dma_start3A_41 = tpu.memref_slice %arg7[%dma_start3A_38, %dma_start3A_39, %dma_start3A_40] : memref<4x128x8xf32, #tpu.memory_space<vmem>> -> memref<1x128x8xf32, #tpu.memory_space<vmem>>
      %dma_start3A_42 = tpu.memref_squeeze %dma_start3A_41 : memref<1x128x8xf32, #tpu.memory_space<vmem>> -> memref<128x8xf32, #tpu.memory_space<vmem>>
      %dma_start3A_43 = arith.constant 0 : i32
      %dma_start3A_44 = tpu.memref_slice %arg6[%add3A_37, %dma_start3A, %dma_start3A_43] : memref<391x2x128xi32, #tpu.memory_space<vmem>> -> memref<1x1x128xi32, #tpu.memory_space<vmem>>
      %dma_start3A_45 = tpu.memref_squeeze %dma_start3A_44 : memref<1x1x128xi32, #tpu.memory_space<vmem>> -> memref<128xi32, #tpu.memory_space<vmem>>
      %dma_start3A_46 = arith.constant 0 : i32
      %dma_start3A_47 = arith.constant 0 : i32
      %dma_start3A_48 = tpu.memref_slice %arg2[%dma_start3A_46, %dma_start3A_47] : memref<50000x8xf32, #tpu.memory_space<hbm>> -> memref<50000x8xf32, #tpu.memory_space<hbm>>
      tpu.enqueue_indirect_dma source(%dma_start3A_48 : memref<50000x8xf32, #tpu.memory_space<hbm>>) target(%dma_start3A_42 : memref<128x8xf32, #tpu.memory_space<vmem>>) offsets(%dma_start3A_45 : memref<128xi32, #tpu.memory_space<vmem>>) semaphore(%arg9 : memref<!tpu.dma_semaphore, #tpu.memory_space<semaphore_mem>>)
      %add3A_49 = arith.constant 1 : i32
      %add3A_50 = arith.addi %add3A_35, %add3A_49 : i32
      %dma_start3A_51 = arith.constant 0 : i32
      %dma_start3A_52 = arith.constant 1 : i32
      %dma_start3A_53 = arith.constant 0 : i32
      %dma_start3A_54 = arith.constant 0 : i32
      %dma_start3A_55 = tpu.memref_slice %arg7[%dma_start3A_52, %dma_start3A_53, %dma_start3A_54] : memref<4x128x8xf32, #tpu.memory_space<vmem>> -> memref<1x128x8xf32, #tpu.memory_space<vmem>>
      %dma_start3A_56 = tpu.memref_squeeze %dma_start3A_55 : memref<1x128x8xf32, #tpu.memory_space<vmem>> -> memref<128x8xf32, #tpu.memory_space<vmem>>
      %dma_start3A_57 = arith.constant 0 : i32
      %dma_start3A_58 = tpu.memref_slice %arg6[%add3A_50, %dma_start3A_51, %dma_start3A_57] : memref<391x2x128xi32, #tpu.memory_space<vmem>> -> memref<1x1x128xi32, #tpu.memory_space<vmem>>
      %dma_start3A_59 = tpu.memref_squeeze %dma_start3A_58 : memref<1x1x128xi32, #tpu.memory_space<vmem>> -> memref<128xi32, #tpu.memory_space<vmem>>
      %dma_start3A_60 = arith.constant 0 : i32
      %dma_start3A_61 = arith.constant 0 : i32
      %dma_start3A_62 = tpu.memref_slice %arg2[%dma_start3A_60, %dma_start3A_61] : memref<50000x8xf32, #tpu.memory_space<hbm>> -> memref<50000x8xf32, #tpu.memory_space<hbm>>
      tpu.enqueue_indirect_dma source(%dma_start3A_62 : memref<50000x8xf32, #tpu.memory_space<hbm>>) target(%dma_start3A_56 : memref<128x8xf32, #tpu.memory_space<vmem>>) offsets(%dma_start3A_59 : memref<128xi32, #tpu.memory_space<vmem>>) semaphore(%arg9 : memref<!tpu.dma_semaphore, #tpu.memory_space<semaphore_mem>>)
      %add3A_63 = arith.constant 2 : i32
      %add3A_64 = arith.addi %add3A_35, %add3A_63 : i32
      %dma_start3A_65 = arith.constant 0 : i32
      %dma_start3A_66 = arith.constant 2 : i32
      %dma_start3A_67 = arith.constant 0 : i32
      %dma_start3A_68 = arith.constant 0 : i32
      %dma_start3A_69 = tpu.memref_slice %arg7[%dma_start3A_66, %dma_start3A_67, %dma_start3A_68] : memref<4x128x8xf32, #tpu.memory_space<vmem>> -> memref<1x128x8xf32, #tpu.memory_space<vmem>>
      %dma_start3A_70 = tpu.memref_squeeze %dma_start3A_69 : memref<1x128x8xf32, #tpu.memory_space<vmem>> -> memref<128x8xf32, #tpu.memory_space<vmem>>
      %dma_start3A_71 = arith.constant 0 : i32
      %dma_start3A_72 = tpu.memref_slice %arg6[%add3A_64, %dma_start3A_65, %dma_start3A_71] : memref<391x2x128xi32, #tpu.memory_space<vmem>> -> memref<1x1x128xi32, #tpu.memory_space<vmem>>
      %dma_start3A_73 = tpu.memref_squeeze %dma_start3A_72 : memref<1x1x128xi32, #tpu.memory_space<vmem>> -> memref<128xi32, #tpu.memory_space<vmem>>
      %dma_start3A_74 = arith.constant 0 : i32
      %dma_start3A_75 = arith.constant 0 : i32
      %dma_start3A_76 = tpu.memref_slice %arg2[%dma_start3A_74, %dma_start3A_75] : memref<50000x8xf32, #tpu.memory_space<hbm>> -> memref<50000x8xf32, #tpu.memory_space<hbm>>
      tpu.enqueue_indirect_dma source(%dma_start3A_76 : memref<50000x8xf32, #tpu.memory_space<hbm>>) target(%dma_start3A_70 : memref<128x8xf32, #tpu.memory_space<vmem>>) offsets(%dma_start3A_73 : memref<128xi32, #tpu.memory_space<vmem>>) semaphore(%arg9 : memref<!tpu.dma_semaphore, #tpu.memory_space<semaphore_mem>>)
      %add3A_77 = arith.constant 3 : i32
      %add3A_78 = arith.addi %add3A_35, %add3A_77 : i32
      %dma_start3A_79 = arith.constant 0 : i32
      %dma_start3A_80 = arith.constant 3 : i32
      %dma_start3A_81 = arith.constant 0 : i32
      %dma_start3A_82 = arith.constant 0 : i32
      %dma_start3A_83 = tpu.memref_slice %arg7[%dma_start3A_80, %dma_start3A_81, %dma_start3A_82] : memref<4x128x8xf32, #tpu.memory_space<vmem>> -> memref<1x128x8xf32, #tpu.memory_space<vmem>>
      %dma_start3A_84 = tpu.memref_squeeze %dma_start3A_83 : memref<1x128x8xf32, #tpu.memory_space<vmem>> -> memref<128x8xf32, #tpu.memory_space<vmem>>
      %dma_start3A_85 = arith.constant 0 : i32
      %dma_start3A_86 = tpu.memref_slice %arg6[%add3A_78, %dma_start3A_79, %dma_start3A_85] : memref<391x2x128xi32, #tpu.memory_space<vmem>> -> memref<1x1x128xi32, #tpu.memory_space<vmem>>
      %dma_start3A_87 = tpu.memref_squeeze %dma_start3A_86 : memref<1x1x128xi32, #tpu.memory_space<vmem>> -> memref<128xi32, #tpu.memory_space<vmem>>
      %dma_start3A_88 = arith.constant 0 : i32
      %dma_start3A_89 = arith.constant 0 : i32
      %dma_start3A_90 = tpu.memref_slice %arg2[%dma_start3A_88, %dma_start3A_89] : memref<50000x8xf32, #tpu.memory_space<hbm>> -> memref<50000x8xf32, #tpu.memory_space<hbm>>
      tpu.enqueue_indirect_dma source(%dma_start3A_90 : memref<50000x8xf32, #tpu.memory_space<hbm>>) target(%dma_start3A_84 : memref<128x8xf32, #tpu.memory_space<vmem>>) offsets(%dma_start3A_87 : memref<128xi32, #tpu.memory_space<vmem>>) semaphore(%arg9 : memref<!tpu.dma_semaphore, #tpu.memory_space<semaphore_mem>>)
      %dma_wait3A = arith.constant 0 : i32
      %dma_wait3A_91 = arith.constant 0 : i32
      %dma_wait3A_92 = arith.constant 0 : i32
      %dma_wait3A_93 = arith.constant 0 : i32
      %dma_wait3A_94 = tpu.memref_slice %arg7[%dma_wait3A_91, %dma_wait3A_92, %dma_wait3A_93] : memref<4x128x8xf32, #tpu.memory_space<vmem>> -> memref<1x128x8xf32, #tpu.memory_space<vmem>>
      %dma_wait3A_95 = tpu.memref_squeeze %dma_wait3A_94 : memref<1x128x8xf32, #tpu.memory_space<vmem>> -> memref<128x8xf32, #tpu.memory_space<vmem>>
      %dma_wait3A_96 = arith.constant 0 : i32
      %dma_wait3A_97 = tpu.memref_slice %arg6[%add3A_37, %dma_wait3A, %dma_wait3A_96] : memref<391x2x128xi32, #tpu.memory_space<vmem>> -> memref<1x1x128xi32, #tpu.memory_space<vmem>>
      %dma_wait3A_98 = tpu.memref_squeeze %dma_wait3A_97 : memref<1x1x128xi32, #tpu.memory_space<vmem>> -> memref<128xi32, #tpu.memory_space<vmem>>
      %dma_wait3A_99 = arith.constant 0 : i32
      %dma_wait3A_100 = arith.constant 0 : i32
      %dma_wait3A_101 = tpu.memref_slice %arg2[%dma_wait3A_99, %dma_wait3A_100] : memref<50000x8xf32, #tpu.memory_space<hbm>> -> memref<50000x8xf32, #tpu.memory_space<hbm>>
      tpu.wait_indirect_dma semaphore(%arg9 : memref<!tpu.dma_semaphore, #tpu.memory_space<semaphore_mem>>) src(%dma_wait3A_101 : memref<50000x8xf32, #tpu.memory_space<hbm>>) dst(%dma_wait3A_95 : memref<128x8xf32, #tpu.memory_space<vmem>>)
      %dma_wait3A_102 = arith.constant 0 : i32
      %dma_wait3A_103 = arith.constant 1 : i32
      %dma_wait3A_104 = arith.constant 0 : i32
      %dma_wait3A_105 = arith.constant 0 : i32
      %dma_wait3A_106 = tpu.memref_slice %arg7[%dma_wait3A_103, %dma_wait3A_104, %dma_wait3A_105] : memref<4x128x8xf32, #tpu.memory_space<vmem>> -> memref<1x128x8xf32, #tpu.memory_space<vmem>>
      %dma_wait3A_107 = tpu.memref_squeeze %dma_wait3A_106 : memref<1x128x8xf32, #tpu.memory_space<vmem>> -> memref<128x8xf32, #tpu.memory_space<vmem>>
      %dma_wait3A_108 = arith.constant 0 : i32
      %dma_wait3A_109 = tpu.memref_slice %arg6[%add3A_50, %dma_wait3A_102, %dma_wait3A_108] : memref<391x2x128xi32, #tpu.memory_space<vmem>> -> memref<1x1x128xi32, #tpu.memory_space<vmem>>
      %dma_wait3A_110 = tpu.memref_squeeze %dma_wait3A_109 : memref<1x1x128xi32, #tpu.memory_space<vmem>> -> memref<128xi32, #tpu.memory_space<vmem>>
      %dma_wait3A_111 = arith.constant 0 : i32
      %dma_wait3A_112 = arith.constant 0 : i32
      %dma_wait3A_113 = tpu.memref_slice %arg2[%dma_wait3A_111, %dma_wait3A_112] : memref<50000x8xf32, #tpu.memory_space<hbm>> -> memref<50000x8xf32, #tpu.memory_space<hbm>>
      tpu.wait_indirect_dma semaphore(%arg9 : memref<!tpu.dma_semaphore, #tpu.memory_space<semaphore_mem>>) src(%dma_wait3A_113 : memref<50000x8xf32, #tpu.memory_space<hbm>>) dst(%dma_wait3A_107 : memref<128x8xf32, #tpu.memory_space<vmem>>)
      %dma_wait3A_114 = arith.constant 0 : i32
      %dma_wait3A_115 = arith.constant 2 : i32
      %dma_wait3A_116 = arith.constant 0 : i32
      %dma_wait3A_117 = arith.constant 0 : i32
      %dma_wait3A_118 = tpu.memref_slice %arg7[%dma_wait3A_115, %dma_wait3A_116, %dma_wait3A_117] : memref<4x128x8xf32, #tpu.memory_space<vmem>> -> memref<1x128x8xf32, #tpu.memory_space<vmem>>
      %dma_wait3A_119 = tpu.memref_squeeze %dma_wait3A_118 : memref<1x128x8xf32, #tpu.memory_space<vmem>> -> memref<128x8xf32, #tpu.memory_space<vmem>>
      %dma_wait3A_120 = arith.constant 0 : i32
      %dma_wait3A_121 = tpu.memref_slice %arg6[%add3A_64, %dma_wait3A_114, %dma_wait3A_120] : memref<391x2x128xi32, #tpu.memory_space<vmem>> -> memref<1x1x128xi32, #tpu.memory_space<vmem>>
      %dma_wait3A_122 = tpu.memref_squeeze %dma_wait3A_121 : memref<1x1x128xi32, #tpu.memory_space<vmem>> -> memref<128xi32, #tpu.memory_space<vmem>>
      %dma_wait3A_123 = arith.constant 0 : i32
      %dma_wait3A_124 = arith.constant 0 : i32
      %dma_wait3A_125 = tpu.memref_slice %arg2[%dma_wait3A_123, %dma_wait3A_124] : memref<50000x8xf32, #tpu.memory_space<hbm>> -> memref<50000x8xf32, #tpu.memory_space<hbm>>
      tpu.wait_indirect_dma semaphore(%arg9 : memref<!tpu.dma_semaphore, #tpu.memory_space<semaphore_mem>>) src(%dma_wait3A_125 : memref<50000x8xf32, #tpu.memory_space<hbm>>) dst(%dma_wait3A_119 : memref<128x8xf32, #tpu.memory_space<vmem>>)
      %dma_wait3A_126 = arith.constant 0 : i32
      %dma_wait3A_127 = arith.constant 3 : i32
      %dma_wait3A_128 = arith.constant 0 : i32
      %dma_wait3A_129 = arith.constant 0 : i32
      %dma_wait3A_130 = tpu.memref_slice %arg7[%dma_wait3A_127, %dma_wait3A_128, %dma_wait3A_129] : memref<4x128x8xf32, #tpu.memory_space<vmem>> -> memref<1x128x8xf32, #tpu.memory_space<vmem>>
      %dma_wait3A_131 = tpu.memref_squeeze %dma_wait3A_130 : memref<1x128x8xf32, #tpu.memory_space<vmem>> -> memref<128x8xf32, #tpu.memory_space<vmem>>
      %dma_wait3A_132 = arith.constant 0 : i32
      %dma_wait3A_133 = tpu.memref_slice %arg6[%add3A_78, %dma_wait3A_126, %dma_wait3A_132] : memref<391x2x128xi32, #tpu.memory_space<vmem>> -> memref<1x1x128xi32, #tpu.memory_space<vmem>>
      %dma_wait3A_134 = tpu.memref_squeeze %dma_wait3A_133 : memref<1x1x128xi32, #tpu.memory_space<vmem>> -> memref<128xi32, #tpu.memory_space<vmem>>
      %dma_wait3A_135 = arith.constant 0 : i32
      %dma_wait3A_136 = arith.constant 0 : i32
      %dma_wait3A_137 = tpu.memref_slice %arg2[%dma_wait3A_135, %dma_wait3A_136] : memref<50000x8xf32, #tpu.memory_space<hbm>> -> memref<50000x8xf32, #tpu.memory_space<hbm>>
      tpu.wait_indirect_dma semaphore(%arg9 : memref<!tpu.dma_semaphore, #tpu.memory_space<semaphore_mem>>) src(%dma_wait3A_137 : memref<50000x8xf32, #tpu.memory_space<hbm>>) dst(%dma_wait3A_131 : memref<128x8xf32, #tpu.memory_space<vmem>>)
      %add3A_138 = arith.constant 0 : i32
      %add3A_139 = arith.addi %add3A_35, %add3A_138 : i32
      %dma_start3A_140 = arith.constant 0 : i32
      %dma_start3A_141 = arith.constant 1 : i32
      %dma_start3A_142 = arith.constant 0 : i32
      %dma_start3A_143 = arith.constant 0 : i32
      %dma_start3A_144 = tpu.memref_slice %arg7[%dma_start3A_140, %dma_start3A_142, %dma_start3A_143] : memref<4x128x8xf32, #tpu.memory_space<vmem>> -> memref<1x128x8xf32, #tpu.memory_space<vmem>>
      %dma_start3A_145 = tpu.memref_squeeze %dma_start3A_144 : memref<1x128x8xf32, #tpu.memory_space<vmem>> -> memref<128x8xf32, #tpu.memory_space<vmem>>
      %dma_start3A_146 = arith.constant 0 : i32
      %dma_start3A_147 = tpu.memref_slice %arg6[%add3A_139, %dma_start3A_141, %dma_start3A_146] : memref<391x2x128xi32, #tpu.memory_space<vmem>> -> memref<1x1x128xi32, #tpu.memory_space<vmem>>
      %dma_start3A_148 = tpu.memref_squeeze %dma_start3A_147 : memref<1x1x128xi32, #tpu.memory_space<vmem>> -> memref<128xi32, #tpu.memory_space<vmem>>
      %dma_start3A_149 = arith.constant 0 : i32
      %dma_start3A_150 = arith.constant 0 : i32
      %dma_start3A_151 = tpu.memref_slice %arg8[%dma_start3A_149, %dma_start3A_150] : memref<50048x8xf32, #tpu.memory_space<vmem_shared>> -> memref<50048x8xf32, #tpu.memory_space<vmem_shared>>
      tpu.enqueue_indirect_dma source(%dma_start3A_145 : memref<128x8xf32, #tpu.memory_space<vmem>>) target(%dma_start3A_151 : memref<50048x8xf32, #tpu.memory_space<vmem_shared>>) offsets(%dma_start3A_148 : memref<128xi32, #tpu.memory_space<vmem>>) semaphore(%arg10 : memref<!tpu.dma_semaphore, #tpu.memory_space<semaphore_mem>>) {add = true}
      %add3A_152 = arith.constant 1 : i32
      %add3A_153 = arith.addi %add3A_35, %add3A_152 : i32
      %dma_start3A_154 = arith.constant 1 : i32
      %dma_start3A_155 = arith.constant 1 : i32
      %dma_start3A_156 = arith.constant 0 : i32
      %dma_start3A_157 = arith.constant 0 : i32
      %dma_start3A_158 = tpu.memref_slice %arg7[%dma_start3A_154, %dma_start3A_156, %dma_start3A_157] : memref<4x128x8xf32, #tpu.memory_space<vmem>> -> memref<1x128x8xf32, #tpu.memory_space<vmem>>
      %dma_start3A_159 = tpu.memref_squeeze %dma_start3A_158 : memref<1x128x8xf32, #tpu.memory_space<vmem>> -> memref<128x8xf32, #tpu.memory_space<vmem>>
      %dma_start3A_160 = arith.constant 0 : i32
      %dma_start3A_161 = tpu.memref_slice %arg6[%add3A_153, %dma_start3A_155, %dma_start3A_160] : memref<391x2x128xi32, #tpu.memory_space<vmem>> -> memref<1x1x128xi32, #tpu.memory_space<vmem>>
      %dma_start3A_162 = tpu.memref_squeeze %dma_start3A_161 : memref<1x1x128xi32, #tpu.memory_space<vmem>> -> memref<128xi32, #tpu.memory_space<vmem>>
      %dma_start3A_163 = arith.constant 0 : i32
      %dma_start3A_164 = arith.constant 0 : i32
      %dma_start3A_165 = tpu.memref_slice %arg8[%dma_start3A_163, %dma_start3A_164] : memref<50048x8xf32, #tpu.memory_space<vmem_shared>> -> memref<50048x8xf32, #tpu.memory_space<vmem_shared>>
      tpu.enqueue_indirect_dma source(%dma_start3A_159 : memref<128x8xf32, #tpu.memory_space<vmem>>) target(%dma_start3A_165 : memref<50048x8xf32, #tpu.memory_space<vmem_shared>>) offsets(%dma_start3A_162 : memref<128xi32, #tpu.memory_space<vmem>>) semaphore(%arg10 : memref<!tpu.dma_semaphore, #tpu.memory_space<semaphore_mem>>) {add = true}
      %add3A_166 = arith.constant 2 : i32
      %add3A_167 = arith.addi %add3A_35, %add3A_166 : i32
      %dma_start3A_168 = arith.constant 2 : i32
      %dma_start3A_169 = arith.constant 1 : i32
      %dma_start3A_170 = arith.constant 0 : i32
      %dma_start3A_171 = arith.constant 0 : i32
      %dma_start3A_172 = tpu.memref_slice %arg7[%dma_start3A_168, %dma_start3A_170, %dma_start3A_171] : memref<4x128x8xf32, #tpu.memory_space<vmem>> -> memref<1x128x8xf32, #tpu.memory_space<vmem>>
      %dma_start3A_173 = tpu.memref_squeeze %dma_start3A_172 : memref<1x128x8xf32, #tpu.memory_space<vmem>> -> memref<128x8xf32, #tpu.memory_space<vmem>>
      %dma_start3A_174 = arith.constant 0 : i32
      %dma_start3A_175 = tpu.memref_slice %arg6[%add3A_167, %dma_start3A_169, %dma_start3A_174] : memref<391x2x128xi32, #tpu.memory_space<vmem>> -> memref<1x1x128xi32, #tpu.memory_space<vmem>>
      %dma_start3A_176 = tpu.memref_squeeze %dma_start3A_175 : memref<1x1x128xi32, #tpu.memory_space<vmem>> -> memref<128xi32, #tpu.memory_space<vmem>>
      %dma_start3A_177 = arith.constant 0 : i32
      %dma_start3A_178 = arith.constant 0 : i32
      %dma_start3A_179 = tpu.memref_slice %arg8[%dma_start3A_177, %dma_start3A_178] : memref<50048x8xf32, #tpu.memory_space<vmem_shared>> -> memref<50048x8xf32, #tpu.memory_space<vmem_shared>>
      tpu.enqueue_indirect_dma source(%dma_start3A_173 : memref<128x8xf32, #tpu.memory_space<vmem>>) target(%dma_start3A_179 : memref<50048x8xf32, #tpu.memory_space<vmem_shared>>) offsets(%dma_start3A_176 : memref<128xi32, #tpu.memory_space<vmem>>) semaphore(%arg10 : memref<!tpu.dma_semaphore, #tpu.memory_space<semaphore_mem>>) {add = true}
      %add3A_180 = arith.constant 3 : i32
      %add3A_181 = arith.addi %add3A_35, %add3A_180 : i32
      %dma_start3A_182 = arith.constant 3 : i32
      %dma_start3A_183 = arith.constant 1 : i32
      %dma_start3A_184 = arith.constant 0 : i32
      %dma_start3A_185 = arith.constant 0 : i32
      %dma_start3A_186 = tpu.memref_slice %arg7[%dma_start3A_182, %dma_start3A_184, %dma_start3A_185] : memref<4x128x8xf32, #tpu.memory_space<vmem>> -> memref<1x128x8xf32, #tpu.memory_space<vmem>>
      %dma_start3A_187 = tpu.memref_squeeze %dma_start3A_186 : memref<1x128x8xf32, #tpu.memory_space<vmem>> -> memref<128x8xf32, #tpu.memory_space<vmem>>
      %dma_start3A_188 = arith.constant 0 : i32
      %dma_start3A_189 = tpu.memref_slice %arg6[%add3A_181, %dma_start3A_183, %dma_start3A_188] : memref<391x2x128xi32, #tpu.memory_space<vmem>> -> memref<1x1x128xi32, #tpu.memory_space<vmem>>
      %dma_start3A_190 = tpu.memref_squeeze %dma_start3A_189 : memref<1x1x128xi32, #tpu.memory_space<vmem>> -> memref<128xi32, #tpu.memory_space<vmem>>
      %dma_start3A_191 = arith.constant 0 : i32
      %dma_start3A_192 = arith.constant 0 : i32
      %dma_start3A_193 = tpu.memref_slice %arg8[%dma_start3A_191, %dma_start3A_192] : memref<50048x8xf32, #tpu.memory_space<vmem_shared>> -> memref<50048x8xf32, #tpu.memory_space<vmem_shared>>
      tpu.enqueue_indirect_dma source(%dma_start3A_187 : memref<128x8xf32, #tpu.memory_space<vmem>>) target(%dma_start3A_193 : memref<50048x8xf32, #tpu.memory_space<vmem_shared>>) offsets(%dma_start3A_190 : memref<128xi32, #tpu.memory_space<vmem>>) semaphore(%arg10 : memref<!tpu.dma_semaphore, #tpu.memory_space<semaphore_mem>>) {add = true}
      %dma_wait3A_194 = arith.constant 0 : i32
      %dma_wait3A_195 = arith.constant 1 : i32
      %dma_wait3A_196 = arith.constant 0 : i32
      %dma_wait3A_197 = arith.constant 0 : i32
      %dma_wait3A_198 = tpu.memref_slice %arg7[%dma_wait3A_194, %dma_wait3A_196, %dma_wait3A_197] : memref<4x128x8xf32, #tpu.memory_space<vmem>> -> memref<1x128x8xf32, #tpu.memory_space<vmem>>
      %dma_wait3A_199 = tpu.memref_squeeze %dma_wait3A_198 : memref<1x128x8xf32, #tpu.memory_space<vmem>> -> memref<128x8xf32, #tpu.memory_space<vmem>>
      %dma_wait3A_200 = arith.constant 0 : i32
      %dma_wait3A_201 = tpu.memref_slice %arg6[%add3A_139, %dma_wait3A_195, %dma_wait3A_200] : memref<391x2x128xi32, #tpu.memory_space<vmem>> -> memref<1x1x128xi32, #tpu.memory_space<vmem>>
      %dma_wait3A_202 = tpu.memref_squeeze %dma_wait3A_201 : memref<1x1x128xi32, #tpu.memory_space<vmem>> -> memref<128xi32, #tpu.memory_space<vmem>>
      %dma_wait3A_203 = arith.constant 0 : i32
      %dma_wait3A_204 = arith.constant 0 : i32
      %dma_wait3A_205 = tpu.memref_slice %arg8[%dma_wait3A_203, %dma_wait3A_204] : memref<50048x8xf32, #tpu.memory_space<vmem_shared>> -> memref<50048x8xf32, #tpu.memory_space<vmem_shared>>
      tpu.wait_indirect_dma semaphore(%arg10 : memref<!tpu.dma_semaphore, #tpu.memory_space<semaphore_mem>>) src(%dma_wait3A_199 : memref<128x8xf32, #tpu.memory_space<vmem>>) dst(%dma_wait3A_205 : memref<50048x8xf32, #tpu.memory_space<vmem_shared>>)
      %dma_wait3A_206 = arith.constant 1 : i32
      %dma_wait3A_207 = arith.constant 1 : i32
      %dma_wait3A_208 = arith.constant 0 : i32
      %dma_wait3A_209 = arith.constant 0 : i32
      %dma_wait3A_210 = tpu.memref_slice %arg7[%dma_wait3A_206, %dma_wait3A_208, %dma_wait3A_209] : memref<4x128x8xf32, #tpu.memory_space<vmem>> -> memref<1x128x8xf32, #tpu.memory_space<vmem>>
      %dma_wait3A_211 = tpu.memref_squeeze %dma_wait3A_210 : memref<1x128x8xf32, #tpu.memory_space<vmem>> -> memref<128x8xf32, #tpu.memory_space<vmem>>
      %dma_wait3A_212 = arith.constant 0 : i32
      %dma_wait3A_213 = tpu.memref_slice %arg6[%add3A_153, %dma_wait3A_207, %dma_wait3A_212] : memref<391x2x128xi32, #tpu.memory_space<vmem>> -> memref<1x1x128xi32, #tpu.memory_space<vmem>>
      %dma_wait3A_214 = tpu.memref_squeeze %dma_wait3A_213 : memref<1x1x128xi32, #tpu.memory_space<vmem>> -> memref<128xi32, #tpu.memory_space<vmem>>
      %dma_wait3A_215 = arith.constant 0 : i32
      %dma_wait3A_216 = arith.constant 0 : i32
      %dma_wait3A_217 = tpu.memref_slice %arg8[%dma_wait3A_215, %dma_wait3A_216] : memref<50048x8xf32, #tpu.memory_space<vmem_shared>> -> memref<50048x8xf32, #tpu.memory_space<vmem_shared>>
      tpu.wait_indirect_dma semaphore(%arg10 : memref<!tpu.dma_semaphore, #tpu.memory_space<semaphore_mem>>) src(%dma_wait3A_211 : memref<128x8xf32, #tpu.memory_space<vmem>>) dst(%dma_wait3A_217 : memref<50048x8xf32, #tpu.memory_space<vmem_shared>>)
      %dma_wait3A_218 = arith.constant 2 : i32
      %dma_wait3A_219 = arith.constant 1 : i32
      %dma_wait3A_220 = arith.constant 0 : i32
      %dma_wait3A_221 = arith.constant 0 : i32
      %dma_wait3A_222 = tpu.memref_slice %arg7[%dma_wait3A_218, %dma_wait3A_220, %dma_wait3A_221] : memref<4x128x8xf32, #tpu.memory_space<vmem>> -> memref<1x128x8xf32, #tpu.memory_space<vmem>>
      %dma_wait3A_223 = tpu.memref_squeeze %dma_wait3A_222 : memref<1x128x8xf32, #tpu.memory_space<vmem>> -> memref<128x8xf32, #tpu.memory_space<vmem>>
      %dma_wait3A_224 = arith.constant 0 : i32
      %dma_wait3A_225 = tpu.memref_slice %arg6[%add3A_167, %dma_wait3A_219, %dma_wait3A_224] : memref<391x2x128xi32, #tpu.memory_space<vmem>> -> memref<1x1x128xi32, #tpu.memory_space<vmem>>
      %dma_wait3A_226 = tpu.memref_squeeze %dma_wait3A_225 : memref<1x1x128xi32, #tpu.memory_space<vmem>> -> memref<128xi32, #tpu.memory_space<vmem>>
      %dma_wait3A_227 = arith.constant 0 : i32
      %dma_wait3A_228 = arith.constant 0 : i32
      %dma_wait3A_229 = tpu.memref_slice %arg8[%dma_wait3A_227, %dma_wait3A_228] : memref<50048x8xf32, #tpu.memory_space<vmem_shared>> -> memref<50048x8xf32, #tpu.memory_space<vmem_shared>>
      tpu.wait_indirect_dma semaphore(%arg10 : memref<!tpu.dma_semaphore, #tpu.memory_space<semaphore_mem>>) src(%dma_wait3A_223 : memref<128x8xf32, #tpu.memory_space<vmem>>) dst(%dma_wait3A_229 : memref<50048x8xf32, #tpu.memory_space<vmem_shared>>)
      %dma_wait3A_230 = arith.constant 3 : i32
      %dma_wait3A_231 = arith.constant 1 : i32
      %dma_wait3A_232 = arith.constant 0 : i32
      %dma_wait3A_233 = arith.constant 0 : i32
      %dma_wait3A_234 = tpu.memref_slice %arg7[%dma_wait3A_230, %dma_wait3A_232, %dma_wait3A_233] : memref<4x128x8xf32, #tpu.memory_space<vmem>> -> memref<1x128x8xf32, #tpu.memory_space<vmem>>
      %dma_wait3A_235 = tpu.memref_squeeze %dma_wait3A_234 : memref<1x128x8xf32, #tpu.memory_space<vmem>> -> memref<128x8xf32, #tpu.memory_space<vmem>>
      %dma_wait3A_236 = arith.constant 0 : i32
      %dma_wait3A_237 = tpu.memref_slice %arg6[%add3A_181, %dma_wait3A_231, %dma_wait3A_236] : memref<391x2x128xi32, #tpu.memory_space<vmem>> -> memref<1x1x128xi32, #tpu.memory_space<vmem>>
      %dma_wait3A_238 = tpu.memref_squeeze %dma_wait3A_237 : memref<1x1x128xi32, #tpu.memory_space<vmem>> -> memref<128xi32, #tpu.memory_space<vmem>>
      %dma_wait3A_239 = arith.constant 0 : i32
      %dma_wait3A_240 = arith.constant 0 : i32
      %dma_wait3A_241 = tpu.memref_slice %arg8[%dma_wait3A_239, %dma_wait3A_240] : memref<50048x8xf32, #tpu.memory_space<vmem_shared>> -> memref<50048x8xf32, #tpu.memory_space<vmem_shared>>
      tpu.wait_indirect_dma semaphore(%arg10 : memref<!tpu.dma_semaphore, #tpu.memory_space<semaphore_mem>>) src(%dma_wait3A_235 : memref<128x8xf32, #tpu.memory_space<vmem>>) dst(%dma_wait3A_241 : memref<50048x8xf32, #tpu.memory_space<vmem_shared>>)
    }
    %scan3A_15 = arith.constant 97 : i32
    %add3A_16 = arith.constant 388 : i32
    %add3A_17 = arith.addi %select_n3A, %add3A_16 : i32
    %while3A = arith.constant 0 : i32
    %while3A_18 = arith.constant 391 : i32
    %while3A_19 = arith.subi %while3A_18, %add3A_17 : i32
    %while3A_20 = arith.addi %add3A_17, %while3A_19 : i32
    %while3A_21 = arith.constant 1 : i32
    %while3A_22 = arith.divsi %while3A_19, %while3A_21 : i32
    %while3A_23 = arith.muli %while3A_22, %while3A_21 : i32
    %while3A_24 = arith.addi %add3A_17, %while3A_23 : i32
    %while3A_25 = arith.constant 1 : i32
    scf.for %while3A_32 = %add3A_17 to %while3A_24 step %while3A_25  : i32 {
      %run_scoped3A = arith.constant 0 : i32
      %run_scoped3A_33 = arith.constant 0 : i32
      "tpu.region"() ({
        %run_scoped3A_36 = tpu.sem_alloc : memref<!tpu.dma_semaphore, #tpu.memory_space<semaphore_mem>>
        %dma_start3A = arith.constant 0 : i32
        %dma_start3A_37 = arith.constant 0 : i32
        %dma_start3A_38 = tpu.memref_slice %arg7[%run_scoped3A_33, %dma_start3A, %dma_start3A_37] : memref<4x128x8xf32, #tpu.memory_space<vmem>> -> memref<1x128x8xf32, #tpu.memory_space<vmem>>
        %dma_start3A_39 = tpu.memref_squeeze %dma_start3A_38 : memref<1x128x8xf32, #tpu.memory_space<vmem>> -> memref<128x8xf32, #tpu.memory_space<vmem>>
        %dma_start3A_40 = arith.constant 0 : i32
        %dma_start3A_41 = tpu.memref_slice %arg6[%while3A_32, %run_scoped3A, %dma_start3A_40] : memref<391x2x128xi32, #tpu.memory_space<vmem>> -> memref<1x1x128xi32, #tpu.memory_space<vmem>>
        %dma_start3A_42 = tpu.memref_squeeze %dma_start3A_41 : memref<1x1x128xi32, #tpu.memory_space<vmem>> -> memref<128xi32, #tpu.memory_space<vmem>>
        %dma_start3A_43 = arith.constant 0 : i32
        %dma_start3A_44 = arith.constant 0 : i32
        %dma_start3A_45 = tpu.memref_slice %arg2[%dma_start3A_43, %dma_start3A_44] : memref<50000x8xf32, #tpu.memory_space<hbm>> -> memref<50000x8xf32, #tpu.memory_space<hbm>>
        tpu.enqueue_indirect_dma source(%dma_start3A_45 : memref<50000x8xf32, #tpu.memory_space<hbm>>) target(%dma_start3A_39 : memref<128x8xf32, #tpu.memory_space<vmem>>) offsets(%dma_start3A_42 : memref<128xi32, #tpu.memory_space<vmem>>) semaphore(%run_scoped3A_36 : memref<!tpu.dma_semaphore, #tpu.memory_space<semaphore_mem>>)
        %dma_wait3A = arith.constant 0 : i32
        %dma_wait3A_46 = arith.constant 0 : i32
        %dma_wait3A_47 = tpu.memref_slice %arg7[%run_scoped3A_33, %dma_wait3A, %dma_wait3A_46] : memref<4x128x8xf32, #tpu.memory_space<vmem>> -> memref<1x128x8xf32, #tpu.memory_space<vmem>>
        %dma_wait3A_48 = tpu.memref_squeeze %dma_wait3A_47 : memref<1x128x8xf32, #tpu.memory_space<vmem>> -> memref<128x8xf32, #tpu.memory_space<vmem>>
        %dma_wait3A_49 = arith.constant 0 : i32
        %dma_wait3A_50 = tpu.memref_slice %arg6[%while3A_32, %run_scoped3A, %dma_wait3A_49] : memref<391x2x128xi32, #tpu.memory_space<vmem>> -> memref<1x1x128xi32, #tpu.memory_space<vmem>>
        %dma_wait3A_51 = tpu.memref_squeeze %dma_wait3A_50 : memref<1x1x128xi32, #tpu.memory_space<vmem>> -> memref<128xi32, #tpu.memory_space<vmem>>
        %dma_wait3A_52 = arith.constant 0 : i32
        %dma_wait3A_53 = arith.constant 0 : i32
        %dma_wait3A_54 = tpu.memref_slice %arg2[%dma_wait3A_52, %dma_wait3A_53] : memref<50000x8xf32, #tpu.memory_space<hbm>> -> memref<50000x8xf32, #tpu.memory_space<hbm>>
        tpu.wait_indirect_dma semaphore(%run_scoped3A_36 : memref<!tpu.dma_semaphore, #tpu.memory_space<semaphore_mem>>) src(%dma_wait3A_54 : memref<50000x8xf32, #tpu.memory_space<hbm>>) dst(%dma_wait3A_48 : memref<128x8xf32, #tpu.memory_space<vmem>>)
        tpu.yield
      }) : () -> ()
      %run_scoped3A_34 = arith.constant 0 : i32
      %run_scoped3A_35 = arith.constant 1 : i32
      "tpu.region"() ({
        %run_scoped3A_36 = tpu.sem_alloc : memref<!tpu.dma_semaphore, #tpu.memory_space<semaphore_mem>>
        %dma_start3A = arith.constant 0 : i32
        %dma_start3A_37 = arith.constant 0 : i32
        %dma_start3A_38 = tpu.memref_slice %arg7[%run_scoped3A_34, %dma_start3A, %dma_start3A_37] : memref<4x128x8xf32, #tpu.memory_space<vmem>> -> memref<1x128x8xf32, #tpu.memory_space<vmem>>
        %dma_start3A_39 = tpu.memref_squeeze %dma_start3A_38 : memref<1x128x8xf32, #tpu.memory_space<vmem>> -> memref<128x8xf32, #tpu.memory_space<vmem>>
        %dma_start3A_40 = arith.constant 0 : i32
        %dma_start3A_41 = tpu.memref_slice %arg6[%while3A_32, %run_scoped3A_35, %dma_start3A_40] : memref<391x2x128xi32, #tpu.memory_space<vmem>> -> memref<1x1x128xi32, #tpu.memory_space<vmem>>
        %dma_start3A_42 = tpu.memref_squeeze %dma_start3A_41 : memref<1x1x128xi32, #tpu.memory_space<vmem>> -> memref<128xi32, #tpu.memory_space<vmem>>
        %dma_start3A_43 = arith.constant 0 : i32
        %dma_start3A_44 = arith.constant 0 : i32
        %dma_start3A_45 = tpu.memref_slice %arg8[%dma_start3A_43, %dma_start3A_44] : memref<50048x8xf32, #tpu.memory_space<vmem_shared>> -> memref<50048x8xf32, #tpu.memory_space<vmem_shared>>
        tpu.enqueue_indirect_dma source(%dma_start3A_39 : memref<128x8xf32, #tpu.memory_space<vmem>>) target(%dma_start3A_45 : memref<50048x8xf32, #tpu.memory_space<vmem_shared>>) offsets(%dma_start3A_42 : memref<128xi32, #tpu.memory_space<vmem>>) semaphore(%run_scoped3A_36 : memref<!tpu.dma_semaphore, #tpu.memory_space<semaphore_mem>>) {add = true}
        %dma_wait3A = arith.constant 0 : i32
        %dma_wait3A_46 = arith.constant 0 : i32
        %dma_wait3A_47 = tpu.memref_slice %arg7[%run_scoped3A_34, %dma_wait3A, %dma_wait3A_46] : memref<4x128x8xf32, #tpu.memory_space<vmem>> -> memref<1x128x8xf32, #tpu.memory_space<vmem>>
        %dma_wait3A_48 = tpu.memref_squeeze %dma_wait3A_47 : memref<1x128x8xf32, #tpu.memory_space<vmem>> -> memref<128x8xf32, #tpu.memory_space<vmem>>
        %dma_wait3A_49 = arith.constant 0 : i32
        %dma_wait3A_50 = tpu.memref_slice %arg6[%while3A_32, %run_scoped3A_35, %dma_wait3A_49] : memref<391x2x128xi32, #tpu.memory_space<vmem>> -> memref<1x1x128xi32, #tpu.memory_space<vmem>>
        %dma_wait3A_51 = tpu.memref_squeeze %dma_wait3A_50 : memref<1x1x128xi32, #tpu.memory_space<vmem>> -> memref<128xi32, #tpu.memory_space<vmem>>
        %dma_wait3A_52 = arith.constant 0 : i32
        %dma_wait3A_53 = arith.constant 0 : i32
        %dma_wait3A_54 = tpu.memref_slice %arg8[%dma_wait3A_52, %dma_wait3A_53] : memref<50048x8xf32, #tpu.memory_space<vmem_shared>> -> memref<50048x8xf32, #tpu.memory_space<vmem_shared>>
        tpu.wait_indirect_dma semaphore(%run_scoped3A_36 : memref<!tpu.dma_semaphore, #tpu.memory_space<semaphore_mem>>) src(%dma_wait3A_48 : memref<128x8xf32, #tpu.memory_space<vmem>>) dst(%dma_wait3A_54 : memref<50048x8xf32, #tpu.memory_space<vmem_shared>>)
        tpu.yield
      }) : () -> ()
    }
    %while3A_26 = arith.constant 1 : i32
    scf.for %while3A_32 = %while3A_24 to %while3A_20 step %while3A_26  : i32 {
      %run_scoped3A = arith.constant 0 : i32
      %run_scoped3A_33 = arith.constant 0 : i32
      "tpu.region"() ({
        %run_scoped3A_36 = tpu.sem_alloc : memref<!tpu.dma_semaphore, #tpu.memory_space<semaphore_mem>>
        %dma_start3A = arith.constant 0 : i32
        %dma_start3A_37 = arith.constant 0 : i32
        %dma_start3A_38 = tpu.memref_slice %arg7[%run_scoped3A_33, %dma_start3A, %dma_start3A_37] : memref<4x128x8xf32, #tpu.memory_space<vmem>> -> memref<1x128x8xf32, #tpu.memory_space<vmem>>
        %dma_start3A_39 = tpu.memref_squeeze %dma_start3A_38 : memref<1x128x8xf32, #tpu.memory_space<vmem>> -> memref<128x8xf32, #tpu.memory_space<vmem>>
        %dma_start3A_40 = arith.constant 0 : i32
        %dma_start3A_41 = tpu.memref_slice %arg6[%while3A_32, %run_scoped3A, %dma_start3A_40] : memref<391x2x128xi32, #tpu.memory_space<vmem>> -> memref<1x1x128xi32, #tpu.memory_space<vmem>>
        %dma_start3A_42 = tpu.memref_squeeze %dma_start3A_41 : memref<1x1x128xi32, #tpu.memory_space<vmem>> -> memref<128xi32, #tpu.memory_space<vmem>>
        %dma_start3A_43 = arith.constant 0 : i32
        %dma_start3A_44 = arith.constant 0 : i32
        %dma_start3A_45 = tpu.memref_slice %arg2[%dma_start3A_43, %dma_start3A_44] : memref<50000x8xf32, #tpu.memory_space<hbm>> -> memref<50000x8xf32, #tpu.memory_space<hbm>>
        tpu.enqueue_indirect_dma source(%dma_start3A_45 : memref<50000x8xf32, #tpu.memory_space<hbm>>) target(%dma_start3A_39 : memref<128x8xf32, #tpu.memory_space<vmem>>) offsets(%dma_start3A_42 : memref<128xi32, #tpu.memory_space<vmem>>) semaphore(%run_scoped3A_36 : memref<!tpu.dma_semaphore, #tpu.memory_space<semaphore_mem>>)
        %dma_wait3A = arith.constant 0 : i32
        %dma_wait3A_46 = arith.constant 0 : i32
        %dma_wait3A_47 = tpu.memref_slice %arg7[%run_scoped3A_33, %dma_wait3A, %dma_wait3A_46] : memref<4x128x8xf32, #tpu.memory_space<vmem>> -> memref<1x128x8xf32, #tpu.memory_space<vmem>>
        %dma_wait3A_48 = tpu.memref_squeeze %dma_wait3A_47 : memref<1x128x8xf32, #tpu.memory_space<vmem>> -> memref<128x8xf32, #tpu.memory_space<vmem>>
        %dma_wait3A_49 = arith.constant 0 : i32
        %dma_wait3A_50 = tpu.memref_slice %arg6[%while3A_32, %run_scoped3A, %dma_wait3A_49] : memref<391x2x128xi32, #tpu.memory_space<vmem>> -> memref<1x1x128xi32, #tpu.memory_space<vmem>>
        %dma_wait3A_51 = tpu.memref_squeeze %dma_wait3A_50 : memref<1x1x128xi32, #tpu.memory_space<vmem>> -> memref<128xi32, #tpu.memory_space<vmem>>
        %dma_wait3A_52 = arith.constant 0 : i32
        %dma_wait3A_53 = arith.constant 0 : i32
        %dma_wait3A_54 = tpu.memref_slice %arg2[%dma_wait3A_52, %dma_wait3A_53] : memref<50000x8xf32, #tpu.memory_space<hbm>> -> memref<50000x8xf32, #tpu.memory_space<hbm>>
        tpu.wait_indirect_dma semaphore(%run_scoped3A_36 : memref<!tpu.dma_semaphore, #tpu.memory_space<semaphore_mem>>) src(%dma_wait3A_54 : memref<50000x8xf32, #tpu.memory_space<hbm>>) dst(%dma_wait3A_48 : memref<128x8xf32, #tpu.memory_space<vmem>>)
        tpu.yield
      }) : () -> ()
      %run_scoped3A_34 = arith.constant 0 : i32
      %run_scoped3A_35 = arith.constant 1 : i32
      "tpu.region"() ({
        %run_scoped3A_36 = tpu.sem_alloc : memref<!tpu.dma_semaphore, #tpu.memory_space<semaphore_mem>>
        %dma_start3A = arith.constant 0 : i32
        %dma_start3A_37 = arith.constant 0 : i32
        %dma_start3A_38 = tpu.memref_slice %arg7[%run_scoped3A_34, %dma_start3A, %dma_start3A_37] : memref<4x128x8xf32, #tpu.memory_space<vmem>> -> memref<1x128x8xf32, #tpu.memory_space<vmem>>
        %dma_start3A_39 = tpu.memref_squeeze %dma_start3A_38 : memref<1x128x8xf32, #tpu.memory_space<vmem>> -> memref<128x8xf32, #tpu.memory_space<vmem>>
        %dma_start3A_40 = arith.constant 0 : i32
        %dma_start3A_41 = tpu.memref_slice %arg6[%while3A_32, %run_scoped3A_35, %dma_start3A_40] : memref<391x2x128xi32, #tpu.memory_space<vmem>> -> memref<1x1x128xi32, #tpu.memory_space<vmem>>
        %dma_start3A_42 = tpu.memref_squeeze %dma_start3A_41 : memref<1x1x128xi32, #tpu.memory_space<vmem>> -> memref<128xi32, #tpu.memory_space<vmem>>
        %dma_start3A_43 = arith.constant 0 : i32
        %dma_start3A_44 = arith.constant 0 : i32
        %dma_start3A_45 = tpu.memref_slice %arg8[%dma_start3A_43, %dma_start3A_44] : memref<50048x8xf32, #tpu.memory_space<vmem_shared>> -> memref<50048x8xf32, #tpu.memory_space<vmem_shared>>
        tpu.enqueue_indirect_dma source(%dma_start3A_39 : memref<128x8xf32, #tpu.memory_space<vmem>>) target(%dma_start3A_45 : memref<50048x8xf32, #tpu.memory_space<vmem_shared>>) offsets(%dma_start3A_42 : memref<128xi32, #tpu.memory_space<vmem>>) semaphore(%run_scoped3A_36 : memref<!tpu.dma_semaphore, #tpu.memory_space<semaphore_mem>>) {add = true}
        %dma_wait3A = arith.constant 0 : i32
        %dma_wait3A_46 = arith.constant 0 : i32
        %dma_wait3A_47 = tpu.memref_slice %arg7[%run_scoped3A_34, %dma_wait3A, %dma_wait3A_46] : memref<4x128x8xf32, #tpu.memory_space<vmem>> -> memref<1x128x8xf32, #tpu.memory_space<vmem>>
        %dma_wait3A_48 = tpu.memref_squeeze %dma_wait3A_47 : memref<1x128x8xf32, #tpu.memory_space<vmem>> -> memref<128x8xf32, #tpu.memory_space<vmem>>
        %dma_wait3A_49 = arith.constant 0 : i32
        %dma_wait3A_50 = tpu.memref_slice %arg6[%while3A_32, %run_scoped3A_35, %dma_wait3A_49] : memref<391x2x128xi32, #tpu.memory_space<vmem>> -> memref<1x1x128xi32, #tpu.memory_space<vmem>>
        %dma_wait3A_51 = tpu.memref_squeeze %dma_wait3A_50 : memref<1x1x128xi32, #tpu.memory_space<vmem>> -> memref<128xi32, #tpu.memory_space<vmem>>
        %dma_wait3A_52 = arith.constant 0 : i32
        %dma_wait3A_53 = arith.constant 0 : i32
        %dma_wait3A_54 = tpu.memref_slice %arg8[%dma_wait3A_52, %dma_wait3A_53] : memref<50048x8xf32, #tpu.memory_space<vmem_shared>> -> memref<50048x8xf32, #tpu.memory_space<vmem_shared>>
        tpu.wait_indirect_dma semaphore(%run_scoped3A_36 : memref<!tpu.dma_semaphore, #tpu.memory_space<semaphore_mem>>) src(%dma_wait3A_48 : memref<128x8xf32, #tpu.memory_space<vmem>>) dst(%dma_wait3A_54 : memref<50048x8xf32, #tpu.memory_space<vmem_shared>>)
        tpu.yield
      }) : () -> ()
    }
    %barrier3A_27 = arith.constant 0 : index
    tpu.barrier barrier_id(%barrier3A_27)
    %mul3A_28 = arith.constant 3128 : i32
    %mul3A_29 = arith.muli %arg1, %mul3A_28 : i32
    %mul3A_30 = arith.constant 3128 : i32
    %mul3A_31 = arith.muli %arg1, %mul3A_30 : i32
    "tpu.region"() ({
      %run_scoped3A = tpu.sem_alloc : memref<!tpu.dma_semaphore, #tpu.memory_space<semaphore_mem>>
      %dma_start3A = arith.constant 0 : i32
      %dma_start3A_32 = tpu.memref_slice %arg5[%arg0, %mul3A_31, %dma_start3A] : memref<2x51200x8xf32, #tpu.memory_space<hbm>> -> memref<1x3128x8xf32, #tpu.memory_space<hbm>>
      %dma_start3A_33 = tpu.memref_squeeze %dma_start3A_32 : memref<1x3128x8xf32, #tpu.memory_space<hbm>> -> memref<3128x8xf32, #tpu.memory_space<hbm>>
      %dma_start3A_34 = arith.constant 0 : i32
      %dma_start3A_35 = tpu.memref_slice %arg8[%mul3A_29, %dma_start3A_34] : memref<50048x8xf32, #tpu.memory_space<vmem_shared>> -> memref<3128x8xf32, #tpu.memory_space<vmem_shared>>
      tpu.enqueue_dma source(%dma_start3A_35 : memref<3128x8xf32, #tpu.memory_space<vmem_shared>>) target(%dma_start3A_33 : memref<3128x8xf32, #tpu.memory_space<hbm>>) target_semaphore(%run_scoped3A : memref<!tpu.dma_semaphore, #tpu.memory_space<semaphore_mem>>)
      %dma_wait3A = arith.constant 0 : i32
      %dma_wait3A_36 = tpu.memref_slice %arg5[%arg0, %mul3A_31, %dma_wait3A] : memref<2x51200x8xf32, #tpu.memory_space<hbm>> -> memref<1x3128x8xf32, #tpu.memory_space<hbm>>
      %dma_wait3A_37 = tpu.memref_squeeze %dma_wait3A_36 : memref<1x3128x8xf32, #tpu.memory_space<hbm>> -> memref<3128x8xf32, #tpu.memory_space<hbm>>
      %dma_wait3A_38 = arith.constant 0 : i32
      %dma_wait3A_39 = tpu.memref_slice %arg8[%mul3A_29, %dma_wait3A_38] : memref<50048x8xf32, #tpu.memory_space<vmem_shared>> -> memref<3128x8xf32, #tpu.memory_space<vmem_shared>>
      tpu.wait_dma2 semaphore(%run_scoped3A : memref<!tpu.dma_semaphore, #tpu.memory_space<semaphore_mem>>) src(%dma_wait3A_39 : memref<3128x8xf32, #tpu.memory_space<vmem_shared>>) dst(%dma_wait3A_37 : memref<3128x8xf32, #tpu.memory_space<hbm>>)
      tpu.yield
    }) : () -> ()
    return
  }
}

#map = affine_map<(d0, d1) -> (0, 0)>
#map1 = affine_map<(d0, d1) -> (0, 0, 0)>
module attributes {stable_mosaic.version = 14 : i64} {
  func.func @body(%arg0: i32, %arg1: i32, %arg2: memref<50000x8xf32, #tpu.memory_space<hbm>>, %arg3: memref<12500x2x128xi32, #tpu.memory_space<hbm>>, %arg4: memref<50048x8xf32, #tpu.memory_space<hbm>>, %arg5: memref<2x51200x8xf32, #tpu.memory_space<hbm>>, %arg6: memref<391x2x128xi32, #tpu.memory_space<vmem>>, %arg7: memref<4x128x8xf32, #tpu.memory_space<vmem>>, %arg8: memref<50048x8xf32, #tpu.memory_space<vmem_shared>>, %arg9: memref<!tpu.dma_semaphore, #tpu.memory_space<semaphore_mem>>, %arg10: memref<!tpu.dma_semaphore, #tpu.memory_space<semaphore_mem>>) attributes {dimension_semantics = [#tpu.dimension_semantics<core_parallel>, #tpu.dimension_semantics<subcore_parallel>], iteration_bounds = array<i64: 2, 16>, scalar_prefetch = 0 : i64, scratch_operands = 5 : i64, tpu.core_type = #tpu.core_type<sc_vector_subcore>, window_params = [{transform_indices = #map}, {transform_indices = #map1}, {transform_indices = #map}, {transform_indices = #map1}]} {
    %mul3A = arith.constant 3128 : i32
    %mul3A_0 = arith.muli %arg1, %mul3A : i32
    %mul3A_1 = arith.constant 3128 : i32
    %mul3A_2 = arith.muli %arg1, %mul3A_1 : i32
    "tpu.region"() ({
      %run_scoped3A = tpu.sem_alloc : memref<!tpu.dma_semaphore, #tpu.memory_space<semaphore_mem>>
      %dma_start3A = arith.constant 0 : i32
      %dma_start3A_32 = tpu.memref_slice %arg8[%mul3A_2, %dma_start3A] : memref<50048x8xf32, #tpu.memory_space<vmem_shared>> -> memref<3128x8xf32, #tpu.memory_space<vmem_shared>>
      %dma_start3A_33 = arith.constant 0 : i32
      %dma_start3A_34 = tpu.memref_slice %arg4[%mul3A_0, %dma_start3A_33] : memref<50048x8xf32, #tpu.memory_space<hbm>> -> memref<3128x8xf32, #tpu.memory_space<hbm>>
      tpu.enqueue_dma source(%dma_start3A_34 : memref<3128x8xf32, #tpu.memory_space<hbm>>) target(%dma_start3A_32 : memref<3128x8xf32, #tpu.memory_space<vmem_shared>>) target_semaphore(%run_scoped3A : memref<!tpu.dma_semaphore, #tpu.memory_space<semaphore_mem>>)
      %dma_wait3A = arith.constant 0 : i32
      %dma_wait3A_35 = tpu.memref_slice %arg8[%mul3A_2, %dma_wait3A] : memref<50048x8xf32, #tpu.memory_space<vmem_shared>> -> memref<3128x8xf32, #tpu.memory_space<vmem_shared>>
      %dma_wait3A_36 = arith.constant 0 : i32
      %dma_wait3A_37 = tpu.memref_slice %arg4[%mul3A_0, %dma_wait3A_36] : memref<50048x8xf32, #tpu.memory_space<hbm>> -> memref<3128x8xf32, #tpu.memory_space<hbm>>
      tpu.wait_dma2 semaphore(%run_scoped3A : memref<!tpu.dma_semaphore, #tpu.memory_space<semaphore_mem>>) src(%dma_wait3A_37 : memref<3128x8xf32, #tpu.memory_space<hbm>>) dst(%dma_wait3A_35 : memref<3128x8xf32, #tpu.memory_space<vmem_shared>>)
      tpu.yield
    }) : () -> ()
    %mul3A_3 = arith.constant 16 : i32
    %mul3A_4 = arith.muli %arg0, %mul3A_3 : i32
    %add3A = arith.addi %mul3A_4, %arg1 : i32
    %lt3A = arith.constant 20 : i32
    %lt3A_5 = arith.cmpi slt, %add3A, %lt3A : i32
    %jit3A = arith.constant 0 : i32
    %jit3A_6 = arith.constant 1 : i32
    %select_n3A = arith.select %lt3A_5, %jit3A, %jit3A_6 : i32
    %mul3A_7 = arith.constant 390 : i32
    %mul3A_8 = arith.muli %mul3A_7, %add3A : i32
    %min3A = arith.constant 20 : i32
    %min3A_9 = arith.minsi %add3A, %min3A : i32
    %add3A_10 = arith.addi %mul3A_8, %min3A_9 : i32
    %sub3A = arith.subi %add3A_10, %select_n3A : i32
    "tpu.region"() ({
      %run_scoped3A = tpu.sem_alloc : memref<!tpu.dma_semaphore, #tpu.memory_space<semaphore_mem>>
      %dma_start3A = arith.constant 0 : i32
      %dma_start3A_32 = arith.constant 0 : i32
      %dma_start3A_33 = tpu.memref_slice %arg3[%sub3A, %dma_start3A, %dma_start3A_32] : memref<12500x2x128xi32, #tpu.memory_space<hbm>> -> memref<391x2x128xi32, #tpu.memory_space<hbm>>
      %dma_start3A_34 = arith.constant 0 : i32
      %dma_start3A_35 = arith.constant 0 : i32
      %dma_start3A_36 = tpu.memref_slice %arg3[%sub3A, %dma_start3A_34, %dma_start3A_35] : memref<12500x2x128xi32, #tpu.memory_space<hbm>> -> memref<391x2x128xi32, #tpu.memory_space<hbm>>
      tpu.enqueue_dma source(%dma_start3A_36 : memref<391x2x128xi32, #tpu.memory_space<hbm>>) target(%arg6 : memref<391x2x128xi32, #tpu.memory_space<vmem>>) target_semaphore(%run_scoped3A : memref<!tpu.dma_semaphore, #tpu.memory_space<semaphore_mem>>)
      %dma_wait3A = arith.constant 0 : i32
      %dma_wait3A_37 = arith.constant 0 : i32
      %dma_wait3A_38 = tpu.memref_slice %arg3[%sub3A, %dma_wait3A, %dma_wait3A_37] : memref<12500x2x128xi32, #tpu.memory_space<hbm>> -> memref<391x2x128xi32, #tpu.memory_space<hbm>>
      %dma_wait3A_39 = arith.constant 0 : i32
      %dma_wait3A_40 = arith.constant 0 : i32
      %dma_wait3A_41 = tpu.memref_slice %arg3[%sub3A, %dma_wait3A_39, %dma_wait3A_40] : memref<12500x2x128xi32, #tpu.memory_space<hbm>> -> memref<391x2x128xi32, #tpu.memory_space<hbm>>
      tpu.wait_dma2 semaphore(%run_scoped3A : memref<!tpu.dma_semaphore, #tpu.memory_space<semaphore_mem>>) src(%dma_wait3A_41 : memref<391x2x128xi32, #tpu.memory_space<hbm>>) dst(%arg6 : memref<391x2x128xi32, #tpu.memory_space<vmem>>)
      tpu.yield
    }) : () -> ()
    %barrier3A = arith.constant 0 : index
    tpu.barrier barrier_id(%barrier3A)
    %scan3A = arith.constant 0 : i32
    %scan3A_11 = arith.constant 0 : i32
    %scan3A_12 = arith.constant 97 : i32
    %scan3A_13 = arith.addi %scan3A_11, %scan3A_12 : i32
    %scan3A_14 = arith.constant 1 : i32
    scf.for %scan3A_32 = %scan3A_11 to %scan3A_13 step %scan3A_14  : i32 {
      %mul3A_33 = arith.constant 4 : i32
      %mul3A_34 = arith.muli %scan3A_32, %mul3A_33 : i32
      %add3A_35 = arith.addi %select_n3A, %mul3A_34 : i32
      %add3A_36 = arith.constant 0 : i32
      %add3A_37 = arith.addi %add3A_35, %add3A_36 : i32
      %dma_start3A = arith.constant 0 : i32
      %dma_start3A_38 = arith.constant 0 : i32
      %dma_start3A_39 = arith.constant 0 : i32
      %dma_start3A_40 = arith.constant 0 : i32
      %dma_start3A_41 = tpu.memref_slice %arg7[%dma_start3A_38, %dma_start3A_39, %dma_start3A_40] : memref<4x128x8xf32, #tpu.memory_space<vmem>> -> memref<1x128x8xf32, #tpu.memory_space<vmem>>
      %dma_start3A_42 = tpu.memref_squeeze %dma_start3A_41 : memref<1x128x8xf32, #tpu.memory_space<vmem>> -> memref<128x8xf32, #tpu.memory_space<vmem>>
      %dma_start3A_43 = arith.constant 0 : i32
      %dma_start3A_44 = tpu.memref_slice %arg6[%add3A_37, %dma_start3A, %dma_start3A_43] : memref<391x2x128xi32, #tpu.memory_space<vmem>> -> memref<1x1x128xi32, #tpu.memory_space<vmem>>
      %dma_start3A_45 = tpu.memref_squeeze %dma_start3A_44 : memref<1x1x128xi32, #tpu.memory_space<vmem>> -> memref<128xi32, #tpu.memory_space<vmem>>
      %dma_start3A_46 = arith.constant 0 : i32
      %dma_start3A_47 = arith.constant 0 : i32
      %dma_start3A_48 = tpu.memref_slice %arg2[%dma_start3A_46, %dma_start3A_47] : memref<50000x8xf32, #tpu.memory_space<hbm>> -> memref<50000x8xf32, #tpu.memory_space<hbm>>
      tpu.enqueue_indirect_dma source(%dma_start3A_48 : memref<50000x8xf32, #tpu.memory_space<hbm>>) target(%dma_start3A_42 : memref<128x8xf32, #tpu.memory_space<vmem>>) offsets(%dma_start3A_45 : memref<128xi32, #tpu.memory_space<vmem>>) semaphore(%arg9 : memref<!tpu.dma_semaphore, #tpu.memory_space<semaphore_mem>>)
      %add3A_49 = arith.constant 1 : i32
      %add3A_50 = arith.addi %add3A_35, %add3A_49 : i32
      %dma_start3A_51 = arith.constant 0 : i32
      %dma_start3A_52 = arith.constant 1 : i32
      %dma_start3A_53 = arith.constant 0 : i32
      %dma_start3A_54 = arith.constant 0 : i32
      %dma_start3A_55 = tpu.memref_slice %arg7[%dma_start3A_52, %dma_start3A_53, %dma_start3A_54] : memref<4x128x8xf32, #tpu.memory_space<vmem>> -> memref<1x128x8xf32, #tpu.memory_space<vmem>>
      %dma_start3A_56 = tpu.memref_squeeze %dma_start3A_55 : memref<1x128x8xf32, #tpu.memory_space<vmem>> -> memref<128x8xf32, #tpu.memory_space<vmem>>
      %dma_start3A_57 = arith.constant 0 : i32
      %dma_start3A_58 = tpu.memref_slice %arg6[%add3A_50, %dma_start3A_51, %dma_start3A_57] : memref<391x2x128xi32, #tpu.memory_space<vmem>> -> memref<1x1x128xi32, #tpu.memory_space<vmem>>
      %dma_start3A_59 = tpu.memref_squeeze %dma_start3A_58 : memref<1x1x128xi32, #tpu.memory_space<vmem>> -> memref<128xi32, #tpu.memory_space<vmem>>
      %dma_start3A_60 = arith.constant 0 : i32
      %dma_start3A_61 = arith.constant 0 : i32
      %dma_start3A_62 = tpu.memref_slice %arg2[%dma_start3A_60, %dma_start3A_61] : memref<50000x8xf32, #tpu.memory_space<hbm>> -> memref<50000x8xf32, #tpu.memory_space<hbm>>
      tpu.enqueue_indirect_dma source(%dma_start3A_62 : memref<50000x8xf32, #tpu.memory_space<hbm>>) target(%dma_start3A_56 : memref<128x8xf32, #tpu.memory_space<vmem>>) offsets(%dma_start3A_59 : memref<128xi32, #tpu.memory_space<vmem>>) semaphore(%arg9 : memref<!tpu.dma_semaphore, #tpu.memory_space<semaphore_mem>>)
      %add3A_63 = arith.constant 2 : i32
      %add3A_64 = arith.addi %add3A_35, %add3A_63 : i32
      %dma_start3A_65 = arith.constant 0 : i32
      %dma_start3A_66 = arith.constant 2 : i32
      %dma_start3A_67 = arith.constant 0 : i32
      %dma_start3A_68 = arith.constant 0 : i32
      %dma_start3A_69 = tpu.memref_slice %arg7[%dma_start3A_66, %dma_start3A_67, %dma_start3A_68] : memref<4x128x8xf32, #tpu.memory_space<vmem>> -> memref<1x128x8xf32, #tpu.memory_space<vmem>>
      %dma_start3A_70 = tpu.memref_squeeze %dma_start3A_69 : memref<1x128x8xf32, #tpu.memory_space<vmem>> -> memref<128x8xf32, #tpu.memory_space<vmem>>
      %dma_start3A_71 = arith.constant 0 : i32
      %dma_start3A_72 = tpu.memref_slice %arg6[%add3A_64, %dma_start3A_65, %dma_start3A_71] : memref<391x2x128xi32, #tpu.memory_space<vmem>> -> memref<1x1x128xi32, #tpu.memory_space<vmem>>
      %dma_start3A_73 = tpu.memref_squeeze %dma_start3A_72 : memref<1x1x128xi32, #tpu.memory_space<vmem>> -> memref<128xi32, #tpu.memory_space<vmem>>
      %dma_start3A_74 = arith.constant 0 : i32
      %dma_start3A_75 = arith.constant 0 : i32
      %dma_start3A_76 = tpu.memref_slice %arg2[%dma_start3A_74, %dma_start3A_75] : memref<50000x8xf32, #tpu.memory_space<hbm>> -> memref<50000x8xf32, #tpu.memory_space<hbm>>
      tpu.enqueue_indirect_dma source(%dma_start3A_76 : memref<50000x8xf32, #tpu.memory_space<hbm>>) target(%dma_start3A_70 : memref<128x8xf32, #tpu.memory_space<vmem>>) offsets(%dma_start3A_73 : memref<128xi32, #tpu.memory_space<vmem>>) semaphore(%arg9 : memref<!tpu.dma_semaphore, #tpu.memory_space<semaphore_mem>>)
      %add3A_77 = arith.constant 3 : i32
      %add3A_78 = arith.addi %add3A_35, %add3A_77 : i32
      %dma_start3A_79 = arith.constant 0 : i32
      %dma_start3A_80 = arith.constant 3 : i32
      %dma_start3A_81 = arith.constant 0 : i32
      %dma_start3A_82 = arith.constant 0 : i32
      %dma_start3A_83 = tpu.memref_slice %arg7[%dma_start3A_80, %dma_start3A_81, %dma_start3A_82] : memref<4x128x8xf32, #tpu.memory_space<vmem>> -> memref<1x128x8xf32, #tpu.memory_space<vmem>>
      %dma_start3A_84 = tpu.memref_squeeze %dma_start3A_83 : memref<1x128x8xf32, #tpu.memory_space<vmem>> -> memref<128x8xf32, #tpu.memory_space<vmem>>
      %dma_start3A_85 = arith.constant 0 : i32
      %dma_start3A_86 = tpu.memref_slice %arg6[%add3A_78, %dma_start3A_79, %dma_start3A_85] : memref<391x2x128xi32, #tpu.memory_space<vmem>> -> memref<1x1x128xi32, #tpu.memory_space<vmem>>
      %dma_start3A_87 = tpu.memref_squeeze %dma_start3A_86 : memref<1x1x128xi32, #tpu.memory_space<vmem>> -> memref<128xi32, #tpu.memory_space<vmem>>
      %dma_start3A_88 = arith.constant 0 : i32
      %dma_start3A_89 = arith.constant 0 : i32
      %dma_start3A_90 = tpu.memref_slice %arg2[%dma_start3A_88, %dma_start3A_89] : memref<50000x8xf32, #tpu.memory_space<hbm>> -> memref<50000x8xf32, #tpu.memory_space<hbm>>
      tpu.enqueue_indirect_dma source(%dma_start3A_90 : memref<50000x8xf32, #tpu.memory_space<hbm>>) target(%dma_start3A_84 : memref<128x8xf32, #tpu.memory_space<vmem>>) offsets(%dma_start3A_87 : memref<128xi32, #tpu.memory_space<vmem>>) semaphore(%arg9 : memref<!tpu.dma_semaphore, #tpu.memory_space<semaphore_mem>>)
      %dma_wait3A = arith.constant 0 : i32
      %dma_wait3A_91 = arith.constant 0 : i32
      %dma_wait3A_92 = arith.constant 0 : i32
      %dma_wait3A_93 = arith.constant 0 : i32
      %dma_wait3A_94 = tpu.memref_slice %arg7[%dma_wait3A_91, %dma_wait3A_92, %dma_wait3A_93] : memref<4x128x8xf32, #tpu.memory_space<vmem>> -> memref<1x128x8xf32, #tpu.memory_space<vmem>>
      %dma_wait3A_95 = tpu.memref_squeeze %dma_wait3A_94 : memref<1x128x8xf32, #tpu.memory_space<vmem>> -> memref<128x8xf32, #tpu.memory_space<vmem>>
      %dma_wait3A_96 = arith.constant 0 : i32
      %dma_wait3A_97 = tpu.memref_slice %arg6[%add3A_37, %dma_wait3A, %dma_wait3A_96] : memref<391x2x128xi32, #tpu.memory_space<vmem>> -> memref<1x1x128xi32, #tpu.memory_space<vmem>>
      %dma_wait3A_98 = tpu.memref_squeeze %dma_wait3A_97 : memref<1x1x128xi32, #tpu.memory_space<vmem>> -> memref<128xi32, #tpu.memory_space<vmem>>
      %dma_wait3A_99 = arith.constant 0 : i32
      %dma_wait3A_100 = arith.constant 0 : i32
      %dma_wait3A_101 = tpu.memref_slice %arg2[%dma_wait3A_99, %dma_wait3A_100] : memref<50000x8xf32, #tpu.memory_space<hbm>> -> memref<50000x8xf32, #tpu.memory_space<hbm>>
      tpu.wait_indirect_dma semaphore(%arg9 : memref<!tpu.dma_semaphore, #tpu.memory_space<semaphore_mem>>) src(%dma_wait3A_101 : memref<50000x8xf32, #tpu.memory_space<hbm>>) dst(%dma_wait3A_95 : memref<128x8xf32, #tpu.memory_space<vmem>>)
      %dma_wait3A_102 = arith.constant 0 : i32
      %dma_wait3A_103 = arith.constant 1 : i32
      %dma_wait3A_104 = arith.constant 0 : i32
      %dma_wait3A_105 = arith.constant 0 : i32
      %dma_wait3A_106 = tpu.memref_slice %arg7[%dma_wait3A_103, %dma_wait3A_104, %dma_wait3A_105] : memref<4x128x8xf32, #tpu.memory_space<vmem>> -> memref<1x128x8xf32, #tpu.memory_space<vmem>>
      %dma_wait3A_107 = tpu.memref_squeeze %dma_wait3A_106 : memref<1x128x8xf32, #tpu.memory_space<vmem>> -> memref<128x8xf32, #tpu.memory_space<vmem>>
      %dma_wait3A_108 = arith.constant 0 : i32
      %dma_wait3A_109 = tpu.memref_slice %arg6[%add3A_50, %dma_wait3A_102, %dma_wait3A_108] : memref<391x2x128xi32, #tpu.memory_space<vmem>> -> memref<1x1x128xi32, #tpu.memory_space<vmem>>
      %dma_wait3A_110 = tpu.memref_squeeze %dma_wait3A_109 : memref<1x1x128xi32, #tpu.memory_space<vmem>> -> memref<128xi32, #tpu.memory_space<vmem>>
      %dma_wait3A_111 = arith.constant 0 : i32
      %dma_wait3A_112 = arith.constant 0 : i32
      %dma_wait3A_113 = tpu.memref_slice %arg2[%dma_wait3A_111, %dma_wait3A_112] : memref<50000x8xf32, #tpu.memory_space<hbm>> -> memref<50000x8xf32, #tpu.memory_space<hbm>>
      tpu.wait_indirect_dma semaphore(%arg9 : memref<!tpu.dma_semaphore, #tpu.memory_space<semaphore_mem>>) src(%dma_wait3A_113 : memref<50000x8xf32, #tpu.memory_space<hbm>>) dst(%dma_wait3A_107 : memref<128x8xf32, #tpu.memory_space<vmem>>)
      %dma_wait3A_114 = arith.constant 0 : i32
      %dma_wait3A_115 = arith.constant 2 : i32
      %dma_wait3A_116 = arith.constant 0 : i32
      %dma_wait3A_117 = arith.constant 0 : i32
      %dma_wait3A_118 = tpu.memref_slice %arg7[%dma_wait3A_115, %dma_wait3A_116, %dma_wait3A_117] : memref<4x128x8xf32, #tpu.memory_space<vmem>> -> memref<1x128x8xf32, #tpu.memory_space<vmem>>
      %dma_wait3A_119 = tpu.memref_squeeze %dma_wait3A_118 : memref<1x128x8xf32, #tpu.memory_space<vmem>> -> memref<128x8xf32, #tpu.memory_space<vmem>>
      %dma_wait3A_120 = arith.constant 0 : i32
      %dma_wait3A_121 = tpu.memref_slice %arg6[%add3A_64, %dma_wait3A_114, %dma_wait3A_120] : memref<391x2x128xi32, #tpu.memory_space<vmem>> -> memref<1x1x128xi32, #tpu.memory_space<vmem>>
      %dma_wait3A_122 = tpu.memref_squeeze %dma_wait3A_121 : memref<1x1x128xi32, #tpu.memory_space<vmem>> -> memref<128xi32, #tpu.memory_space<vmem>>
      %dma_wait3A_123 = arith.constant 0 : i32
      %dma_wait3A_124 = arith.constant 0 : i32
      %dma_wait3A_125 = tpu.memref_slice %arg2[%dma_wait3A_123, %dma_wait3A_124] : memref<50000x8xf32, #tpu.memory_space<hbm>> -> memref<50000x8xf32, #tpu.memory_space<hbm>>
      tpu.wait_indirect_dma semaphore(%arg9 : memref<!tpu.dma_semaphore, #tpu.memory_space<semaphore_mem>>) src(%dma_wait3A_125 : memref<50000x8xf32, #tpu.memory_space<hbm>>) dst(%dma_wait3A_119 : memref<128x8xf32, #tpu.memory_space<vmem>>)
      %dma_wait3A_126 = arith.constant 0 : i32
      %dma_wait3A_127 = arith.constant 3 : i32
      %dma_wait3A_128 = arith.constant 0 : i32
      %dma_wait3A_129 = arith.constant 0 : i32
      %dma_wait3A_130 = tpu.memref_slice %arg7[%dma_wait3A_127, %dma_wait3A_128, %dma_wait3A_129] : memref<4x128x8xf32, #tpu.memory_space<vmem>> -> memref<1x128x8xf32, #tpu.memory_space<vmem>>
      %dma_wait3A_131 = tpu.memref_squeeze %dma_wait3A_130 : memref<1x128x8xf32, #tpu.memory_space<vmem>> -> memref<128x8xf32, #tpu.memory_space<vmem>>
      %dma_wait3A_132 = arith.constant 0 : i32
      %dma_wait3A_133 = tpu.memref_slice %arg6[%add3A_78, %dma_wait3A_126, %dma_wait3A_132] : memref<391x2x128xi32, #tpu.memory_space<vmem>> -> memref<1x1x128xi32, #tpu.memory_space<vmem>>
      %dma_wait3A_134 = tpu.memref_squeeze %dma_wait3A_133 : memref<1x1x128xi32, #tpu.memory_space<vmem>> -> memref<128xi32, #tpu.memory_space<vmem>>
      %dma_wait3A_135 = arith.constant 0 : i32
      %dma_wait3A_136 = arith.constant 0 : i32
      %dma_wait3A_137 = tpu.memref_slice %arg2[%dma_wait3A_135, %dma_wait3A_136] : memref<50000x8xf32, #tpu.memory_space<hbm>> -> memref<50000x8xf32, #tpu.memory_space<hbm>>
      tpu.wait_indirect_dma semaphore(%arg9 : memref<!tpu.dma_semaphore, #tpu.memory_space<semaphore_mem>>) src(%dma_wait3A_137 : memref<50000x8xf32, #tpu.memory_space<hbm>>) dst(%dma_wait3A_131 : memref<128x8xf32, #tpu.memory_space<vmem>>)
      %add3A_138 = arith.constant 0 : i32
      %add3A_139 = arith.addi %add3A_35, %add3A_138 : i32
      %dma_start3A_140 = arith.constant 0 : i32
      %dma_start3A_141 = arith.constant 1 : i32
      %dma_start3A_142 = arith.constant 0 : i32
      %dma_start3A_143 = arith.constant 0 : i32
      %dma_start3A_144 = tpu.memref_slice %arg7[%dma_start3A_140, %dma_start3A_142, %dma_start3A_143] : memref<4x128x8xf32, #tpu.memory_space<vmem>> -> memref<1x128x8xf32, #tpu.memory_space<vmem>>
      %dma_start3A_145 = tpu.memref_squeeze %dma_start3A_144 : memref<1x128x8xf32, #tpu.memory_space<vmem>> -> memref<128x8xf32, #tpu.memory_space<vmem>>
      %dma_start3A_146 = arith.constant 0 : i32
      %dma_start3A_147 = tpu.memref_slice %arg6[%add3A_139, %dma_start3A_141, %dma_start3A_146] : memref<391x2x128xi32, #tpu.memory_space<vmem>> -> memref<1x1x128xi32, #tpu.memory_space<vmem>>
      %dma_start3A_148 = tpu.memref_squeeze %dma_start3A_147 : memref<1x1x128xi32, #tpu.memory_space<vmem>> -> memref<128xi32, #tpu.memory_space<vmem>>
      %dma_start3A_149 = arith.constant 0 : i32
      %dma_start3A_150 = arith.constant 0 : i32
      %dma_start3A_151 = tpu.memref_slice %arg8[%dma_start3A_149, %dma_start3A_150] : memref<50048x8xf32, #tpu.memory_space<vmem_shared>> -> memref<50048x8xf32, #tpu.memory_space<vmem_shared>>
      tpu.enqueue_indirect_dma source(%dma_start3A_145 : memref<128x8xf32, #tpu.memory_space<vmem>>) target(%dma_start3A_151 : memref<50048x8xf32, #tpu.memory_space<vmem_shared>>) offsets(%dma_start3A_148 : memref<128xi32, #tpu.memory_space<vmem>>) semaphore(%arg10 : memref<!tpu.dma_semaphore, #tpu.memory_space<semaphore_mem>>) {add = true}
      %add3A_152 = arith.constant 1 : i32
      %add3A_153 = arith.addi %add3A_35, %add3A_152 : i32
      %dma_start3A_154 = arith.constant 1 : i32
      %dma_start3A_155 = arith.constant 1 : i32
      %dma_start3A_156 = arith.constant 0 : i32
      %dma_start3A_157 = arith.constant 0 : i32
      %dma_start3A_158 = tpu.memref_slice %arg7[%dma_start3A_154, %dma_start3A_156, %dma_start3A_157] : memref<4x128x8xf32, #tpu.memory_space<vmem>> -> memref<1x128x8xf32, #tpu.memory_space<vmem>>
      %dma_start3A_159 = tpu.memref_squeeze %dma_start3A_158 : memref<1x128x8xf32, #tpu.memory_space<vmem>> -> memref<128x8xf32, #tpu.memory_space<vmem>>
      %dma_start3A_160 = arith.constant 0 : i32
      %dma_start3A_161 = tpu.memref_slice %arg6[%add3A_153, %dma_start3A_155, %dma_start3A_160] : memref<391x2x128xi32, #tpu.memory_space<vmem>> -> memref<1x1x128xi32, #tpu.memory_space<vmem>>
      %dma_start3A_162 = tpu.memref_squeeze %dma_start3A_161 : memref<1x1x128xi32, #tpu.memory_space<vmem>> -> memref<128xi32, #tpu.memory_space<vmem>>
      %dma_start3A_163 = arith.constant 0 : i32
      %dma_start3A_164 = arith.constant 0 : i32
      %dma_start3A_165 = tpu.memref_slice %arg8[%dma_start3A_163, %dma_start3A_164] : memref<50048x8xf32, #tpu.memory_space<vmem_shared>> -> memref<50048x8xf32, #tpu.memory_space<vmem_shared>>
      tpu.enqueue_indirect_dma source(%dma_start3A_159 : memref<128x8xf32, #tpu.memory_space<vmem>>) target(%dma_start3A_165 : memref<50048x8xf32, #tpu.memory_space<vmem_shared>>) offsets(%dma_start3A_162 : memref<128xi32, #tpu.memory_space<vmem>>) semaphore(%arg10 : memref<!tpu.dma_semaphore, #tpu.memory_space<semaphore_mem>>) {add = true}
      %add3A_166 = arith.constant 2 : i32
      %add3A_167 = arith.addi %add3A_35, %add3A_166 : i32
      %dma_start3A_168 = arith.constant 2 : i32
      %dma_start3A_169 = arith.constant 1 : i32
      %dma_start3A_170 = arith.constant 0 : i32
      %dma_start3A_171 = arith.constant 0 : i32
      %dma_start3A_172 = tpu.memref_slice %arg7[%dma_start3A_168, %dma_start3A_170, %dma_start3A_171] : memref<4x128x8xf32, #tpu.memory_space<vmem>> -> memref<1x128x8xf32, #tpu.memory_space<vmem>>
      %dma_start3A_173 = tpu.memref_squeeze %dma_start3A_172 : memref<1x128x8xf32, #tpu.memory_space<vmem>> -> memref<128x8xf32, #tpu.memory_space<vmem>>
      %dma_start3A_174 = arith.constant 0 : i32
      %dma_start3A_175 = tpu.memref_slice %arg6[%add3A_167, %dma_start3A_169, %dma_start3A_174] : memref<391x2x128xi32, #tpu.memory_space<vmem>> -> memref<1x1x128xi32, #tpu.memory_space<vmem>>
      %dma_start3A_176 = tpu.memref_squeeze %dma_start3A_175 : memref<1x1x128xi32, #tpu.memory_space<vmem>> -> memref<128xi32, #tpu.memory_space<vmem>>
      %dma_start3A_177 = arith.constant 0 : i32
      %dma_start3A_178 = arith.constant 0 : i32
      %dma_start3A_179 = tpu.memref_slice %arg8[%dma_start3A_177, %dma_start3A_178] : memref<50048x8xf32, #tpu.memory_space<vmem_shared>> -> memref<50048x8xf32, #tpu.memory_space<vmem_shared>>
      tpu.enqueue_indirect_dma source(%dma_start3A_173 : memref<128x8xf32, #tpu.memory_space<vmem>>) target(%dma_start3A_179 : memref<50048x8xf32, #tpu.memory_space<vmem_shared>>) offsets(%dma_start3A_176 : memref<128xi32, #tpu.memory_space<vmem>>) semaphore(%arg10 : memref<!tpu.dma_semaphore, #tpu.memory_space<semaphore_mem>>) {add = true}
      %add3A_180 = arith.constant 3 : i32
      %add3A_181 = arith.addi %add3A_35, %add3A_180 : i32
      %dma_start3A_182 = arith.constant 3 : i32
      %dma_start3A_183 = arith.constant 1 : i32
      %dma_start3A_184 = arith.constant 0 : i32
      %dma_start3A_185 = arith.constant 0 : i32
      %dma_start3A_186 = tpu.memref_slice %arg7[%dma_start3A_182, %dma_start3A_184, %dma_start3A_185] : memref<4x128x8xf32, #tpu.memory_space<vmem>> -> memref<1x128x8xf32, #tpu.memory_space<vmem>>
      %dma_start3A_187 = tpu.memref_squeeze %dma_start3A_186 : memref<1x128x8xf32, #tpu.memory_space<vmem>> -> memref<128x8xf32, #tpu.memory_space<vmem>>
      %dma_start3A_188 = arith.constant 0 : i32
      %dma_start3A_189 = tpu.memref_slice %arg6[%add3A_181, %dma_start3A_183, %dma_start3A_188] : memref<391x2x128xi32, #tpu.memory_space<vmem>> -> memref<1x1x128xi32, #tpu.memory_space<vmem>>
      %dma_start3A_190 = tpu.memref_squeeze %dma_start3A_189 : memref<1x1x128xi32, #tpu.memory_space<vmem>> -> memref<128xi32, #tpu.memory_space<vmem>>
      %dma_start3A_191 = arith.constant 0 : i32
      %dma_start3A_192 = arith.constant 0 : i32
      %dma_start3A_193 = tpu.memref_slice %arg8[%dma_start3A_191, %dma_start3A_192] : memref<50048x8xf32, #tpu.memory_space<vmem_shared>> -> memref<50048x8xf32, #tpu.memory_space<vmem_shared>>
      tpu.enqueue_indirect_dma source(%dma_start3A_187 : memref<128x8xf32, #tpu.memory_space<vmem>>) target(%dma_start3A_193 : memref<50048x8xf32, #tpu.memory_space<vmem_shared>>) offsets(%dma_start3A_190 : memref<128xi32, #tpu.memory_space<vmem>>) semaphore(%arg10 : memref<!tpu.dma_semaphore, #tpu.memory_space<semaphore_mem>>) {add = true}
      %dma_wait3A_194 = arith.constant 0 : i32
      %dma_wait3A_195 = arith.constant 1 : i32
      %dma_wait3A_196 = arith.constant 0 : i32
      %dma_wait3A_197 = arith.constant 0 : i32
      %dma_wait3A_198 = tpu.memref_slice %arg7[%dma_wait3A_194, %dma_wait3A_196, %dma_wait3A_197] : memref<4x128x8xf32, #tpu.memory_space<vmem>> -> memref<1x128x8xf32, #tpu.memory_space<vmem>>
      %dma_wait3A_199 = tpu.memref_squeeze %dma_wait3A_198 : memref<1x128x8xf32, #tpu.memory_space<vmem>> -> memref<128x8xf32, #tpu.memory_space<vmem>>
      %dma_wait3A_200 = arith.constant 0 : i32
      %dma_wait3A_201 = tpu.memref_slice %arg6[%add3A_139, %dma_wait3A_195, %dma_wait3A_200] : memref<391x2x128xi32, #tpu.memory_space<vmem>> -> memref<1x1x128xi32, #tpu.memory_space<vmem>>
      %dma_wait3A_202 = tpu.memref_squeeze %dma_wait3A_201 : memref<1x1x128xi32, #tpu.memory_space<vmem>> -> memref<128xi32, #tpu.memory_space<vmem>>
      %dma_wait3A_203 = arith.constant 0 : i32
      %dma_wait3A_204 = arith.constant 0 : i32
      %dma_wait3A_205 = tpu.memref_slice %arg8[%dma_wait3A_203, %dma_wait3A_204] : memref<50048x8xf32, #tpu.memory_space<vmem_shared>> -> memref<50048x8xf32, #tpu.memory_space<vmem_shared>>
      tpu.wait_indirect_dma semaphore(%arg10 : memref<!tpu.dma_semaphore, #tpu.memory_space<semaphore_mem>>) src(%dma_wait3A_199 : memref<128x8xf32, #tpu.memory_space<vmem>>) dst(%dma_wait3A_205 : memref<50048x8xf32, #tpu.memory_space<vmem_shared>>)
      %dma_wait3A_206 = arith.constant 1 : i32
      %dma_wait3A_207 = arith.constant 1 : i32
      %dma_wait3A_208 = arith.constant 0 : i32
      %dma_wait3A_209 = arith.constant 0 : i32
      %dma_wait3A_210 = tpu.memref_slice %arg7[%dma_wait3A_206, %dma_wait3A_208, %dma_wait3A_209] : memref<4x128x8xf32, #tpu.memory_space<vmem>> -> memref<1x128x8xf32, #tpu.memory_space<vmem>>
      %dma_wait3A_211 = tpu.memref_squeeze %dma_wait3A_210 : memref<1x128x8xf32, #tpu.memory_space<vmem>> -> memref<128x8xf32, #tpu.memory_space<vmem>>
      %dma_wait3A_212 = arith.constant 0 : i32
      %dma_wait3A_213 = tpu.memref_slice %arg6[%add3A_153, %dma_wait3A_207, %dma_wait3A_212] : memref<391x2x128xi32, #tpu.memory_space<vmem>> -> memref<1x1x128xi32, #tpu.memory_space<vmem>>
      %dma_wait3A_214 = tpu.memref_squeeze %dma_wait3A_213 : memref<1x1x128xi32, #tpu.memory_space<vmem>> -> memref<128xi32, #tpu.memory_space<vmem>>
      %dma_wait3A_215 = arith.constant 0 : i32
      %dma_wait3A_216 = arith.constant 0 : i32
      %dma_wait3A_217 = tpu.memref_slice %arg8[%dma_wait3A_215, %dma_wait3A_216] : memref<50048x8xf32, #tpu.memory_space<vmem_shared>> -> memref<50048x8xf32, #tpu.memory_space<vmem_shared>>
      tpu.wait_indirect_dma semaphore(%arg10 : memref<!tpu.dma_semaphore, #tpu.memory_space<semaphore_mem>>) src(%dma_wait3A_211 : memref<128x8xf32, #tpu.memory_space<vmem>>) dst(%dma_wait3A_217 : memref<50048x8xf32, #tpu.memory_space<vmem_shared>>)
      %dma_wait3A_218 = arith.constant 2 : i32
      %dma_wait3A_219 = arith.constant 1 : i32
      %dma_wait3A_220 = arith.constant 0 : i32
      %dma_wait3A_221 = arith.constant 0 : i32
      %dma_wait3A_222 = tpu.memref_slice %arg7[%dma_wait3A_218, %dma_wait3A_220, %dma_wait3A_221] : memref<4x128x8xf32, #tpu.memory_space<vmem>> -> memref<1x128x8xf32, #tpu.memory_space<vmem>>
      %dma_wait3A_223 = tpu.memref_squeeze %dma_wait3A_222 : memref<1x128x8xf32, #tpu.memory_space<vmem>> -> memref<128x8xf32, #tpu.memory_space<vmem>>
      %dma_wait3A_224 = arith.constant 0 : i32
      %dma_wait3A_225 = tpu.memref_slice %arg6[%add3A_167, %dma_wait3A_219, %dma_wait3A_224] : memref<391x2x128xi32, #tpu.memory_space<vmem>> -> memref<1x1x128xi32, #tpu.memory_space<vmem>>
      %dma_wait3A_226 = tpu.memref_squeeze %dma_wait3A_225 : memref<1x1x128xi32, #tpu.memory_space<vmem>> -> memref<128xi32, #tpu.memory_space<vmem>>
      %dma_wait3A_227 = arith.constant 0 : i32
      %dma_wait3A_228 = arith.constant 0 : i32
      %dma_wait3A_229 = tpu.memref_slice %arg8[%dma_wait3A_227, %dma_wait3A_228] : memref<50048x8xf32, #tpu.memory_space<vmem_shared>> -> memref<50048x8xf32, #tpu.memory_space<vmem_shared>>
      tpu.wait_indirect_dma semaphore(%arg10 : memref<!tpu.dma_semaphore, #tpu.memory_space<semaphore_mem>>) src(%dma_wait3A_223 : memref<128x8xf32, #tpu.memory_space<vmem>>) dst(%dma_wait3A_229 : memref<50048x8xf32, #tpu.memory_space<vmem_shared>>)
      %dma_wait3A_230 = arith.constant 3 : i32
      %dma_wait3A_231 = arith.constant 1 : i32
      %dma_wait3A_232 = arith.constant 0 : i32
      %dma_wait3A_233 = arith.constant 0 : i32
      %dma_wait3A_234 = tpu.memref_slice %arg7[%dma_wait3A_230, %dma_wait3A_232, %dma_wait3A_233] : memref<4x128x8xf32, #tpu.memory_space<vmem>> -> memref<1x128x8xf32, #tpu.memory_space<vmem>>
      %dma_wait3A_235 = tpu.memref_squeeze %dma_wait3A_234 : memref<1x128x8xf32, #tpu.memory_space<vmem>> -> memref<128x8xf32, #tpu.memory_space<vmem>>
      %dma_wait3A_236 = arith.constant 0 : i32
      %dma_wait3A_237 = tpu.memref_slice %arg6[%add3A_181, %dma_wait3A_231, %dma_wait3A_236] : memref<391x2x128xi32, #tpu.memory_space<vmem>> -> memref<1x1x128xi32, #tpu.memory_space<vmem>>
      %dma_wait3A_238 = tpu.memref_squeeze %dma_wait3A_237 : memref<1x1x128xi32, #tpu.memory_space<vmem>> -> memref<128xi32, #tpu.memory_space<vmem>>
      %dma_wait3A_239 = arith.constant 0 : i32
      %dma_wait3A_240 = arith.constant 0 : i32
      %dma_wait3A_241 = tpu.memref_slice %arg8[%dma_wait3A_239, %dma_wait3A_240] : memref<50048x8xf32, #tpu.memory_space<vmem_shared>> -> memref<50048x8xf32, #tpu.memory_space<vmem_shared>>
      tpu.wait_indirect_dma semaphore(%arg10 : memref<!tpu.dma_semaphore, #tpu.memory_space<semaphore_mem>>) src(%dma_wait3A_235 : memref<128x8xf32, #tpu.memory_space<vmem>>) dst(%dma_wait3A_241 : memref<50048x8xf32, #tpu.memory_space<vmem_shared>>)
    }
    %scan3A_15 = arith.constant 97 : i32
    %add3A_16 = arith.constant 388 : i32
    %add3A_17 = arith.addi %select_n3A, %add3A_16 : i32
    %while3A = arith.constant 0 : i32
    %while3A_18 = arith.constant 391 : i32
    %while3A_19 = arith.subi %while3A_18, %add3A_17 : i32
    %while3A_20 = arith.addi %add3A_17, %while3A_19 : i32
    %while3A_21 = arith.constant 1 : i32
    %while3A_22 = arith.divsi %while3A_19, %while3A_21 : i32
    %while3A_23 = arith.muli %while3A_22, %while3A_21 : i32
    %while3A_24 = arith.addi %add3A_17, %while3A_23 : i32
    %while3A_25 = arith.constant 1 : i32
    scf.for %while3A_32 = %add3A_17 to %while3A_24 step %while3A_25  : i32 {
      %run_scoped3A = arith.constant 0 : i32
      %run_scoped3A_33 = arith.constant 0 : i32
      "tpu.region"() ({
        %run_scoped3A_36 = tpu.sem_alloc : memref<!tpu.dma_semaphore, #tpu.memory_space<semaphore_mem>>
        %dma_start3A = arith.constant 0 : i32
        %dma_start3A_37 = arith.constant 0 : i32
        %dma_start3A_38 = tpu.memref_slice %arg7[%run_scoped3A_33, %dma_start3A, %dma_start3A_37] : memref<4x128x8xf32, #tpu.memory_space<vmem>> -> memref<1x128x8xf32, #tpu.memory_space<vmem>>
        %dma_start3A_39 = tpu.memref_squeeze %dma_start3A_38 : memref<1x128x8xf32, #tpu.memory_space<vmem>> -> memref<128x8xf32, #tpu.memory_space<vmem>>
        %dma_start3A_40 = arith.constant 0 : i32
        %dma_start3A_41 = tpu.memref_slice %arg6[%while3A_32, %run_scoped3A, %dma_start3A_40] : memref<391x2x128xi32, #tpu.memory_space<vmem>> -> memref<1x1x128xi32, #tpu.memory_space<vmem>>
        %dma_start3A_42 = tpu.memref_squeeze %dma_start3A_41 : memref<1x1x128xi32, #tpu.memory_space<vmem>> -> memref<128xi32, #tpu.memory_space<vmem>>
        %dma_start3A_43 = arith.constant 0 : i32
        %dma_start3A_44 = arith.constant 0 : i32
        %dma_start3A_45 = tpu.memref_slice %arg2[%dma_start3A_43, %dma_start3A_44] : memref<50000x8xf32, #tpu.memory_space<hbm>> -> memref<50000x8xf32, #tpu.memory_space<hbm>>
        tpu.enqueue_indirect_dma source(%dma_start3A_45 : memref<50000x8xf32, #tpu.memory_space<hbm>>) target(%dma_start3A_39 : memref<128x8xf32, #tpu.memory_space<vmem>>) offsets(%dma_start3A_42 : memref<128xi32, #tpu.memory_space<vmem>>) semaphore(%run_scoped3A_36 : memref<!tpu.dma_semaphore, #tpu.memory_space<semaphore_mem>>)
        %dma_wait3A = arith.constant 0 : i32
        %dma_wait3A_46 = arith.constant 0 : i32
        %dma_wait3A_47 = tpu.memref_slice %arg7[%run_scoped3A_33, %dma_wait3A, %dma_wait3A_46] : memref<4x128x8xf32, #tpu.memory_space<vmem>> -> memref<1x128x8xf32, #tpu.memory_space<vmem>>
        %dma_wait3A_48 = tpu.memref_squeeze %dma_wait3A_47 : memref<1x128x8xf32, #tpu.memory_space<vmem>> -> memref<128x8xf32, #tpu.memory_space<vmem>>
        %dma_wait3A_49 = arith.constant 0 : i32
        %dma_wait3A_50 = tpu.memref_slice %arg6[%while3A_32, %run_scoped3A, %dma_wait3A_49] : memref<391x2x128xi32, #tpu.memory_space<vmem>> -> memref<1x1x128xi32, #tpu.memory_space<vmem>>
        %dma_wait3A_51 = tpu.memref_squeeze %dma_wait3A_50 : memref<1x1x128xi32, #tpu.memory_space<vmem>> -> memref<128xi32, #tpu.memory_space<vmem>>
        %dma_wait3A_52 = arith.constant 0 : i32
        %dma_wait3A_53 = arith.constant 0 : i32
        %dma_wait3A_54 = tpu.memref_slice %arg2[%dma_wait3A_52, %dma_wait3A_53] : memref<50000x8xf32, #tpu.memory_space<hbm>> -> memref<50000x8xf32, #tpu.memory_space<hbm>>
        tpu.wait_indirect_dma semaphore(%run_scoped3A_36 : memref<!tpu.dma_semaphore, #tpu.memory_space<semaphore_mem>>) src(%dma_wait3A_54 : memref<50000x8xf32, #tpu.memory_space<hbm>>) dst(%dma_wait3A_48 : memref<128x8xf32, #tpu.memory_space<vmem>>)
        tpu.yield
      }) : () -> ()
      %run_scoped3A_34 = arith.constant 0 : i32
      %run_scoped3A_35 = arith.constant 1 : i32
      "tpu.region"() ({
        %run_scoped3A_36 = tpu.sem_alloc : memref<!tpu.dma_semaphore, #tpu.memory_space<semaphore_mem>>
        %dma_start3A = arith.constant 0 : i32
        %dma_start3A_37 = arith.constant 0 : i32
        %dma_start3A_38 = tpu.memref_slice %arg7[%run_scoped3A_34, %dma_start3A, %dma_start3A_37] : memref<4x128x8xf32, #tpu.memory_space<vmem>> -> memref<1x128x8xf32, #tpu.memory_space<vmem>>
        %dma_start3A_39 = tpu.memref_squeeze %dma_start3A_38 : memref<1x128x8xf32, #tpu.memory_space<vmem>> -> memref<128x8xf32, #tpu.memory_space<vmem>>
        %dma_start3A_40 = arith.constant 0 : i32
        %dma_start3A_41 = tpu.memref_slice %arg6[%while3A_32, %run_scoped3A_35, %dma_start3A_40] : memref<391x2x128xi32, #tpu.memory_space<vmem>> -> memref<1x1x128xi32, #tpu.memory_space<vmem>>
        %dma_start3A_42 = tpu.memref_squeeze %dma_start3A_41 : memref<1x1x128xi32, #tpu.memory_space<vmem>> -> memref<128xi32, #tpu.memory_space<vmem>>
        %dma_start3A_43 = arith.constant 0 : i32
        %dma_start3A_44 = arith.constant 0 : i32
        %dma_start3A_45 = tpu.memref_slice %arg8[%dma_start3A_43, %dma_start3A_44] : memref<50048x8xf32, #tpu.memory_space<vmem_shared>> -> memref<50048x8xf32, #tpu.memory_space<vmem_shared>>
        tpu.enqueue_indirect_dma source(%dma_start3A_39 : memref<128x8xf32, #tpu.memory_space<vmem>>) target(%dma_start3A_45 : memref<50048x8xf32, #tpu.memory_space<vmem_shared>>) offsets(%dma_start3A_42 : memref<128xi32, #tpu.memory_space<vmem>>) semaphore(%run_scoped3A_36 : memref<!tpu.dma_semaphore, #tpu.memory_space<semaphore_mem>>) {add = true}
        %dma_wait3A = arith.constant 0 : i32
        %dma_wait3A_46 = arith.constant 0 : i32
        %dma_wait3A_47 = tpu.memref_slice %arg7[%run_scoped3A_34, %dma_wait3A, %dma_wait3A_46] : memref<4x128x8xf32, #tpu.memory_space<vmem>> -> memref<1x128x8xf32, #tpu.memory_space<vmem>>
        %dma_wait3A_48 = tpu.memref_squeeze %dma_wait3A_47 : memref<1x128x8xf32, #tpu.memory_space<vmem>> -> memref<128x8xf32, #tpu.memory_space<vmem>>
        %dma_wait3A_49 = arith.constant 0 : i32
        %dma_wait3A_50 = tpu.memref_slice %arg6[%while3A_32, %run_scoped3A_35, %dma_wait3A_49] : memref<391x2x128xi32, #tpu.memory_space<vmem>> -> memref<1x1x128xi32, #tpu.memory_space<vmem>>
        %dma_wait3A_51 = tpu.memref_squeeze %dma_wait3A_50 : memref<1x1x128xi32, #tpu.memory_space<vmem>> -> memref<128xi32, #tpu.memory_space<vmem>>
        %dma_wait3A_52 = arith.constant 0 : i32
        %dma_wait3A_53 = arith.constant 0 : i32
        %dma_wait3A_54 = tpu.memref_slice %arg8[%dma_wait3A_52, %dma_wait3A_53] : memref<50048x8xf32, #tpu.memory_space<vmem_shared>> -> memref<50048x8xf32, #tpu.memory_space<vmem_shared>>
        tpu.wait_indirect_dma semaphore(%run_scoped3A_36 : memref<!tpu.dma_semaphore, #tpu.memory_space<semaphore_mem>>) src(%dma_wait3A_48 : memref<128x8xf32, #tpu.memory_space<vmem>>) dst(%dma_wait3A_54 : memref<50048x8xf32, #tpu.memory_space<vmem_shared>>)
        tpu.yield
      }) : () -> ()
    }
    %while3A_26 = arith.constant 1 : i32
    scf.for %while3A_32 = %while3A_24 to %while3A_20 step %while3A_26  : i32 {
      %run_scoped3A = arith.constant 0 : i32
      %run_scoped3A_33 = arith.constant 0 : i32
      "tpu.region"() ({
        %run_scoped3A_36 = tpu.sem_alloc : memref<!tpu.dma_semaphore, #tpu.memory_space<semaphore_mem>>
        %dma_start3A = arith.constant 0 : i32
        %dma_start3A_37 = arith.constant 0 : i32
        %dma_start3A_38 = tpu.memref_slice %arg7[%run_scoped3A_33, %dma_start3A, %dma_start3A_37] : memref<4x128x8xf32, #tpu.memory_space<vmem>> -> memref<1x128x8xf32, #tpu.memory_space<vmem>>
        %dma_start3A_39 = tpu.memref_squeeze %dma_start3A_38 : memref<1x128x8xf32, #tpu.memory_space<vmem>> -> memref<128x8xf32, #tpu.memory_space<vmem>>
        %dma_start3A_40 = arith.constant 0 : i32
        %dma_start3A_41 = tpu.memref_slice %arg6[%while3A_32, %run_scoped3A, %dma_start3A_40] : memref<391x2x128xi32, #tpu.memory_space<vmem>> -> memref<1x1x128xi32, #tpu.memory_space<vmem>>
        %dma_start3A_42 = tpu.memref_squeeze %dma_start3A_41 : memref<1x1x128xi32, #tpu.memory_space<vmem>> -> memref<128xi32, #tpu.memory_space<vmem>>
        %dma_start3A_43 = arith.constant 0 : i32
        %dma_start3A_44 = arith.constant 0 : i32
        %dma_start3A_45 = tpu.memref_slice %arg2[%dma_start3A_43, %dma_start3A_44] : memref<50000x8xf32, #tpu.memory_space<hbm>> -> memref<50000x8xf32, #tpu.memory_space<hbm>>
        tpu.enqueue_indirect_dma source(%dma_start3A_45 : memref<50000x8xf32, #tpu.memory_space<hbm>>) target(%dma_start3A_39 : memref<128x8xf32, #tpu.memory_space<vmem>>) offsets(%dma_start3A_42 : memref<128xi32, #tpu.memory_space<vmem>>) semaphore(%run_scoped3A_36 : memref<!tpu.dma_semaphore, #tpu.memory_space<semaphore_mem>>)
        %dma_wait3A = arith.constant 0 : i32
        %dma_wait3A_46 = arith.constant 0 : i32
        %dma_wait3A_47 = tpu.memref_slice %arg7[%run_scoped3A_33, %dma_wait3A, %dma_wait3A_46] : memref<4x128x8xf32, #tpu.memory_space<vmem>> -> memref<1x128x8xf32, #tpu.memory_space<vmem>>
        %dma_wait3A_48 = tpu.memref_squeeze %dma_wait3A_47 : memref<1x128x8xf32, #tpu.memory_space<vmem>> -> memref<128x8xf32, #tpu.memory_space<vmem>>
        %dma_wait3A_49 = arith.constant 0 : i32
        %dma_wait3A_50 = tpu.memref_slice %arg6[%while3A_32, %run_scoped3A, %dma_wait3A_49] : memref<391x2x128xi32, #tpu.memory_space<vmem>> -> memref<1x1x128xi32, #tpu.memory_space<vmem>>
        %dma_wait3A_51 = tpu.memref_squeeze %dma_wait3A_50 : memref<1x1x128xi32, #tpu.memory_space<vmem>> -> memref<128xi32, #tpu.memory_space<vmem>>
        %dma_wait3A_52 = arith.constant 0 : i32
        %dma_wait3A_53 = arith.constant 0 : i32
        %dma_wait3A_54 = tpu.memref_slice %arg2[%dma_wait3A_52, %dma_wait3A_53] : memref<50000x8xf32, #tpu.memory_space<hbm>> -> memref<50000x8xf32, #tpu.memory_space<hbm>>
        tpu.wait_indirect_dma semaphore(%run_scoped3A_36 : memref<!tpu.dma_semaphore, #tpu.memory_space<semaphore_mem>>) src(%dma_wait3A_54 : memref<50000x8xf32, #tpu.memory_space<hbm>>) dst(%dma_wait3A_48 : memref<128x8xf32, #tpu.memory_space<vmem>>)
        tpu.yield
      }) : () -> ()
      %run_scoped3A_34 = arith.constant 0 : i32
      %run_scoped3A_35 = arith.constant 1 : i32
      "tpu.region"() ({
        %run_scoped3A_36 = tpu.sem_alloc : memref<!tpu.dma_semaphore, #tpu.memory_space<semaphore_mem>>
        %dma_start3A = arith.constant 0 : i32
        %dma_start3A_37 = arith.constant 0 : i32
        %dma_start3A_38 = tpu.memref_slice %arg7[%run_scoped3A_34, %dma_start3A, %dma_start3A_37] : memref<4x128x8xf32, #tpu.memory_space<vmem>> -> memref<1x128x8xf32, #tpu.memory_space<vmem>>
        %dma_start3A_39 = tpu.memref_squeeze %dma_start3A_38 : memref<1x128x8xf32, #tpu.memory_space<vmem>> -> memref<128x8xf32, #tpu.memory_space<vmem>>
        %dma_start3A_40 = arith.constant 0 : i32
        %dma_start3A_41 = tpu.memref_slice %arg6[%while3A_32, %run_scoped3A_35, %dma_start3A_40] : memref<391x2x128xi32, #tpu.memory_space<vmem>> -> memref<1x1x128xi32, #tpu.memory_space<vmem>>
        %dma_start3A_42 = tpu.memref_squeeze %dma_start3A_41 : memref<1x1x128xi32, #tpu.memory_space<vmem>> -> memref<128xi32, #tpu.memory_space<vmem>>
        %dma_start3A_43 = arith.constant 0 : i32
        %dma_start3A_44 = arith.constant 0 : i32
        %dma_start3A_45 = tpu.memref_slice %arg8[%dma_start3A_43, %dma_start3A_44] : memref<50048x8xf32, #tpu.memory_space<vmem_shared>> -> memref<50048x8xf32, #tpu.memory_space<vmem_shared>>
        tpu.enqueue_indirect_dma source(%dma_start3A_39 : memref<128x8xf32, #tpu.memory_space<vmem>>) target(%dma_start3A_45 : memref<50048x8xf32, #tpu.memory_space<vmem_shared>>) offsets(%dma_start3A_42 : memref<128xi32, #tpu.memory_space<vmem>>) semaphore(%run_scoped3A_36 : memref<!tpu.dma_semaphore, #tpu.memory_space<semaphore_mem>>) {add = true}
        %dma_wait3A = arith.constant 0 : i32
        %dma_wait3A_46 = arith.constant 0 : i32
        %dma_wait3A_47 = tpu.memref_slice %arg7[%run_scoped3A_34, %dma_wait3A, %dma_wait3A_46] : memref<4x128x8xf32, #tpu.memory_space<vmem>> -> memref<1x128x8xf32, #tpu.memory_space<vmem>>
        %dma_wait3A_48 = tpu.memref_squeeze %dma_wait3A_47 : memref<1x128x8xf32, #tpu.memory_space<vmem>> -> memref<128x8xf32, #tpu.memory_space<vmem>>
        %dma_wait3A_49 = arith.constant 0 : i32
        %dma_wait3A_50 = tpu.memref_slice %arg6[%while3A_32, %run_scoped3A_35, %dma_wait3A_49] : memref<391x2x128xi32, #tpu.memory_space<vmem>> -> memref<1x1x128xi32, #tpu.memory_space<vmem>>
        %dma_wait3A_51 = tpu.memref_squeeze %dma_wait3A_50 : memref<1x1x128xi32, #tpu.memory_space<vmem>> -> memref<128xi32, #tpu.memory_space<vmem>>
        %dma_wait3A_52 = arith.constant 0 : i32
        %dma_wait3A_53 = arith.constant 0 : i32
        %dma_wait3A_54 = tpu.memref_slice %arg8[%dma_wait3A_52, %dma_wait3A_53] : memref<50048x8xf32, #tpu.memory_space<vmem_shared>> -> memref<50048x8xf32, #tpu.memory_space<vmem_shared>>
        tpu.wait_indirect_dma semaphore(%run_scoped3A_36 : memref<!tpu.dma_semaphore, #tpu.memory_space<semaphore_mem>>) src(%dma_wait3A_48 : memref<128x8xf32, #tpu.memory_space<vmem>>) dst(%dma_wait3A_54 : memref<50048x8xf32, #tpu.memory_space<vmem_shared>>)
        tpu.yield
      }) : () -> ()
    }
    %barrier3A_27 = arith.constant 0 : index
    tpu.barrier barrier_id(%barrier3A_27)
    %mul3A_28 = arith.constant 3128 : i32
    %mul3A_29 = arith.muli %arg1, %mul3A_28 : i32
    %mul3A_30 = arith.constant 3128 : i32
    %mul3A_31 = arith.muli %arg1, %mul3A_30 : i32
    "tpu.region"() ({
      %run_scoped3A = tpu.sem_alloc : memref<!tpu.dma_semaphore, #tpu.memory_space<semaphore_mem>>
      %dma_start3A = arith.constant 0 : i32
      %dma_start3A_32 = tpu.memref_slice %arg5[%arg0, %mul3A_31, %dma_start3A] : memref<2x51200x8xf32, #tpu.memory_space<hbm>> -> memref<1x3128x8xf32, #tpu.memory_space<hbm>>
      %dma_start3A_33 = tpu.memref_squeeze %dma_start3A_32 : memref<1x3128x8xf32, #tpu.memory_space<hbm>> -> memref<3128x8xf32, #tpu.memory_space<hbm>>
      %dma_start3A_34 = arith.constant 0 : i32
      %dma_start3A_35 = tpu.memref_slice %arg8[%mul3A_29, %dma_start3A_34] : memref<50048x8xf32, #tpu.memory_space<vmem_shared>> -> memref<3128x8xf32, #tpu.memory_space<vmem_shared>>
      tpu.enqueue_dma source(%dma_start3A_35 : memref<3128x8xf32, #tpu.memory_space<vmem_shared>>) target(%dma_start3A_33 : memref<3128x8xf32, #tpu.memory_space<hbm>>) target_semaphore(%run_scoped3A : memref<!tpu.dma_semaphore, #tpu.memory_space<semaphore_mem>>)
      %dma_wait3A = arith.constant 0 : i32
      %dma_wait3A_36 = tpu.memref_slice %arg5[%arg0, %mul3A_31, %dma_wait3A] : memref<2x51200x8xf32, #tpu.memory_space<hbm>> -> memref<1x3128x8xf32, #tpu.memory_space<hbm>>
      %dma_wait3A_37 = tpu.memref_squeeze %dma_wait3A_36 : memref<1x3128x8xf32, #tpu.memory_space<hbm>> -> memref<3128x8xf32, #tpu.memory_space<hbm>>
      %dma_wait3A_38 = arith.constant 0 : i32
      %dma_wait3A_39 = tpu.memref_slice %arg8[%mul3A_29, %dma_wait3A_38] : memref<50048x8xf32, #tpu.memory_space<vmem_shared>> -> memref<3128x8xf32, #tpu.memory_space<vmem_shared>>
      tpu.wait_dma2 semaphore(%run_scoped3A : memref<!tpu.dma_semaphore, #tpu.memory_space<semaphore_mem>>) src(%dma_wait3A_39 : memref<3128x8xf32, #tpu.memory_space<vmem_shared>>) dst(%dma_wait3A_37 : memref<3128x8xf32, #tpu.memory_space<hbm>>)
      tpu.yield
    }) : () -> ()
    return
  }
}

module attributes {stable_mosaic.version = 14 : i64} {
  func.func @_mm_body(%arg0: i32, %arg1: i32, %arg2: memref<160x5120xf32, #tpu.memory_space<vmem>>, %arg3: memref<160x16xf32, #tpu.memory_space<vmem>>, %arg4: memref<16x5120xf32, #tpu.memory_space<vmem>>) attributes {dimension_semantics = [#tpu.dimension_semantics<arbitrary>, #tpu.dimension_semantics<arbitrary>], iteration_bounds = array<i64: 10, 9>, scalar_prefetch = 0 : i64, scratch_operands = 0 : i64, tpu.core_type = #tpu.core_type<tc>, window_params = [{transform_indices = @transform_0, window_bounds = array<i64: 160, 5120>}, {transform_indices = @transform_1, window_bounds = array<i64: 160, 16>}, {transform_indices = @transform_2, window_bounds = array<i64: 16, 5120>}]} {
    %eq3A = arith.constant 0 : i32
    %eq3A_0 = arith.cmpi eq, %arg1, %eq3A : i32
    %convert_element_type3A = arith.extui %eq3A_0 : i1 to i32
    %cond3A = arith.constant 0 : i32
    %cond3A_1 = arith.cmpi ne, %convert_element_type3A, %cond3A : i32
    scf.if %cond3A_1 {
      %get3A = arith.constant 0 : index
      %get3A_12 = arith.constant 0 : index
      %get3A_13 = vector.load %arg3[%get3A, %get3A_12] : memref<160x16xf32, #tpu.memory_space<vmem>>, vector<160x16xf32>
      %get3A_14 = arith.constant 0 : index
      %get3A_15 = arith.constant 0 : index
      %get3A_16 = vector.load %arg2[%get3A_14, %get3A_15] : memref<160x5120xf32, #tpu.memory_space<vmem>>, vector<160x5120xf32>
      %convert_element_type3A_17 = arith.truncf %get3A_13 : vector<160x16xf32> to vector<160x16xbf16>
      %convert_element_type3A_18 = arith.truncf %get3A_16 : vector<160x5120xf32> to vector<160x5120xbf16>
      %dot_general3A = arith.constant dense<0.000000e+00> : vector<16x5120xf32>
      %dot_general3A_19 = tpu.matmul %convert_element_type3A_17, %convert_element_type3A_18, %dot_general3A {dimension_numbers = #tpu.dot_dimension_numbers<[0], [0], [1], [1], [0, 1, 1, 1], [], []>, transpose_lhs_hint = false} : vector<160x16xbf16>, vector<160x5120xbf16>, vector<16x5120xf32> -> vector<16x5120xf32>
      %swap3A = arith.constant 0 : index
      %swap3A_20 = arith.constant 0 : index
      %swap3A_21 = vector.load %arg4[%swap3A, %swap3A_20] : memref<16x5120xf32, #tpu.memory_space<vmem>>, vector<16x5120xf32>
      tpu.vector_store %arg4[%swap3A, %swap3A_20], %dot_general3A_19 {strides = array<i32>} : memref<16x5120xf32, #tpu.memory_space<vmem>>, vector<16x5120xf32>,
    } else {
    }
    %gt3A = arith.constant 0 : i32
    %gt3A_2 = arith.cmpi sgt, %arg1, %gt3A : i32
    %lt3A = arith.constant 8 : i32
    %lt3A_3 = arith.cmpi slt, %arg1, %lt3A : i32
    %and3A = arith.andi %gt3A_2, %lt3A_3 : i1
    %convert_element_type3A_4 = arith.extui %and3A : i1 to i32
    %cond3A_5 = arith.constant 0 : i32
    %cond3A_6 = arith.cmpi ne, %convert_element_type3A_4, %cond3A_5 : i32
    scf.if %cond3A_6 {
      %get3A = arith.constant 0 : index
      %get3A_12 = arith.constant 0 : index
      %get3A_13 = vector.load %arg4[%get3A, %get3A_12] : memref<16x5120xf32, #tpu.memory_space<vmem>>, vector<16x5120xf32>
      %get3A_14 = arith.constant 0 : index
      %get3A_15 = arith.constant 0 : index
      %get3A_16 = vector.load %arg3[%get3A_14, %get3A_15] : memref<160x16xf32, #tpu.memory_space<vmem>>, vector<160x16xf32>
      %get3A_17 = arith.constant 0 : index
      %get3A_18 = arith.constant 0 : index
      %get3A_19 = vector.load %arg2[%get3A_17, %get3A_18] : memref<160x5120xf32, #tpu.memory_space<vmem>>, vector<160x5120xf32>
      %convert_element_type3A_20 = arith.truncf %get3A_16 : vector<160x16xf32> to vector<160x16xbf16>
      %convert_element_type3A_21 = arith.truncf %get3A_19 : vector<160x5120xf32> to vector<160x5120xbf16>
      %dot_general3A = arith.constant dense<0.000000e+00> : vector<16x5120xf32>
      %dot_general3A_22 = tpu.matmul %convert_element_type3A_20, %convert_element_type3A_21, %dot_general3A {dimension_numbers = #tpu.dot_dimension_numbers<[0], [0], [1], [1], [0, 1, 1, 1], [], []>, transpose_lhs_hint = false} : vector<160x16xbf16>, vector<160x5120xbf16>, vector<16x5120xf32> -> vector<16x5120xf32>
      %add3A = arith.addf %get3A_13, %dot_general3A_22 : vector<16x5120xf32>
      %swap3A = arith.constant 0 : index
      %swap3A_23 = arith.constant 0 : index
      %swap3A_24 = vector.load %arg4[%swap3A, %swap3A_23] : memref<16x5120xf32, #tpu.memory_space<vmem>>, vector<16x5120xf32>
      tpu.vector_store %arg4[%swap3A, %swap3A_23], %add3A {strides = array<i32>} : memref<16x5120xf32, #tpu.memory_space<vmem>>, vector<16x5120xf32>,
    } else {
    }
    %eq3A_7 = arith.constant 8 : i32
    %eq3A_8 = arith.cmpi eq, %arg1, %eq3A_7 : i32
    %convert_element_type3A_9 = arith.extui %eq3A_8 : i1 to i32
    %cond3A_10 = arith.constant 0 : i32
    %cond3A_11 = arith.cmpi ne, %convert_element_type3A_9, %cond3A_10 : i32
    scf.if %cond3A_11 {
      %get3A = arith.constant 0 : index
      %get3A_12 = arith.constant 0 : index
      %get3A_13 = vector.load %arg2[%get3A, %get3A_12] : memref<160x5120xf32, #tpu.memory_space<vmem>>, vector<160x5120xf32>
      %get3A_14 = arith.constant 0 : index
      %get3A_15 = arith.constant 0 : index
      %get3A_16 = vector.load %arg3[%get3A_14, %get3A_15] : memref<160x16xf32, #tpu.memory_space<vmem>>, vector<160x16xf32>
      %iota3A = tpu.iota {dimensions = array<i32: 0>} : vector<160x5120xi32>
      %add3A = arith.constant 1280 : i32
      %add3A_17 = vector.broadcast %add3A : i32 to vector<160x5120xi32>
      %add3A_18 = arith.addi %add3A_17, %iota3A : vector<160x5120xi32>
      %iota3A_19 = tpu.iota {dimensions = array<i32: 0>} : vector<160x16xi32>
      %add3A_20 = arith.constant 1280 : i32
      %add3A_21 = vector.broadcast %add3A_20 : i32 to vector<160x16xi32>
      %add3A_22 = arith.addi %add3A_21, %iota3A_19 : vector<160x16xi32>
      %get3A_23 = arith.constant 0 : index
      %get3A_24 = arith.constant 0 : index
      %get3A_25 = vector.load %arg4[%get3A_23, %get3A_24] : memref<16x5120xf32, #tpu.memory_space<vmem>>, vector<16x5120xf32>
      %lt3A_26 = arith.constant 1433 : i32
      %lt3A_27 = vector.broadcast %lt3A_26 : i32 to vector<160x16xi32>
      %lt3A_28 = arith.cmpi slt, %add3A_22, %lt3A_27 : vector<160x16xi32>
      %jit3A = arith.constant 0.000000e+00 : f32
      %broadcast_in_dim3A = vector.broadcast %jit3A : f32 to vector<160x16xf32>
      %select_n3A = arith.select %lt3A_28, %get3A_16, %broadcast_in_dim3A : vector<160x16xi1>, vector<160x16xf32>
      %lt3A_29 = arith.constant 1433 : i32
      %lt3A_30 = vector.broadcast %lt3A_29 : i32 to vector<160x5120xi32>
      %lt3A_31 = arith.cmpi slt, %add3A_18, %lt3A_30 : vector<160x5120xi32>
      %jit3A_32 = arith.constant 0.000000e+00 : f32
      %broadcast_in_dim3A_33 = vector.broadcast %jit3A_32 : f32 to vector<160x5120xf32>
      %select_n3A_34 = arith.select %lt3A_31, %get3A_13, %broadcast_in_dim3A_33 : vector<160x5120xi1>, vector<160x5120xf32>
      %convert_element_type3A_35 = arith.truncf %select_n3A : vector<160x16xf32> to vector<160x16xbf16>
      %convert_element_type3A_36 = arith.truncf %select_n3A_34 : vector<160x5120xf32> to vector<160x5120xbf16>
      %dot_general3A = arith.constant dense<0.000000e+00> : vector<16x5120xf32>
      %dot_general3A_37 = tpu.matmul %convert_element_type3A_35, %convert_element_type3A_36, %dot_general3A {dimension_numbers = #tpu.dot_dimension_numbers<[0], [0], [1], [1], [0, 1, 1, 1], [], []>, transpose_lhs_hint = false} : vector<160x16xbf16>, vector<160x5120xbf16>, vector<16x5120xf32> -> vector<16x5120xf32>
      %add3A_38 = arith.addf %get3A_25, %dot_general3A_37 : vector<16x5120xf32>
      %swap3A = arith.constant 0 : index
      %swap3A_39 = arith.constant 0 : index
      %swap3A_40 = vector.load %arg4[%swap3A, %swap3A_39] : memref<16x5120xf32, #tpu.memory_space<vmem>>, vector<16x5120xf32>
      tpu.vector_store %arg4[%swap3A, %swap3A_39], %add3A_38 {strides = array<i32>} : memref<16x5120xf32, #tpu.memory_space<vmem>>, vector<16x5120xf32>,
    } else {
    }
    return
  }
  func.func @transform_0(%arg0: i32, %arg1: i32) -> (i32, i32) {
    %c0_i32 = arith.constant 0 : i32
    return %arg1, %arg0 : i32, i32
  }
  func.func @transform_1(%arg0: i32, %arg1: i32) -> (i32, i32) {
    %c0_i32 = arith.constant 0 : i32
    %c0_i32_0 = arith.constant 0 : i32
    return %arg1, %c0_i32 : i32, i32
  }
  func.func @transform_2(%arg0: i32, %arg1: i32) -> (i32, i32) {
    %c0_i32 = arith.constant 0 : i32
    %c0_i32_0 = arith.constant 0 : i32
    return %c0_i32, %arg0 : i32, i32
  }
}

module attributes {stable_mosaic.version = 14 : i64} {
  func.func @_scale_body(%arg0: i32, %arg1: memref<16x1280xf32, #tpu.memory_space<vmem>>, %arg2: memref<2x51200xf32, #tpu.memory_space<vmem>>, %arg3: memref<1280x8xf32, #tpu.memory_space<vmem>>, %arg4: memref<1280x8xf32, #tpu.memory_space<vmem>>) attributes {dimension_semantics = [#tpu.dimension_semantics<arbitrary>], iteration_bounds = array<i64: 40>, scalar_prefetch = 0 : i64, scratch_operands = 0 : i64, tpu.core_type = #tpu.core_type<tc>, window_params = [{transform_indices = @transform_0, window_bounds = array<i64: 16, 1280>}, {pipeline_mode = #tpu.pipeline_mode<synchronous>, transform_indices = @transform_1, window_bounds = array<i64: 2, 51200>}, {transform_indices = @transform_2, window_bounds = array<i64: 1280, 8>}, {transform_indices = @transform_3, window_bounds = array<i64: 1280, 8>}]} {
    %mul3A = arith.constant 1280 : i32
    %mul3A_0 = arith.muli %arg0, %mul3A : i32
    %get3A = arith.constant 0 : index
    %get3A_1 = arith.index_cast %mul3A_0 : i32 to index
    %get3A_2 = vector.load %arg2[%get3A, %get3A_1] : memref<2x51200xf32, #tpu.memory_space<vmem>>, vector<1x1280xf32>
    %get3A_3 = vector.shape_cast %get3A_2 : vector<1x1280xf32> to vector<1280xf32>
    %get3A_4 = arith.constant 1 : index
    %get3A_5 = arith.index_cast %mul3A_0 : i32 to index
    %get3A_6 = vector.load %arg2[%get3A_4, %get3A_5] : memref<2x51200xf32, #tpu.memory_space<vmem>>, vector<1x1280xf32>
    %get3A_7 = vector.shape_cast %get3A_6 : vector<1x1280xf32> to vector<1280xf32>
    %add3A = arith.addf %get3A_3, %get3A_7 : vector<1280xf32>
    %add3A_8 = arith.constant 1.000000e+00 : f32
    %add3A_9 = vector.broadcast %add3A_8 : f32 to vector<1280xf32>
    %add3A_10 = arith.addf %add3A, %add3A_9 : vector<1280xf32>
    %rsqrt3A = math.rsqrt %add3A_10 : vector<1280xf32>
    %get3A_11 = arith.constant 0 : index
    %get3A_12 = arith.constant 0 : index
    %get3A_13 = vector.load %arg1[%get3A_11, %get3A_12] : memref<16x1280xf32, #tpu.memory_space<vmem>>, vector<16x1280xf32>
    %transpose3A = tpu.transpose %get3A_13, [1, 0] : vector<16x1280xf32> -> vector<1280x16xf32>
    %broadcast_in_dim3A = vector.shape_cast %rsqrt3A : vector<1280xf32> to vector<1280x1xf32>
    %mul3A_14 = vector.broadcast %broadcast_in_dim3A : vector<1280x1xf32> to vector<1280x16xf32>
    %mul3A_15 = arith.mulf %transpose3A, %mul3A_14 : vector<1280x16xf32>
    %slice3A = vector.extract_strided_slice %mul3A_15 {offsets = [0, 0], sizes = [1280, 8], strides = [1, 1]} : vector<1280x16xf32> to vector<1280x8xf32>
    %swap3A = arith.constant 0 : index
    %swap3A_16 = arith.constant 0 : index
    %swap3A_17 = vector.load %arg3[%swap3A, %swap3A_16] : memref<1280x8xf32, #tpu.memory_space<vmem>>, vector<1280x8xf32>
    tpu.vector_store %arg3[%swap3A, %swap3A_16], %slice3A {strides = array<i32>} : memref<1280x8xf32, #tpu.memory_space<vmem>>, vector<1280x8xf32>,
    %slice3A_18 = vector.extract_strided_slice %mul3A_15 {offsets = [0, 8], sizes = [1280, 8], strides = [1, 1]} : vector<1280x16xf32> to vector<1280x8xf32>
    %swap3A_19 = arith.constant 0 : index
    %swap3A_20 = arith.constant 0 : index
    %swap3A_21 = vector.load %arg4[%swap3A_19, %swap3A_20] : memref<1280x8xf32, #tpu.memory_space<vmem>>, vector<1280x8xf32>
    tpu.vector_store %arg4[%swap3A_19, %swap3A_20], %slice3A_18 {strides = array<i32>} : memref<1280x8xf32, #tpu.memory_space<vmem>>, vector<1280x8xf32>,
    return
  }
  func.func @transform_0(%arg0: i32) -> (i32, i32) {
    %c0_i32 = arith.constant 0 : i32
    %c0_i32_0 = arith.constant 0 : i32
    return %c0_i32, %arg0 : i32, i32
  }
  func.func @transform_1(%arg0: i32) -> (i32, i32) {
    %c0_i32 = arith.constant 0 : i32
    %c0_i32_0 = arith.constant 0 : i32
    %c0_i32_1 = arith.constant 0 : i32
    return %c0_i32, %c0_i32_0 : i32, i32
  }
  func.func @transform_2(%arg0: i32) -> (i32, i32) {
    %c0_i32 = arith.constant 0 : i32
    %c0_i32_0 = arith.constant 0 : i32
    return %arg0, %c0_i32 : i32, i32
  }
  func.func @transform_3(%arg0: i32) -> (i32, i32) {
    %c0_i32 = arith.constant 0 : i32
    %c0_i32_0 = arith.constant 0 : i32
    return %arg0, %c0_i32 : i32, i32
  }
}

module attributes {stable_mosaic.version = 14 : i64} {
  func.func @_mid_body(%arg0: i32, %arg1: memref<2x2048x8xf32, #tpu.memory_space<vmem>>, %arg2: memref<2x2048x8xf32, #tpu.memory_space<vmem>>, %arg3: memref<2048x8xf32, #tpu.memory_space<vmem>>, %arg4: memref<2048x8xf32, #tpu.memory_space<vmem>>, %arg5: memref<2x51200xf32, #tpu.memory_space<vmem>>, %arg6: memref<1x16xf32, #tpu.memory_space<vmem>>, %arg7: memref<16x8xf32, #tpu.memory_space<vmem>>, %arg8: memref<2048x8xf32, #tpu.memory_space<vmem>>) attributes {dimension_semantics = [#tpu.dimension_semantics<arbitrary>], iteration_bounds = array<i64: 25>, scalar_prefetch = 0 : i64, scratch_operands = 0 : i64, tpu.core_type = #tpu.core_type<tc>, window_params = [{transform_indices = @transform_0, window_bounds = array<i64: 2, 2048, 8>}, {transform_indices = @transform_1, window_bounds = array<i64: 2, 2048, 8>}, {transform_indices = @transform_2, window_bounds = array<i64: 2048, 8>}, {transform_indices = @transform_3, window_bounds = array<i64: 2048, 8>}, {pipeline_mode = #tpu.pipeline_mode<synchronous>, transform_indices = @transform_4, window_bounds = array<i64: 2, 51200>}, {pipeline_mode = #tpu.pipeline_mode<synchronous>, transform_indices = @transform_5, window_bounds = array<i64: 1, 16>}, {pipeline_mode = #tpu.pipeline_mode<synchronous>, transform_indices = @transform_6, window_bounds = array<i64: 16, 8>}, {transform_indices = @transform_7, window_bounds = array<i64: 2048, 8>}]} {
    %mul3A = arith.constant 2048 : i32
    %mul3A_0 = arith.muli %arg0, %mul3A : i32
    %get3A = arith.constant 0 : index
    %get3A_1 = arith.index_cast %mul3A_0 : i32 to index
    %get3A_2 = vector.load %arg5[%get3A, %get3A_1] : memref<2x51200xf32, #tpu.memory_space<vmem>>, vector<1x2048xf32>
    %get3A_3 = vector.shape_cast %get3A_2 : vector<1x2048xf32> to vector<2048xf32>
    %get3A_4 = arith.constant 1 : index
    %get3A_5 = arith.index_cast %mul3A_0 : i32 to index
    %get3A_6 = vector.load %arg5[%get3A_4, %get3A_5] : memref<2x51200xf32, #tpu.memory_space<vmem>>, vector<1x2048xf32>
    %get3A_7 = vector.shape_cast %get3A_6 : vector<1x2048xf32> to vector<2048xf32>
    %add3A = arith.addf %get3A_3, %get3A_7 : vector<2048xf32>
    %add3A_8 = arith.constant 1.000000e+00 : f32
    %add3A_9 = vector.broadcast %add3A_8 : f32 to vector<2048xf32>
    %add3A_10 = arith.addf %add3A, %add3A_9 : vector<2048xf32>
    %rsqrt3A = math.rsqrt %add3A_10 : vector<2048xf32>
    %broadcast_in_dim3A = vector.shape_cast %rsqrt3A : vector<2048xf32> to vector<2048x1xf32>
    %get3A_11 = arith.constant 0 : index
    %get3A_12 = arith.constant 0 : index
    %get3A_13 = arith.constant 0 : index
    %get3A_14 = vector.load %arg1[%get3A_11, %get3A_12, %get3A_13] : memref<2x2048x8xf32, #tpu.memory_space<vmem>>, vector<1x2048x8xf32>
    %get3A_15 = vector.shape_cast %get3A_14 : vector<1x2048x8xf32> to vector<2048x8xf32>
    %get3A_16 = arith.constant 1 : index
    %get3A_17 = arith.constant 0 : index
    %get3A_18 = arith.constant 0 : index
    %get3A_19 = vector.load %arg1[%get3A_16, %get3A_17, %get3A_18] : memref<2x2048x8xf32, #tpu.memory_space<vmem>>, vector<1x2048x8xf32>
    %get3A_20 = vector.shape_cast %get3A_19 : vector<1x2048x8xf32> to vector<2048x8xf32>
    %add3A_21 = arith.addf %get3A_15, %get3A_20 : vector<2048x8xf32>
    %get3A_22 = arith.constant 0 : index
    %get3A_23 = arith.constant 0 : index
    %get3A_24 = vector.load %arg3[%get3A_22, %get3A_23] : memref<2048x8xf32, #tpu.memory_space<vmem>>, vector<2048x8xf32>
    %add3A_25 = arith.addf %add3A_21, %get3A_24 : vector<2048x8xf32>
    %get3A_26 = arith.constant 0 : index
    %get3A_27 = arith.constant 0 : index
    %get3A_28 = arith.constant 0 : index
    %get3A_29 = vector.load %arg2[%get3A_26, %get3A_27, %get3A_28] : memref<2x2048x8xf32, #tpu.memory_space<vmem>>, vector<1x2048x8xf32>
    %get3A_30 = vector.shape_cast %get3A_29 : vector<1x2048x8xf32> to vector<2048x8xf32>
    %get3A_31 = arith.constant 1 : index
    %get3A_32 = arith.constant 0 : index
    %get3A_33 = arith.constant 0 : index
    %get3A_34 = vector.load %arg2[%get3A_31, %get3A_32, %get3A_33] : memref<2x2048x8xf32, #tpu.memory_space<vmem>>, vector<1x2048x8xf32>
    %get3A_35 = vector.shape_cast %get3A_34 : vector<1x2048x8xf32> to vector<2048x8xf32>
    %add3A_36 = arith.addf %get3A_30, %get3A_35 : vector<2048x8xf32>
    %get3A_37 = arith.constant 0 : index
    %get3A_38 = arith.constant 0 : index
    %get3A_39 = vector.load %arg4[%get3A_37, %get3A_38] : memref<2048x8xf32, #tpu.memory_space<vmem>>, vector<2048x8xf32>
    %add3A_40 = arith.addf %add3A_36, %get3A_39 : vector<2048x8xf32>
    %concatenate3A = tpu.concatenate %add3A_25, %add3A_40 in 1 : vector<2048x8xf32>, vector<2048x8xf32> -> vector<2048x16xf32>
    %mul3A_41 = vector.broadcast %broadcast_in_dim3A : vector<2048x1xf32> to vector<2048x16xf32>
    %mul3A_42 = arith.mulf %concatenate3A, %mul3A_41 : vector<2048x16xf32>
    %get3A_43 = arith.constant 0 : index
    %get3A_44 = arith.constant 0 : index
    %get3A_45 = vector.load %arg6[%get3A_43, %get3A_44] : memref<1x16xf32, #tpu.memory_space<vmem>>, vector<1x16xf32>
    %add3A_46 = vector.broadcast %get3A_45 : vector<1x16xf32> to vector<2048x16xf32>
    %add3A_47 = arith.addf %mul3A_42, %add3A_46 : vector<2048x16xf32>
    %gt3A = arith.constant 0.000000e+00 : f32
    %gt3A_48 = vector.broadcast %gt3A : f32 to vector<2048x16xf32>
    %gt3A_49 = arith.cmpf ogt, %add3A_47, %gt3A_48 : vector<2048x16xf32>
    %exp3A = math.exp %add3A_47 : vector<2048x16xf32>
    %sub3A = arith.constant 1.000000e+00 : f32
    %sub3A_50 = vector.broadcast %sub3A : f32 to vector<2048x16xf32>
    %sub3A_51 = arith.subf %exp3A, %sub3A_50 : vector<2048x16xf32>
    %select_n3A = arith.select %gt3A_49, %add3A_47, %sub3A_51 : vector<2048x16xi1>, vector<2048x16xf32>
    %get3A_52 = arith.constant 0 : index
    %get3A_53 = arith.constant 0 : index
    %get3A_54 = vector.load %arg7[%get3A_52, %get3A_53] : memref<16x8xf32, #tpu.memory_space<vmem>>, vector<16x8xf32>
    %dot_general3A = arith.constant dense<0.000000e+00> : vector<2048x8xf32>
    %dot_general3A_55 = tpu.matmul %select_n3A, %get3A_54, %dot_general3A {dimension_numbers = #tpu.dot_dimension_numbers<[1], [0], [0], [1], [0, 0, 1, 1], [], []>, transpose_lhs_hint = false} : vector<2048x16xf32>, vector<16x8xf32>, vector<2048x8xf32> -> vector<2048x8xf32>
    %mul3A_56 = vector.broadcast %broadcast_in_dim3A : vector<2048x1xf32> to vector<2048x8xf32>
    %mul3A_57 = arith.mulf %dot_general3A_55, %mul3A_56 : vector<2048x8xf32>
    %swap3A = arith.constant 0 : index
    %swap3A_58 = arith.constant 0 : index
    %swap3A_59 = vector.load %arg8[%swap3A, %swap3A_58] : memref<2048x8xf32, #tpu.memory_space<vmem>>, vector<2048x8xf32>
    tpu.vector_store %arg8[%swap3A, %swap3A_58], %mul3A_57 {strides = array<i32>} : memref<2048x8xf32, #tpu.memory_space<vmem>>, vector<2048x8xf32>,
    return
  }
  func.func @transform_0(%arg0: i32) -> (i32, i32, i32) {
    %c0_i32 = arith.constant 0 : i32
    %c0_i32_0 = arith.constant 0 : i32
    %c0_i32_1 = arith.constant 0 : i32
    return %c0_i32, %arg0, %c0_i32_0 : i32, i32, i32
  }
  func.func @transform_1(%arg0: i32) -> (i32, i32, i32) {
    %c0_i32 = arith.constant 0 : i32
    %c0_i32_0 = arith.constant 0 : i32
    %c0_i32_1 = arith.constant 0 : i32
    return %c0_i32, %arg0, %c0_i32_0 : i32, i32, i32
  }
  func.func @transform_2(%arg0: i32) -> (i32, i32) {
    %c0_i32 = arith.constant 0 : i32
    %c0_i32_0 = arith.constant 0 : i32
    return %arg0, %c0_i32 : i32, i32
  }
  func.func @transform_3(%arg0: i32) -> (i32, i32) {
    %c0_i32 = arith.constant 0 : i32
    %c0_i32_0 = arith.constant 0 : i32
    return %arg0, %c0_i32 : i32, i32
  }
  func.func @transform_4(%arg0: i32) -> (i32, i32) {
    %c0_i32 = arith.constant 0 : i32
    %c0_i32_0 = arith.constant 0 : i32
    %c0_i32_1 = arith.constant 0 : i32
    return %c0_i32, %c0_i32_0 : i32, i32
  }
  func.func @transform_5(%arg0: i32) -> (i32, i32) {
    %c0_i32 = arith.constant 0 : i32
    %c0_i32_0 = arith.constant 0 : i32
    %c0_i32_1 = arith.constant 0 : i32
    return %c0_i32, %c0_i32_0 : i32, i32
  }
  func.func @transform_6(%arg0: i32) -> (i32, i32) {
    %c0_i32 = arith.constant 0 : i32
    %c0_i32_0 = arith.constant 0 : i32
    %c0_i32_1 = arith.constant 0 : i32
    return %c0_i32, %c0_i32_0 : i32, i32
  }
  func.func @transform_7(%arg0: i32) -> (i32, i32) {
    %c0_i32 = arith.constant 0 : i32
    %c0_i32_0 = arith.constant 0 : i32
    return %arg0, %c0_i32 : i32, i32
  }
}

module attributes {stable_mosaic.version = 14 : i64} {
  func.func @_fin_body(%arg0: i32, %arg1: memref<2x2048x8xf32, #tpu.memory_space<vmem>>, %arg2: memref<2048x8xf32, #tpu.memory_space<vmem>>, %arg3: memref<2x51200xf32, #tpu.memory_space<vmem>>, %arg4: memref<1x8xf32, #tpu.memory_space<vmem>>, %arg5: memref<2048x8xf32, #tpu.memory_space<vmem>>) attributes {dimension_semantics = [#tpu.dimension_semantics<arbitrary>], iteration_bounds = array<i64: 25>, scalar_prefetch = 0 : i64, scratch_operands = 0 : i64, tpu.core_type = #tpu.core_type<tc>, window_params = [{transform_indices = @transform_0, window_bounds = array<i64: 2, 2048, 8>}, {transform_indices = @transform_1, window_bounds = array<i64: 2048, 8>}, {pipeline_mode = #tpu.pipeline_mode<synchronous>, transform_indices = @transform_2, window_bounds = array<i64: 2, 51200>}, {pipeline_mode = #tpu.pipeline_mode<synchronous>, transform_indices = @transform_3, window_bounds = array<i64: 1, 8>}, {transform_indices = @transform_4, window_bounds = array<i64: 2048, 8>}]} {
    %mul3A = arith.constant 2048 : i32
    %mul3A_0 = arith.muli %arg0, %mul3A : i32
    %get3A = arith.constant 0 : index
    %get3A_1 = arith.index_cast %mul3A_0 : i32 to index
    %get3A_2 = vector.load %arg3[%get3A, %get3A_1] : memref<2x51200xf32, #tpu.memory_space<vmem>>, vector<1x2048xf32>
    %get3A_3 = vector.shape_cast %get3A_2 : vector<1x2048xf32> to vector<2048xf32>
    %get3A_4 = arith.constant 1 : index
    %get3A_5 = arith.index_cast %mul3A_0 : i32 to index
    %get3A_6 = vector.load %arg3[%get3A_4, %get3A_5] : memref<2x51200xf32, #tpu.memory_space<vmem>>, vector<1x2048xf32>
    %get3A_7 = vector.shape_cast %get3A_6 : vector<1x2048xf32> to vector<2048xf32>
    %add3A = arith.addf %get3A_3, %get3A_7 : vector<2048xf32>
    %add3A_8 = arith.constant 1.000000e+00 : f32
    %add3A_9 = vector.broadcast %add3A_8 : f32 to vector<2048xf32>
    %add3A_10 = arith.addf %add3A, %add3A_9 : vector<2048xf32>
    %rsqrt3A = math.rsqrt %add3A_10 : vector<2048xf32>
    %broadcast_in_dim3A = vector.shape_cast %rsqrt3A : vector<2048xf32> to vector<2048x1xf32>
    %get3A_11 = arith.constant 0 : index
    %get3A_12 = arith.constant 0 : index
    %get3A_13 = arith.constant 0 : index
    %get3A_14 = vector.load %arg1[%get3A_11, %get3A_12, %get3A_13] : memref<2x2048x8xf32, #tpu.memory_space<vmem>>, vector<1x2048x8xf32>
    %get3A_15 = vector.shape_cast %get3A_14 : vector<1x2048x8xf32> to vector<2048x8xf32>
    %get3A_16 = arith.constant 1 : index
    %get3A_17 = arith.constant 0 : index
    %get3A_18 = arith.constant 0 : index
    %get3A_19 = vector.load %arg1[%get3A_16, %get3A_17, %get3A_18] : memref<2x2048x8xf32, #tpu.memory_space<vmem>>, vector<1x2048x8xf32>
    %get3A_20 = vector.shape_cast %get3A_19 : vector<1x2048x8xf32> to vector<2048x8xf32>
    %add3A_21 = arith.addf %get3A_15, %get3A_20 : vector<2048x8xf32>
    %get3A_22 = arith.constant 0 : index
    %get3A_23 = arith.constant 0 : index
    %get3A_24 = vector.load %arg2[%get3A_22, %get3A_23] : memref<2048x8xf32, #tpu.memory_space<vmem>>, vector<2048x8xf32>
    %add3A_25 = arith.addf %add3A_21, %get3A_24 : vector<2048x8xf32>
    %mul3A_26 = vector.broadcast %broadcast_in_dim3A : vector<2048x1xf32> to vector<2048x8xf32>
    %mul3A_27 = arith.mulf %add3A_25, %mul3A_26 : vector<2048x8xf32>
    %get3A_28 = arith.constant 0 : index
    %get3A_29 = arith.constant 0 : index
    %get3A_30 = vector.load %arg4[%get3A_28, %get3A_29] : memref<1x8xf32, #tpu.memory_space<vmem>>, vector<1x8xf32>
    %add3A_31 = vector.broadcast %get3A_30 : vector<1x8xf32> to vector<2048x8xf32>
    %add3A_32 = arith.addf %mul3A_27, %add3A_31 : vector<2048x8xf32>
    %iota3A = tpu.iota {dimensions = array<i32: 1>} : vector<2048x8xi32>
    %lt3A = arith.constant 7 : i32
    %lt3A_33 = vector.broadcast %lt3A : i32 to vector<2048x8xi32>
    %lt3A_34 = arith.cmpi slt, %iota3A, %lt3A_33 : vector<2048x8xi32>
    %jit3A = arith.constant -3.000000e+38 : f32
    %broadcast_in_dim3A_35 = vector.broadcast %jit3A : f32 to vector<2048x8xf32>
    %select_n3A = arith.select %lt3A_34, %add3A_32, %broadcast_in_dim3A_35 : vector<2048x8xi1>, vector<2048x8xf32>
    %reduce_max3A = arith.constant dense<0xFF800000> : vector<2048xf32>
    %reduce_max3A_36 = vector.multi_reduction <maximumf>, %select_n3A, %reduce_max3A [1] : vector<2048x8xf32> to vector<2048xf32>
    %broadcast_in_dim3A_37 = vector.shape_cast %reduce_max3A_36 : vector<2048xf32> to vector<2048x1xf32>
    %sub3A = vector.broadcast %broadcast_in_dim3A_37 : vector<2048x1xf32> to vector<2048x8xf32>
    %sub3A_38 = arith.subf %select_n3A, %sub3A : vector<2048x8xf32>
    %exp3A = math.exp %sub3A_38 : vector<2048x8xf32>
    %reduce_sum3A = arith.constant dense<0.000000e+00> : vector<2048xf32>
    %reduce_sum3A_39 = vector.multi_reduction <add>, %exp3A, %reduce_sum3A [1] : vector<2048x8xf32> to vector<2048xf32>
    %broadcast_in_dim3A_40 = vector.shape_cast %reduce_sum3A_39 : vector<2048xf32> to vector<2048x1xf32>
    %log3A = math.log %broadcast_in_dim3A_40 : vector<2048x1xf32>
    %add3A_41 = arith.addf %broadcast_in_dim3A_37, %log3A : vector<2048x1xf32>
    %sub3A_42 = vector.broadcast %add3A_41 : vector<2048x1xf32> to vector<2048x8xf32>
    %sub3A_43 = arith.subf %add3A_32, %sub3A_42 : vector<2048x8xf32>
    %swap3A = arith.constant 0 : index
    %swap3A_44 = arith.constant 0 : index
    %swap3A_45 = vector.load %arg5[%swap3A, %swap3A_44] : memref<2048x8xf32, #tpu.memory_space<vmem>>, vector<2048x8xf32>
    tpu.vector_store %arg5[%swap3A, %swap3A_44], %sub3A_43 {strides = array<i32>} : memref<2048x8xf32, #tpu.memory_space<vmem>>, vector<2048x8xf32>,
    return
  }
  func.func @transform_0(%arg0: i32) -> (i32, i32, i32) {
    %c0_i32 = arith.constant 0 : i32
    %c0_i32_0 = arith.constant 0 : i32
    %c0_i32_1 = arith.constant 0 : i32
    return %c0_i32, %arg0, %c0_i32_0 : i32, i32, i32
  }
  func.func @transform_1(%arg0: i32) -> (i32, i32) {
    %c0_i32 = arith.constant 0 : i32
    %c0_i32_0 = arith.constant 0 : i32
    return %arg0, %c0_i32 : i32, i32
  }
  func.func @transform_2(%arg0: i32) -> (i32, i32) {
    %c0_i32 = arith.constant 0 : i32
    %c0_i32_0 = arith.constant 0 : i32
    %c0_i32_1 = arith.constant 0 : i32
    return %c0_i32, %c0_i32_0 : i32, i32
  }
  func.func @transform_3(%arg0: i32) -> (i32, i32) {
    %c0_i32 = arith.constant 0 : i32
    %c0_i32_0 = arith.constant 0 : i32
    %c0_i32_1 = arith.constant 0 : i32
    return %c0_i32, %c0_i32_0 : i32, i32
  }
  func.func @transform_4(%arg0: i32) -> (i32, i32) {
    %c0_i32 = arith.constant 0 : i32
    %c0_i32_0 = arith.constant 0 : i32
    return %arg0, %c0_i32 : i32, i32
  }
}

</mosaic_0001>

<sc_bundles>
// kernel: kernel.10.cloned.1.call-start
scs
__scs_entry_jumppad:
0x0: {  	(pc) =	sbr.rel $0x88, $3  }
0x1: {  	(tag) =	ssettag $0x0;
	lr =	simm.s32 $0x1  }
0x2: {  	[smem:$0x3F9B] =	sst lr;
	_ =	strace $0xD0000000  }
0x3: {  	_ = 	snop  }
0x4: {  	_ = 	snop  }
0x5: {  	_ = 	snop  }
0x6: {  	_ = 	snop  }
0x7: {  	_ = 	snop  }
__scs_overlays_trampoline_lowered:
0x8: {  	[smem:$0x3FAA] =	sst s0  }
0x9: {  	[smem:$0x3FAB] =	sst s1  }
0xa: {  	[smem:$0x3FAC] =	sst s2  }
0xb: {  	[smem:$0x3FAD] =	sst s3  }
0xc: {  	[smem:$0x3FAE] =	sst s4  }
0xd: {  	[smem:$0x3FAF] =	sst s5  }
0xe: {  	[smem:$0x3FB0] =	sst s6  }
0xf: {  	[smem:$0x3FB1] =	sst s7  }
0x10: {  	[smem:$0x3FB2] =	sst s8  }
0x11: {  	[smem:$0x3FB3] =	sst s9;
	s0 =	simm.s32 @!p0 $0x0  }
0x12: {  	s1 =	sld [smem:$0x3F99];
	s0 =	simm.s32 @p0 $0x1  }
0x13: {  	[smem:$0x3FB4] =	sst s0;
	s0 =	simm.s32 @!p1 $0x0  }
0x14: {  	s2 =	sld [smem:$0x3F98];
	s0 =	simm.s32 @p1 $0x1  }
0x15: {  	[smem:$0x3FB5] =	sst s0;
	s0 =	simm.s32 @!p2 $0x0  }
0x16: {  	s3 =	sld [smem:$0x3FDB];
	s0 =	simm.s32 @p2 $0x1  }
0x17: {  	s4 =	simm.s32 $0x1BF5;
	[smem:$0x3FB7] =	sst s0  }
0x18: {  	s0 =	sld [smem:$0x3F9A];
	_ =	swait.ge [sflag:s4], $0x0  }
0x19: {  	s7 =	sld [smem:$0x3F9B]  }
0x1a: {  	s8 =	sadd.s32 $0xFFFFE003, lr  }
0x1b: {  	s9 =	sadd.s32 $0xFFFFFEF7, lr;
	s5 =	simm.s32 $0xFFFFFFFF;
	p2 =	slt.u32 s8, $0xFFFFF086  }
0x1c: {  	p1 =	slt.u32 s9, $0xF7A;
	s5 =	simm.s32 @!p2 $0x0  }
0x1d: {  	s5 =	simm.s32 @p1 $0x1;
	p0 =	seq.s32 s7, s2  }
0x1e: {  	s7 =	smul.u32 @!p0 $0xF7A, s2;
	p2 =	seq.s32 @!p0 s5, $0x0  }
0x1f: {  	s9 =	smul.u32 $0xF7A, s1;
	s8 =	simm.s32 @!p0 $0x1BF5;
	p2 =	por !p2, p0  }
0x20: {  	[sflag:s8] =	ssyncset.s32 @!p0 $0xFFFFF086;
	s6 =	sadd.s32 @!p0 s3, s7;
	s7 =	simm.s32 @!p0 $0x108  }
0x21: {  	s3 =	sadd.s32 s3, s9;
	s6 =	sadd.s32 @!p0 $0x88, s6;
	s7 =	simm.s32 @p2 $0x1082  }
0x22: {  	[simem:s7], [sflag:s8] =	dma.local @!p0 [hbm:s6], $0xF7A  }
0x23: {  	s9 =	sor.u32 $0xD0000000, s2;
	s6 =	simm.s32 $0x108;
	_ =	swait.ge @!p0 [sflag:s8], $0x0  }
0x24: {  	s3 =	sadd.s32 $0x88, s3;
	s6 =	simm.s32 @!p1 $0x1082;
	[sflag:s4] =	ssyncset.s32 $0xFFFFF086  }
0x25: {  	[simem:s6], [sflag:s4] =	dma.local [hbm:s3], $0xF7A  }
0x26: {  	[smem:$0x3F9B] =	sst s1;
	(tag) =	ssettag s2;
	_ =	strace s9  }
0x27: {  	s1 =	sld [smem:$0x3FAB]  }
0x28: {  	s2 =	sld [smem:$0x3FAC]  }
0x29: {  	s4 =	sld [smem:$0x3FAE]  }
0x2a: {  	p0 =	seq.s32 s5, $0x0;
	s5 =	sld [smem:$0x3FAF]  }
0x2b: {  	s6 =	sld [smem:$0x3FB0]  }
0x2c: {  	s7 =	sld [smem:$0x3FB1]  }
0x2d: {  	s3 =	simm.s32 $0x108;
	s8 =	sld [smem:$0x3FB2]  }
0x2e: {  	s3 =	simm.s32 @!p0 $0x1082;
	s9 =	sld [smem:$0x3FB3]  }
0x2f: {  	lr =	sadd.s32 s0, s3;
	s0 =	sld [smem:$0x3FAA]  }
0x30: {  	s3 =	sld [smem:$0x3FAD]  }
0x31: {  	[smem:$0x3FB6] =	sst s10  }
0x32: {  	s10 =	sld [smem:$0x3FB4];
	_ =	sdelay $0x3  }
0x33: {  	p0 =	seq.s32 s10, $0x1;
	s10 =	sld [smem:$0x3FB6];
	_ =	sdelay $0x3  }
0x34: {  	[smem:$0x3FB6] =	sst s10  }
0x35: {  	s10 =	sld [smem:$0x3FB5];
	_ =	sdelay $0x3  }
0x36: {  	p1 =	seq.s32 s10, $0x1;
	s10 =	sld [smem:$0x3FB6];
	_ =	sdelay $0x3  }
0x37: {  	[smem:$0x3FB6] =	sst s10  }
0x38: {  	s10 =	sld [smem:$0x3FB7]  }
0x39: {  	_ = 	snop;
	(pc) =	sbr.ind lr, $3  }
0x3a: {  	_ = 	snop  }
0x3b: {  	_ = 	snop  }
0x3c: {  	p2 =	seq.s32 s10, $0x1;
	s10 =	sld [smem:$0x3FB6]  }
0x3d: {  	_ =	shalt  }
0x3e: {  	_ =	shalt  }
0x3f: {  	_ =	shalt  }
0x40: {  	_ =	shalt  }
0x41: {  	_ =	shalt  }
0x42: {  	_ =	shalt  }
0x43: {  	_ =	shalt  }
0x44: {  	_ =	shalt  }
0x45: {  	_ =	shalt  }
0x46: {  	_ =	shalt  }
0x47: {  	_ =	shalt  }
0x48: {  	_ =	shalt  }
0x49: {  	_ =	shalt  }
0x4a: {  	_ =	shalt  }
0x4b: {  	_ =	shalt  }
0x4c: {  	_ =	shalt  }
0x4d: {  	_ =	shalt  }
0x4e: {  	_ =	shalt  }
0x4f: {  	_ =	shalt  }
0x50: {  	_ =	shalt  }
0x51: {  	_ =	shalt  }
0x52: {  	_ =	shalt  }
0x53: {  	_ =	shalt  }
0x54: {  	_ =	shalt  }
0x55: {  	_ =	shalt  }
0x56: {  	_ =	shalt  }
0x57: {  	_ =	shalt  }
0x58: {  	_ =	shalt  }
0x59: {  	_ =	shalt  }
0x5a: {  	_ =	shalt  }
0x5b: {  	_ =	shalt  }
0x5c: {  	_ =	shalt  }
0x5d: {  	_ =	shalt  }
0x5e: {  	_ =	shalt  }
0x5f: {  	_ =	shalt  }
0x60: {  	_ =	shalt  }
0x61: {  	_ =	shalt  }
0x62: {  	_ =	shalt  }
0x63: {  	_ =	shalt  }
0x64: {  	_ =	shalt  }
0x65: {  	_ =	shalt  }
0x66: {  	_ =	shalt  }
0x67: {  	_ =	shalt  }
0x68: {  	_ =	shalt  }
0x69: {  	_ =	shalt  }
0x6a: {  	_ =	shalt  }
0x6b: {  	_ =	shalt  }
0x6c: {  	_ =	shalt  }
0x6d: {  	_ =	shalt  }
0x6e: {  	_ =	shalt  }
0x6f: {  	_ =	shalt  }
0x70: {  	_ =	shalt  }
0x71: {  	_ =	shalt  }
0x72: {  	_ =	shalt  }
0x73: {  	_ =	shalt  }
0x74: {  	_ =	shalt  }
0x75: {  	_ =	shalt  }
0x76: {  	_ =	shalt  }
0x77: {  	_ =	shalt  }
0x78: {  	_ =	shalt  }
0x79: {  	_ =	shalt  }
0x7a: {  	_ =	shalt  }
0x7b: {  	_ =	shalt  }
0x7c: {  	_ =	shalt  }
0x7d: {  	_ =	shalt  }
0x7e: {  	_ =	shalt  }
0x7f: {  	_ =	shalt  }
0x80: {  	_ =	shalt  }
0x81: {  	_ =	shalt  }
0x82: {  	_ =	shalt  }
0x83: {  	_ =	shalt  }
0x84: {  	_ =	shalt  }
0x85: {  	_ =	shalt  }
0x86: {  	_ =	shalt  }
0x87: {  	_ =	shalt  }
.Lfunc_end0:
.L_simem_size_0:
called_computation_lowered:
.L_overlay_start_0:
0x88: {  	s2 =	sld [smem:$0x3FD9]  }
0x89: {  	s3 =	sld [smem:$0x3FFE];
	_ =	sdelay $0x1  }
0x8a: {  	s1 =	srdreg.scid  }
0x8b: {  	s0 =	sand.u32 $0x1, s1  }
0x8c: {  	s18 =	sshll.u32 s0, $0xA;
	s2 =	sadd.s32 s3, s2  }
0x8d: {  	s2 =	sadd.s32 s2, s18  }
0x8e: {  	[smem:$0x3FC2] =	sst s2  }
0x8f: {  	_ = 	snop  }
0x90: {  	s2 =	sld [smem:$0x3FC8]  }
0x91: {  	s19 =	sld [smem:$0x3FD0];
	(tm) =	ssettm $0x1  }
0x92: {  	s4 =	sld [smem:$0x3FFB];
	_ =	sdelay $0x3  }
0x93: {  	_ =	strace s4  }
0x94: {  	s4 =	sld [smem:$0x3FFC];
	_ =	sdelay $0x3  }
0x95: {  	_ =	strace s4  }
0x96: {  	s4 =	sld [smem:$0x3FFD];
	_ =	sdelay $0x3  }
0x97: {  	_ =	strace s4  }
0x98: {  	_ =	strace $0x8FFFFFFF  }
0x99: {  	s20 =	sld [smem:$0x3FDB];
	_ =	sdelay $0x1  }
0x9a: {  	s5 =	simm.s32 $_scs_section_size  }
0x9b: {  	s6 =	simm.s32 $_size__tile_overlayer_lowered;
	s7 =	simm.s32 $_tile_overlayer_lowered  }
0x9c: {  	s23 =	simm.s32 $0x1BFF;
	s22 =	sshll.u32 s7, $0x1;
	s4 =	sadd.s32 s5, s20  }
0x9d: {  	s8 =	simm.s32 $0x0;
	s21 =	sshll.u32 s6, $0x1;
	s6 =	sadd.s32 s22, s4  }
0x9e: {  	[timem:s8], [sflag:s23] =	dma.local [hbm:s6], s21  }
0x9f: {  	_ =	swait.ge [sflag:s23], s21  }
0xa0: {  	s5 =	ssub.s32 $0x0, s21;
	[sflag:s23] =	ssyncset.done $0x0  }
0xa1: {  	[sflag:s23] =	ssyncadd.s32 s5;
	_ =	sdelay $0x1  }
0xa2: {  	s24 =	simm.s32 $0x1B8B  }
0xa3: {  	_ =	swait.ge [sflag:s24], $0x1  }
0xa4: {  	[sflag:s24] =	ssyncset.done $0x0  }
0xa5: {  	s25 =	simm.s32 $0x1B8E;
	[sflag:s24] =	ssyncadd.s32 $0xFFFFFFFF  }
0xa6: {  	s26 =	simm.s32 $execute0_lowered;
	[smem:$0x3FD2] =	sst s25  }
0xa7: {  	s5 =	sshll.u32 s26, $0x1;
	_ =	strace $0x80000046;
	[dreg:$0x1] =	wrdreg $0xFFFFFFFF  }
0xa8: {  	s28 =	simm.s32 $_size_execute0_lowered;
	s4 =	sadd.s32 s4, s5;
	[dreg:$0x0] =	wrdreg $0x0  }
0xa9: {  	s5 =	sshll.u32 s28, $0x1;
	[dreg:$0x2] =	wrdreg s4  }
0xaa: {  	[dreg:$0x3] =	wrdreg s5  }
0xab: {  	[dreg:$0x4] =	wrdreg $0xC0  }
0xac: {  	_ =	task [dreg:s8], $0x5FFFF  }
0xad: {  	[dreg:$0x1] =	wrdreg $0xFFFFFFFF  }
0xae: {  	[dreg:$0x0] =	wrdreg $0x60  }
0xaf: {  	[dreg:$0x2] =	wrdreg s2  }
0xb0: {  	[dreg:$0x3] =	wrdreg s19  }
0xb1: {  	[dreg:$0x4] =	wrdreg $0x194000  }
0xb2: {  	[dreg:$0x5] =	wrdreg $0x9  }
0xb3: {  	_ =	task.clear_ibuf [dreg:s8], $0x6FFFF;
	_ =	strace $0x90000046  }
0xb4: {  	s29 =	simm.s32 $0x9;
	_ =	strace $0x80000048  }
0xb5: {  	_ =	swait.ge [sflag:s29], $0x1  }
0xb6: {  	[sflag:s29] =	ssyncadd.s32 $0xFFFFFFFF  }
0xb7: {  	_ =	strace $0x90000048  }
0xb8: {  	_ =	sfence  }
0xb9: {  	s30 =	sld [smem:$0x0];
	_ =	sdelay $0x2  }
0xba: {  	s31 =	sshll.u32 s1, $0xD;
	s1 =	sshrl.u32 s1, $0x2  }
0xbb: {  	s3 =	sand.u32 $0x4000, s31;
	s1 =	sadd.s32 s1, s30  }
0xbc: {  	s0 =	sor.u32 s3, s0;
	s1 =	sshll.u32 s1, $0x11  }
0xbd: {  	s0 =	sor.u32 s1, s0  }
0xbe: {  	s0 =	sadd.s32 $0x8F2B, s0  }
0xbf: {  	[sflag:s0] =	ssyncadd.remote.s32 $0x1  }
0xc0: {  	_ =	sfence.sel $0xFFFF  }
0xc1: {  	[dreg:$0x0] =	wrdreg $0xFFFFFFFF;
	(pc) =	sbr.abs _section_cstart, $3  }
0xc2: {  	[dreg:$0x1] =	wrdreg $0xFFFFFFFF  }
0xc3: {  	_ =	task.clear_ibuf [dreg:s8], $0x2FFFF;
	_ =	strace $0x9FFFFFFF  }
0xc4: {  	(tm) =	ssettm $0x7FFFFFFF  }
0xc5: {  	_ =	shalt  }
tec
execute0_lowered:
.L_overlay_start_1:
0x0: {  	(tag) =	ssettag $0x1  }
0x1: {  	s6 =	rddreg [dreg:$0x0]  }
0x2: {  	s0 =	srdreg.scid;
	s9 =	rddreg [dreg:$0x1]  }
0x3: {  	s2 =	rddreg [dreg:$0x2];
	s1 =	stileid.u32;
	s3 =	simm.s32 $0x0  }
0x4: {  	s8 =	simm.s32 $0x1;
	s13 =	simm.s32 $0x80;
	s14 =	simm.s32 $0x18700  }
0x5: {  	s15 =	simm.s32 $0x0;
	s4 =	sand.u32 $0x1, s0;
	s0 =	rddreg [dreg:$0x3]  }
0x6: {  	[smem:$0x7FF] =	sst s3;
	s10 =	smul.u32 $0xC80, s1;
	s5 =	sshll.u32 s4, $0x4  }
0x7: {  	_ =	strace $0x80000047;
	s29 =	ssub.s32 $0x2, s4;
	s11 =	smul.u32 $0xC800, s4  }
0x8: {  	s5 =	sor.u32 s1, s5;
	s30 =	sshrl.u32 s29, $0x1;
	s4 =	sadd.s32 s10, s2  }
0x9: {  	s7 =	smul.u32 $0x186, s5;
	p0 =	sgt.u32 s5, $0x13;
	s5 =	smin.u32 s5, $0x14  }
0xa: {  	s12 =	ssub.s32 s29, s30;
	s10 =	sadd.s32 s10, s11;
	s11 =	simm.s32 $0x18780  }
0xb: {  	s8 =	simm.s32 @!p0 $0x0;
	s10 =	sshrl.u32 s10, $0x3;
	s5 =	sadd.s32 s5, s7  }
0xc: {  	s7 =	simm.s32 $0x100;
	s9 =	sadd.s32 s9, s10;
	s5 =	ssub.s32 s5, s8  }
0xd: {  	s10 =	smax.u32 s12, $0x1;
	s12 =	simm.s32 $0x2;
	s5 =	sshll.u32 s5, $0x5  }
0xe: {  	s8 =	simm.s32 $0x61400;
	s7 =	simm.s32 @!p0 $0x0;
	s31 =	sand.u32 $0x1FFFFFE0, s5  }
0xf: {  	v0 =	vimm.f32 $1.000000000e+00;
	v1 =	vimm.f32 $0.0e+00;
	s8 =	simm.s32 @!p0 $0x61000;
	s5 =	simm.s32 $0x1;
	s6 =	sadd.s32 s6, s31  }
.LBB2_1:
0x10: {  	[tilespmem:$0x18700] =	vst v0  }
0x11: {  	[tilespmem:$0x18710] =	vst v0  }
0x12: {  	[tilespmem:$0x18720] =	vst v0  }
0x13: {  	[tilespmem:$0x18730] =	vst v0  }
0x14: {  	[tilespmem:$0x18740] =	vst v0  }
0x15: {  	[tilespmem:$0x18750] =	vst v0  }
0x16: {  	[tilespmem:$0x18760] =	vst v0  }
0x17: {  	[tilespmem:$0x18770] =	vst v0  }
0x18: {  	[tilespmem:$0x18780] =	vst v1  }
0x19: {  	[tilespmem:$0x18790] =	vst v1  }
0x1a: {  	[tilespmem:$0x187A0] =	vst v1  }
0x1b: {  	[tilespmem:$0x187B0] =	vst v1  }
0x1c: {  	[tilespmem:$0x187C0] =	vst v1  }
0x1d: {  	[tilespmem:$0x187D0] =	vst v1  }
0x1e: {  	[tilespmem:$0x187E0] =	vst v1  }
0x1f: {  	[tilespmem:$0x187F0] =	vst v1  }
0x20: {  	[tilespmem:$0x18800] =	vst v1  }
0x21: {  	[tilespmem:$0x18810] =	vst v1  }
0x22: {  	[tilespmem:$0x18820] =	vst v1  }
0x23: {  	[tilespmem:$0x18830] =	vst v1  }
0x24: {  	[tilespmem:$0x18840] =	vst v1  }
0x25: {  	[tilespmem:$0x18850] =	vst v1  }
0x26: {  	[tilespmem:$0x18860] =	vst v1  }
0x27: {  	[tilespmem:$0x18870] =	vst v1  }
0x28: {  	[tilespmem:$0x18880] =	vst v1  }
0x29: {  	[tilespmem:$0x18890] =	vst v1  }
0x2a: {  	[tilespmem:$0x188A0] =	vst v1  }
0x2b: {  	[tilespmem:$0x188B0] =	vst v1  }
0x2c: {  	[tilespmem:$0x188C0] =	vst v1  }
0x2d: {  	[tilespmem:$0x188D0] =	vst v1  }
0x2e: {  	[tilespmem:$0x188E0] =	vst v1  }
0x2f: {  	[tilespmem:$0x188F0] =	vst v1  }
0x30: {  	[tilespmem:$0x18900] =	vst v1  }
0x31: {  	[tilespmem:$0x18910] =	vst v1  }
0x32: {  	[tilespmem:$0x18920] =	vst v1  }
0x33: {  	[tilespmem:$0x18930] =	vst v1  }
0x34: {  	[tilespmem:$0x18940] =	vst v1  }
0x35: {  	[tilespmem:$0x18950] =	vst v1  }
0x36: {  	[tilespmem:$0x18960] =	vst v1  }
0x37: {  	[tilespmem:$0x18970] =	vst v1  }
0x38: {  	[tilespmem:$0x18980] =	vst v1  }
0x39: {  	[tilespmem:$0x18990] =	vst v1  }
0x3a: {  	[tilespmem:$0x189A0] =	vst v1  }
0x3b: {  	[tilespmem:$0x189B0] =	vst v1  }
0x3c: {  	[tilespmem:$0x189C0] =	vst v1  }
0x3d: {  	[tilespmem:$0x189D0] =	vst v1  }
0x3e: {  	[tilespmem:$0x189E0] =	vst v1  }
0x3f: {  	[tilespmem:$0x189F0] =	vst v1  }
0x40: {  	[tilespmem:$0x18A00] =	vst v1  }
0x41: {  	[tilespmem:$0x18A10] =	vst v1  }
0x42: {  	[tilespmem:$0x18A20] =	vst v1  }
0x43: {  	[tilespmem:$0x18A30] =	vst v1  }
0x44: {  	[tilespmem:$0x18A40] =	vst v1  }
0x45: {  	[tilespmem:$0x18A50] =	vst v1  }
0x46: {  	[tilespmem:$0x18A60] =	vst v1  }
0x47: {  	[tilespmem:$0x18A70] =	vst v1  }
0x48: {  	[tilespmem:$0x18A80] =	vst v1  }
0x49: {  	[tilespmem:$0x18A90] =	vst v1  }
0x4a: {  	[tilespmem:$0x18AA0] =	vst v1  }
0x4b: {  	[tilespmem:$0x18AB0] =	vst v1  }
0x4c: {  	[tilespmem:$0x18AC0] =	vst v1  }
0x4d: {  	[tilespmem:$0x18AD0] =	vst v1  }
0x4e: {  	[tilespmem:$0x18AE0] =	vst v1  }
0x4f: {  	[tilespmem:$0x18AF0] =	vst v1  }
0x50: {  	[tilespmem:$0x18B00] =	vst v1  }
0x51: {  	[tilespmem:$0x18B10] =	vst v1  }
0x52: {  	[tilespmem:$0x18B20] =	vst v1  }
0x53: {  	[tilespmem:$0x18B30] =	vst v1  }
0x54: {  	[tilespmem:$0x18B40] =	vst v1  }
0x55: {  	[tilespmem:$0x18B50] =	vst v1  }
0x56: {  	[tilespmem:$0x18B60] =	vst v1  }
0x57: {  	[tilespmem:$0x18B70] =	vst v1  }
0x58: {  	[tilespmem:$0x18B80] =	vst v1  }
0x59: {  	[tilespmem:$0x18B90] =	vst v1  }
0x5a: {  	[tilespmem:$0x18BA0] =	vst v1  }
0x5b: {  	[tilespmem:$0x18BB0] =	vst v1  }
0x5c: {  	[tilespmem:$0x18BC0] =	vst v1  }
0x5d: {  	[tilespmem:$0x18BD0] =	vst v1  }
0x5e: {  	[tilespmem:$0x18BE0] =	vst v1  }
0x5f: {  	[tilespmem:$0x18BF0] =	vst v1  }
0x60: {  	[tilespmem:$0x18C00] =	vst v1  }
0x61: {  	[tilespmem:$0x18C10] =	vst v1  }
0x62: {  	[tilespmem:$0x18C20] =	vst v1  }
0x63: {  	[tilespmem:$0x18C30] =	vst v1  }
0x64: {  	[tilespmem:$0x18C40] =	vst v1  }
0x65: {  	[tilespmem:$0x18C50] =	vst v1  }
0x66: {  	[tilespmem:$0x18C60] =	vst v1  }
0x67: {  	[tilespmem:$0x18C70] =	vst v1  }
0x68: {  	[tilespmem:$0x18C80] =	vst v1  }
0x69: {  	[tilespmem:$0x18C90] =	vst v1  }
0x6a: {  	[tilespmem:$0x18CA0] =	vst v1  }
0x6b: {  	[tilespmem:$0x18CB0] =	vst v1  }
0x6c: {  	[tilespmem:$0x18CC0] =	vst v1  }
0x6d: {  	[tilespmem:$0x18CD0] =	vst v1  }
0x6e: {  	[tilespmem:$0x18CE0] =	vst v1  }
0x6f: {  	[tilespmem:$0x18CF0] =	vst v1  }
0x70: {  	[tilespmem:$0x18D00] =	vst v1  }
0x71: {  	[tilespmem:$0x18D10] =	vst v1  }
0x72: {  	[tilespmem:$0x18D20] =	vst v1  }
0x73: {  	[tilespmem:$0x18D30] =	vst v1  }
0x74: {  	[tilespmem:$0x18D40] =	vst v1  }
0x75: {  	[tilespmem:$0x18D50] =	vst v1  }
0x76: {  	[tilespmem:$0x18D60] =	vst v1  }
0x77: {  	[tilespmem:$0x18D70] =	vst v1  }
0x78: {  	[tilespmem:$0x18D80] =	vst v1  }
0x79: {  	[tilespmem:$0x18D90] =	vst v1  }
0x7a: {  	[tilespmem:$0x18DA0] =	vst v1  }
0x7b: {  	[tilespmem:$0x18DB0] =	vst v1  }
0x7c: {  	[tilespmem:$0x18DC0] =	vst v1  }
0x7d: {  	[tilespmem:$0x18DD0] =	vst v1  }
0x7e: {  	[tilespmem:$0x18DE0] =	vst v1  }
0x7f: {  	[tilespmem:$0x18DF0] =	vst v1  }
0x80: {  	[tilespmem:$0x18E00] =	vst v1  }
0x81: {  	[tilespmem:$0x18E10] =	vst v1  }
0x82: {  	[tilespmem:$0x18E20] =	vst v1  }
0x83: {  	[tilespmem:$0x18E30] =	vst v1  }
0x84: {  	[tilespmem:$0x18E40] =	vst v1  }
0x85: {  	[tilespmem:$0x18E50] =	vst v1  }
0x86: {  	[tilespmem:$0x18E60] =	vst v1  }
0x87: {  	[tilespmem:$0x18E70] =	vst v1  }
0x88: {  	[tilespmem:$0x18E80] =	vst v1  }
0x89: {  	[tilespmem:$0x18E90] =	vst v1  }
0x8a: {  	[tilespmem:$0x18EA0] =	vst v1  }
0x8b: {  	[tilespmem:$0x18EB0] =	vst v1  }
0x8c: {  	[tilespmem:$0x18EC0] =	vst v1  }
0x8d: {  	[tilespmem:$0x18ED0] =	vst v1  }
0x8e: {  	[tilespmem:$0x18EE0] =	vst v1  }
0x8f: {  	[tilespmem:$0x18EF0] =	vst v1  }
0x90: {  	[tilespmem:$0x18F00] =	vst v1  }
0x91: {  	[tilespmem:$0x18F10] =	vst v1  }
0x92: {  	[tilespmem:$0x18F20] =	vst v1  }
0x93: {  	[tilespmem:$0x18F30] =	vst v1  }
0x94: {  	[tilespmem:$0x18F40] =	vst v1  }
0x95: {  	[tilespmem:$0x18F50] =	vst v1  }
0x96: {  	[tilespmem:$0x18F60] =	vst v1  }
0x97: {  	[tilespmem:$0x18F70] =	vst v1  }
0x98: {  	[tilespmem:$0x18F80] =	vst v1  }
0x99: {  	[tilespmem:$0x18F90] =	vst v1  }
0x9a: {  	[tilespmem:$0x18FA0] =	vst v1  }
0x9b: {  	[tilespmem:$0x18FB0] =	vst v1  }
0x9c: {  	[tilespmem:$0x18FC0] =	vst v1  }
0x9d: {  	[tilespmem:$0x18FD0] =	vst v1  }
0x9e: {  	[tilespmem:$0x18FE0] =	vst v1  }
0x9f: {  	[tilespmem:$0x18FF0] =	vst v1  }
0xa0: {  	[tilespmem:$0x19000] =	vst v1  }
0xa1: {  	[tilespmem:$0x19010] =	vst v1  }
0xa2: {  	[tilespmem:$0x19020] =	vst v1  }
0xa3: {  	[tilespmem:$0x19030] =	vst v1  }
0xa4: {  	[tilespmem:$0x19040] =	vst v1  }
0xa5: {  	[tilespmem:$0x19050] =	vst v1  }
0xa6: {  	[tilespmem:$0x19060] =	vst v1  }
0xa7: {  	[tilespmem:$0x19070] =	vst v1  }
0xa8: {  	[tilespmem:$0x19080] =	vst v1  }
0xa9: {  	[tilespmem:$0x19090] =	vst v1  }
0xaa: {  	[tilespmem:$0x190A0] =	vst v1  }
0xab: {  	[tilespmem:$0x190B0] =	vst v1  }
0xac: {  	[tilespmem:$0x190C0] =	vst v1  }
0xad: {  	[tilespmem:$0x190D0] =	vst v1  }
0xae: {  	[tilespmem:$0x190E0] =	vst v1  }
0xaf: {  	[tilespmem:$0x190F0] =	vst v1  }
0xb0: {  	[tilespmem:$0x19100] =	vst v1  }
0xb1: {  	[tilespmem:$0x19110] =	vst v1  }
0xb2: {  	[tilespmem:$0x19120] =	vst v1  }
0xb3: {  	[tilespmem:$0x19130] =	vst v1  }
0xb4: {  	[tilespmem:$0x19140] =	vst v1  }
0xb5: {  	[tilespmem:$0x19150] =	vst v1  }
0xb6: {  	[tilespmem:$0x19160] =	vst v1  }
0xb7: {  	[tilespmem:$0x19170] =	vst v1  }
0xb8: {  	[tilespmem:$0x19180] =	vst v1  }
0xb9: {  	[tilespmem:$0x19190] =	vst v1  }
0xba: {  	[tilespmem:$0x191A0] =	vst v1  }
0xbb: {  	[tilespmem:$0x191B0] =	vst v1  }
0xbc: {  	[tilespmem:$0x191C0] =	vst v1  }
0xbd: {  	[tilespmem:$0x191D0] =	vst v1  }
0xbe: {  	[tilespmem:$0x191E0] =	vst v1  }
0xbf: {  	[tilespmem:$0x191F0] =	vst v1  }
0xc0: {  	[tilespmem:$0x19200] =	vst v1  }
0xc1: {  	[tilespmem:$0x19210] =	vst v1  }
0xc2: {  	[tilespmem:$0x19220] =	vst v1  }
0xc3: {  	[tilespmem:$0x19230] =	vst v1  }
0xc4: {  	[tilespmem:$0x19240] =	vst v1  }
0xc5: {  	[tilespmem:$0x19250] =	vst v1  }
0xc6: {  	[tilespmem:$0x19260] =	vst v1  }
0xc7: {  	[tilespmem:$0x19270] =	vst v1  }
0xc8: {  	[tilespmem:$0x19280] =	vst v1  }
0xc9: {  	[tilespmem:$0x19290] =	vst v1  }
0xca: {  	[tilespmem:$0x192A0] =	vst v1  }
0xcb: {  	[tilespmem:$0x192B0] =	vst v1  }
0xcc: {  	[tilespmem:$0x192C0] =	vst v1  }
0xcd: {  	[tilespmem:$0x192D0] =	vst v1  }
0xce: {  	[tilespmem:$0x192E0] =	vst v1  }
0xcf: {  	[tilespmem:$0x192F0] =	vst v1  }
0xd0: {  	[tilespmem:$0x19300] =	vst v1  }
0xd1: {  	[tilespmem:$0x19310] =	vst v1  }
0xd2: {  	[tilespmem:$0x19320] =	vst v1  }
0xd3: {  	[tilespmem:$0x19330] =	vst v1  }
0xd4: {  	[tilespmem:$0x19340] =	vst v1  }
0xd5: {  	[tilespmem:$0x19350] =	vst v1  }
0xd6: {  	[tilespmem:$0x19360] =	vst v1  }
0xd7: {  	[tilespmem:$0x19370] =	vst v1  }
0xd8: {  	[tilespmem:$0x19380] =	vst v1  }
0xd9: {  	[tilespmem:$0x19390] =	vst v1  }
0xda: {  	[tilespmem:$0x193A0] =	vst v1  }
0xdb: {  	[tilespmem:$0x193B0] =	vst v1  }
0xdc: {  	[tilespmem:$0x193C0] =	vst v1  }
0xdd: {  	[tilespmem:$0x193D0] =	vst v1  }
0xde: {  	[tilespmem:$0x193E0] =	vst v1  }
0xdf: {  	[tilespmem:$0x193F0] =	vst v1  }
0xe0: {  	[spmem:s4] =	stream.linear.scatter [tilespmem:s11], [sflag:$0x2], $0xC80, $0x38;
	[tilespmem:$0x1A080] =	vst v63  }
0xe1: {  	_ =	swait.ge [sflag:s12], $0xC80  }
0xe2: {  	[sflag:s12] =	ssyncset.done $0x0  }
0xe3: {  	[sflag:s12] =	ssyncadd.s32 $0xFFFFF380  }
0xe4: {  	[tilespmem:s3], [sflag:$0x2] =	stream.linear.gather [hbm4b:s6+s3], $0x18700, $0x38;
	[tilespmem:$0x1A080] =	vst v63  }
0xe5: {  	_ =	swait.ge [sflag:s12], $0x18700  }
0xe6: {  	[sflag:s12] =	ssyncset.done $0x0  }
0xe7: {  	s16 =	sadd.s32 $0xFFFE7C00, s7;
	[sflag:s12] =	ssyncadd.s32 $0xFFFE7900  }
0xe8: {  	s17 =	sadd.s32 $0x18480, s16;
	[bflag:$0x0] =	sbarrier.arrive $0xFFFF  }
0xe9: {  	[spmem:s2] =	stream.indirect.scatter.add.f32 [tilespmem:s14], [sflag:$0x1], $0x1, s17, s13, $0xb8;
	[tilespmem:$0x1A080] =	vst v63  }
0xea: {  	s30 =	sadd.s32 $0x18580, s16  }
0xeb: {  	[spmem:s2] =	stream.indirect.scatter.add.f32 [tilespmem:s14], [sflag:$0x1], $0x1, s30, s13, $0xb8;
	[tilespmem:$0x1A080] =	vst v63  }
0xec: {  	s31 =	sadd.s32 $0x18680, s16  }
0xed: {  	[spmem:s2] =	stream.indirect.scatter.add.f32 [tilespmem:s14], [sflag:$0x1], $0x1, s31, s13, $0xb8;
	[tilespmem:$0x1A080] =	vst v63  }
0xee: {  	s16 =	sadd.s32 $0x18780, s16  }
0xef: {  	[spmem:s2] =	stream.indirect.scatter.add.f32 [tilespmem:s14], [sflag:$0x1], $0x1, s16, s13, $0xb8;
	[tilespmem:$0x1A080] =	vst v63  }
0xf0: {  	_ =	swait.ge [sflag:s5], $0x80  }
0xf1: {  	[sflag:s5] =	ssyncset.done $0x0  }
0xf2: {  	[sflag:s5] =	ssyncadd.s32 $0xFFFFFF80  }
0xf3: {  	_ =	swait.ge [sflag:s5], $0x80  }
0xf4: {  	[sflag:s5] =	ssyncset.done $0x0  }
0xf5: {  	[sflag:s5] =	ssyncadd.s32 $0xFFFFFF80  }
0xf6: {  	_ =	swait.ge [sflag:s5], $0x80  }
0xf7: {  	[sflag:s5] =	ssyncset.done $0x0  }
0xf8: {  	[sflag:s5] =	ssyncadd.s32 $0xFFFFFF80  }
0xf9: {  	_ =	swait.ge [sflag:s5], $0x80  }
0xfa: {  	s17 =	simm.s32 $0xFFFA1000;
	s16 =	sadd.s32 $0xFFFE8000, s7;
	[sflag:s5] =	ssyncset.done $0x0  }
.LBB2_2:
0xfb: {  	s18 =	sadd.s32 $0x18480, s16  }
0xfc: {  	[sflag:s5] =	ssyncadd.s32 $0xFFFFFF80;
	s19 =	smov.u32 s17;
	s20 =	sadd.s32 $0x1000, s17  }
0xfd: {  	[spmem:s2] =	stream.indirect.scatter.add.f32 [tilespmem:s14], [sflag:$0x1], $0x1, s18, s13, $0xb8;
	[tilespmem:$0x1A080] =	vst v63  }
0xfe: {  	p0 =	sne.s32 s17, $0xFFFFF000;
	s17 =	sadd.s32 $0x18580, s16  }
0xff: {  	[spmem:s2] =	stream.indirect.scatter.add.f32 [tilespmem:s14], [sflag:$0x1], $0x1, s17, s13, $0xb8;
	[tilespmem:$0x1A080] =	vst v63  }
0x100: {  	s17 =	sadd.s32 $0x18680, s16  }
0x101: {  	[spmem:s2] =	stream.indirect.scatter.add.f32 [tilespmem:s14], [sflag:$0x1], $0x1, s17, s13, $0xb8;
	[tilespmem:$0x1A080] =	vst v63  }
0x102: {  	s16 =	sadd.s32 $0x18780, s16  }
0x103: {  	[spmem:s2] =	stream.indirect.scatter.add.f32 [tilespmem:s14], [sflag:$0x1], $0x1, s16, s13, $0xb8;
	[tilespmem:$0x1A080] =	vst v63  }
0x104: {  	_ =	swait.ge [sflag:s5], $0x80  }
0x105: {  	[sflag:s5] =	ssyncset.done $0x0  }
0x106: {  	[sflag:s5] =	ssyncadd.s32 $0xFFFFFF80  }
0x107: {  	_ =	swait.ge [sflag:s5], $0x80  }
0x108: {  	[sflag:s5] =	ssyncset.done $0x0  }
0x109: {  	[sflag:s5] =	ssyncadd.s32 $0xFFFFFF80  }
.Ltmp0:
0x10a: {  	_ =	swait.ge [sflag:s5], $0x80;
	(pc) =	sbr.rel @p0 .LBB2_2-.Ltmp0, $4  }
0x10b: {  	[sflag:s5] =	ssyncset.done $0x0  }
0x10c: {  	[sflag:s5] =	ssyncadd.s32 $0xFFFFFF80  }
0x10d: {  	s16 =	sshra.s32 s19, $0x2;
	_ =	swait.ge [sflag:s5], $0x80  }
0x10e: {  	s17 =	smov.u32 s20;
	s16 =	sadd.s32 s16, s7;
	[sflag:s5] =	ssyncset.done $0x0  }
0x10f: {  	s17 =	sadd.s32 $0x18480, s16;
	[sflag:s5] =	ssyncadd.s32 $0xFFFFFF80  }
0x110: {  	[spmem:s2] =	stream.indirect.scatter.add.f32 [tilespmem:s14], [sflag:$0x1], $0x1, s17, s13, $0xb8;
	[tilespmem:$0x1A080] =	vst v63  }
0x111: {  	s28 =	sadd.s32 $0x18580, s16  }
0x112: {  	[spmem:s2] =	stream.indirect.scatter.add.f32 [tilespmem:s14], [sflag:$0x1], $0x1, s28, s13, $0xb8;
	[tilespmem:$0x1A080] =	vst v63  }
0x113: {  	s29 =	sadd.s32 $0x18680, s16  }
0x114: {  	[spmem:s2] =	stream.indirect.scatter.add.f32 [tilespmem:s14], [sflag:$0x1], $0x1, s29, s13, $0xb8;
	[tilespmem:$0x1A080] =	vst v63  }
0x115: {  	s30 =	sadd.s32 $0x18780, s16  }
0x116: {  	[spmem:s2] =	stream.indirect.scatter.add.f32 [tilespmem:s14], [sflag:$0x1], $0x1, s30, s13, $0xb8;
	[tilespmem:$0x1A080] =	vst v63  }
0x117: {  	_ =	swait.ge [sflag:s5], $0x80  }
0x118: {  	[sflag:s5] =	ssyncset.done $0x0  }
0x119: {  	[sflag:s5] =	ssyncadd.s32 $0xFFFFFF80  }
0x11a: {  	_ =	swait.ge [sflag:s5], $0x80  }
0x11b: {  	[sflag:s5] =	ssyncset.done $0x0  }
0x11c: {  	[sflag:s5] =	ssyncadd.s32 $0xFFFFFF80  }
0x11d: {  	_ =	swait.ge [sflag:s5], $0x80  }
0x11e: {  	[sflag:s5] =	ssyncset.done $0x0  }
0x11f: {  	p0 =	sne.s32 s8, $0x61800;
	[sflag:s5] =	ssyncadd.s32 $0xFFFFFF80  }
.Ltmp1:
0x120: {  	_ =	swait.ge [sflag:s5], $0x80;
	(pc) =	sbr.rel @!p0 .LBB2_5-.Ltmp1, $4  }
0x121: {  	s31 =	sshra.s32 s8, $0x2;
	[sflag:s5] =	ssyncset.done $0x0  }
0x122: {  	s16 =	sadd.s32 $0x80, s31;
	[sflag:s5] =	ssyncadd.s32 $0xFFFFFF80  }
0x123: {  	[spmem:s2] =	stream.indirect.scatter.add.f32 [tilespmem:s14], [sflag:$0x2], $0x1, s16, s13, $0xb8;
	[tilespmem:$0x1A080] =	vst v63  }
0x124: {  	s16 =	sadd.s32 $0x400, s8;
	_ =	swait.ge [sflag:s12], $0x80  }
.LBB2_4:
0x125: {  	s17 =	sshra.s32 s16, $0x2;
	[sflag:s12] =	ssyncset.done $0x0;
	p0 =	sne.s32 s16, $0x61800  }
.Ltmp2:
0x126: {  	s17 =	sadd.s32 $0x80, s17;
	[sflag:s12] =	ssyncadd.s32 $0xFFFFFF80;
	(pc) =	sbr.rel @p0 .LBB2_4-.Ltmp2, $3  }
0x127: {  	[spmem:s2] =	stream.indirect.scatter.add.f32 [tilespmem:s14], [sflag:$0x2], $0x1, s17, s13, $0xb8;
	[tilespmem:$0x1A080] =	vst v63  }
0x128: {  	s16 =	sadd.s32 $0x400, s16;
	_ =	sdelay $0x1  }
0x129: {  	_ =	swait.ge [sflag:s12], $0x80  }
.LBB2_5:
0x12a: {  	[sflag:s12] =	ssyncset.done $0x0  }
0x12b: {  	[sflag:s12] =	ssyncadd.s32 $0xFFFFFF80  }
0x12c: {  	[bflag:$0x0] =	sbarrier.arrive $0xFFFF  }
0x12d: {  	[tilespmem:s11], [sflag:$0x2] =	stream.linear.gather [spmem:s4], $0xC80, $0x38;
	[tilespmem:$0x1A080] =	vst v63  }
0x12e: {  	s15 =	sadd.s32 $0x1, s15;
	_ =	swait.ge [sflag:s12], $0xC80  }
0x12f: {  	p0 =	sne.s32 s15, s10;
	[sflag:s12] =	ssyncset.done $0x0  }
.Ltmp3:
0x130: {  	[sflag:s12] =	ssyncadd.s32 $0xFFFFF380;
	(pc) =	sbr.rel @p0 .LBB2_1-.Ltmp3, $4  }
0x131: {  	[hbm4b:s9+s3] =	stream.linear.scatter [tilespmem:s11], [sflag:$0x2], $0xC80, $0x38;
	[tilespmem:$0x1A080] =	vst v63  }
0x132: {  	_ =	swait.ge [sflag:s12], $0xC80  }
0x133: {  	[sflag:s12] =	ssyncset.done $0x0  }
0x134: {  	[sflag:s12] =	ssyncadd.s32 $0xFFFFF380  }
0x135: {  	_ =	sfence.sel $0x180000  }
0x136: {  	[bflag:$0x0] =	sbarrier.arrive $0xFFFF  }
0x137: {  	p0 =	sne.s32 s1, $0x0;
	_ =	strace $0x90000047  }
0x138: {  	s0 =	sadd.s32 @!p0 $0x100000, s0;
	[bflag:$0x2] =	sbarrier.arrive $0xFFFF  }
0x139: {  	[sflag:s0] =	ssyncadd.tile.s32 @!p0 $0x1;
	_ =	shalt  }
.Lfunc_end2:
_tile_overlayer_lowered:
.L_overlay_start_2:
0x13a: {  	(tag) =	ssettag $0x2  }
0x13b: {  	s0 =	rddreg [dreg:$0x0];
	s2 =	stileid.u32  }
0x13c: {  	s1 =	rddreg [dreg:$0x1];
	p0 =	sne.s32 s2, $0x0  }
0x13d: {  	s3 =	rddreg [dreg:$0x2];
	[bflag:$0x3] =	sbarrier.arrive $0xFFFF;
	s2 =	simm.s32 @!p0 $0x1C02  }
0x13e: {  	[timem:s3], [sflag:s2] =	dma.local @!p0 [hbm:s0], s1  }
0x13f: {  	s0 =	simm.s32 @!p0 $0x2  }
0x140: {  	_ =	swait.ge @!p0 [sflag:s0], s1  }
0x141: {  	s1 =	ssub.s32 @!p0 $0x0, s1;
	[sflag:s0] =	ssyncset.done @!p0 $0x0  }
0x142: {  	[sflag:s0] =	ssyncadd.s32 @!p0 s1  }
0x143: {  	[bflag:$0x3] =	sbarrier.arrive $0xFFFF  }
0x144: {  	_ =	shalt  }

// kernel: kernel.13.cloned.1.call-start
scs
__scs_entry_jumppad:
0x0: {  	(pc) =	sbr.rel $0x88, $3  }
0x1: {  	(tag) =	ssettag $0x0;
	lr =	simm.s32 $0x1  }
0x2: {  	[smem:$0x3F9B] =	sst lr;
	_ =	strace $0xD0000000  }
0x3: {  	_ = 	snop  }
0x4: {  	_ = 	snop  }
0x5: {  	_ = 	snop  }
0x6: {  	_ = 	snop  }
0x7: {  	_ = 	snop  }
__scs_overlays_trampoline_lowered:
0x8: {  	[smem:$0x3FAA] =	sst s0  }
0x9: {  	[smem:$0x3FAB] =	sst s1  }
0xa: {  	[smem:$0x3FAC] =	sst s2  }
0xb: {  	[smem:$0x3FAD] =	sst s3  }
0xc: {  	[smem:$0x3FAE] =	sst s4  }
0xd: {  	[smem:$0x3FAF] =	sst s5  }
0xe: {  	[smem:$0x3FB0] =	sst s6  }
0xf: {  	[smem:$0x3FB1] =	sst s7  }
0x10: {  	[smem:$0x3FB2] =	sst s8  }
0x11: {  	[smem:$0x3FB3] =	sst s9;
	s0 =	simm.s32 @!p0 $0x0  }
0x12: {  	s1 =	sld [smem:$0x3F99];
	s0 =	simm.s32 @p0 $0x1  }
0x13: {  	[smem:$0x3FB4] =	sst s0;
	s0 =	simm.s32 @!p1 $0x0  }
0x14: {  	s2 =	sld [smem:$0x3F98];
	s0 =	simm.s32 @p1 $0x1  }
0x15: {  	[smem:$0x3FB5] =	sst s0;
	s0 =	simm.s32 @!p2 $0x0  }
0x16: {  	s3 =	sld [smem:$0x3FDB];
	s0 =	simm.s32 @p2 $0x1  }
0x17: {  	s4 =	simm.s32 $0x1BF5;
	[smem:$0x3FB7] =	sst s0  }
0x18: {  	s0 =	sld [smem:$0x3F9A];
	_ =	swait.ge [sflag:s4], $0x0  }
0x19: {  	s7 =	sld [smem:$0x3F9B]  }
0x1a: {  	s8 =	sadd.s32 $0xFFFFE003, lr  }
0x1b: {  	s9 =	sadd.s32 $0xFFFFFEF7, lr;
	s5 =	simm.s32 $0xFFFFFFFF;
	p2 =	slt.u32 s8, $0xFFFFF086  }
0x1c: {  	p1 =	slt.u32 s9, $0xF7A;
	s5 =	simm.s32 @!p2 $0x0  }
0x1d: {  	s5 =	simm.s32 @p1 $0x1;
	p0 =	seq.s32 s7, s2  }
0x1e: {  	s7 =	smul.u32 @!p0 $0xF7A, s2;
	p2 =	seq.s32 @!p0 s5, $0x0  }
0x1f: {  	s9 =	smul.u32 $0xF7A, s1;
	s8 =	simm.s32 @!p0 $0x1BF5;
	p2 =	por !p2, p0  }
0x20: {  	[sflag:s8] =	ssyncset.s32 @!p0 $0xFFFFF086;
	s6 =	sadd.s32 @!p0 s3, s7;
	s7 =	simm.s32 @!p0 $0x108  }
0x21: {  	s3 =	sadd.s32 s3, s9;
	s6 =	sadd.s32 @!p0 $0x88, s6;
	s7 =	simm.s32 @p2 $0x1082  }
0x22: {  	[simem:s7], [sflag:s8] =	dma.local @!p0 [hbm:s6], $0xF7A  }
0x23: {  	s9 =	sor.u32 $0xD0000000, s2;
	s6 =	simm.s32 $0x108;
	_ =	swait.ge @!p0 [sflag:s8], $0x0  }
0x24: {  	s3 =	sadd.s32 $0x88, s3;
	s6 =	simm.s32 @!p1 $0x1082;
	[sflag:s4] =	ssyncset.s32 $0xFFFFF086  }
0x25: {  	[simem:s6], [sflag:s4] =	dma.local [hbm:s3], $0xF7A  }
0x26: {  	[smem:$0x3F9B] =	sst s1;
	(tag) =	ssettag s2;
	_ =	strace s9  }
0x27: {  	s1 =	sld [smem:$0x3FAB]  }
0x28: {  	s2 =	sld [smem:$0x3FAC]  }
0x29: {  	s4 =	sld [smem:$0x3FAE]  }
0x2a: {  	p0 =	seq.s32 s5, $0x0;
	s5 =	sld [smem:$0x3FAF]  }
0x2b: {  	s6 =	sld [smem:$0x3FB0]  }
0x2c: {  	s7 =	sld [smem:$0x3FB1]  }
0x2d: {  	s3 =	simm.s32 $0x108;
	s8 =	sld [smem:$0x3FB2]  }
0x2e: {  	s3 =	simm.s32 @!p0 $0x1082;
	s9 =	sld [smem:$0x3FB3]  }
0x2f: {  	lr =	sadd.s32 s0, s3;
	s0 =	sld [smem:$0x3FAA]  }
0x30: {  	s3 =	sld [smem:$0x3FAD]  }
0x31: {  	[smem:$0x3FB6] =	sst s10  }
0x32: {  	s10 =	sld [smem:$0x3FB4];
	_ =	sdelay $0x3  }
0x33: {  	p0 =	seq.s32 s10, $0x1;
	s10 =	sld [smem:$0x3FB6];
	_ =	sdelay $0x3  }
0x34: {  	[smem:$0x3FB6] =	sst s10  }
0x35: {  	s10 =	sld [smem:$0x3FB5];
	_ =	sdelay $0x3  }
0x36: {  	p1 =	seq.s32 s10, $0x1;
	s10 =	sld [smem:$0x3FB6];
	_ =	sdelay $0x3  }
0x37: {  	[smem:$0x3FB6] =	sst s10  }
0x38: {  	s10 =	sld [smem:$0x3FB7]  }
0x39: {  	_ = 	snop;
	(pc) =	sbr.ind lr, $3  }
0x3a: {  	_ = 	snop  }
0x3b: {  	_ = 	snop  }
0x3c: {  	p2 =	seq.s32 s10, $0x1;
	s10 =	sld [smem:$0x3FB6]  }
0x3d: {  	_ =	shalt  }
0x3e: {  	_ =	shalt  }
0x3f: {  	_ =	shalt  }
0x40: {  	_ =	shalt  }
0x41: {  	_ =	shalt  }
0x42: {  	_ =	shalt  }
0x43: {  	_ =	shalt  }
0x44: {  	_ =	shalt  }
0x45: {  	_ =	shalt  }
0x46: {  	_ =	shalt  }
0x47: {  	_ =	shalt  }
0x48: {  	_ =	shalt  }
0x49: {  	_ =	shalt  }
0x4a: {  	_ =	shalt  }
0x4b: {  	_ =	shalt  }
0x4c: {  	_ =	shalt  }
0x4d: {  	_ =	shalt  }
0x4e: {  	_ =	shalt  }
0x4f: {  	_ =	shalt  }
0x50: {  	_ =	shalt  }
0x51: {  	_ =	shalt  }
0x52: {  	_ =	shalt  }
0x53: {  	_ =	shalt  }
0x54: {  	_ =	shalt  }
0x55: {  	_ =	shalt  }
0x56: {  	_ =	shalt  }
0x57: {  	_ =	shalt  }
0x58: {  	_ =	shalt  }
0x59: {  	_ =	shalt  }
0x5a: {  	_ =	shalt  }
0x5b: {  	_ =	shalt  }
0x5c: {  	_ =	shalt  }
0x5d: {  	_ =	shalt  }
0x5e: {  	_ =	shalt  }
0x5f: {  	_ =	shalt  }
0x60: {  	_ =	shalt  }
0x61: {  	_ =	shalt  }
0x62: {  	_ =	shalt  }
0x63: {  	_ =	shalt  }
0x64: {  	_ =	shalt  }
0x65: {  	_ =	shalt  }
0x66: {  	_ =	shalt  }
0x67: {  	_ =	shalt  }
0x68: {  	_ =	shalt  }
0x69: {  	_ =	shalt  }
0x6a: {  	_ =	shalt  }
0x6b: {  	_ =	shalt  }
0x6c: {  	_ =	shalt  }
0x6d: {  	_ =	shalt  }
0x6e: {  	_ =	shalt  }
0x6f: {  	_ =	shalt  }
0x70: {  	_ =	shalt  }
0x71: {  	_ =	shalt  }
0x72: {  	_ =	shalt  }
0x73: {  	_ =	shalt  }
0x74: {  	_ =	shalt  }
0x75: {  	_ =	shalt  }
0x76: {  	_ =	shalt  }
0x77: {  	_ =	shalt  }
0x78: {  	_ =	shalt  }
0x79: {  	_ =	shalt  }
0x7a: {  	_ =	shalt  }
0x7b: {  	_ =	shalt  }
0x7c: {  	_ =	shalt  }
0x7d: {  	_ =	shalt  }
0x7e: {  	_ =	shalt  }
0x7f: {  	_ =	shalt  }
0x80: {  	_ =	shalt  }
0x81: {  	_ =	shalt  }
0x82: {  	_ =	shalt  }
0x83: {  	_ =	shalt  }
0x84: {  	_ =	shalt  }
0x85: {  	_ =	shalt  }
0x86: {  	_ =	shalt  }
0x87: {  	_ =	shalt  }
.Lfunc_end0:
.L_simem_size_0:
called_computation.1_lowered:
.L_overlay_start_0:
0x88: {  	s2 =	sld [smem:$0x3FD9]  }
0x89: {  	s3 =	sld [smem:$0x3FFE];
	_ =	sdelay $0x1  }
0x8a: {  	s1 =	srdreg.scid  }
0x8b: {  	s0 =	sand.u32 $0x1, s1  }
0x8c: {  	s17 =	sshll.u32 s0, $0xA;
	s2 =	sadd.s32 s3, s2  }
0x8d: {  	s2 =	sadd.s32 s2, s17  }
0x8e: {  	[smem:$0x3FC2] =	sst s2  }
0x8f: {  	_ = 	snop  }
0x90: {  	s2 =	sld [smem:$0x3FC8]  }
0x91: {  	s18 =	sld [smem:$0x3FD0];
	(tm) =	ssettm $0x1  }
0x92: {  	s4 =	sld [smem:$0x3FFB];
	_ =	sdelay $0x3  }
0x93: {  	_ =	strace s4  }
0x94: {  	s4 =	sld [smem:$0x3FFC];
	_ =	sdelay $0x3  }
0x95: {  	_ =	strace s4  }
0x96: {  	s4 =	sld [smem:$0x3FFD];
	_ =	sdelay $0x3  }
0x97: {  	_ =	strace s4  }
0x98: {  	_ =	strace $0x8FFFFFFF  }
0x99: {  	s19 =	sld [smem:$0x3FDB];
	_ =	sdelay $0x1  }
0x9a: {  	s5 =	simm.s32 $_scs_section_size  }
0x9b: {  	s6 =	simm.s32 $_size__tile_overlayer_lowered;
	s7 =	simm.s32 $_tile_overlayer_lowered  }
0x9c: {  	s22 =	simm.s32 $0x1BFF;
	s21 =	sshll.u32 s7, $0x1;
	s4 =	sadd.s32 s5, s19  }
0x9d: {  	s8 =	simm.s32 $0x0;
	s20 =	sshll.u32 s6, $0x1;
	s6 =	sadd.s32 s21, s4  }
0x9e: {  	[timem:s8], [sflag:s22] =	dma.local [hbm:s6], s20  }
0x9f: {  	_ =	swait.ge [sflag:s22], s20  }
0xa0: {  	s5 =	ssub.s32 $0x0, s20;
	[sflag:s22] =	ssyncset.done $0x0  }
0xa1: {  	[sflag:s22] =	ssyncadd.s32 s5;
	_ =	sdelay $0x1  }
0xa2: {  	s23 =	simm.s32 $0x1B8B  }
0xa3: {  	_ =	swait.ge [sflag:s23], $0x1  }
0xa4: {  	[sflag:s23] =	ssyncset.done $0x0  }
0xa5: {  	s25 =	simm.s32 $0x1B8E;
	s24 =	sld [smem:$0x3FFE];
	[sflag:s23] =	ssyncadd.s32 $0xFFFFFFFF  }
0xa6: {  	s26 =	simm.s32 $execute0_lowered;
	[smem:$0x3FD2] =	sst s25  }
0xa7: {  	s6 =	sshll.u32 s26, $0x1;
	_ =	strace $0x80000049;
	[dreg:$0x1] =	wrdreg $0xFFFFFFFF  }
0xa8: {  	s28 =	simm.s32 $_size_execute0_lowered;
	s4 =	sadd.s32 s4, s6;
	[dreg:$0x0] =	wrdreg $0x0  }
0xa9: {  	s6 =	sshll.u32 s28, $0x1;
	[dreg:$0x2] =	wrdreg s4  }
0xaa: {  	[dreg:$0x3] =	wrdreg s6  }
0xab: {  	[dreg:$0x4] =	wrdreg $0xC0  }
0xac: {  	_ =	task [dreg:s8], $0x5FFFF  }
0xad: {  	[dreg:$0x1] =	wrdreg $0xFFFFFFFF  }
0xae: {  	[dreg:$0x0] =	wrdreg $0x60  }
0xaf: {  	[dreg:$0x2] =	wrdreg s18  }
0xb0: {  	[dreg:$0x3] =	wrdreg s2  }
0xb1: {  	[dreg:$0x4] =	wrdreg s24  }
0xb2: {  	[dreg:$0x5] =	wrdreg $0x197000  }
0xb3: {  	[dreg:$0x6] =	wrdreg $0x9  }
0xb4: {  	_ =	task.clear_ibuf [dreg:s8], $0x7FFFF;
	_ =	strace $0x90000049  }
0xb5: {  	s29 =	simm.s32 $0x9;
	_ =	strace $0x8000004B  }
0xb6: {  	_ =	swait.ge [sflag:s29], $0x1  }
0xb7: {  	[sflag:s29] =	ssyncadd.s32 $0xFFFFFFFF  }
0xb8: {  	_ =	strace $0x9000004B  }
0xb9: {  	_ =	sfence  }
0xba: {  	s30 =	sld [smem:$0x0];
	_ =	sdelay $0x2  }
0xbb: {  	s31 =	sshll.u32 s1, $0xD;
	s1 =	sshrl.u32 s1, $0x2  }
0xbc: {  	s3 =	sand.u32 $0x4000, s31;
	s1 =	sadd.s32 s1, s30  }
0xbd: {  	s0 =	sor.u32 s3, s0;
	s1 =	sshll.u32 s1, $0x11  }
0xbe: {  	s0 =	sor.u32 s1, s0  }
0xbf: {  	s0 =	sadd.s32 $0x8F2B, s0  }
0xc0: {  	[sflag:s0] =	ssyncadd.remote.s32 $0x1  }
0xc1: {  	_ =	sfence.sel $0xFFFF  }
0xc2: {  	[dreg:$0x0] =	wrdreg $0xFFFFFFFF;
	(pc) =	sbr.abs _section_cstart, $3  }
0xc3: {  	[dreg:$0x1] =	wrdreg $0xFFFFFFFF  }
0xc4: {  	_ =	task.clear_ibuf [dreg:s8], $0x2FFFF;
	_ =	strace $0x9FFFFFFF  }
0xc5: {  	(tm) =	ssettm $0x7FFFFFFF  }
tec
execute0_lowered:
.L_overlay_start_1:
0x0: {  	(tag) =	ssettag $0x1  }
0x1: {  	s1 =	rddreg [dreg:$0x0]  }
0x2: {  	s9 =	rddreg [dreg:$0x1]  }
0x3: {  	s5 =	rddreg [dreg:$0x2]  }
0x4: {  	s3 =	rddreg [dreg:$0x3]  }
0x5: {  	s0 =	rddreg [dreg:$0x4]  }
0x6: {  	s2 =	stileid.u32;
	s6 =	srdreg.scid;
	s4 =	simm.s32 $0x0  }
0x7: {  	s13 =	simm.s32 $0x1;
	s16 =	simm.s32 $0x18700;
	s17 =	simm.s32 $0x18B00  }
0x8: {  	s18 =	simm.s32 $0x18F00;
	s19 =	simm.s32 $0x19300;
	s20 =	simm.s32 $0x2  }
0x9: {  	s21 =	simm.s32 $0x0;
	s7 =	smul.u32 $0x61C0, s2;
	s6 =	sand.u32 $0x1, s6  }
0xa: {  	[smem:$0x7FF] =	sst s4;
	s28 =	sshll.u32 s2, $0x6;
	s8 =	smul.u32 $0x64000, s6  }
0xb: {  	_ =	strace $0x8000004A;
	s11 =	sshll.u32 s6, $0x4;
	s6 =	ssub.s32 $0x2, s6  }
0xc: {  	s10 =	sshrl.u32 s7, $0x3;
	s11 =	sor.u32 s2, s11;
	s24 =	sshrl.u32 s6, $0x1  }
0xd: {  	s15 =	sadd.s32 s7, s3;
	s10 =	sadd.s32 s10, s5;
	s8 =	sadd.s32 s7, s8  }
0xe: {  	s25 =	smul.u32 $0x186, s11;
	p0 =	sgt.u32 s11, $0x13;
	s11 =	smin.u32 s11, $0x14  }
0xf: {  	s14 =	ssub.s32 s6, s24;
	s6 =	sor.u32 $0x1C03, s28;
	s8 =	sshrl.u32 s8, $0x3  }
0x10: {  	s7 =	simm.s32 $0x1;
	s13 =	simm.s32 @!p0 $0x0;
	s12 =	sadd.s32 s8, s5  }
0x11: {  	s26 =	sadd.s32 s11, s25;
	s5 =	sadd.s32 $0x18D400, s10;
	s8 =	simm.s32 $0x100  }
0x12: {  	s10 =	simm.s32 $0x61400;
	s29 =	ssub.s32 s26, s13;
	s8 =	simm.s32 @!p0 $0x0  }
0x13: {  	s10 =	simm.s32 @!p0 $0x61000;
	s11 =	sadd.s32 $0x199800, s12;
	s30 =	sshll.u32 s29, $0x5  }
0x14: {  	s12 =	smax.u32 s14, $0x1;
	s13 =	sshrl.u32 s15, $0x3;
	s31 =	sand.u32 $0x1FFFFFE0, s30  }
0x15: {  	s14 =	simm.s32 $0x3;
	s15 =	simm.s32 $0x80;
	s9 =	sadd.s32 s9, s31  }
.LBB2_1:
0x16: {  	[spmem:s13], [sflag:s6] =	dma.local [hbm:s5], $0xC38  }
0x17: {  	_ =	swait.ge [sflag:s14], $0xC38  }
0x18: {  	[sflag:s14] =	ssyncset.done $0x0  }
0x19: {  	[sflag:s14] =	ssyncadd.s32 $0xFFFFF3C8  }
0x1a: {  	[tilespmem:s4], [sflag:$0x3] =	stream.linear.gather [hbm4b:s9+s4], $0x18700, $0x38;
	[tilespmem:$0x1F8C0] =	vst v63  }
0x1b: {  	_ =	swait.ge [sflag:s14], $0x18700  }
0x1c: {  	[sflag:s14] =	ssyncset.done $0x0  }
0x1d: {  	[sflag:s14] =	ssyncadd.s32 $0xFFFE7900  }
0x1e: {  	s22 =	sadd.s32 $0x0, s8;
	[bflag:$0x0] =	sbarrier.arrive $0xFFFF  }
0x1f: {  	[tilespmem:s16], [sflag:$0x1] =	stream.indirect.gather [hbm4b:s1+s15], $0x8, s22, s15, $0xb8;
	[tilespmem:$0x1F8C0] =	vst v63  }
0x20: {  	s23 =	sadd.s32 $0x100, s22  }
0x21: {  	[tilespmem:s17], [sflag:$0x1] =	stream.indirect.gather [hbm4b:s1+s15], $0x8, s23, s15, $0xb8;
	[tilespmem:$0x1F8C0] =	vst v63  }
0x22: {  	s26 =	sadd.s32 $0x200, s22  }
0x23: {  	[tilespmem:s18], [sflag:$0x1] =	stream.indirect.gather [hbm4b:s1+s15], $0x8, s26, s15, $0xb8;
	[tilespmem:$0x1F8C0] =	vst v63  }
0x24: {  	s28 =	sadd.s32 $0x300, s22  }
0x25: {  	[tilespmem:s19], [sflag:$0x1] =	stream.indirect.gather [hbm4b:s1+s15], $0x8, s28, s15, $0xb8;
	[tilespmem:$0x1F8C0] =	vst v63  }
0x26: {  	_ =	swait.ge [sflag:s7], $0x400  }
0x27: {  	[sflag:s7] =	ssyncset.done $0x0  }
0x28: {  	[sflag:s7] =	ssyncadd.s32 $0xFFFFFC00  }
0x29: {  	_ =	swait.ge [sflag:s7], $0x400  }
0x2a: {  	[sflag:s7] =	ssyncset.done $0x0  }
0x2b: {  	[sflag:s7] =	ssyncadd.s32 $0xFFFFFC00  }
0x2c: {  	_ =	swait.ge [sflag:s7], $0x400  }
0x2d: {  	[sflag:s7] =	ssyncset.done $0x0  }
0x2e: {  	[sflag:s7] =	ssyncadd.s32 $0xFFFFFC00  }
0x2f: {  	_ =	swait.ge [sflag:s7], $0x400  }
0x30: {  	[sflag:s7] =	ssyncset.done $0x0  }
0x31: {  	s29 =	sadd.s32 $0x80, s22;
	[sflag:s7] =	ssyncadd.s32 $0xFFFFFC00  }
0x32: {  	[spmem:s3] =	stream.indirect.scatter.add.f32 [tilespmem:s16], [sflag:$0x2], $0x8, s29, s15, $0xb8;
	[tilespmem:$0x1F8C0] =	vst v63  }
0x33: {  	s30 =	sadd.s32 $0x180, s22  }
0x34: {  	[spmem:s3] =	stream.indirect.scatter.add.f32 [tilespmem:s17], [sflag:$0x2], $0x8, s30, s15, $0xb8;
	[tilespmem:$0x1F8C0] =	vst v63  }
0x35: {  	s31 =	sadd.s32 $0x280, s22  }
0x36: {  	[spmem:s3] =	stream.indirect.scatter.add.f32 [tilespmem:s18], [sflag:$0x2], $0x8, s31, s15, $0xb8;
	[tilespmem:$0x1F8C0] =	vst v63  }
0x37: {  	s22 =	sadd.s32 $0x380, s22  }
0x38: {  	[spmem:s3] =	stream.indirect.scatter.add.f32 [tilespmem:s19], [sflag:$0x2], $0x8, s22, s15, $0xb8;
	[tilespmem:$0x1F8C0] =	vst v63  }
0x39: {  	_ =	swait.ge [sflag:s20], $0x400  }
0x3a: {  	[sflag:s20] =	ssyncset.done $0x0  }
0x3b: {  	[sflag:s20] =	ssyncadd.s32 $0xFFFFFC00  }
0x3c: {  	_ =	swait.ge [sflag:s20], $0x400  }
0x3d: {  	[sflag:s20] =	ssyncset.done $0x0  }
0x3e: {  	[sflag:s20] =	ssyncadd.s32 $0xFFFFFC00  }
0x3f: {  	_ =	swait.ge [sflag:s20], $0x400  }
0x40: {  	[sflag:s20] =	ssyncset.done $0x0  }
0x41: {  	[sflag:s20] =	ssyncadd.s32 $0xFFFFFC00  }
0x42: {  	_ =	swait.ge [sflag:s20], $0x400  }
0x43: {  	s24 =	simm.s32 $0x2000;
	s23 =	simm.s32 $0x400;
	[sflag:s20] =	ssyncset.done $0x0  }
.LBB2_2:
0x44: {  	s25 =	sadd.s32 s23, s8  }
0x45: {  	[sflag:s20] =	ssyncadd.s32 $0xFFFFFC00;
	s23 =	smov.u32 s24;
	s22 =	sadd.s32 $0x1000, s24  }
0x46: {  	[tilespmem:s16], [sflag:$0x1] =	stream.indirect.gather [hbm4b:s1+s15], $0x8, s25, s15, $0xb8;
	[tilespmem:$0x1F8C0] =	vst v63  }
0x47: {  	p0 =	sne.s32 s24, $0x60000;
	s24 =	sadd.s32 $0x100, s25  }
0x48: {  	[tilespmem:s17], [sflag:$0x1] =	stream.indirect.gather [hbm4b:s1+s15], $0x8, s24, s15, $0xb8;
	[tilespmem:$0x1F8C0] =	vst v63  }
0x49: {  	s24 =	sadd.s32 $0x200, s25  }
0x4a: {  	[tilespmem:s18], [sflag:$0x1] =	stream.indirect.gather [hbm4b:s1+s15], $0x8, s24, s15, $0xb8;
	[tilespmem:$0x1F8C0] =	vst v63  }
0x4b: {  	s24 =	sadd.s32 $0x300, s25  }
0x4c: {  	[tilespmem:s19], [sflag:$0x1] =	stream.indirect.gather [hbm4b:s1+s15], $0x8, s24, s15, $0xb8;
	[tilespmem:$0x1F8C0] =	vst v63  }
0x4d: {  	_ =	swait.ge [sflag:s7], $0x400  }
0x4e: {  	[sflag:s7] =	ssyncset.done $0x0  }
0x4f: {  	[sflag:s7] =	ssyncadd.s32 $0xFFFFFC00  }
0x50: {  	_ =	swait.ge [sflag:s7], $0x400  }
0x51: {  	[sflag:s7] =	ssyncset.done $0x0  }
0x52: {  	[sflag:s7] =	ssyncadd.s32 $0xFFFFFC00  }
0x53: {  	_ =	swait.ge [sflag:s7], $0x400  }
0x54: {  	[sflag:s7] =	ssyncset.done $0x0  }
0x55: {  	[sflag:s7] =	ssyncadd.s32 $0xFFFFFC00  }
0x56: {  	_ =	swait.ge [sflag:s7], $0x400  }
0x57: {  	[sflag:s7] =	ssyncset.done $0x0  }
0x58: {  	s24 =	sadd.s32 $0x80, s25;
	[sflag:s7] =	ssyncadd.s32 $0xFFFFFC00  }
0x59: {  	[spmem:s3] =	stream.indirect.scatter.add.f32 [tilespmem:s16], [sflag:$0x2], $0x8, s24, s15, $0xb8;
	[tilespmem:$0x1F8C0] =	vst v63  }
0x5a: {  	s24 =	sadd.s32 $0x180, s25  }
0x5b: {  	[spmem:s3] =	stream.indirect.scatter.add.f32 [tilespmem:s17], [sflag:$0x2], $0x8, s24, s15, $0xb8;
	[tilespmem:$0x1F8C0] =	vst v63  }
0x5c: {  	s24 =	sadd.s32 $0x280, s25  }
0x5d: {  	[spmem:s3] =	stream.indirect.scatter.add.f32 [tilespmem:s18], [sflag:$0x2], $0x8, s24, s15, $0xb8;
	[tilespmem:$0x1F8C0] =	vst v63  }
0x5e: {  	s24 =	sadd.s32 $0x380, s25  }
0x5f: {  	[spmem:s3] =	stream.indirect.scatter.add.f32 [tilespmem:s19], [sflag:$0x2], $0x8, s24, s15, $0xb8;
	[tilespmem:$0x1F8C0] =	vst v63  }
0x60: {  	_ =	swait.ge [sflag:s20], $0x400  }
0x61: {  	[sflag:s20] =	ssyncset.done $0x0  }
0x62: {  	[sflag:s20] =	ssyncadd.s32 $0xFFFFFC00  }
0x63: {  	_ =	swait.ge [sflag:s20], $0x400  }
0x64: {  	[sflag:s20] =	ssyncset.done $0x0  }
0x65: {  	[sflag:s20] =	ssyncadd.s32 $0xFFFFFC00  }
.Ltmp0:
0x66: {  	_ =	swait.ge [sflag:s20], $0x400;
	(pc) =	sbr.rel @p0 .LBB2_2-.Ltmp0, $4  }
0x67: {  	[sflag:s20] =	ssyncset.done $0x0  }
0x68: {  	[sflag:s20] =	ssyncadd.s32 $0xFFFFFC00  }
0x69: {  	_ =	swait.ge [sflag:s20], $0x400  }
0x6a: {  	s23 =	sshra.s32 s23, $0x2;
	s24 =	smov.u32 s22;
	[sflag:s20] =	ssyncset.done $0x0  }
0x6b: {  	s22 =	sadd.s32 s23, s8;
	[sflag:s20] =	ssyncadd.s32 $0xFFFFFC00  }
0x6c: {  	[tilespmem:s16], [sflag:$0x1] =	stream.indirect.gather [hbm4b:s1+s15], $0x8, s22, s15, $0xb8;
	[tilespmem:$0x1F8C0] =	vst v63  }
0x6d: {  	s23 =	sadd.s32 $0x100, s22  }
0x6e: {  	[tilespmem:s17], [sflag:$0x1] =	stream.indirect.gather [hbm4b:s1+s15], $0x8, s23, s15, $0xb8;
	[tilespmem:$0x1F8C0] =	vst v63  }
0x6f: {  	s26 =	sadd.s32 $0x200, s22  }
0x70: {  	[tilespmem:s18], [sflag:$0x1] =	stream.indirect.gather [hbm4b:s1+s15], $0x8, s26, s15, $0xb8;
	[tilespmem:$0x1F8C0] =	vst v63  }
0x71: {  	s28 =	sadd.s32 $0x300, s22  }
0x72: {  	[tilespmem:s19], [sflag:$0x1] =	stream.indirect.gather [hbm4b:s1+s15], $0x8, s28, s15, $0xb8;
	[tilespmem:$0x1F8C0] =	vst v63  }
0x73: {  	_ =	swait.ge [sflag:s7], $0x400  }
0x74: {  	[sflag:s7] =	ssyncset.done $0x0  }
0x75: {  	[sflag:s7] =	ssyncadd.s32 $0xFFFFFC00  }
0x76: {  	_ =	swait.ge [sflag:s7], $0x400  }
0x77: {  	[sflag:s7] =	ssyncset.done $0x0  }
0x78: {  	[sflag:s7] =	ssyncadd.s32 $0xFFFFFC00  }
0x79: {  	_ =	swait.ge [sflag:s7], $0x400  }
0x7a: {  	[sflag:s7] =	ssyncset.done $0x0  }
0x7b: {  	[sflag:s7] =	ssyncadd.s32 $0xFFFFFC00  }
0x7c: {  	_ =	swait.ge [sflag:s7], $0x400  }
0x7d: {  	[sflag:s7] =	ssyncset.done $0x0  }
0x7e: {  	s29 =	sadd.s32 $0x80, s22;
	[sflag:s7] =	ssyncadd.s32 $0xFFFFFC00  }
0x7f: {  	[spmem:s3] =	stream.indirect.scatter.add.f32 [tilespmem:s16], [sflag:$0x2], $0x8, s29, s15, $0xb8;
	[tilespmem:$0x1F8C0] =	vst v63  }
0x80: {  	s30 =	sadd.s32 $0x180, s22  }
0x81: {  	[spmem:s3] =	stream.indirect.scatter.add.f32 [tilespmem:s17], [sflag:$0x2], $0x8, s30, s15, $0xb8;
	[tilespmem:$0x1F8C0] =	vst v63  }
0x82: {  	s31 =	sadd.s32 $0x280, s22  }
0x83: {  	[spmem:s3] =	stream.indirect.scatter.add.f32 [tilespmem:s18], [sflag:$0x2], $0x8, s31, s15, $0xb8;
	[tilespmem:$0x1F8C0] =	vst v63  }
0x84: {  	s22 =	sadd.s32 $0x380, s22  }
0x85: {  	[spmem:s3] =	stream.indirect.scatter.add.f32 [tilespmem:s19], [sflag:$0x2], $0x8, s22, s15, $0xb8;
	[tilespmem:$0x1F8C0] =	vst v63  }
0x86: {  	_ =	swait.ge [sflag:s20], $0x400  }
0x87: {  	[sflag:s20] =	ssyncset.done $0x0  }
0x88: {  	[sflag:s20] =	ssyncadd.s32 $0xFFFFFC00  }
0x89: {  	_ =	swait.ge [sflag:s20], $0x400  }
0x8a: {  	[sflag:s20] =	ssyncset.done $0x0  }
0x8b: {  	[sflag:s20] =	ssyncadd.s32 $0xFFFFFC00  }
0x8c: {  	p1 =	sne.s32 s10, $0x61800;
	_ =	swait.ge [sflag:s20], $0x400  }
.Ltmp1:
0x8d: {  	[sflag:s20] =	ssyncset.done $0x0;
	(pc) =	sbr.rel @!p1 .LBB2_8-.Ltmp1, $4  }
0x8e: {  	[sflag:s20] =	ssyncadd.s32 $0xFFFFFC00  }
0x8f: {  	_ =	swait.ge [sflag:s20], $0x400  }
0x90: {  	p0 =	por $0x0, $0x0;
	[sflag:s20] =	ssyncset.done $0x0  }
0x91: {  	s23 =	smov.u32 s10;
	s22 =	sadd.s32 $0x400, s10;
	[sflag:s20] =	ssyncadd.s32 $0xFFFFFC00  }
0x92: {  	s23 =	sshra.s32 s10, $0x2  }
0x93: {  	[tilespmem:s16], [sflag:$0x3] =	stream.indirect.gather [hbm4b:s1+s15], $0x8, s23, s15, $0xb8;
	[tilespmem:$0x1F8C0] =	vst v63  }
0x94: {  	p1 =	sne.s32 s22, $0x61800;
	_ =	swait.ge [sflag:s14], $0x400  }
.Ltmp2:
0x95: {  	[sflag:s14] =	ssyncset.done $0x0;
	(pc) =	sbr.rel @!p1 .LBB2_5-.Ltmp2, $4  }
0x96: {  	s23 =	sadd.s32 $0x80, s23;
	[sflag:s14] =	ssyncadd.s32 $0xFFFFFC00  }
0x97: {  	[spmem:s3] =	stream.indirect.scatter.add.f32 [tilespmem:s16], [sflag:$0x3], $0x8, s23, s15, $0xb8;
	[tilespmem:$0x1F8C0] =	vst v63  }
0x98: {  	_ =	swait.ge [sflag:s14], $0x400  }
0x99: {  	p0 =	por $0x1, $0x1;
	s23 =	sadd.s32 $0x400, s22;
	[sflag:s14] =	ssyncset.done $0x0  }
.LBB2_6:
0x9a: {  	s24 =	sshra.s32 s22, $0x2  }
0x9b: {  	[sflag:s14] =	ssyncadd.s32 $0xFFFFFC00;
	s22 =	smov.u32 s23;
	s25 =	sadd.s32 $0x400, s23  }
0x9c: {  	[tilespmem:s16], [sflag:$0x3] =	stream.indirect.gather [hbm4b:s1+s15], $0x8, s24, s15, $0xb8;
	[tilespmem:$0x1F8C0] =	vst v63  }
0x9d: {  	p1 =	sne.s32 s23, $0x61800;
	_ =	swait.ge [sflag:s14], $0x400  }
.Ltmp3:
0x9e: {  	[sflag:s14] =	ssyncset.done $0x0;
	(pc) =	sbr.rel @p1 .LBB2_6-.Ltmp3, $4  }
0x9f: {  	s23 =	sadd.s32 $0x80, s24;
	[sflag:s14] =	ssyncadd.s32 $0xFFFFFC00  }
0xa0: {  	[spmem:s3] =	stream.indirect.scatter.add.f32 [tilespmem:s16], [sflag:$0x3], $0x8, s23, s15, $0xb8;
	[tilespmem:$0x1F8C0] =	vst v63  }
0xa1: {  	_ =	swait.ge [sflag:s14], $0x400  }
0xa2: {  	s23 =	smov.u32 s25;
	[sflag:s14] =	ssyncset.done $0x0  }
0xa3: {  	s23 =	smov.u32 s22  }
.LBB2_8:
0xa4: {  	s22 =	sshra.s32 s23, $0x2;
	[sflag:s14] =	ssyncadd.s32 @p0 $0xFFFFFC00  }
0xa5: {  	[tilespmem:s16], [sflag:$0x3] =	stream.indirect.gather [hbm4b:s1+s15], $0x8, s22, s15, $0xb8;
	[tilespmem:$0x1F8C0] =	vst v63  }
0xa6: {  	_ =	swait.ge [sflag:s14], $0x400  }
0xa7: {  	[sflag:s14] =	ssyncset.done $0x0  }
0xa8: {  	s22 =	sadd.s32 $0x80, s22;
	[sflag:s14] =	ssyncadd.s32 $0xFFFFFC00  }
0xa9: {  	[spmem:s3] =	stream.indirect.scatter.add.f32 [tilespmem:s16], [sflag:$0x3], $0x8, s22, s15, $0xb8;
	[tilespmem:$0x1F8C0] =	vst v63  }
0xaa: {  	_ =	swait.ge [sflag:s14], $0x400  }
0xab: {  	[sflag:s14] =	ssyncset.done $0x0  }
0xac: {  	s21 =	sadd.s32 $0x1, s21;
	[sflag:s14] =	ssyncadd.s32 $0xFFFFFC00  }
0xad: {  	p0 =	sne.s32 s21, s12;
	[bflag:$0x0] =	sbarrier.arrive $0xFFFF  }
0xae: {  	[hbm:s11], [sflag:s6] =	dma.local [spmem:s13], $0xC38  }
.Ltmp4:
0xaf: {  	_ = 	snop;
	(pc) =	sbr.rel @p0 .LBB2_1-.Ltmp4, $4  }
.Ltmp5:
0xb0: {  	_ = 	snop;
	(pc) =	sbr.rel @!p0 .LBB2_9-.Ltmp5, $4  }
0xb1: {  	_ =	swait.ge [sflag:s14], $0xC38  }
0xb2: {  	[sflag:s14] =	ssyncset.done $0x0  }
0xb3: {  	[sflag:s14] =	ssyncadd.s32 $0xFFFFF3C8  }
0xb4: {  	_ = 	snop  }
.LBB2_5:
.Ltmp6:
0xb5: {  	(pc) =	sbr.rel .LBB2_8-.Ltmp6, $2  }
0xb6: {  	_ =	sdelay $0x2  }
0xb7: {  	s23 =	smov.u32 s22  }
.LBB2_9:
0xb8: {  	_ =	sfence.sel $0x180000  }
0xb9: {  	[bflag:$0x0] =	sbarrier.arrive $0xFFFF  }
0xba: {  	p0 =	sne.s32 s2, $0x0;
	_ =	strace $0x9000004A  }
0xbb: {  	s0 =	sadd.s32 @!p0 $0x100000, s0;
	[bflag:$0x2] =	sbarrier.arrive $0xFFFF  }
0xbc: {  	[sflag:s0] =	ssyncadd.tile.s32 @!p0 $0x1;
	_ =	shalt  }
.Lfunc_end2:
_tile_overlayer_lowered:
.L_overlay_start_2:
0xbd: {  	(tag) =	ssettag $0x2  }
0xbe: {  	s0 =	rddreg [dreg:$0x0];
	s2 =	stileid.u32  }
0xbf: {  	s1 =	rddreg [dreg:$0x1];
	p0 =	sne.s32 s2, $0x0  }
0xc0: {  	s3 =	rddreg [dreg:$0x2];
	[bflag:$0x3] =	sbarrier.arrive $0xFFFF;
	s2 =	simm.s32 @!p0 $0x1C03  }
0xc1: {  	[timem:s3], [sflag:s2] =	dma.local @!p0 [hbm:s0], s1  }
0xc2: {  	s0 =	simm.s32 @!p0 $0x3  }
0xc3: {  	_ =	swait.ge @!p0 [sflag:s0], s1  }
0xc4: {  	s1 =	ssub.s32 @!p0 $0x0, s1;
	[sflag:s0] =	ssyncset.done @!p0 $0x0  }
0xc5: {  	[sflag:s0] =	ssyncadd.s32 @!p0 s1  }
0xc6: {  	[bflag:$0x3] =	sbarrier.arrive $0xFFFF  }
0xc7: {  	_ =	shalt  }

// kernel: kernel.16.cloned.1.call-start
scs
__scs_entry_jumppad:
0x0: {  	(pc) =	sbr.rel $0x88, $3  }
0x1: {  	(tag) =	ssettag $0x0;
	lr =	simm.s32 $0x1  }
0x2: {  	[smem:$0x3F9B] =	sst lr;
	_ =	strace $0xD0000000  }
0x3: {  	_ = 	snop  }
0x4: {  	_ = 	snop  }
0x5: {  	_ = 	snop  }
0x6: {  	_ = 	snop  }
0x7: {  	_ = 	snop  }
__scs_overlays_trampoline_lowered:
0x8: {  	[smem:$0x3FAA] =	sst s0  }
0x9: {  	[smem:$0x3FAB] =	sst s1  }
0xa: {  	[smem:$0x3FAC] =	sst s2  }
0xb: {  	[smem:$0x3FAD] =	sst s3  }
0xc: {  	[smem:$0x3FAE] =	sst s4  }
0xd: {  	[smem:$0x3FAF] =	sst s5  }
0xe: {  	[smem:$0x3FB0] =	sst s6  }
0xf: {  	[smem:$0x3FB1] =	sst s7  }
0x10: {  	[smem:$0x3FB2] =	sst s8  }
0x11: {  	[smem:$0x3FB3] =	sst s9;
	s0 =	simm.s32 @!p0 $0x0  }
0x12: {  	s1 =	sld [smem:$0x3F99];
	s0 =	simm.s32 @p0 $0x1  }
0x13: {  	[smem:$0x3FB4] =	sst s0;
	s0 =	simm.s32 @!p1 $0x0  }
0x14: {  	s2 =	sld [smem:$0x3F98];
	s0 =	simm.s32 @p1 $0x1  }
0x15: {  	[smem:$0x3FB5] =	sst s0;
	s0 =	simm.s32 @!p2 $0x0  }
0x16: {  	s3 =	sld [smem:$0x3FDB];
	s0 =	simm.s32 @p2 $0x1  }
0x17: {  	s4 =	simm.s32 $0x1BF5;
	[smem:$0x3FB7] =	sst s0  }
0x18: {  	s0 =	sld [smem:$0x3F9A];
	_ =	swait.ge [sflag:s4], $0x0  }
0x19: {  	s7 =	sld [smem:$0x3F9B]  }
0x1a: {  	s8 =	sadd.s32 $0xFFFFE003, lr  }
0x1b: {  	s9 =	sadd.s32 $0xFFFFFEF7, lr;
	s5 =	simm.s32 $0xFFFFFFFF;
	p2 =	slt.u32 s8, $0xFFFFF086  }
0x1c: {  	p1 =	slt.u32 s9, $0xF7A;
	s5 =	simm.s32 @!p2 $0x0  }
0x1d: {  	s5 =	simm.s32 @p1 $0x1;
	p0 =	seq.s32 s7, s2  }
0x1e: {  	s7 =	smul.u32 @!p0 $0xF7A, s2;
	p2 =	seq.s32 @!p0 s5, $0x0  }
0x1f: {  	s9 =	smul.u32 $0xF7A, s1;
	s8 =	simm.s32 @!p0 $0x1BF5;
	p2 =	por !p2, p0  }
0x20: {  	[sflag:s8] =	ssyncset.s32 @!p0 $0xFFFFF086;
	s6 =	sadd.s32 @!p0 s3, s7;
	s7 =	simm.s32 @!p0 $0x108  }
0x21: {  	s3 =	sadd.s32 s3, s9;
	s6 =	sadd.s32 @!p0 $0x88, s6;
	s7 =	simm.s32 @p2 $0x1082  }
0x22: {  	[simem:s7], [sflag:s8] =	dma.local @!p0 [hbm:s6], $0xF7A  }
0x23: {  	s9 =	sor.u32 $0xD0000000, s2;
	s6 =	simm.s32 $0x108;
	_ =	swait.ge @!p0 [sflag:s8], $0x0  }
0x24: {  	s3 =	sadd.s32 $0x88, s3;
	s6 =	simm.s32 @!p1 $0x1082;
	[sflag:s4] =	ssyncset.s32 $0xFFFFF086  }
0x25: {  	[simem:s6], [sflag:s4] =	dma.local [hbm:s3], $0xF7A  }
0x26: {  	[smem:$0x3F9B] =	sst s1;
	(tag) =	ssettag s2;
	_ =	strace s9  }
0x27: {  	s1 =	sld [smem:$0x3FAB]  }
0x28: {  	s2 =	sld [smem:$0x3FAC]  }
0x29: {  	s4 =	sld [smem:$0x3FAE]  }
0x2a: {  	p0 =	seq.s32 s5, $0x0;
	s5 =	sld [smem:$0x3FAF]  }
0x2b: {  	s6 =	sld [smem:$0x3FB0]  }
0x2c: {  	s7 =	sld [smem:$0x3FB1]  }
0x2d: {  	s3 =	simm.s32 $0x108;
	s8 =	sld [smem:$0x3FB2]  }
0x2e: {  	s3 =	simm.s32 @!p0 $0x1082;
	s9 =	sld [smem:$0x3FB3]  }
0x2f: {  	lr =	sadd.s32 s0, s3;
	s0 =	sld [smem:$0x3FAA]  }
0x30: {  	s3 =	sld [smem:$0x3FAD]  }
0x31: {  	[smem:$0x3FB6] =	sst s10  }
0x32: {  	s10 =	sld [smem:$0x3FB4];
	_ =	sdelay $0x3  }
0x33: {  	p0 =	seq.s32 s10, $0x1;
	s10 =	sld [smem:$0x3FB6];
	_ =	sdelay $0x3  }
0x34: {  	[smem:$0x3FB6] =	sst s10  }
0x35: {  	s10 =	sld [smem:$0x3FB5];
	_ =	sdelay $0x3  }
0x36: {  	p1 =	seq.s32 s10, $0x1;
	s10 =	sld [smem:$0x3FB6];
	_ =	sdelay $0x3  }
0x37: {  	[smem:$0x3FB6] =	sst s10  }
0x38: {  	s10 =	sld [smem:$0x3FB7]  }
0x39: {  	_ = 	snop;
	(pc) =	sbr.ind lr, $3  }
0x3a: {  	_ = 	snop  }
0x3b: {  	_ = 	snop  }
0x3c: {  	p2 =	seq.s32 s10, $0x1;
	s10 =	sld [smem:$0x3FB6]  }
0x3d: {  	_ =	shalt  }
0x3e: {  	_ =	shalt  }
0x3f: {  	_ =	shalt  }
0x40: {  	_ =	shalt  }
0x41: {  	_ =	shalt  }
0x42: {  	_ =	shalt  }
0x43: {  	_ =	shalt  }
0x44: {  	_ =	shalt  }
0x45: {  	_ =	shalt  }
0x46: {  	_ =	shalt  }
0x47: {  	_ =	shalt  }
0x48: {  	_ =	shalt  }
0x49: {  	_ =	shalt  }
0x4a: {  	_ =	shalt  }
0x4b: {  	_ =	shalt  }
0x4c: {  	_ =	shalt  }
0x4d: {  	_ =	shalt  }
0x4e: {  	_ =	shalt  }
0x4f: {  	_ =	shalt  }
0x50: {  	_ =	shalt  }
0x51: {  	_ =	shalt  }
0x52: {  	_ =	shalt  }
0x53: {  	_ =	shalt  }
0x54: {  	_ =	shalt  }
0x55: {  	_ =	shalt  }
0x56: {  	_ =	shalt  }
0x57: {  	_ =	shalt  }
0x58: {  	_ =	shalt  }
0x59: {  	_ =	shalt  }
0x5a: {  	_ =	shalt  }
0x5b: {  	_ =	shalt  }
0x5c: {  	_ =	shalt  }
0x5d: {  	_ =	shalt  }
0x5e: {  	_ =	shalt  }
0x5f: {  	_ =	shalt  }
0x60: {  	_ =	shalt  }
0x61: {  	_ =	shalt  }
0x62: {  	_ =	shalt  }
0x63: {  	_ =	shalt  }
0x64: {  	_ =	shalt  }
0x65: {  	_ =	shalt  }
0x66: {  	_ =	shalt  }
0x67: {  	_ =	shalt  }
0x68: {  	_ =	shalt  }
0x69: {  	_ =	shalt  }
0x6a: {  	_ =	shalt  }
0x6b: {  	_ =	shalt  }
0x6c: {  	_ =	shalt  }
0x6d: {  	_ =	shalt  }
0x6e: {  	_ =	shalt  }
0x6f: {  	_ =	shalt  }
0x70: {  	_ =	shalt  }
0x71: {  	_ =	shalt  }
0x72: {  	_ =	shalt  }
0x73: {  	_ =	shalt  }
0x74: {  	_ =	shalt  }
0x75: {  	_ =	shalt  }
0x76: {  	_ =	shalt  }
0x77: {  	_ =	shalt  }
0x78: {  	_ =	shalt  }
0x79: {  	_ =	shalt  }
0x7a: {  	_ =	shalt  }
0x7b: {  	_ =	shalt  }
0x7c: {  	_ =	shalt  }
0x7d: {  	_ =	shalt  }
0x7e: {  	_ =	shalt  }
0x7f: {  	_ =	shalt  }
0x80: {  	_ =	shalt  }
0x81: {  	_ =	shalt  }
0x82: {  	_ =	shalt  }
0x83: {  	_ =	shalt  }
0x84: {  	_ =	shalt  }
0x85: {  	_ =	shalt  }
0x86: {  	_ =	shalt  }
0x87: {  	_ =	shalt  }
.Lfunc_end0:
.L_simem_size_0:
called_computation.2_lowered:
.L_overlay_start_0:
0x88: {  	s2 =	sld [smem:$0x3FD9]  }
0x89: {  	s3 =	sld [smem:$0x3FFE];
	_ =	sdelay $0x1  }
0x8a: {  	s1 =	srdreg.scid  }
0x8b: {  	s0 =	sand.u32 $0x1, s1  }
0x8c: {  	s17 =	sshll.u32 s0, $0xA;
	s2 =	sadd.s32 s3, s2  }
0x8d: {  	s2 =	sadd.s32 s2, s17  }
0x8e: {  	[smem:$0x3FC2] =	sst s2  }
0x8f: {  	_ = 	snop  }
0x90: {  	s18 =	sld [smem:$0x3FC8];
	(tm) =	ssettm $0x1  }
0x91: {  	s19 =	sld [smem:$0x3FFB];
	_ =	sdelay $0x3  }
0x92: {  	_ =	strace s19  }
0x93: {  	s2 =	sld [smem:$0x3FFC];
	_ =	sdelay $0x3  }
0x94: {  	_ =	strace s2  }
0x95: {  	s2 =	sld [smem:$0x3FFD];
	_ =	sdelay $0x3  }
0x96: {  	_ =	strace s2  }
0x97: {  	_ =	strace $0x8FFFFFFF  }
0x98: {  	s20 =	sld [smem:$0x3FDB];
	_ =	sdelay $0x1  }
0x99: {  	s4 =	simm.s32 $_scs_section_size  }
0x9a: {  	s5 =	simm.s32 $_size__tile_overlayer_lowered;
	s6 =	simm.s32 $_tile_overlayer_lowered  }
0x9b: {  	s7 =	simm.s32 $0x1BFF;
	s21 =	sshll.u32 s6, $0x1;
	s4 =	sadd.s32 s4, s20  }
0x9c: {  	s22 =	simm.s32 $0x0;
	s5 =	sshll.u32 s5, $0x1;
	s6 =	sadd.s32 s21, s4  }
0x9d: {  	[timem:s22], [sflag:s7] =	dma.local [hbm:s6], s5  }
0x9e: {  	_ =	swait.ge [sflag:s7], s5  }
0x9f: {  	s5 =	ssub.s32 $0x0, s5;
	[sflag:s7] =	ssyncset.done $0x0  }
0xa0: {  	[sflag:s7] =	ssyncadd.s32 s5;
	_ =	sdelay $0x1  }
0xa1: {  	s23 =	simm.s32 $0x1B8B  }
0xa2: {  	_ =	swait.ge [sflag:s23], $0x1  }
0xa3: {  	[sflag:s23] =	ssyncset.done $0x0  }
0xa4: {  	[sflag:s23] =	ssyncadd.s32 $0xFFFFFFFF  }
0xa5: {  	s5 =	sld [smem:$0x0]  }
0xa6: {  	s6 =	sand.u32 $0xFFFFFFFE, s1  }
0xa7: {  	p0 =	sne.s32 s1, s6  }
0xa8: {  	s6 =	sshll.u32 @p0 s6, $0xE  }
0xa9: {  	s6 =	sadd.s32 @p0 $0x11B8D, s6;
	s7 =	sshll.u32 @p0 s5, $0x11  }
0xaa: {  	s6 =	sor.u32 @p0 s7, s6  }
0xab: {  	[sflag:s6] =	ssyncadd.remote.s32 @p0 $0x1;
	_ =	sdelay $0x1  }
0xac: {  	s6 =	simm.s32 @p0 $0x1B8D  }
0xad: {  	_ =	swait.eq @p0 [sflag:s6], $0x1  }
0xae: {  	[sflag:s6] =	ssyncadd.s32 @p0 $0xFFFFFFFF  }
0xaf: {  	s7 =	sshll.u32 @!p0 s1, $0xE  }
0xb0: {  	s7 =	sor.u32 @!p0 $0x4000, s7;
	s6 =	simm.s32 @!p0 $0x1B8D  }
0xb1: {  	s5 =	sshll.u32 @!p0 s5, $0x11;
	s7 =	sadd.s32 @!p0 $0x11B8D, s7;
	_ =	swait.eq @!p0 [sflag:s6], $0x1  }
0xb2: {  	s5 =	sor.u32 @!p0 s5, s7;
	[sflag:s6] =	ssyncadd.s32 @!p0 $0xFFFFFFFF  }
0xb3: {  	s25 =	simm.s32 $0x1B8E;
	s24 =	sld [smem:$0x3FFE];
	[sflag:s5] =	ssyncadd.remote.s32 @!p0 $0x1  }
0xb4: {  	s26 =	simm.s32 $execute0_lowered;
	[smem:$0x3FD2] =	sst s25  }
0xb5: {  	s6 =	sshll.u32 s26, $0x1;
	_ =	strace $0x8000004C;
	[dreg:$0x1] =	wrdreg $0xFFFFFFFF  }
0xb6: {  	s28 =	simm.s32 $_size_execute0_lowered;
	s4 =	sadd.s32 s4, s6;
	[dreg:$0x0] =	wrdreg $0x0  }
0xb7: {  	s6 =	sshll.u32 s28, $0x1;
	[dreg:$0x2] =	wrdreg s4  }
0xb8: {  	[dreg:$0x3] =	wrdreg s6  }
0xb9: {  	[dreg:$0x4] =	wrdreg $0xC0  }
0xba: {  	_ =	task [dreg:s22], $0x5FFFF  }
0xbb: {  	[dreg:$0x1] =	wrdreg $0xFFFFFFFF  }
0xbc: {  	[dreg:$0x0] =	wrdreg $0x60  }
0xbd: {  	[dreg:$0x2] =	wrdreg s24  }
0xbe: {  	[dreg:$0x3] =	wrdreg s18  }
0xbf: {  	[dreg:$0x4] =	wrdreg $0x197000  }
0xc0: {  	[dreg:$0x5] =	wrdreg $0xA  }
0xc1: {  	_ =	task.clear_ibuf [dreg:s22], $0x6FFFF;
	_ =	strace $0x9000004C  }
0xc2: {  	s29 =	simm.s32 $0xA;
	_ =	strace $0x8000004E  }
0xc3: {  	_ =	swait.ge [sflag:s29], $0x1  }
0xc4: {  	[sflag:s29] =	ssyncadd.s32 $0xFFFFFFFF  }
0xc5: {  	_ =	strace $0x9000004E  }
0xc6: {  	_ =	sfence  }
0xc7: {  	s30 =	sld [smem:$0x0];
	_ =	sdelay $0x2  }
0xc8: {  	s31 =	sshll.u32 s1, $0xD;
	s1 =	sshrl.u32 s1, $0x2  }
0xc9: {  	s4 =	sand.u32 $0x4000, s31;
	s1 =	sadd.s32 s1, s30  }
0xca: {  	s0 =	sor.u32 s4, s0;
	s1 =	sshll.u32 s1, $0x11  }
0xcb: {  	s0 =	sor.u32 s1, s0  }
0xcc: {  	s0 =	sadd.s32 $0x8F2B, s0  }
0xcd: {  	[sflag:s0] =	ssyncadd.remote.s32 $0x1  }
0xce: {  	_ =	sfence.sel $0xFFFF  }
0xcf: {  	[dreg:$0x0] =	wrdreg $0xFFFFFFFF;
	(pc) =	sbr.abs _section_cstart, $3  }
0xd0: {  	[dreg:$0x1] =	wrdreg $0xFFFFFFFF  }
0xd1: {  	_ =	task.clear_ibuf [dreg:s22], $0x2FFFF;
	_ =	strace $0x9FFFFFFF  }
0xd2: {  	(tm) =	ssettm $0x7FFFFFFF  }
0xd3: {  	_ =	shalt  }
tec
execute0_lowered:
.L_overlay_start_1:
0x0: {  	(tag) =	ssettag $0x1  }
0x1: {  	s5 =	rddreg [dreg:$0x0]  }
0x2: {  	s9 =	rddreg [dreg:$0x1]  }
0x3: {  	s2 =	rddreg [dreg:$0x2]  }
0x4: {  	s0 =	rddreg [dreg:$0x3];
	s1 =	stileid.u32  }
0x5: {  	s4 =	srdreg.scid;
	s3 =	simm.s32 $0x0;
	s13 =	simm.s32 $0x1  }
0x6: {  	s16 =	simm.s32 $0x18700;
	s17 =	simm.s32 $0x18B00;
	s18 =	simm.s32 $0x18F00  }
0x7: {  	s19 =	simm.s32 $0x19300;
	s20 =	simm.s32 $0x2;
	s21 =	simm.s32 $0x0  }
0x8: {  	s6 =	smul.u32 $0x61C0, s1;
	s7 =	sand.u32 $0x1, s4;
	[smem:$0x7FF] =	sst s3  }
0x9: {  	s4 =	sadd.s32 $0x1B2800, s5;
	s28 =	sshll.u32 s1, $0x6;
	s8 =	smul.u32 $0x64000, s7  }
0xa: {  	_ =	strace $0x8000004D;
	s11 =	sshll.u32 s7, $0x4;
	s7 =	ssub.s32 $0x2, s7  }
0xb: {  	s10 =	sshrl.u32 s6, $0x3;
	s11 =	sor.u32 s1, s11;
	s24 =	sshrl.u32 s7, $0x1  }
0xc: {  	s15 =	sadd.s32 s6, s2;
	s10 =	sadd.s32 s10, s5;
	s8 =	sadd.s32 s6, s8  }
0xd: {  	s25 =	smul.u32 $0x186, s11;
	p0 =	sgt.u32 s11, $0x13;
	s11 =	smin.u32 s11, $0x14  }
0xe: {  	s14 =	ssub.s32 s7, s24;
	s6 =	sor.u32 $0x1C03, s28;
	s8 =	sshrl.u32 s8, $0x3  }
0xf: {  	s7 =	simm.s32 $0x1;
	s13 =	simm.s32 @!p0 $0x0;
	s12 =	sadd.s32 s8, s5  }
0x10: {  	s26 =	sadd.s32 s11, s25;
	s5 =	sadd.s32 $0x18D400, s10;
	s8 =	simm.s32 $0x100  }
0x11: {  	s10 =	simm.s32 $0x61400;
	s29 =	ssub.s32 s26, s13;
	s8 =	simm.s32 @!p0 $0x0  }
0x12: {  	s10 =	simm.s32 @!p0 $0x61000;
	s11 =	sadd.s32 $0x1BEC00, s12;
	s30 =	sshll.u32 s29, $0x5  }
0x13: {  	s12 =	smax.u32 s14, $0x1;
	s13 =	sshrl.u32 s15, $0x3;
	s31 =	sand.u32 $0x1FFFFFE0, s30  }
0x14: {  	s14 =	simm.s32 $0x3;
	s15 =	simm.s32 $0x80;
	s9 =	sadd.s32 s9, s31  }
.LBB2_1:
0x15: {  	[spmem:s13], [sflag:s6] =	dma.local [hbm:s5], $0xC38  }
0x16: {  	_ =	swait.ge [sflag:s14], $0xC38  }
0x17: {  	[sflag:s14] =	ssyncset.done $0x0  }
0x18: {  	[sflag:s14] =	ssyncadd.s32 $0xFFFFF3C8  }
0x19: {  	[tilespmem:s3], [sflag:$0x3] =	stream.linear.gather [hbm4b:s9+s3], $0x18700, $0x38;
	[tilespmem:$0x1F8C0] =	vst v63  }
0x1a: {  	_ =	swait.ge [sflag:s14], $0x18700  }
0x1b: {  	[sflag:s14] =	ssyncset.done $0x0  }
0x1c: {  	[sflag:s14] =	ssyncadd.s32 $0xFFFE7900  }
0x1d: {  	s22 =	sadd.s32 $0x0, s8;
	[bflag:$0x0] =	sbarrier.arrive $0xFFFF  }
0x1e: {  	[tilespmem:s16], [sflag:$0x1] =	stream.indirect.gather [hbm4b:s4+s15], $0x8, s22, s15, $0xb8;
	[tilespmem:$0x1F8C0] =	vst v63  }
0x1f: {  	s23 =	sadd.s32 $0x100, s22  }
0x20: {  	[tilespmem:s17], [sflag:$0x1] =	stream.indirect.gather [hbm4b:s4+s15], $0x8, s23, s15, $0xb8;
	[tilespmem:$0x1F8C0] =	vst v63  }
0x21: {  	s26 =	sadd.s32 $0x200, s22  }
0x22: {  	[tilespmem:s18], [sflag:$0x1] =	stream.indirect.gather [hbm4b:s4+s15], $0x8, s26, s15, $0xb8;
	[tilespmem:$0x1F8C0] =	vst v63  }
0x23: {  	s28 =	sadd.s32 $0x300, s22  }
0x24: {  	[tilespmem:s19], [sflag:$0x1] =	stream.indirect.gather [hbm4b:s4+s15], $0x8, s28, s15, $0xb8;
	[tilespmem:$0x1F8C0] =	vst v63  }
0x25: {  	_ =	swait.ge [sflag:s7], $0x400  }
0x26: {  	[sflag:s7] =	ssyncset.done $0x0  }
0x27: {  	[sflag:s7] =	ssyncadd.s32 $0xFFFFFC00  }
0x28: {  	_ =	swait.ge [sflag:s7], $0x400  }
0x29: {  	[sflag:s7] =	ssyncset.done $0x0  }
0x2a: {  	[sflag:s7] =	ssyncadd.s32 $0xFFFFFC00  }
0x2b: {  	_ =	swait.ge [sflag:s7], $0x400  }
0x2c: {  	[sflag:s7] =	ssyncset.done $0x0  }
0x2d: {  	[sflag:s7] =	ssyncadd.s32 $0xFFFFFC00  }
0x2e: {  	_ =	swait.ge [sflag:s7], $0x400  }
0x2f: {  	[sflag:s7] =	ssyncset.done $0x0  }
0x30: {  	s29 =	sadd.s32 $0x80, s22;
	[sflag:s7] =	ssyncadd.s32 $0xFFFFFC00  }
0x31: {  	[spmem:s2] =	stream.indirect.scatter.add.f32 [tilespmem:s16], [sflag:$0x2], $0x8, s29, s15, $0xb8;
	[tilespmem:$0x1F8C0] =	vst v63  }
0x32: {  	s30 =	sadd.s32 $0x180, s22  }
0x33: {  	[spmem:s2] =	stream.indirect.scatter.add.f32 [tilespmem:s17], [sflag:$0x2], $0x8, s30, s15, $0xb8;
	[tilespmem:$0x1F8C0] =	vst v63  }
0x34: {  	s31 =	sadd.s32 $0x280, s22  }
0x35: {  	[spmem:s2] =	stream.indirect.scatter.add.f32 [tilespmem:s18], [sflag:$0x2], $0x8, s31, s15, $0xb8;
	[tilespmem:$0x1F8C0] =	vst v63  }
0x36: {  	s22 =	sadd.s32 $0x380, s22  }
0x37: {  	[spmem:s2] =	stream.indirect.scatter.add.f32 [tilespmem:s19], [sflag:$0x2], $0x8, s22, s15, $0xb8;
	[tilespmem:$0x1F8C0] =	vst v63  }
0x38: {  	_ =	swait.ge [sflag:s20], $0x400  }
0x39: {  	[sflag:s20] =	ssyncset.done $0x0  }
0x3a: {  	[sflag:s20] =	ssyncadd.s32 $0xFFFFFC00  }
0x3b: {  	_ =	swait.ge [sflag:s20], $0x400  }
0x3c: {  	[sflag:s20] =	ssyncset.done $0x0  }
0x3d: {  	[sflag:s20] =	ssyncadd.s32 $0xFFFFFC00  }
0x3e: {  	_ =	swait.ge [sflag:s20], $0x400  }
0x3f: {  	[sflag:s20] =	ssyncset.done $0x0  }
0x40: {  	[sflag:s20] =	ssyncadd.s32 $0xFFFFFC00  }
0x41: {  	_ =	swait.ge [sflag:s20], $0x400  }
0x42: {  	s24 =	simm.s32 $0x2000;
	s23 =	simm.s32 $0x400;
	[sflag:s20] =	ssyncset.done $0x0  }
.LBB2_2:
0x43: {  	s25 =	sadd.s32 s23, s8  }
0x44: {  	[sflag:s20] =	ssyncadd.s32 $0xFFFFFC00;
	s23 =	smov.u32 s24;
	s22 =	sadd.s32 $0x1000, s24  }
0x45: {  	[tilespmem:s16], [sflag:$0x1] =	stream.indirect.gather [hbm4b:s4+s15], $0x8, s25, s15, $0xb8;
	[tilespmem:$0x1F8C0] =	vst v63  }
0x46: {  	p0 =	sne.s32 s24, $0x60000;
	s24 =	sadd.s32 $0x100, s25  }
0x47: {  	[tilespmem:s17], [sflag:$0x1] =	stream.indirect.gather [hbm4b:s4+s15], $0x8, s24, s15, $0xb8;
	[tilespmem:$0x1F8C0] =	vst v63  }
0x48: {  	s24 =	sadd.s32 $0x200, s25  }
0x49: {  	[tilespmem:s18], [sflag:$0x1] =	stream.indirect.gather [hbm4b:s4+s15], $0x8, s24, s15, $0xb8;
	[tilespmem:$0x1F8C0] =	vst v63  }
0x4a: {  	s24 =	sadd.s32 $0x300, s25  }
0x4b: {  	[tilespmem:s19], [sflag:$0x1] =	stream.indirect.gather [hbm4b:s4+s15], $0x8, s24, s15, $0xb8;
	[tilespmem:$0x1F8C0] =	vst v63  }
0x4c: {  	_ =	swait.ge [sflag:s7], $0x400  }
0x4d: {  	[sflag:s7] =	ssyncset.done $0x0  }
0x4e: {  	[sflag:s7] =	ssyncadd.s32 $0xFFFFFC00  }
0x4f: {  	_ =	swait.ge [sflag:s7], $0x400  }
0x50: {  	[sflag:s7] =	ssyncset.done $0x0  }
0x51: {  	[sflag:s7] =	ssyncadd.s32 $0xFFFFFC00  }
0x52: {  	_ =	swait.ge [sflag:s7], $0x400  }
0x53: {  	[sflag:s7] =	ssyncset.done $0x0  }
0x54: {  	[sflag:s7] =	ssyncadd.s32 $0xFFFFFC00  }
0x55: {  	_ =	swait.ge [sflag:s7], $0x400  }
0x56: {  	[sflag:s7] =	ssyncset.done $0x0  }
0x57: {  	s24 =	sadd.s32 $0x80, s25;
	[sflag:s7] =	ssyncadd.s32 $0xFFFFFC00  }
0x58: {  	[spmem:s2] =	stream.indirect.scatter.add.f32 [tilespmem:s16], [sflag:$0x2], $0x8, s24, s15, $0xb8;
	[tilespmem:$0x1F8C0] =	vst v63  }
0x59: {  	s24 =	sadd.s32 $0x180, s25  }
0x5a: {  	[spmem:s2] =	stream.indirect.scatter.add.f32 [tilespmem:s17], [sflag:$0x2], $0x8, s24, s15, $0xb8;
	[tilespmem:$0x1F8C0] =	vst v63  }
0x5b: {  	s24 =	sadd.s32 $0x280, s25  }
0x5c: {  	[spmem:s2] =	stream.indirect.scatter.add.f32 [tilespmem:s18], [sflag:$0x2], $0x8, s24, s15, $0xb8;
	[tilespmem:$0x1F8C0] =	vst v63  }
0x5d: {  	s24 =	sadd.s32 $0x380, s25  }
0x5e: {  	[spmem:s2] =	stream.indirect.scatter.add.f32 [tilespmem:s19], [sflag:$0x2], $0x8, s24, s15, $0xb8;
	[tilespmem:$0x1F8C0] =	vst v63  }
0x5f: {  	_ =	swait.ge [sflag:s20], $0x400  }
0x60: {  	[sflag:s20] =	ssyncset.done $0x0  }
0x61: {  	[sflag:s20] =	ssyncadd.s32 $0xFFFFFC00  }
0x62: {  	_ =	swait.ge [sflag:s20], $0x400  }
0x63: {  	[sflag:s20] =	ssyncset.done $0x0  }
0x64: {  	[sflag:s20] =	ssyncadd.s32 $0xFFFFFC00  }
.Ltmp0:
0x65: {  	_ =	swait.ge [sflag:s20], $0x400;
	(pc) =	sbr.rel @p0 .LBB2_2-.Ltmp0, $4  }
0x66: {  	[sflag:s20] =	ssyncset.done $0x0  }
0x67: {  	[sflag:s20] =	ssyncadd.s32 $0xFFFFFC00  }
0x68: {  	_ =	swait.ge [sflag:s20], $0x400  }
0x69: {  	s23 =	sshra.s32 s23, $0x2;
	s24 =	smov.u32 s22;
	[sflag:s20] =	ssyncset.done $0x0  }
0x6a: {  	s22 =	sadd.s32 s23, s8;
	[sflag:s20] =	ssyncadd.s32 $0xFFFFFC00  }
0x6b: {  	[tilespmem:s16], [sflag:$0x1] =	stream.indirect.gather [hbm4b:s4+s15], $0x8, s22, s15, $0xb8;
	[tilespmem:$0x1F8C0] =	vst v63  }
0x6c: {  	s23 =	sadd.s32 $0x100, s22  }
0x6d: {  	[tilespmem:s17], [sflag:$0x1] =	stream.indirect.gather [hbm4b:s4+s15], $0x8, s23, s15, $0xb8;
	[tilespmem:$0x1F8C0] =	vst v63  }
0x6e: {  	s26 =	sadd.s32 $0x200, s22  }
0x6f: {  	[tilespmem:s18], [sflag:$0x1] =	stream.indirect.gather [hbm4b:s4+s15], $0x8, s26, s15, $0xb8;
	[tilespmem:$0x1F8C0] =	vst v63  }
0x70: {  	s28 =	sadd.s32 $0x300, s22  }
0x71: {  	[tilespmem:s19], [sflag:$0x1] =	stream.indirect.gather [hbm4b:s4+s15], $0x8, s28, s15, $0xb8;
	[tilespmem:$0x1F8C0] =	vst v63  }
0x72: {  	_ =	swait.ge [sflag:s7], $0x400  }
0x73: {  	[sflag:s7] =	ssyncset.done $0x0  }
0x74: {  	[sflag:s7] =	ssyncadd.s32 $0xFFFFFC00  }
0x75: {  	_ =	swait.ge [sflag:s7], $0x400  }
0x76: {  	[sflag:s7] =	ssyncset.done $0x0  }
0x77: {  	[sflag:s7] =	ssyncadd.s32 $0xFFFFFC00  }
0x78: {  	_ =	swait.ge [sflag:s7], $0x400  }
0x79: {  	[sflag:s7] =	ssyncset.done $0x0  }
0x7a: {  	[sflag:s7] =	ssyncadd.s32 $0xFFFFFC00  }
0x7b: {  	_ =	swait.ge [sflag:s7], $0x400  }
0x7c: {  	[sflag:s7] =	ssyncset.done $0x0  }
0x7d: {  	s29 =	sadd.s32 $0x80, s22;
	[sflag:s7] =	ssyncadd.s32 $0xFFFFFC00  }
0x7e: {  	[spmem:s2] =	stream.indirect.scatter.add.f32 [tilespmem:s16], [sflag:$0x2], $0x8, s29, s15, $0xb8;
	[tilespmem:$0x1F8C0] =	vst v63  }
0x7f: {  	s30 =	sadd.s32 $0x180, s22  }
0x80: {  	[spmem:s2] =	stream.indirect.scatter.add.f32 [tilespmem:s17], [sflag:$0x2], $0x8, s30, s15, $0xb8;
	[tilespmem:$0x1F8C0] =	vst v63  }
0x81: {  	s31 =	sadd.s32 $0x280, s22  }
0x82: {  	[spmem:s2] =	stream.indirect.scatter.add.f32 [tilespmem:s18], [sflag:$0x2], $0x8, s31, s15, $0xb8;
	[tilespmem:$0x1F8C0] =	vst v63  }
0x83: {  	s22 =	sadd.s32 $0x380, s22  }
0x84: {  	[spmem:s2] =	stream.indirect.scatter.add.f32 [tilespmem:s19], [sflag:$0x2], $0x8, s22, s15, $0xb8;
	[tilespmem:$0x1F8C0] =	vst v63  }
0x85: {  	_ =	swait.ge [sflag:s20], $0x400  }
0x86: {  	[sflag:s20] =	ssyncset.done $0x0  }
0x87: {  	[sflag:s20] =	ssyncadd.s32 $0xFFFFFC00  }
0x88: {  	_ =	swait.ge [sflag:s20], $0x400  }
0x89: {  	[sflag:s20] =	ssyncset.done $0x0  }
0x8a: {  	[sflag:s20] =	ssyncadd.s32 $0xFFFFFC00  }
0x8b: {  	p1 =	sne.s32 s10, $0x61800;
	_ =	swait.ge [sflag:s20], $0x400  }
.Ltmp1:
0x8c: {  	[sflag:s20] =	ssyncset.done $0x0;
	(pc) =	sbr.rel @!p1 .LBB2_8-.Ltmp1, $4  }
0x8d: {  	[sflag:s20] =	ssyncadd.s32 $0xFFFFFC00  }
0x8e: {  	_ =	swait.ge [sflag:s20], $0x400  }
0x8f: {  	p0 =	por $0x0, $0x0;
	[sflag:s20] =	ssyncset.done $0x0  }
0x90: {  	s23 =	smov.u32 s10;
	s22 =	sadd.s32 $0x400, s10;
	[sflag:s20] =	ssyncadd.s32 $0xFFFFFC00  }
0x91: {  	s23 =	sshra.s32 s10, $0x2  }
0x92: {  	[tilespmem:s16], [sflag:$0x3] =	stream.indirect.gather [hbm4b:s4+s15], $0x8, s23, s15, $0xb8;
	[tilespmem:$0x1F8C0] =	vst v63  }
0x93: {  	p1 =	sne.s32 s22, $0x61800;
	_ =	swait.ge [sflag:s14], $0x400  }
.Ltmp2:
0x94: {  	[sflag:s14] =	ssyncset.done $0x0;
	(pc) =	sbr.rel @!p1 .LBB2_5-.Ltmp2, $4  }
0x95: {  	s23 =	sadd.s32 $0x80, s23;
	[sflag:s14] =	ssyncadd.s32 $0xFFFFFC00  }
0x96: {  	[spmem:s2] =	stream.indirect.scatter.add.f32 [tilespmem:s16], [sflag:$0x3], $0x8, s23, s15, $0xb8;
	[tilespmem:$0x1F8C0] =	vst v63  }
0x97: {  	_ =	swait.ge [sflag:s14], $0x400  }
0x98: {  	p0 =	por $0x1, $0x1;
	s23 =	sadd.s32 $0x400, s22;
	[sflag:s14] =	ssyncset.done $0x0  }
.LBB2_6:
0x99: {  	s24 =	sshra.s32 s22, $0x2  }
0x9a: {  	[sflag:s14] =	ssyncadd.s32 $0xFFFFFC00;
	s22 =	smov.u32 s23;
	s25 =	sadd.s32 $0x400, s23  }
0x9b: {  	[tilespmem:s16], [sflag:$0x3] =	stream.indirect.gather [hbm4b:s4+s15], $0x8, s24, s15, $0xb8;
	[tilespmem:$0x1F8C0] =	vst v63  }
0x9c: {  	p1 =	sne.s32 s23, $0x61800;
	_ =	swait.ge [sflag:s14], $0x400  }
.Ltmp3:
0x9d: {  	[sflag:s14] =	ssyncset.done $0x0;
	(pc) =	sbr.rel @p1 .LBB2_6-.Ltmp3, $4  }
0x9e: {  	s23 =	sadd.s32 $0x80, s24;
	[sflag:s14] =	ssyncadd.s32 $0xFFFFFC00  }
0x9f: {  	[spmem:s2] =	stream.indirect.scatter.add.f32 [tilespmem:s16], [sflag:$0x3], $0x8, s23, s15, $0xb8;
	[tilespmem:$0x1F8C0] =	vst v63  }
0xa0: {  	_ =	swait.ge [sflag:s14], $0x400  }
0xa1: {  	s23 =	smov.u32 s25;
	[sflag:s14] =	ssyncset.done $0x0  }
0xa2: {  	s23 =	smov.u32 s22  }
.LBB2_8:
0xa3: {  	s22 =	sshra.s32 s23, $0x2;
	[sflag:s14] =	ssyncadd.s32 @p0 $0xFFFFFC00  }
0xa4: {  	[tilespmem:s16], [sflag:$0x3] =	stream.indirect.gather [hbm4b:s4+s15], $0x8, s22, s15, $0xb8;
	[tilespmem:$0x1F8C0] =	vst v63  }
0xa5: {  	_ =	swait.ge [sflag:s14], $0x400  }
0xa6: {  	[sflag:s14] =	ssyncset.done $0x0  }
0xa7: {  	s22 =	sadd.s32 $0x80, s22;
	[sflag:s14] =	ssyncadd.s32 $0xFFFFFC00  }
0xa8: {  	[spmem:s2] =	stream.indirect.scatter.add.f32 [tilespmem:s16], [sflag:$0x3], $0x8, s22, s15, $0xb8;
	[tilespmem:$0x1F8C0] =	vst v63  }
0xa9: {  	_ =	swait.ge [sflag:s14], $0x400  }
0xaa: {  	[sflag:s14] =	ssyncset.done $0x0  }
0xab: {  	s21 =	sadd.s32 $0x1, s21;
	[sflag:s14] =	ssyncadd.s32 $0xFFFFFC00  }
0xac: {  	p0 =	sne.s32 s21, s12;
	[bflag:$0x0] =	sbarrier.arrive $0xFFFF  }
0xad: {  	[hbm:s11], [sflag:s6] =	dma.local [spmem:s13], $0xC38  }
.Ltmp4:
0xae: {  	_ = 	snop;
	(pc) =	sbr.rel @p0 .LBB2_1-.Ltmp4, $4  }
.Ltmp5:
0xaf: {  	_ = 	snop;
	(pc) =	sbr.rel @!p0 .LBB2_9-.Ltmp5, $4  }
0xb0: {  	_ =	swait.ge [sflag:s14], $0xC38  }
0xb1: {  	[sflag:s14] =	ssyncset.done $0x0  }
0xb2: {  	[sflag:s14] =	ssyncadd.s32 $0xFFFFF3C8  }
0xb3: {  	_ = 	snop  }
.LBB2_5:
.Ltmp6:
0xb4: {  	(pc) =	sbr.rel .LBB2_8-.Ltmp6, $2  }
0xb5: {  	_ =	sdelay $0x2  }
0xb6: {  	s23 =	smov.u32 s22  }
.LBB2_9:
0xb7: {  	_ =	sfence.sel $0x180000  }
0xb8: {  	[bflag:$0x0] =	sbarrier.arrive $0xFFFF  }
0xb9: {  	p0 =	sne.s32 s1, $0x0;
	_ =	strace $0x9000004D  }
0xba: {  	s0 =	sadd.s32 @!p0 $0x100000, s0;
	[bflag:$0x2] =	sbarrier.arrive $0xFFFF  }
0xbb: {  	[sflag:s0] =	ssyncadd.tile.s32 @!p0 $0x1;
	_ =	shalt  }
.Lfunc_end2:
_tile_overlayer_lowered:
.L_overlay_start_2:
0xbc: {  	(tag) =	ssettag $0x2  }
0xbd: {  	s0 =	rddreg [dreg:$0x0];
	s2 =	stileid.u32  }
0xbe: {  	s1 =	rddreg [dreg:$0x1];
	p0 =	sne.s32 s2, $0x0  }
0xbf: {  	s3 =	rddreg [dreg:$0x2];
	[bflag:$0x3] =	sbarrier.arrive $0xFFFF;
	s2 =	simm.s32 @!p0 $0x1C03  }
0xc0: {  	[timem:s3], [sflag:s2] =	dma.local @!p0 [hbm:s0], s1  }
0xc1: {  	s0 =	simm.s32 @!p0 $0x3  }
0xc2: {  	_ =	swait.ge @!p0 [sflag:s0], s1  }
0xc3: {  	s1 =	ssub.s32 @!p0 $0x0, s1;
	[sflag:s0] =	ssyncset.done @!p0 $0x0  }
0xc4: {  	[sflag:s0] =	ssyncadd.s32 @!p0 s1  }
0xc5: {  	[bflag:$0x3] =	sbarrier.arrive $0xFFFF  }
0xc6: {  	_ =	shalt  }

// kernel: kernel.19.cloned.1.call-start
scs
__scs_entry_jumppad:
0x0: {  	(pc) =	sbr.rel $0x88, $3  }
0x1: {  	(tag) =	ssettag $0x0;
	lr =	simm.s32 $0x1  }
0x2: {  	[smem:$0x3F9B] =	sst lr;
	_ =	strace $0xD0000000  }
0x3: {  	_ = 	snop  }
0x4: {  	_ = 	snop  }
0x5: {  	_ = 	snop  }
0x6: {  	_ = 	snop  }
0x7: {  	_ = 	snop  }
__scs_overlays_trampoline_lowered:
0x8: {  	[smem:$0x3FAA] =	sst s0  }
0x9: {  	[smem:$0x3FAB] =	sst s1  }
0xa: {  	[smem:$0x3FAC] =	sst s2  }
0xb: {  	[smem:$0x3FAD] =	sst s3  }
0xc: {  	[smem:$0x3FAE] =	sst s4  }
0xd: {  	[smem:$0x3FAF] =	sst s5  }
0xe: {  	[smem:$0x3FB0] =	sst s6  }
0xf: {  	[smem:$0x3FB1] =	sst s7  }
0x10: {  	[smem:$0x3FB2] =	sst s8  }
0x11: {  	[smem:$0x3FB3] =	sst s9;
	s0 =	simm.s32 @!p0 $0x0  }
0x12: {  	s1 =	sld [smem:$0x3F99];
	s0 =	simm.s32 @p0 $0x1  }
0x13: {  	[smem:$0x3FB4] =	sst s0;
	s0 =	simm.s32 @!p1 $0x0  }
0x14: {  	s2 =	sld [smem:$0x3F98];
	s0 =	simm.s32 @p1 $0x1  }
0x15: {  	[smem:$0x3FB5] =	sst s0;
	s0 =	simm.s32 @!p2 $0x0  }
0x16: {  	s3 =	sld [smem:$0x3FDB];
	s0 =	simm.s32 @p2 $0x1  }
0x17: {  	s4 =	simm.s32 $0x1BF5;
	[smem:$0x3FB7] =	sst s0  }
0x18: {  	s0 =	sld [smem:$0x3F9A];
	_ =	swait.ge [sflag:s4], $0x0  }
0x19: {  	s7 =	sld [smem:$0x3F9B]  }
0x1a: {  	s8 =	sadd.s32 $0xFFFFE003, lr  }
0x1b: {  	s9 =	sadd.s32 $0xFFFFFEF7, lr;
	s5 =	simm.s32 $0xFFFFFFFF;
	p2 =	slt.u32 s8, $0xFFFFF086  }
0x1c: {  	p1 =	slt.u32 s9, $0xF7A;
	s5 =	simm.s32 @!p2 $0x0  }
0x1d: {  	s5 =	simm.s32 @p1 $0x1;
	p0 =	seq.s32 s7, s2  }
0x1e: {  	s7 =	smul.u32 @!p0 $0xF7A, s2;
	p2 =	seq.s32 @!p0 s5, $0x0  }
0x1f: {  	s9 =	smul.u32 $0xF7A, s1;
	s8 =	simm.s32 @!p0 $0x1BF5;
	p2 =	por !p2, p0  }
0x20: {  	[sflag:s8] =	ssyncset.s32 @!p0 $0xFFFFF086;
	s6 =	sadd.s32 @!p0 s3, s7;
	s7 =	simm.s32 @!p0 $0x108  }
0x21: {  	s3 =	sadd.s32 s3, s9;
	s6 =	sadd.s32 @!p0 $0x88, s6;
	s7 =	simm.s32 @p2 $0x1082  }
0x22: {  	[simem:s7], [sflag:s8] =	dma.local @!p0 [hbm:s6], $0xF7A  }
0x23: {  	s9 =	sor.u32 $0xD0000000, s2;
	s6 =	simm.s32 $0x108;
	_ =	swait.ge @!p0 [sflag:s8], $0x0  }
0x24: {  	s3 =	sadd.s32 $0x88, s3;
	s6 =	simm.s32 @!p1 $0x1082;
	[sflag:s4] =	ssyncset.s32 $0xFFFFF086  }
0x25: {  	[simem:s6], [sflag:s4] =	dma.local [hbm:s3], $0xF7A  }
0x26: {  	[smem:$0x3F9B] =	sst s1;
	(tag) =	ssettag s2;
	_ =	strace s9  }
0x27: {  	s1 =	sld [smem:$0x3FAB]  }
0x28: {  	s2 =	sld [smem:$0x3FAC]  }
0x29: {  	s4 =	sld [smem:$0x3FAE]  }
0x2a: {  	p0 =	seq.s32 s5, $0x0;
	s5 =	sld [smem:$0x3FAF]  }
0x2b: {  	s6 =	sld [smem:$0x3FB0]  }
0x2c: {  	s7 =	sld [smem:$0x3FB1]  }
0x2d: {  	s3 =	simm.s32 $0x108;
	s8 =	sld [smem:$0x3FB2]  }
0x2e: {  	s3 =	simm.s32 @!p0 $0x1082;
	s9 =	sld [smem:$0x3FB3]  }
0x2f: {  	lr =	sadd.s32 s0, s3;
	s0 =	sld [smem:$0x3FAA]  }
0x30: {  	s3 =	sld [smem:$0x3FAD]  }
0x31: {  	[smem:$0x3FB6] =	sst s10  }
0x32: {  	s10 =	sld [smem:$0x3FB4];
	_ =	sdelay $0x3  }
0x33: {  	p0 =	seq.s32 s10, $0x1;
	s10 =	sld [smem:$0x3FB6];
	_ =	sdelay $0x3  }
0x34: {  	[smem:$0x3FB6] =	sst s10  }
0x35: {  	s10 =	sld [smem:$0x3FB5];
	_ =	sdelay $0x3  }
0x36: {  	p1 =	seq.s32 s10, $0x1;
	s10 =	sld [smem:$0x3FB6];
	_ =	sdelay $0x3  }
0x37: {  	[smem:$0x3FB6] =	sst s10  }
0x38: {  	s10 =	sld [smem:$0x3FB7]  }
0x39: {  	_ = 	snop;
	(pc) =	sbr.ind lr, $3  }
0x3a: {  	_ = 	snop  }
0x3b: {  	_ = 	snop  }
0x3c: {  	p2 =	seq.s32 s10, $0x1;
	s10 =	sld [smem:$0x3FB6]  }
0x3d: {  	_ =	shalt  }
0x3e: {  	_ =	shalt  }
0x3f: {  	_ =	shalt  }
0x40: {  	_ =	shalt  }
0x41: {  	_ =	shalt  }
0x42: {  	_ =	shalt  }
0x43: {  	_ =	shalt  }
0x44: {  	_ =	shalt  }
0x45: {  	_ =	shalt  }
0x46: {  	_ =	shalt  }
0x47: {  	_ =	shalt  }
0x48: {  	_ =	shalt  }
0x49: {  	_ =	shalt  }
0x4a: {  	_ =	shalt  }
0x4b: {  	_ =	shalt  }
0x4c: {  	_ =	shalt  }
0x4d: {  	_ =	shalt  }
0x4e: {  	_ =	shalt  }
0x4f: {  	_ =	shalt  }
0x50: {  	_ =	shalt  }
0x51: {  	_ =	shalt  }
0x52: {  	_ =	shalt  }
0x53: {  	_ =	shalt  }
0x54: {  	_ =	shalt  }
0x55: {  	_ =	shalt  }
0x56: {  	_ =	shalt  }
0x57: {  	_ =	shalt  }
0x58: {  	_ =	shalt  }
0x59: {  	_ =	shalt  }
0x5a: {  	_ =	shalt  }
0x5b: {  	_ =	shalt  }
0x5c: {  	_ =	shalt  }
0x5d: {  	_ =	shalt  }
0x5e: {  	_ =	shalt  }
0x5f: {  	_ =	shalt  }
0x60: {  	_ =	shalt  }
0x61: {  	_ =	shalt  }
0x62: {  	_ =	shalt  }
0x63: {  	_ =	shalt  }
0x64: {  	_ =	shalt  }
0x65: {  	_ =	shalt  }
0x66: {  	_ =	shalt  }
0x67: {  	_ =	shalt  }
0x68: {  	_ =	shalt  }
0x69: {  	_ =	shalt  }
0x6a: {  	_ =	shalt  }
0x6b: {  	_ =	shalt  }
0x6c: {  	_ =	shalt  }
0x6d: {  	_ =	shalt  }
0x6e: {  	_ =	shalt  }
0x6f: {  	_ =	shalt  }
0x70: {  	_ =	shalt  }
0x71: {  	_ =	shalt  }
0x72: {  	_ =	shalt  }
0x73: {  	_ =	shalt  }
0x74: {  	_ =	shalt  }
0x75: {  	_ =	shalt  }
0x76: {  	_ =	shalt  }
0x77: {  	_ =	shalt  }
0x78: {  	_ =	shalt  }
0x79: {  	_ =	shalt  }
0x7a: {  	_ =	shalt  }
0x7b: {  	_ =	shalt  }
0x7c: {  	_ =	shalt  }
0x7d: {  	_ =	shalt  }
0x7e: {  	_ =	shalt  }
0x7f: {  	_ =	shalt  }
0x80: {  	_ =	shalt  }
0x81: {  	_ =	shalt  }
0x82: {  	_ =	shalt  }
0x83: {  	_ =	shalt  }
0x84: {  	_ =	shalt  }
0x85: {  	_ =	shalt  }
0x86: {  	_ =	shalt  }
0x87: {  	_ =	shalt  }
.Lfunc_end0:
.L_simem_size_0:
called_computation.3_lowered:
.L_overlay_start_0:
0x88: {  	s2 =	sld [smem:$0x3FD9]  }
0x89: {  	s3 =	sld [smem:$0x3FFE];
	_ =	sdelay $0x1  }
0x8a: {  	s1 =	srdreg.scid  }
0x8b: {  	s0 =	sand.u32 $0x1, s1  }
0x8c: {  	s17 =	sshll.u32 s0, $0xA;
	s2 =	sadd.s32 s3, s2  }
0x8d: {  	s2 =	sadd.s32 s2, s17  }
0x8e: {  	[smem:$0x3FC2] =	sst s2  }
0x8f: {  	_ = 	snop  }
0x90: {  	s2 =	sld [smem:$0x3FC8]  }
0x91: {  	s18 =	sld [smem:$0x3FD0];
	(tm) =	ssettm $0x1  }
0x92: {  	s4 =	sld [smem:$0x3FFB];
	_ =	sdelay $0x3  }
0x93: {  	_ =	strace s4  }
0x94: {  	s4 =	sld [smem:$0x3FFC];
	_ =	sdelay $0x3  }
0x95: {  	_ =	strace s4  }
0x96: {  	s4 =	sld [smem:$0x3FFD];
	_ =	sdelay $0x3  }
0x97: {  	_ =	strace s4  }
0x98: {  	_ =	strace $0x8FFFFFFF  }
0x99: {  	s19 =	sld [smem:$0x3FDB];
	_ =	sdelay $0x1  }
0x9a: {  	s5 =	simm.s32 $_scs_section_size  }
0x9b: {  	s6 =	simm.s32 $_size__tile_overlayer_lowered;
	s7 =	simm.s32 $_tile_overlayer_lowered  }
0x9c: {  	s22 =	simm.s32 $0x1BFF;
	s21 =	sshll.u32 s7, $0x1;
	s4 =	sadd.s32 s5, s19  }
0x9d: {  	s8 =	simm.s32 $0x0;
	s20 =	sshll.u32 s6, $0x1;
	s6 =	sadd.s32 s21, s4  }
0x9e: {  	[timem:s8], [sflag:s22] =	dma.local [hbm:s6], s20  }
0x9f: {  	_ =	swait.ge [sflag:s22], s20  }
0xa0: {  	s5 =	ssub.s32 $0x0, s20;
	[sflag:s22] =	ssyncset.done $0x0  }
0xa1: {  	[sflag:s22] =	ssyncadd.s32 s5;
	_ =	sdelay $0x1  }
0xa2: {  	s23 =	simm.s32 $0x1B8B  }
0xa3: {  	_ =	swait.ge [sflag:s23], $0x1  }
0xa4: {  	[sflag:s23] =	ssyncset.done $0x0  }
0xa5: {  	s25 =	simm.s32 $0x1B8E;
	s24 =	sld [smem:$0x3FFE];
	[sflag:s23] =	ssyncadd.s32 $0xFFFFFFFF  }
0xa6: {  	s26 =	simm.s32 $execute0_lowered;
	[smem:$0x3FD2] =	sst s25  }
0xa7: {  	s6 =	sshll.u32 s26, $0x1;
	_ =	strace $0x8000004F;
	[dreg:$0x1] =	wrdreg $0xFFFFFFFF  }
0xa8: {  	s28 =	simm.s32 $_size_execute0_lowered;
	s4 =	sadd.s32 s4, s6;
	[dreg:$0x0] =	wrdreg $0x0  }
0xa9: {  	s6 =	sshll.u32 s28, $0x1;
	[dreg:$0x2] =	wrdreg s4  }
0xaa: {  	[dreg:$0x3] =	wrdreg s6  }
0xab: {  	[dreg:$0x4] =	wrdreg $0xC0  }
0xac: {  	_ =	task [dreg:s8], $0x5FFFF  }
0xad: {  	[dreg:$0x1] =	wrdreg $0xFFFFFFFF  }
0xae: {  	[dreg:$0x0] =	wrdreg $0x60  }
0xaf: {  	[dreg:$0x2] =	wrdreg s18  }
0xb0: {  	[dreg:$0x3] =	wrdreg s2  }
0xb1: {  	[dreg:$0x4] =	wrdreg s24  }
0xb2: {  	[dreg:$0x5] =	wrdreg $0x197000  }
0xb3: {  	[dreg:$0x6] =	wrdreg $0x9  }
0xb4: {  	_ =	task.clear_ibuf [dreg:s8], $0x7FFFF;
	_ =	strace $0x9000004F  }
0xb5: {  	s29 =	simm.s32 $0x9;
	_ =	strace $0x80000051  }
0xb6: {  	_ =	swait.ge [sflag:s29], $0x1  }
0xb7: {  	[sflag:s29] =	ssyncadd.s32 $0xFFFFFFFF  }
0xb8: {  	_ =	strace $0x90000051  }
0xb9: {  	_ =	sfence  }
0xba: {  	s30 =	sld [smem:$0x0];
	_ =	sdelay $0x2  }
0xbb: {  	s31 =	sshll.u32 s1, $0xD;
	s1 =	sshrl.u32 s1, $0x2  }
0xbc: {  	s3 =	sand.u32 $0x4000, s31;
	s1 =	sadd.s32 s1, s30  }
0xbd: {  	s0 =	sor.u32 s3, s0;
	s1 =	sshll.u32 s1, $0x11  }
0xbe: {  	s0 =	sor.u32 s1, s0  }
0xbf: {  	s0 =	sadd.s32 $0x8F2B, s0  }
0xc0: {  	[sflag:s0] =	ssyncadd.remote.s32 $0x1  }
0xc1: {  	_ =	sfence.sel $0xFFFF  }
0xc2: {  	[dreg:$0x0] =	wrdreg $0xFFFFFFFF;
	(pc) =	sbr.abs _section_cstart, $3  }
0xc3: {  	[dreg:$0x1] =	wrdreg $0xFFFFFFFF  }
0xc4: {  	_ =	task.clear_ibuf [dreg:s8], $0x2FFFF;
	_ =	strace $0x9FFFFFFF  }
0xc5: {  	(tm) =	ssettm $0x7FFFFFFF  }
tec
execute0_lowered:
.L_overlay_start_1:
0x0: {  	(tag) =	ssettag $0x1  }
0x1: {  	s1 =	rddreg [dreg:$0x0]  }
0x2: {  	s9 =	rddreg [dreg:$0x1]  }
0x3: {  	s5 =	rddreg [dreg:$0x2]  }
0x4: {  	s3 =	rddreg [dreg:$0x3]  }
0x5: {  	s0 =	rddreg [dreg:$0x4]  }
0x6: {  	s2 =	stileid.u32;
	s6 =	srdreg.scid;
	s4 =	simm.s32 $0x0  }
0x7: {  	s13 =	simm.s32 $0x1;
	s16 =	simm.s32 $0x18700;
	s17 =	simm.s32 $0x18B00  }
0x8: {  	s18 =	simm.s32 $0x18F00;
	s19 =	simm.s32 $0x19300;
	s20 =	simm.s32 $0x2  }
0x9: {  	s21 =	simm.s32 $0x0;
	s7 =	smul.u32 $0x61C0, s2;
	s6 =	sand.u32 $0x1, s6  }
0xa: {  	[smem:$0x7FF] =	sst s4;
	s28 =	sshll.u32 s2, $0x6;
	s8 =	smul.u32 $0x64000, s6  }
0xb: {  	_ =	strace $0x80000050;
	s11 =	sshll.u32 s6, $0x4;
	s6 =	ssub.s32 $0x2, s6  }
0xc: {  	s10 =	sshrl.u32 s7, $0x3;
	s11 =	sor.u32 s2, s11;
	s24 =	sshrl.u32 s6, $0x1  }
0xd: {  	s15 =	sadd.s32 s7, s3;
	s10 =	sadd.s32 s10, s5;
	s8 =	sadd.s32 s7, s8  }
0xe: {  	s25 =	smul.u32 $0x186, s11;
	p0 =	sgt.u32 s11, $0x13;
	s11 =	smin.u32 s11, $0x14  }
0xf: {  	s14 =	ssub.s32 s6, s24;
	s6 =	sor.u32 $0x1C03, s28;
	s8 =	sshrl.u32 s8, $0x3  }
0x10: {  	s7 =	simm.s32 $0x1;
	s13 =	simm.s32 @!p0 $0x0;
	s12 =	sadd.s32 s8, s5  }
0x11: {  	s26 =	sadd.s32 s11, s25;
	s5 =	sadd.s32 $0x18D400, s10;
	s8 =	simm.s32 $0x100  }
0x12: {  	s10 =	simm.s32 $0x61400;
	s29 =	ssub.s32 s26, s13;
	s8 =	simm.s32 @!p0 $0x0  }
0x13: {  	s10 =	simm.s32 @!p0 $0x61000;
	s11 =	sadd.s32 $0x6800, s12;
	s30 =	sshll.u32 s29, $0x5  }
0x14: {  	s12 =	smax.u32 s14, $0x1;
	s13 =	sshrl.u32 s15, $0x3;
	s31 =	sand.u32 $0x1FFFFFE0, s30  }
0x15: {  	s14 =	simm.s32 $0x3;
	s15 =	simm.s32 $0x80;
	s9 =	sadd.s32 s9, s31  }
.LBB2_1:
0x16: {  	[spmem:s13], [sflag:s6] =	dma.local [hbm:s5], $0xC38  }
0x17: {  	_ =	swait.ge [sflag:s14], $0xC38  }
0x18: {  	[sflag:s14] =	ssyncset.done $0x0  }
0x19: {  	[sflag:s14] =	ssyncadd.s32 $0xFFFFF3C8  }
0x1a: {  	[tilespmem:s4], [sflag:$0x3] =	stream.linear.gather [hbm4b:s9+s4], $0x18700, $0x38;
	[tilespmem:$0x1F8C0] =	vst v63  }
0x1b: {  	_ =	swait.ge [sflag:s14], $0x18700  }
0x1c: {  	[sflag:s14] =	ssyncset.done $0x0  }
0x1d: {  	[sflag:s14] =	ssyncadd.s32 $0xFFFE7900  }
0x1e: {  	s22 =	sadd.s32 $0x0, s8;
	[bflag:$0x0] =	sbarrier.arrive $0xFFFF  }
0x1f: {  	[tilespmem:s16], [sflag:$0x1] =	stream.indirect.gather [hbm4b:s1+s15], $0x8, s22, s15, $0xb8;
	[tilespmem:$0x1F8C0] =	vst v63  }
0x20: {  	s23 =	sadd.s32 $0x100, s22  }
0x21: {  	[tilespmem:s17], [sflag:$0x1] =	stream.indirect.gather [hbm4b:s1+s15], $0x8, s23, s15, $0xb8;
	[tilespmem:$0x1F8C0] =	vst v63  }
0x22: {  	s26 =	sadd.s32 $0x200, s22  }
0x23: {  	[tilespmem:s18], [sflag:$0x1] =	stream.indirect.gather [hbm4b:s1+s15], $0x8, s26, s15, $0xb8;
	[tilespmem:$0x1F8C0] =	vst v63  }
0x24: {  	s28 =	sadd.s32 $0x300, s22  }
0x25: {  	[tilespmem:s19], [sflag:$0x1] =	stream.indirect.gather [hbm4b:s1+s15], $0x8, s28, s15, $0xb8;
	[tilespmem:$0x1F8C0] =	vst v63  }
0x26: {  	_ =	swait.ge [sflag:s7], $0x400  }
0x27: {  	[sflag:s7] =	ssyncset.done $0x0  }
0x28: {  	[sflag:s7] =	ssyncadd.s32 $0xFFFFFC00  }
0x29: {  	_ =	swait.ge [sflag:s7], $0x400  }
0x2a: {  	[sflag:s7] =	ssyncset.done $0x0  }
0x2b: {  	[sflag:s7] =	ssyncadd.s32 $0xFFFFFC00  }
0x2c: {  	_ =	swait.ge [sflag:s7], $0x400  }
0x2d: {  	[sflag:s7] =	ssyncset.done $0x0  }
0x2e: {  	[sflag:s7] =	ssyncadd.s32 $0xFFFFFC00  }
0x2f: {  	_ =	swait.ge [sflag:s7], $0x400  }
0x30: {  	[sflag:s7] =	ssyncset.done $0x0  }
0x31: {  	s29 =	sadd.s32 $0x80, s22;
	[sflag:s7] =	ssyncadd.s32 $0xFFFFFC00  }
0x32: {  	[spmem:s3] =	stream.indirect.scatter.add.f32 [tilespmem:s16], [sflag:$0x2], $0x8, s29, s15, $0xb8;
	[tilespmem:$0x1F8C0] =	vst v63  }
0x33: {  	s30 =	sadd.s32 $0x180, s22  }
0x34: {  	[spmem:s3] =	stream.indirect.scatter.add.f32 [tilespmem:s17], [sflag:$0x2], $0x8, s30, s15, $0xb8;
	[tilespmem:$0x1F8C0] =	vst v63  }
0x35: {  	s31 =	sadd.s32 $0x280, s22  }
0x36: {  	[spmem:s3] =	stream.indirect.scatter.add.f32 [tilespmem:s18], [sflag:$0x2], $0x8, s31, s15, $0xb8;
	[tilespmem:$0x1F8C0] =	vst v63  }
0x37: {  	s22 =	sadd.s32 $0x380, s22  }
0x38: {  	[spmem:s3] =	stream.indirect.scatter.add.f32 [tilespmem:s19], [sflag:$0x2], $0x8, s22, s15, $0xb8;
	[tilespmem:$0x1F8C0] =	vst v63  }
0x39: {  	_ =	swait.ge [sflag:s20], $0x400  }
0x3a: {  	[sflag:s20] =	ssyncset.done $0x0  }
0x3b: {  	[sflag:s20] =	ssyncadd.s32 $0xFFFFFC00  }
0x3c: {  	_ =	swait.ge [sflag:s20], $0x400  }
0x3d: {  	[sflag:s20] =	ssyncset.done $0x0  }
0x3e: {  	[sflag:s20] =	ssyncadd.s32 $0xFFFFFC00  }
0x3f: {  	_ =	swait.ge [sflag:s20], $0x400  }
0x40: {  	[sflag:s20] =	ssyncset.done $0x0  }
0x41: {  	[sflag:s20] =	ssyncadd.s32 $0xFFFFFC00  }
0x42: {  	_ =	swait.ge [sflag:s20], $0x400  }
0x43: {  	s24 =	simm.s32 $0x2000;
	s23 =	simm.s32 $0x400;
	[sflag:s20] =	ssyncset.done $0x0  }
.LBB2_2:
0x44: {  	s25 =	sadd.s32 s23, s8  }
0x45: {  	[sflag:s20] =	ssyncadd.s32 $0xFFFFFC00;
	s23 =	smov.u32 s24;
	s22 =	sadd.s32 $0x1000, s24  }
0x46: {  	[tilespmem:s16], [sflag:$0x1] =	stream.indirect.gather [hbm4b:s1+s15], $0x8, s25, s15, $0xb8;
	[tilespmem:$0x1F8C0] =	vst v63  }
0x47: {  	p0 =	sne.s32 s24, $0x60000;
	s24 =	sadd.s32 $0x100, s25  }
0x48: {  	[tilespmem:s17], [sflag:$0x1] =	stream.indirect.gather [hbm4b:s1+s15], $0x8, s24, s15, $0xb8;
	[tilespmem:$0x1F8C0] =	vst v63  }
0x49: {  	s24 =	sadd.s32 $0x200, s25  }
0x4a: {  	[tilespmem:s18], [sflag:$0x1] =	stream.indirect.gather [hbm4b:s1+s15], $0x8, s24, s15, $0xb8;
	[tilespmem:$0x1F8C0] =	vst v63  }
0x4b: {  	s24 =	sadd.s32 $0x300, s25  }
0x4c: {  	[tilespmem:s19], [sflag:$0x1] =	stream.indirect.gather [hbm4b:s1+s15], $0x8, s24, s15, $0xb8;
	[tilespmem:$0x1F8C0] =	vst v63  }
0x4d: {  	_ =	swait.ge [sflag:s7], $0x400  }
0x4e: {  	[sflag:s7] =	ssyncset.done $0x0  }
0x4f: {  	[sflag:s7] =	ssyncadd.s32 $0xFFFFFC00  }
0x50: {  	_ =	swait.ge [sflag:s7], $0x400  }
0x51: {  	[sflag:s7] =	ssyncset.done $0x0  }
0x52: {  	[sflag:s7] =	ssyncadd.s32 $0xFFFFFC00  }
0x53: {  	_ =	swait.ge [sflag:s7], $0x400  }
0x54: {  	[sflag:s7] =	ssyncset.done $0x0  }
0x55: {  	[sflag:s7] =	ssyncadd.s32 $0xFFFFFC00  }
0x56: {  	_ =	swait.ge [sflag:s7], $0x400  }
0x57: {  	[sflag:s7] =	ssyncset.done $0x0  }
0x58: {  	s24 =	sadd.s32 $0x80, s25;
	[sflag:s7] =	ssyncadd.s32 $0xFFFFFC00  }
0x59: {  	[spmem:s3] =	stream.indirect.scatter.add.f32 [tilespmem:s16], [sflag:$0x2], $0x8, s24, s15, $0xb8;
	[tilespmem:$0x1F8C0] =	vst v63  }
0x5a: {  	s24 =	sadd.s32 $0x180, s25  }
0x5b: {  	[spmem:s3] =	stream.indirect.scatter.add.f32 [tilespmem:s17], [sflag:$0x2], $0x8, s24, s15, $0xb8;
	[tilespmem:$0x1F8C0] =	vst v63  }
0x5c: {  	s24 =	sadd.s32 $0x280, s25  }
0x5d: {  	[spmem:s3] =	stream.indirect.scatter.add.f32 [tilespmem:s18], [sflag:$0x2], $0x8, s24, s15, $0xb8;
	[tilespmem:$0x1F8C0] =	vst v63  }
0x5e: {  	s24 =	sadd.s32 $0x380, s25  }
0x5f: {  	[spmem:s3] =	stream.indirect.scatter.add.f32 [tilespmem:s19], [sflag:$0x2], $0x8, s24, s15, $0xb8;
	[tilespmem:$0x1F8C0] =	vst v63  }
0x60: {  	_ =	swait.ge [sflag:s20], $0x400  }
0x61: {  	[sflag:s20] =	ssyncset.done $0x0  }
0x62: {  	[sflag:s20] =	ssyncadd.s32 $0xFFFFFC00  }
0x63: {  	_ =	swait.ge [sflag:s20], $0x400  }
0x64: {  	[sflag:s20] =	ssyncset.done $0x0  }
0x65: {  	[sflag:s20] =	ssyncadd.s32 $0xFFFFFC00  }
.Ltmp0:
0x66: {  	_ =	swait.ge [sflag:s20], $0x400;
	(pc) =	sbr.rel @p0 .LBB2_2-.Ltmp0, $4  }
0x67: {  	[sflag:s20] =	ssyncset.done $0x0  }
0x68: {  	[sflag:s20] =	ssyncadd.s32 $0xFFFFFC00  }
0x69: {  	_ =	swait.ge [sflag:s20], $0x400  }
0x6a: {  	s23 =	sshra.s32 s23, $0x2;
	s24 =	smov.u32 s22;
	[sflag:s20] =	ssyncset.done $0x0  }
0x6b: {  	s22 =	sadd.s32 s23, s8;
	[sflag:s20] =	ssyncadd.s32 $0xFFFFFC00  }
0x6c: {  	[tilespmem:s16], [sflag:$0x1] =	stream.indirect.gather [hbm4b:s1+s15], $0x8, s22, s15, $0xb8;
	[tilespmem:$0x1F8C0] =	vst v63  }
0x6d: {  	s23 =	sadd.s32 $0x100, s22  }
0x6e: {  	[tilespmem:s17], [sflag:$0x1] =	stream.indirect.gather [hbm4b:s1+s15], $0x8, s23, s15, $0xb8;
	[tilespmem:$0x1F8C0] =	vst v63  }
0x6f: {  	s26 =	sadd.s32 $0x200, s22  }
0x70: {  	[tilespmem:s18], [sflag:$0x1] =	stream.indirect.gather [hbm4b:s1+s15], $0x8, s26, s15, $0xb8;
	[tilespmem:$0x1F8C0] =	vst v63  }
0x71: {  	s28 =	sadd.s32 $0x300, s22  }
0x72: {  	[tilespmem:s19], [sflag:$0x1] =	stream.indirect.gather [hbm4b:s1+s15], $0x8, s28, s15, $0xb8;
	[tilespmem:$0x1F8C0] =	vst v63  }
0x73: {  	_ =	swait.ge [sflag:s7], $0x400  }
0x74: {  	[sflag:s7] =	ssyncset.done $0x0  }
0x75: {  	[sflag:s7] =	ssyncadd.s32 $0xFFFFFC00  }
0x76: {  	_ =	swait.ge [sflag:s7], $0x400  }
0x77: {  	[sflag:s7] =	ssyncset.done $0x0  }
0x78: {  	[sflag:s7] =	ssyncadd.s32 $0xFFFFFC00  }
0x79: {  	_ =	swait.ge [sflag:s7], $0x400  }
0x7a: {  	[sflag:s7] =	ssyncset.done $0x0  }
0x7b: {  	[sflag:s7] =	ssyncadd.s32 $0xFFFFFC00  }
0x7c: {  	_ =	swait.ge [sflag:s7], $0x400  }
0x7d: {  	[sflag:s7] =	ssyncset.done $0x0  }
0x7e: {  	s29 =	sadd.s32 $0x80, s22;
	[sflag:s7] =	ssyncadd.s32 $0xFFFFFC00  }
0x7f: {  	[spmem:s3] =	stream.indirect.scatter.add.f32 [tilespmem:s16], [sflag:$0x2], $0x8, s29, s15, $0xb8;
	[tilespmem:$0x1F8C0] =	vst v63  }
0x80: {  	s30 =	sadd.s32 $0x180, s22  }
0x81: {  	[spmem:s3] =	stream.indirect.scatter.add.f32 [tilespmem:s17], [sflag:$0x2], $0x8, s30, s15, $0xb8;
	[tilespmem:$0x1F8C0] =	vst v63  }
0x82: {  	s31 =	sadd.s32 $0x280, s22  }
0x83: {  	[spmem:s3] =	stream.indirect.scatter.add.f32 [tilespmem:s18], [sflag:$0x2], $0x8, s31, s15, $0xb8;
	[tilespmem:$0x1F8C0] =	vst v63  }
0x84: {  	s22 =	sadd.s32 $0x380, s22  }
0x85: {  	[spmem:s3] =	stream.indirect.scatter.add.f32 [tilespmem:s19], [sflag:$0x2], $0x8, s22, s15, $0xb8;
	[tilespmem:$0x1F8C0] =	vst v63  }
0x86: {  	_ =	swait.ge [sflag:s20], $0x400  }
0x87: {  	[sflag:s20] =	ssyncset.done $0x0  }
0x88: {  	[sflag:s20] =	ssyncadd.s32 $0xFFFFFC00  }
0x89: {  	_ =	swait.ge [sflag:s20], $0x400  }
0x8a: {  	[sflag:s20] =	ssyncset.done $0x0  }
0x8b: {  	[sflag:s20] =	ssyncadd.s32 $0xFFFFFC00  }
0x8c: {  	p1 =	sne.s32 s10, $0x61800;
	_ =	swait.ge [sflag:s20], $0x400  }
.Ltmp1:
0x8d: {  	[sflag:s20] =	ssyncset.done $0x0;
	(pc) =	sbr.rel @!p1 .LBB2_8-.Ltmp1, $4  }
0x8e: {  	[sflag:s20] =	ssyncadd.s32 $0xFFFFFC00  }
0x8f: {  	_ =	swait.ge [sflag:s20], $0x400  }
0x90: {  	p0 =	por $0x0, $0x0;
	[sflag:s20] =	ssyncset.done $0x0  }
0x91: {  	s23 =	smov.u32 s10;
	s22 =	sadd.s32 $0x400, s10;
	[sflag:s20] =	ssyncadd.s32 $0xFFFFFC00  }
0x92: {  	s23 =	sshra.s32 s10, $0x2  }
0x93: {  	[tilespmem:s16], [sflag:$0x3] =	stream.indirect.gather [hbm4b:s1+s15], $0x8, s23, s15, $0xb8;
	[tilespmem:$0x1F8C0] =	vst v63  }
0x94: {  	p1 =	sne.s32 s22, $0x61800;
	_ =	swait.ge [sflag:s14], $0x400  }
.Ltmp2:
0x95: {  	[sflag:s14] =	ssyncset.done $0x0;
	(pc) =	sbr.rel @!p1 .LBB2_5-.Ltmp2, $4  }
0x96: {  	s23 =	sadd.s32 $0x80, s23;
	[sflag:s14] =	ssyncadd.s32 $0xFFFFFC00  }
0x97: {  	[spmem:s3] =	stream.indirect.scatter.add.f32 [tilespmem:s16], [sflag:$0x3], $0x8, s23, s15, $0xb8;
	[tilespmem:$0x1F8C0] =	vst v63  }
0x98: {  	_ =	swait.ge [sflag:s14], $0x400  }
0x99: {  	p0 =	por $0x1, $0x1;
	s23 =	sadd.s32 $0x400, s22;
	[sflag:s14] =	ssyncset.done $0x0  }
.LBB2_6:
0x9a: {  	s24 =	sshra.s32 s22, $0x2  }
0x9b: {  	[sflag:s14] =	ssyncadd.s32 $0xFFFFFC00;
	s22 =	smov.u32 s23;
	s25 =	sadd.s32 $0x400, s23  }
0x9c: {  	[tilespmem:s16], [sflag:$0x3] =	stream.indirect.gather [hbm4b:s1+s15], $0x8, s24, s15, $0xb8;
	[tilespmem:$0x1F8C0] =	vst v63  }
0x9d: {  	p1 =	sne.s32 s23, $0x61800;
	_ =	swait.ge [sflag:s14], $0x400  }
.Ltmp3:
0x9e: {  	[sflag:s14] =	ssyncset.done $0x0;
	(pc) =	sbr.rel @p1 .LBB2_6-.Ltmp3, $4  }
0x9f: {  	s23 =	sadd.s32 $0x80, s24;
	[sflag:s14] =	ssyncadd.s32 $0xFFFFFC00  }
0xa0: {  	[spmem:s3] =	stream.indirect.scatter.add.f32 [tilespmem:s16], [sflag:$0x3], $0x8, s23, s15, $0xb8;
	[tilespmem:$0x1F8C0] =	vst v63  }
0xa1: {  	_ =	swait.ge [sflag:s14], $0x400  }
0xa2: {  	s23 =	smov.u32 s25;
	[sflag:s14] =	ssyncset.done $0x0  }
0xa3: {  	s23 =	smov.u32 s22  }
.LBB2_8:
0xa4: {  	s22 =	sshra.s32 s23, $0x2;
	[sflag:s14] =	ssyncadd.s32 @p0 $0xFFFFFC00  }
0xa5: {  	[tilespmem:s16], [sflag:$0x3] =	stream.indirect.gather [hbm4b:s1+s15], $0x8, s22, s15, $0xb8;
	[tilespmem:$0x1F8C0] =	vst v63  }
0xa6: {  	_ =	swait.ge [sflag:s14], $0x400  }
0xa7: {  	[sflag:s14] =	ssyncset.done $0x0  }
0xa8: {  	s22 =	sadd.s32 $0x80, s22;
	[sflag:s14] =	ssyncadd.s32 $0xFFFFFC00  }
0xa9: {  	[spmem:s3] =	stream.indirect.scatter.add.f32 [tilespmem:s16], [sflag:$0x3], $0x8, s22, s15, $0xb8;
	[tilespmem:$0x1F8C0] =	vst v63  }
0xaa: {  	_ =	swait.ge [sflag:s14], $0x400  }
0xab: {  	[sflag:s14] =	ssyncset.done $0x0  }
0xac: {  	s21 =	sadd.s32 $0x1, s21;
	[sflag:s14] =	ssyncadd.s32 $0xFFFFFC00  }
0xad: {  	p0 =	sne.s32 s21, s12;
	[bflag:$0x0] =	sbarrier.arrive $0xFFFF  }
0xae: {  	[hbm:s11], [sflag:s6] =	dma.local [spmem:s13], $0xC38  }
.Ltmp4:
0xaf: {  	_ = 	snop;
	(pc) =	sbr.rel @p0 .LBB2_1-.Ltmp4, $4  }
.Ltmp5:
0xb0: {  	_ = 	snop;
	(pc) =	sbr.rel @!p0 .LBB2_9-.Ltmp5, $4  }
0xb1: {  	_ =	swait.ge [sflag:s14], $0xC38  }
0xb2: {  	[sflag:s14] =	ssyncset.done $0x0  }
0xb3: {  	[sflag:s14] =	ssyncadd.s32 $0xFFFFF3C8  }
0xb4: {  	_ = 	snop  }
.LBB2_5:
.Ltmp6:
0xb5: {  	(pc) =	sbr.rel .LBB2_8-.Ltmp6, $2  }
0xb6: {  	_ =	sdelay $0x2  }
0xb7: {  	s23 =	smov.u32 s22  }
.LBB2_9:
0xb8: {  	_ =	sfence.sel $0x180000  }
0xb9: {  	[bflag:$0x0] =	sbarrier.arrive $0xFFFF  }
0xba: {  	p0 =	sne.s32 s2, $0x0;
	_ =	strace $0x90000050  }
0xbb: {  	s0 =	sadd.s32 @!p0 $0x100000, s0;
	[bflag:$0x2] =	sbarrier.arrive $0xFFFF  }
0xbc: {  	[sflag:s0] =	ssyncadd.tile.s32 @!p0 $0x1;
	_ =	shalt  }
.Lfunc_end2:
_tile_overlayer_lowered:
.L_overlay_start_2:
0xbd: {  	(tag) =	ssettag $0x2  }
0xbe: {  	s0 =	rddreg [dreg:$0x0];
	s2 =	stileid.u32  }
0xbf: {  	s1 =	rddreg [dreg:$0x1];
	p0 =	sne.s32 s2, $0x0  }
0xc0: {  	s3 =	rddreg [dreg:$0x2];
	[bflag:$0x3] =	sbarrier.arrive $0xFFFF;
	s2 =	simm.s32 @!p0 $0x1C03  }
0xc1: {  	[timem:s3], [sflag:s2] =	dma.local @!p0 [hbm:s0], s1  }
0xc2: {  	s0 =	simm.s32 @!p0 $0x3  }
0xc3: {  	_ =	swait.ge @!p0 [sflag:s0], s1  }
0xc4: {  	s1 =	ssub.s32 @!p0 $0x0, s1;
	[sflag:s0] =	ssyncset.done @!p0 $0x0  }
0xc5: {  	[sflag:s0] =	ssyncadd.s32 @!p0 s1  }
0xc6: {  	[bflag:$0x3] =	sbarrier.arrive $0xFFFF  }
0xc7: {  	_ =	shalt  }

</sc_bundles>
